<compile_context>
chip_gen: v7x
topology: tpu7x:2x2x1
jax: 0.10.2.dev20260603
libtpu: 0.0.44.dev20260713+nightly
codegen_flags: <defaults>
</compile_context>

<pallas_src>
import functools

import jax
import jax.numpy as jnp
from jax import lax
from jax.experimental import pallas as pl
from jax.experimental.pallas import tpu as pltpu
from jax.experimental.pallas import tpu_sc as plsc

B, L, M, H = 4, 1024, 1024, 1024
BL = B * L
NW = 32
RPW = BL // NW
CH = 32
NCH = RPW // CH


TL = 256
NT = L // TL


def _ctx_kernel(lo_ref, v_ref, o_ref):
    logits = lo_ref[...]
    mx = jnp.max(logits, axis=-1, keepdims=True)
    unnorm = jnp.exp(logits - lax.stop_gradient(mx))
    ctx = lax.dot_general(unnorm, v_ref[...], (((1,), (0,)), ((), ())),
                          preferred_element_type=jnp.float32)
    o_ref[...] = ctx / jnp.sum(unnorm, axis=-1, keepdims=True)


def _attend(logits3, v3):
    lrow = pl.BlockSpec((TL, M), lambda b, i: (b * NT + i, 0))
    row = pl.BlockSpec((TL, H), lambda b, i: (b * NT + i, 0))
    per_b = pl.BlockSpec((M, H), lambda b, i: (b, 0))
    ctx = pl.pallas_call(
        _ctx_kernel,
        grid=(B, NT),
        in_specs=[lrow, per_b],
        out_specs=row,
        out_shape=jax.ShapeDtypeStruct((BL, H), jnp.float32),
    )(logits3.reshape(BL, M), v3.reshape(B * M, H))
    return ctx.reshape(B, L, H)


def _rank_kernel(s_ref, m_ref, ids_ref, keep_ref):
    s = s_ref[:, 0, :]
    s = jnp.where(m_ref[:, 0, :] != 0, jnp.float32(-1e9), s)
    mx = jnp.max(s, axis=-1, keepdims=True)
    sh = s - lax.stop_gradient(mx)
    lse = jnp.log(jnp.sum(jnp.exp(sh), axis=-1, keepdims=True))
    lp = sh - lse

    ii = lax.broadcasted_iota(jnp.int32, (L, L), 0)
    jj = lax.broadcasted_iota(jnp.int32, (L, L), 1)
    sorted_rows = []
    for b in range(B):
        lpb = lp[b]
        lpi = lpb.reshape(L, 1)
        lpj = lpb.reshape(1, L)
        before = (lpi > lpj) | ((lpi == lpj) & (ii < jj))
        rank = jnp.sum(before.astype(jnp.float32), axis=0).astype(jnp.int32)
        hit = rank.reshape(1, L) == ii
        ids_b = jnp.max(jnp.where(hit, jj, -1), axis=1)
        slp_b = jnp.max(jnp.where(hit, lpb.reshape(1, L), jnp.float32(-3e38)),
                        axis=1)
        ids_ref[b, 0, :] = ids_b + b * L
        sorted_rows.append(slp_b.reshape(1, L))

    slp = jnp.concatenate(sorted_rows, axis=0)
    p = jnp.exp(slp)
    c = p
    st = 1
    while st < L:
        c = c + jnp.pad(c, ((0, 0), (st, 0)))[:, :L]
        st *= 2
    keep_ref[:, 0, :] = ((c - p) <= 0.95).astype(jnp.float32)


def _rank(scores, mask_i32):
    return pl.pallas_call(
        _rank_kernel,
        out_shape=(jax.ShapeDtypeStruct((B, 1, L), jnp.int32),
                   jax.ShapeDtypeStruct((B, 1, L), jnp.float32)),
    )(scores.reshape(B, 1, L), mask_i32.reshape(B, 1, L))


def _make_sc_gather():
    mesh = plsc.VectorSubcoreMesh(core_axis_name="c", subcore_axis_name="s")

    @functools.partial(
        pl.kernel, mesh=mesh,
        out_type=jax.ShapeDtypeStruct((BL, H), jnp.float32),
        scratch_types=[
            pltpu.VMEM((RPW,), jnp.int32),
            pltpu.VMEM((RPW * 16,), jnp.float32),
            pltpu.VMEM((CH, H), jnp.float32),
            pltpu.VMEM((CH, H), jnp.float32),
            pltpu.SemaphoreType.DMA,
            pltpu.SemaphoreType.DMA,
        ],
    )
    def sc_gather(lane_hbm, ids_hbm, kexp_hbm, out_hbm,
                  ids_v, kexp_v, buf0, buf1, sem0, sem1):
        wid = lax.axis_index("s") * 2 + lax.axis_index("c")
        base = wid * RPW
        pltpu.sync_copy(ids_hbm.at[pl.ds(base, RPW)], ids_v)
        pltpu.sync_copy(kexp_hbm.at[pl.ds(base * 16, RPW * 16)], kexp_v)

        bufs = (buf0, buf1)
        sems = (sem0, sem1)
        cps = [pltpu.async_copy(lane_hbm.at[ids_v.at[pl.ds(0, CH)]],
                                bufs[0], sems[0])]
        for ch in range(NCH):
            if ch + 1 < NCH:
                cps.append(pltpu.async_copy(
                    lane_hbm.at[ids_v.at[pl.ds((ch + 1) * CH, CH)]],
                    bufs[(ch + 1) % 2], sems[(ch + 1) % 2]))
            cps[ch].wait()
            buf = bufs[ch % 2]
            lo = ch * CH

            def scale_row(r, carry, buf=buf, lo=lo):
                mul = kexp_v[pl.ds((lo + r) * 16, 16)]
                row = buf.at[r]
                for t in range(H // 16):
                    row[pl.ds(16 * t, 16)] = row[pl.ds(16 * t, 16)] * mul
                return carry

            lax.fori_loop(0, CH, scale_row, 0)
            pltpu.sync_copy(buf, out_hbm.at[pl.ds(base + lo, CH)])

    return sc_gather


_sc_gather = _make_sc_gather()


def kernel(lane_states, inputs, hidden0, lane_mask, Wq, bq, Wk, bk, Wv, bv,
           mlp_W, mlp_b, ln_g, ln_b, fc_W, fc_b):
    lane_flat = lane_states.reshape(BL, H)

    q = lane_states @ Wq + bq
    k = inputs @ Wk + bk
    v = inputs @ Wv + bv
    logits = jnp.einsum('blh,bmh->blm', q, k) / jnp.sqrt(jnp.float32(H))
    ctx = _attend(logits, v)
    h0 = jnp.broadcast_to(hidden0[:, None, :], lane_states.shape)
    cat = jnp.concatenate([h0, lane_states, ctx], axis=-1)
    pre = cat @ mlp_W + mlp_b
    mu = jnp.mean(pre, axis=-1, keepdims=True)
    var = jnp.var(pre, axis=-1, keepdims=True)
    mlp_out = jax.nn.relu((pre - mu) / jnp.sqrt(var + 1e-5) * ln_g + ln_b)
    feat = jnp.concatenate([cat, mlp_out], axis=-1)
    scores = (feat @ fc_W + fc_b)[..., 0]

    ids3, keep3 = _rank(scores, lane_mask.astype(jnp.int32))
    ids_flat = ids3.reshape(BL)
    kexp = jnp.broadcast_to(keep3.reshape(BL, 1), (BL, 16)).reshape(BL * 16)

    out_flat = _sc_gather(lane_flat, ids_flat, kexp)
    return out_flat.reshape(B, L, H)

# --- scband reference (transcript-rebuilt; emitter-appended) ---
"""Pipeline reference for scband-decoder-48198122996347 (READ-ONLY COPY).

The authoritative reference and input builder live on the scoring server;
editing this copy changes nothing except your own understanding.
"""

import jax, jax.numpy as jnp
import numpy as np

B, L, M, H = 4, 1024, 1024, 1024


def setup_inputs(seed: int = 0) -> dict:
    key = jax.random.key(seed)
    ks = jax.random.split(key, 16)
    s = 0.02
    inp = {}
    inp["lane_states"] = jax.random.normal(ks[0], (B, L, H), dtype=jnp.float32)
    inp["inputs"] = jax.random.normal(ks[1], (B, M, H), dtype=jnp.float32)
    inp["hidden0"] = jax.random.normal(ks[2], (B, H), dtype=jnp.float32)
    inp["lane_mask"] = jnp.zeros((B, L), dtype=jnp.bool_)
    # CrossAttention (single-head) params
    inp["Wq"] = jax.random.normal(ks[3], (H, H), dtype=jnp.float32) * s
    inp["bq"] = jnp.zeros((H,), dtype=jnp.float32)
    inp["Wk"] = jax.random.normal(ks[4], (H, H), dtype=jnp.float32) * s
    inp["bk"] = jnp.zeros((H,), dtype=jnp.float32)
    inp["Wv"] = jax.random.normal(ks[5], (H, H), dtype=jnp.float32) * s
    inp["bv"] = jnp.zeros((H,), dtype=jnp.float32)
    # DecoderResCat(hidden_size, 3H, out_features=1): MLP(3H->H) = Linear+LayerNorm+ReLU, fc: Linear(4H->1)
    inp["mlp_W"] = jax.random.normal(ks[6], (3 * H, H), dtype=jnp.float32) * s
    inp["mlp_b"] = jnp.zeros((H,), dtype=jnp.float32)
    inp["ln_g"] = jnp.ones((H,), dtype=jnp.float32)
    inp["ln_b"] = jnp.zeros((H,), dtype=jnp.float32)
    inp["fc_W"] = jax.random.normal(ks[7], (4 * H, 1), dtype=jnp.float32) * s
    inp["fc_b"] = jnp.zeros((1,), dtype=jnp.float32)
    return inp


def reference(lane_states, inputs, hidden0, lane_mask, Wq, bq, Wk, bk, Wv, bv,
              mlp_W, mlp_b, ln_g, ln_b, fc_W, fc_b):
    # stage_one_cross_attention: lanes attend over per-example inputs
    q = lane_states @ Wq + bq
    k = inputs @ Wk + bk
    v = inputs @ Wv + bv
    logits = jnp.einsum('blh,bmh->blm', q, k) / jnp.sqrt(jnp.float32(H))
    attn = jax.nn.softmax(logits, axis=-1)
    ctx = jnp.einsum('blm,bmh->blh', attn, v)
    # cat([hidden_states[i,0].expand, stage_one_hidden, stage_one_hidden_attention])
    h0 = jnp.broadcast_to(hidden0[:, None, :], lane_states.shape)
    cat = jnp.concatenate([h0, lane_states, ctx], axis=-1)  # [B, L, 3H]
    # DecoderResCat: hidden = cat([x, MLP(x)]); fc(hidden)
    pre = cat @ mlp_W + mlp_b
    mu = jnp.mean(pre, axis=-1, keepdims=True)
    var = jnp.var(pre, axis=-1, keepdims=True)
    mlp_out = jax.nn.relu((pre - mu) / jnp.sqrt(var + 1e-5) * ln_g + ln_b)
    feat = jnp.concatenate([cat, mlp_out], axis=-1)  # [B, L, 4H]
    scores = (feat @ fc_W + fc_b)[..., 0]  # [B, L]
    # masked_fill(mask, -inf) then log_softmax
    scores = jnp.where(lane_mask, -1e9, scores)
    log_probs = jax.nn.log_softmax(scores, axis=-1)
    # topk over all lanes, then nucleus-style 0.95 cumulative-prob truncation
    topk_vals, topk_ids = jax.lax.top_k(log_probs, L)
    probs = jnp.exp(topk_vals)
    cum = jnp.cumsum(probs, axis=-1)
    keep = (cum - probs) <= 0.95  # keep lanes until cumulative prob exceeds threshold
    topk_lanes = jnp.take_along_axis(lane_states, topk_ids[..., None], axis=1)
    topk_lanes = topk_lanes * keep[..., None].astype(jnp.float32)
    return topk_lanes

if __name__ == "__main__":
    import jax
    _d = setup_inputs()
    print(jax.jit(kernel)(*tuple(_d.values())))

</pallas_src>

<mosaic_0001>
#map = affine_map<(d0, d1) -> (0, 0)>
#map1 = affine_map<(d0, d1) -> (0)>
module attributes {stable_mosaic.version = 14 : i64} {
  func.func @sc_gather(%arg0: i32, %arg1: i32, %arg2: memref<4096x1024xf32, #tpu.memory_space<hbm>>, %arg3: memref<4096xi32, #tpu.memory_space<hbm>>, %arg4: memref<65536xf32, #tpu.memory_space<hbm>>, %arg5: memref<4096x1024xf32, #tpu.memory_space<hbm>>, %arg6: memref<128xi32, #tpu.memory_space<vmem>>, %arg7: memref<2048xf32, #tpu.memory_space<vmem>>, %arg8: memref<32x1024xf32, #tpu.memory_space<vmem>>, %arg9: memref<32x1024xf32, #tpu.memory_space<vmem>>, %arg10: memref<!tpu.dma_semaphore, #tpu.memory_space<semaphore_mem>>, %arg11: memref<!tpu.dma_semaphore, #tpu.memory_space<semaphore_mem>>) attributes {dimension_semantics = [#tpu.dimension_semantics<core_parallel>, #tpu.dimension_semantics<subcore_parallel>], iteration_bounds = array<i64: 2, 16>, scalar_prefetch = 0 : i64, scratch_operands = 6 : i64, tpu.core_type = #tpu.core_type<sc_vector_subcore>, window_params = [{transform_indices = #map}, {transform_indices = #map1}, {transform_indices = #map1}, {transform_indices = #map}]} {
    %mul3A = arith.constant 2 : i32
    %mul3A_0 = arith.muli %arg1, %mul3A : i32
    %add3A = arith.addi %mul3A_0, %arg0 : i32
    %mul3A_1 = arith.constant 128 : i32
    %mul3A_2 = arith.muli %add3A, %mul3A_1 : i32
    "tpu.region"() ({
      %run_scoped3A = tpu.sem_alloc : memref<!tpu.dma_semaphore, #tpu.memory_space<semaphore_mem>>
      %dma_start3A_74 = tpu.memref_slice %arg3[%mul3A_2] : memref<4096xi32, #tpu.memory_space<hbm>> -> memref<128xi32, #tpu.memory_space<hbm>>
      %dma_start3A_75 = tpu.memref_slice %arg3[%mul3A_2] : memref<4096xi32, #tpu.memory_space<hbm>> -> memref<128xi32, #tpu.memory_space<hbm>>
      tpu.enqueue_dma source(%dma_start3A_75 : memref<128xi32, #tpu.memory_space<hbm>>) target(%arg6 : memref<128xi32, #tpu.memory_space<vmem>>) target_semaphore(%run_scoped3A : memref<!tpu.dma_semaphore, #tpu.memory_space<semaphore_mem>>)
      %dma_wait3A_76 = tpu.memref_slice %arg3[%mul3A_2] : memref<4096xi32, #tpu.memory_space<hbm>> -> memref<128xi32, #tpu.memory_space<hbm>>
      %dma_wait3A_77 = tpu.memref_slice %arg3[%mul3A_2] : memref<4096xi32, #tpu.memory_space<hbm>> -> memref<128xi32, #tpu.memory_space<hbm>>
      tpu.wait_dma2 semaphore(%run_scoped3A : memref<!tpu.dma_semaphore, #tpu.memory_space<semaphore_mem>>) src(%dma_wait3A_77 : memref<128xi32, #tpu.memory_space<hbm>>) dst(%arg6 : memref<128xi32, #tpu.memory_space<vmem>>)
      tpu.yield
    }) : () -> ()
    %mul3A_3 = arith.constant 16 : i32
    %mul3A_4 = arith.muli %mul3A_2, %mul3A_3 : i32
    "tpu.region"() ({
      %run_scoped3A = tpu.sem_alloc : memref<!tpu.dma_semaphore, #tpu.memory_space<semaphore_mem>>
      %dma_start3A_74 = tpu.memref_slice %arg4[%mul3A_4] : memref<65536xf32, #tpu.memory_space<hbm>> -> memref<2048xf32, #tpu.memory_space<hbm>>
      %dma_start3A_75 = tpu.memref_slice %arg4[%mul3A_4] : memref<65536xf32, #tpu.memory_space<hbm>> -> memref<2048xf32, #tpu.memory_space<hbm>>
      tpu.enqueue_dma source(%dma_start3A_75 : memref<2048xf32, #tpu.memory_space<hbm>>) target(%arg7 : memref<2048xf32, #tpu.memory_space<vmem>>) target_semaphore(%run_scoped3A : memref<!tpu.dma_semaphore, #tpu.memory_space<semaphore_mem>>)
      %dma_wait3A_76 = tpu.memref_slice %arg4[%mul3A_4] : memref<65536xf32, #tpu.memory_space<hbm>> -> memref<2048xf32, #tpu.memory_space<hbm>>
      %dma_wait3A_77 = tpu.memref_slice %arg4[%mul3A_4] : memref<65536xf32, #tpu.memory_space<hbm>> -> memref<2048xf32, #tpu.memory_space<hbm>>
      tpu.wait_dma2 semaphore(%run_scoped3A : memref<!tpu.dma_semaphore, #tpu.memory_space<semaphore_mem>>) src(%dma_wait3A_77 : memref<2048xf32, #tpu.memory_space<hbm>>) dst(%arg7 : memref<2048xf32, #tpu.memory_space<vmem>>)
      tpu.yield
    }) : () -> ()
    %dma_start3A = arith.constant 0 : i32
    %dma_start3A_5 = tpu.memref_slice %arg6[%dma_start3A] : memref<128xi32, #tpu.memory_space<vmem>> -> memref<32xi32, #tpu.memory_space<vmem>>
    %dma_start3A_6 = arith.constant 0 : i32
    %dma_start3A_7 = arith.constant 0 : i32
    %dma_start3A_8 = tpu.memref_slice %arg2[%dma_start3A_6, %dma_start3A_7] : memref<4096x1024xf32, #tpu.memory_space<hbm>> -> memref<4096x1024xf32, #tpu.memory_space<hbm>>
    tpu.enqueue_indirect_dma source(%dma_start3A_8 : memref<4096x1024xf32, #tpu.memory_space<hbm>>) target(%arg8 : memref<32x1024xf32, #tpu.memory_space<vmem>>) offsets(%dma_start3A_5 : memref<32xi32, #tpu.memory_space<vmem>>) semaphore(%arg10 : memref<!tpu.dma_semaphore, #tpu.memory_space<semaphore_mem>>)
    %dma_start3A_9 = arith.constant 32 : i32
    %dma_start3A_10 = tpu.memref_slice %arg6[%dma_start3A_9] : memref<128xi32, #tpu.memory_space<vmem>> -> memref<32xi32, #tpu.memory_space<vmem>>
    %dma_start3A_11 = arith.constant 0 : i32
    %dma_start3A_12 = arith.constant 0 : i32
    %dma_start3A_13 = tpu.memref_slice %arg2[%dma_start3A_11, %dma_start3A_12] : memref<4096x1024xf32, #tpu.memory_space<hbm>> -> memref<4096x1024xf32, #tpu.memory_space<hbm>>
    tpu.enqueue_indirect_dma source(%dma_start3A_13 : memref<4096x1024xf32, #tpu.memory_space<hbm>>) target(%arg9 : memref<32x1024xf32, #tpu.memory_space<vmem>>) offsets(%dma_start3A_10 : memref<32xi32, #tpu.memory_space<vmem>>) semaphore(%arg11 : memref<!tpu.dma_semaphore, #tpu.memory_space<semaphore_mem>>)
    %dma_wait3A = arith.constant 0 : i32
    %dma_wait3A_14 = tpu.memref_slice %arg6[%dma_wait3A] : memref<128xi32, #tpu.memory_space<vmem>> -> memref<32xi32, #tpu.memory_space<vmem>>
    %dma_wait3A_15 = arith.constant 0 : i32
    %dma_wait3A_16 = arith.constant 0 : i32
    %dma_wait3A_17 = tpu.memref_slice %arg2[%dma_wait3A_15, %dma_wait3A_16] : memref<4096x1024xf32, #tpu.memory_space<hbm>> -> memref<4096x1024xf32, #tpu.memory_space<hbm>>
    tpu.wait_indirect_dma semaphore(%arg10 : memref<!tpu.dma_semaphore, #tpu.memory_space<semaphore_mem>>) src(%dma_wait3A_17 : memref<4096x1024xf32, #tpu.memory_space<hbm>>) dst(%arg8 : memref<32x1024xf32, #tpu.memory_space<vmem>>)
    %scan3A = arith.constant 0 : i32
    %scan3A_18 = arith.constant 0 : i32
    %scan3A_19 = arith.constant 32 : i32
    %scan3A_20 = arith.addi %scan3A_18, %scan3A_19 : i32
    %scan3A_21 = arith.constant 1 : i32
    scf.for %scan3A_74 = %scan3A_18 to %scan3A_20 step %scan3A_21  : i32 {
      %add3A_75 = arith.constant 0 : i32
      %add3A_76 = arith.addi %add3A_75, %scan3A_74 : i32
      %mul3A_77 = arith.constant 16 : i32
      %mul3A_78 = arith.muli %add3A_76, %mul3A_77 : i32
      %get3A = arith.index_cast %mul3A_78 : i32 to index
      %get3A_79 = tpu.vector_load %arg7[%get3A] {strides = array<i32>} : memref<2048xf32, #tpu.memory_space<vmem>>, vector<16xf32>,
      %get3A_80 = vector.shape_cast %get3A_79 : vector<16xf32> to vector<16xf32>
      %get3A_81 = arith.constant 0 : i32
      %get3A_82 = tpu.memref_slice %arg8[%scan3A_74, %get3A_81] : memref<32x1024xf32, #tpu.memory_space<vmem>> -> memref<1x1024xf32, #tpu.memory_space<vmem>>
      %get3A_83 = tpu.memref_squeeze %get3A_82 : memref<1x1024xf32, #tpu.memory_space<vmem>> -> memref<1024xf32, #tpu.memory_space<vmem>>
      %get3A_84 = arith.constant 0 : index
      %get3A_85 = tpu.vector_load %get3A_83[%get3A_84] {strides = array<i32>} : memref<1024xf32, #tpu.memory_space<vmem>>, vector<16xf32>,
      %get3A_86 = vector.shape_cast %get3A_85 : vector<16xf32> to vector<16xf32>
      %mul3A_87 = arith.mulf %get3A_86, %get3A_80 : vector<16xf32>
      %swap3A = arith.constant 0 : i32
      %swap3A_88 = tpu.memref_slice %arg8[%scan3A_74, %swap3A] : memref<32x1024xf32, #tpu.memory_space<vmem>> -> memref<1x1024xf32, #tpu.memory_space<vmem>>
      %swap3A_89 = tpu.memref_squeeze %swap3A_88 : memref<1x1024xf32, #tpu.memory_space<vmem>> -> memref<1024xf32, #tpu.memory_space<vmem>>
      %swap3A_90 = arith.constant 0 : index
      %swap3A_91 = tpu.vector_load %swap3A_89[%swap3A_90] {strides = array<i32>} : memref<1024xf32, #tpu.memory_space<vmem>>, vector<16xf32>,
      %swap3A_92 = vector.shape_cast %swap3A_91 : vector<16xf32> to vector<16xf32>
      %swap3A_93 = vector.shape_cast %mul3A_87 : vector<16xf32> to vector<16xf32>
      tpu.vector_store %swap3A_89[%swap3A_90], %swap3A_93 {strides = array<i32>} : memref<1024xf32, #tpu.memory_space<vmem>>, vector<16xf32>,
      %get3A_94 = arith.constant 0 : i32
      %get3A_95 = tpu.memref_slice %arg8[%scan3A_74, %get3A_94] : memref<32x1024xf32, #tpu.memory_space<vmem>> -> memref<1x1024xf32, #tpu.memory_space<vmem>>
      %get3A_96 = tpu.memref_squeeze %get3A_95 : memref<1x1024xf32, #tpu.memory_space<vmem>> -> memref<1024xf32, #tpu.memory_space<vmem>>
      %get3A_97 = arith.constant 16 : index
      %get3A_98 = tpu.vector_load %get3A_96[%get3A_97] {strides = array<i32>} : memref<1024xf32, #tpu.memory_space<vmem>>, vector<16xf32>,
      %get3A_99 = vector.shape_cast %get3A_98 : vector<16xf32> to vector<16xf32>
      %mul3A_100 = arith.mulf %get3A_99, %get3A_80 : vector<16xf32>
      %swap3A_101 = arith.constant 0 : i32
      %swap3A_102 = tpu.memref_slice %arg8[%scan3A_74, %swap3A_101] : memref<32x1024xf32, #tpu.memory_space<vmem>> -> memref<1x1024xf32, #tpu.memory_space<vmem>>
      %swap3A_103 = tpu.memref_squeeze %swap3A_102 : memref<1x1024xf32, #tpu.memory_space<vmem>> -> memref<1024xf32, #tpu.memory_space<vmem>>
      %swap3A_104 = arith.constant 16 : index
      %swap3A_105 = tpu.vector_load %swap3A_103[%swap3A_104] {strides = array<i32>} : memref<1024xf32, #tpu.memory_space<vmem>>, vector<16xf32>,
      %swap3A_106 = vector.shape_cast %swap3A_105 : vector<16xf32> to vector<16xf32>
      %swap3A_107 = vector.shape_cast %mul3A_100 : vector<16xf32> to vector<16xf32>
      tpu.vector_store %swap3A_103[%swap3A_104], %swap3A_107 {strides = array<i32>} : memref<1024xf32, #tpu.memory_space<vmem>>, vector<16xf32>,
      %get3A_108 = arith.constant 0 : i32
      %get3A_109 = tpu.memref_slice %arg8[%scan3A_74, %get3A_108] : memref<32x1024xf32, #tpu.memory_space<vmem>> -> memref<1x1024xf32, #tpu.memory_space<vmem>>
      %get3A_110 = tpu.memref_squeeze %get3A_109 : memref<1x1024xf32, #tpu.memory_space<vmem>> -> memref<1024xf32, #tpu.memory_space<vmem>>
      %get3A_111 = arith.constant 32 : index
      %get3A_112 = tpu.vector_load %get3A_110[%get3A_111] {strides = array<i32>} : memref<1024xf32, #tpu.memory_space<vmem>>, vector<16xf32>,
      %get3A_113 = vector.shape_cast %get3A_112 : vector<16xf32> to vector<16xf32>
      %mul3A_114 = arith.mulf %get3A_113, %get3A_80 : vector<16xf32>
      %swap3A_115 = arith.constant 0 : i32
      %swap3A_116 = tpu.memref_slice %arg8[%scan3A_74, %swap3A_115] : memref<32x1024xf32, #tpu.memory_space<vmem>> -> memref<1x1024xf32, #tpu.memory_space<vmem>>
      %swap3A_117 = tpu.memref_squeeze %swap3A_116 : memref<1x1024xf32, #tpu.memory_space<vmem>> -> memref<1024xf32, #tpu.memory_space<vmem>>
      %swap3A_118 = arith.constant 32 : index
      %swap3A_119 = tpu.vector_load %swap3A_117[%swap3A_118] {strides = array<i32>} : memref<1024xf32, #tpu.memory_space<vmem>>, vector<16xf32>,
      %swap3A_120 = vector.shape_cast %swap3A_119 : vector<16xf32> to vector<16xf32>
      %swap3A_121 = vector.shape_cast %mul3A_114 : vector<16xf32> to vector<16xf32>
      tpu.vector_store %swap3A_117[%swap3A_118], %swap3A_121 {strides = array<i32>} : memref<1024xf32, #tpu.memory_space<vmem>>, vector<16xf32>,
      %get3A_122 = arith.constant 0 : i32
      %get3A_123 = tpu.memref_slice %arg8[%scan3A_74, %get3A_122] : memref<32x1024xf32, #tpu.memory_space<vmem>> -> memref<1x1024xf32, #tpu.memory_space<vmem>>
      %get3A_124 = tpu.memref_squeeze %get3A_123 : memref<1x1024xf32, #tpu.memory_space<vmem>> -> memref<1024xf32, #tpu.memory_space<vmem>>
      %get3A_125 = arith.constant 48 : index
      %get3A_126 = tpu.vector_load %get3A_124[%get3A_125] {strides = array<i32>} : memref<1024xf32, #tpu.memory_space<vmem>>, vector<16xf32>,
      %get3A_127 = vector.shape_cast %get3A_126 : vector<16xf32> to vector<16xf32>
      %mul3A_128 = arith.mulf %get3A_127, %get3A_80 : vector<16xf32>
      %swap3A_129 = arith.constant 0 : i32
      %swap3A_130 = tpu.memref_slice %arg8[%scan3A_74, %swap3A_129] : memref<32x1024xf32, #tpu.memory_space<vmem>> -> memref<1x1024xf32, #tpu.memory_space<vmem>>
      %swap3A_131 = tpu.memref_squeeze %swap3A_130 : memref<1x1024xf32, #tpu.memory_space<vmem>> -> memref<1024xf32, #tpu.memory_space<vmem>>
      %swap3A_132 = arith.constant 48 : index
      %swap3A_133 = tpu.vector_load %swap3A_131[%swap3A_132] {strides = array<i32>} : memref<1024xf32, #tpu.memory_space<vmem>>, vector<16xf32>,
      %swap3A_134 = vector.shape_cast %swap3A_133 : vector<16xf32> to vector<16xf32>
      %swap3A_135 = vector.shape_cast %mul3A_128 : vector<16xf32> to vector<16xf32>
      tpu.vector_store %swap3A_131[%swap3A_132], %swap3A_135 {strides = array<i32>} : memref<1024xf32, #tpu.memory_space<vmem>>, vector<16xf32>,
      %get3A_136 = arith.constant 0 : i32
      %get3A_137 = tpu.memref_slice %arg8[%scan3A_74, %get3A_136] : memref<32x1024xf32, #tpu.memory_space<vmem>> -> memref<1x1024xf32, #tpu.memory_space<vmem>>
      %get3A_138 = tpu.memref_squeeze %get3A_137 : memref<1x1024xf32, #tpu.memory_space<vmem>> -> memref<1024xf32, #tpu.memory_space<vmem>>
      %get3A_139 = arith.constant 64 : index
      %get3A_140 = tpu.vector_load %get3A_138[%get3A_139] {strides = array<i32>} : memref<1024xf32, #tpu.memory_space<vmem>>, vector<16xf32>,
      %get3A_141 = vector.shape_cast %get3A_140 : vector<16xf32> to vector<16xf32>
      %mul3A_142 = arith.mulf %get3A_141, %get3A_80 : vector<16xf32>
      %swap3A_143 = arith.constant 0 : i32
      %swap3A_144 = tpu.memref_slice %arg8[%scan3A_74, %swap3A_143] : memref<32x1024xf32, #tpu.memory_space<vmem>> -> memref<1x1024xf32, #tpu.memory_space<vmem>>
      %swap3A_145 = tpu.memref_squeeze %swap3A_144 : memref<1x1024xf32, #tpu.memory_space<vmem>> -> memref<1024xf32, #tpu.memory_space<vmem>>
      %swap3A_146 = arith.constant 64 : index
      %swap3A_147 = tpu.vector_load %swap3A_145[%swap3A_146] {strides = array<i32>} : memref<1024xf32, #tpu.memory_space<vmem>>, vector<16xf32>,
      %swap3A_148 = vector.shape_cast %swap3A_147 : vector<16xf32> to vector<16xf32>
      %swap3A_149 = vector.shape_cast %mul3A_142 : vector<16xf32> to vector<16xf32>
      tpu.vector_store %swap3A_145[%swap3A_146], %swap3A_149 {strides = array<i32>} : memref<1024xf32, #tpu.memory_space<vmem>>, vector<16xf32>,
      %get3A_150 = arith.constant 0 : i32
      %get3A_151 = tpu.memref_slice %arg8[%scan3A_74, %get3A_150] : memref<32x1024xf32, #tpu.memory_space<vmem>> -> memref<1x1024xf32, #tpu.memory_space<vmem>>
      %get3A_152 = tpu.memref_squeeze %get3A_151 : memref<1x1024xf32, #tpu.memory_space<vmem>> -> memref<1024xf32, #tpu.memory_space<vmem>>
      %get3A_153 = arith.constant 80 : index
      %get3A_154 = tpu.vector_load %get3A_152[%get3A_153] {strides = array<i32>} : memref<1024xf32, #tpu.memory_space<vmem>>, vector<16xf32>,
      %get3A_155 = vector.shape_cast %get3A_154 : vector<16xf32> to vector<16xf32>
      %mul3A_156 = arith.mulf %get3A_155, %get3A_80 : vector<16xf32>
      %swap3A_157 = arith.constant 0 : i32
      %swap3A_158 = tpu.memref_slice %arg8[%scan3A_74, %swap3A_157] : memref<32x1024xf32, #tpu.memory_space<vmem>> -> memref<1x1024xf32, #tpu.memory_space<vmem>>
      %swap3A_159 = tpu.memref_squeeze %swap3A_158 : memref<1x1024xf32, #tpu.memory_space<vmem>> -> memref<1024xf32, #tpu.memory_space<vmem>>
      %swap3A_160 = arith.constant 80 : index
      %swap3A_161 = tpu.vector_load %swap3A_159[%swap3A_160] {strides = array<i32>} : memref<1024xf32, #tpu.memory_space<vmem>>, vector<16xf32>,
      %swap3A_162 = vector.shape_cast %swap3A_161 : vector<16xf32> to vector<16xf32>
      %swap3A_163 = vector.shape_cast %mul3A_156 : vector<16xf32> to vector<16xf32>
      tpu.vector_store %swap3A_159[%swap3A_160], %swap3A_163 {strides = array<i32>} : memref<1024xf32, #tpu.memory_space<vmem>>, vector<16xf32>,
      %get3A_164 = arith.constant 0 : i32
      %get3A_165 = tpu.memref_slice %arg8[%scan3A_74, %get3A_164] : memref<32x1024xf32, #tpu.memory_space<vmem>> -> memref<1x1024xf32, #tpu.memory_space<vmem>>
      %get3A_166 = tpu.memref_squeeze %get3A_165 : memref<1x1024xf32, #tpu.memory_space<vmem>> -> memref<1024xf32, #tpu.memory_space<vmem>>
      %get3A_167 = arith.constant 96 : index
      %get3A_168 = tpu.vector_load %get3A_166[%get3A_167] {strides = array<i32>} : memref<1024xf32, #tpu.memory_space<vmem>>, vector<16xf32>,
      %get3A_169 = vector.shape_cast %get3A_168 : vector<16xf32> to vector<16xf32>
      %mul3A_170 = arith.mulf %get3A_169, %get3A_80 : vector<16xf32>
      %swap3A_171 = arith.constant 0 : i32
      %swap3A_172 = tpu.memref_slice %arg8[%scan3A_74, %swap3A_171] : memref<32x1024xf32, #tpu.memory_space<vmem>> -> memref<1x1024xf32, #tpu.memory_space<vmem>>
      %swap3A_173 = tpu.memref_squeeze %swap3A_172 : memref<1x1024xf32, #tpu.memory_space<vmem>> -> memref<1024xf32, #tpu.memory_space<vmem>>
      %swap3A_174 = arith.constant 96 : index
      %swap3A_175 = tpu.vector_load %swap3A_173[%swap3A_174] {strides = array<i32>} : memref<1024xf32, #tpu.memory_space<vmem>>, vector<16xf32>,
      %swap3A_176 = vector.shape_cast %swap3A_175 : vector<16xf32> to vector<16xf32>
      %swap3A_177 = vector.shape_cast %mul3A_170 : vector<16xf32> to vector<16xf32>
      tpu.vector_store %swap3A_173[%swap3A_174], %swap3A_177 {strides = array<i32>} : memref<1024xf32, #tpu.memory_space<vmem>>, vector<16xf32>,
      %get3A_178 = arith.constant 0 : i32
      %get3A_179 = tpu.memref_slice %arg8[%scan3A_74, %get3A_178] : memref<32x1024xf32, #tpu.memory_space<vmem>> -> memref<1x1024xf32, #tpu.memory_space<vmem>>
      %get3A_180 = tpu.memref_squeeze %get3A_179 : memref<1x1024xf32, #tpu.memory_space<vmem>> -> memref<1024xf32, #tpu.memory_space<vmem>>
      %get3A_181 = arith.constant 112 : index
      %get3A_182 = tpu.vector_load %get3A_180[%get3A_181] {strides = array<i32>} : memref<1024xf32, #tpu.memory_space<vmem>>, vector<16xf32>,
      %get3A_183 = vector.shape_cast %get3A_182 : vector<16xf32> to vector<16xf32>
      %mul3A_184 = arith.mulf %get3A_183, %get3A_80 : vector<16xf32>
      %swap3A_185 = arith.constant 0 : i32
      %swap3A_186 = tpu.memref_slice %arg8[%scan3A_74, %swap3A_185] : memref<32x1024xf32, #tpu.memory_space<vmem>> -> memref<1x1024xf32, #tpu.memory_space<vmem>>
      %swap3A_187 = tpu.memref_squeeze %swap3A_186 : memref<1x1024xf32, #tpu.memory_space<vmem>> -> memref<1024xf32, #tpu.memory_space<vmem>>
      %swap3A_188 = arith.constant 112 : index
      %swap3A_189 = tpu.vector_load %swap3A_187[%swap3A_188] {strides = array<i32>} : memref<1024xf32, #tpu.memory_space<vmem>>, vector<16xf32>,
      %swap3A_190 = vector.shape_cast %swap3A_189 : vector<16xf32> to vector<16xf32>
      %swap3A_191 = vector.shape_cast %mul3A_184 : vector<16xf32> to vector<16xf32>
      tpu.vector_store %swap3A_187[%swap3A_188], %swap3A_191 {strides = array<i32>} : memref<1024xf32, #tpu.memory_space<vmem>>, vector<16xf32>,
      %get3A_192 = arith.constant 0 : i32
      %get3A_193 = tpu.memref_slice %arg8[%scan3A_74, %get3A_192] : memref<32x1024xf32, #tpu.memory_space<vmem>> -> memref<1x1024xf32, #tpu.memory_space<vmem>>
      %get3A_194 = tpu.memref_squeeze %get3A_193 : memref<1x1024xf32, #tpu.memory_space<vmem>> -> memref<1024xf32, #tpu.memory_space<vmem>>
      %get3A_195 = arith.constant 128 : index
      %get3A_196 = tpu.vector_load %get3A_194[%get3A_195] {strides = array<i32>} : memref<1024xf32, #tpu.memory_space<vmem>>, vector<16xf32>,
      %get3A_197 = vector.shape_cast %get3A_196 : vector<16xf32> to vector<16xf32>
      %mul3A_198 = arith.mulf %get3A_197, %get3A_80 : vector<16xf32>
      %swap3A_199 = arith.constant 0 : i32
      %swap3A_200 = tpu.memref_slice %arg8[%scan3A_74, %swap3A_199] : memref<32x1024xf32, #tpu.memory_space<vmem>> -> memref<1x1024xf32, #tpu.memory_space<vmem>>
      %swap3A_201 = tpu.memref_squeeze %swap3A_200 : memref<1x1024xf32, #tpu.memory_space<vmem>> -> memref<1024xf32, #tpu.memory_space<vmem>>
      %swap3A_202 = arith.constant 128 : index
      %swap3A_203 = tpu.vector_load %swap3A_201[%swap3A_202] {strides = array<i32>} : memref<1024xf32, #tpu.memory_space<vmem>>, vector<16xf32>,
      %swap3A_204 = vector.shape_cast %swap3A_203 : vector<16xf32> to vector<16xf32>
      %swap3A_205 = vector.shape_cast %mul3A_198 : vector<16xf32> to vector<16xf32>
      tpu.vector_store %swap3A_201[%swap3A_202], %swap3A_205 {strides = array<i32>} : memref<1024xf32, #tpu.memory_space<vmem>>, vector<16xf32>,
      %get3A_206 = arith.constant 0 : i32
      %get3A_207 = tpu.memref_slice %arg8[%scan3A_74, %get3A_206] : memref<32x1024xf32, #tpu.memory_space<vmem>> -> memref<1x1024xf32, #tpu.memory_space<vmem>>
      %get3A_208 = tpu.memref_squeeze %get3A_207 : memref<1x1024xf32, #tpu.memory_space<vmem>> -> memref<1024xf32, #tpu.memory_space<vmem>>
      %get3A_209 = arith.constant 144 : index
      %get3A_210 = tpu.vector_load %get3A_208[%get3A_209] {strides = array<i32>} : memref<1024xf32, #tpu.memory_space<vmem>>, vector<16xf32>,
      %get3A_211 = vector.shape_cast %get3A_210 : vector<16xf32> to vector<16xf32>
      %mul3A_212 = arith.mulf %get3A_211, %get3A_80 : vector<16xf32>
      %swap3A_213 = arith.constant 0 : i32
      %swap3A_214 = tpu.memref_slice %arg8[%scan3A_74, %swap3A_213] : memref<32x1024xf32, #tpu.memory_space<vmem>> -> memref<1x1024xf32, #tpu.memory_space<vmem>>
      %swap3A_215 = tpu.memref_squeeze %swap3A_214 : memref<1x1024xf32, #tpu.memory_space<vmem>> -> memref<1024xf32, #tpu.memory_space<vmem>>
      %swap3A_216 = arith.constant 144 : index
      %swap3A_217 = tpu.vector_load %swap3A_215[%swap3A_216] {strides = array<i32>} : memref<1024xf32, #tpu.memory_space<vmem>>, vector<16xf32>,
      %swap3A_218 = vector.shape_cast %swap3A_217 : vector<16xf32> to vector<16xf32>
      %swap3A_219 = vector.shape_cast %mul3A_212 : vector<16xf32> to vector<16xf32>
      tpu.vector_store %swap3A_215[%swap3A_216], %swap3A_219 {strides = array<i32>} : memref<1024xf32, #tpu.memory_space<vmem>>, vector<16xf32>,
      %get3A_220 = arith.constant 0 : i32
      %get3A_221 = tpu.memref_slice %arg8[%scan3A_74, %get3A_220] : memref<32x1024xf32, #tpu.memory_space<vmem>> -> memref<1x1024xf32, #tpu.memory_space<vmem>>
      %get3A_222 = tpu.memref_squeeze %get3A_221 : memref<1x1024xf32, #tpu.memory_space<vmem>> -> memref<1024xf32, #tpu.memory_space<vmem>>
      %get3A_223 = arith.constant 160 : index
      %get3A_224 = tpu.vector_load %get3A_222[%get3A_223] {strides = array<i32>} : memref<1024xf32, #tpu.memory_space<vmem>>, vector<16xf32>,
      %get3A_225 = vector.shape_cast %get3A_224 : vector<16xf32> to vector<16xf32>
      %mul3A_226 = arith.mulf %get3A_225, %get3A_80 : vector<16xf32>
      %swap3A_227 = arith.constant 0 : i32
      %swap3A_228 = tpu.memref_slice %arg8[%scan3A_74, %swap3A_227] : memref<32x1024xf32, #tpu.memory_space<vmem>> -> memref<1x1024xf32, #tpu.memory_space<vmem>>
      %swap3A_229 = tpu.memref_squeeze %swap3A_228 : memref<1x1024xf32, #tpu.memory_space<vmem>> -> memref<1024xf32, #tpu.memory_space<vmem>>
      %swap3A_230 = arith.constant 160 : index
      %swap3A_231 = tpu.vector_load %swap3A_229[%swap3A_230] {strides = array<i32>} : memref<1024xf32, #tpu.memory_space<vmem>>, vector<16xf32>,
      %swap3A_232 = vector.shape_cast %swap3A_231 : vector<16xf32> to vector<16xf32>
      %swap3A_233 = vector.shape_cast %mul3A_226 : vector<16xf32> to vector<16xf32>
      tpu.vector_store %swap3A_229[%swap3A_230], %swap3A_233 {strides = array<i32>} : memref<1024xf32, #tpu.memory_space<vmem>>, vector<16xf32>,
      %get3A_234 = arith.constant 0 : i32
      %get3A_235 = tpu.memref_slice %arg8[%scan3A_74, %get3A_234] : memref<32x1024xf32, #tpu.memory_space<vmem>> -> memref<1x1024xf32, #tpu.memory_space<vmem>>
      %get3A_236 = tpu.memref_squeeze %get3A_235 : memref<1x1024xf32, #tpu.memory_space<vmem>> -> memref<1024xf32, #tpu.memory_space<vmem>>
      %get3A_237 = arith.constant 176 : index
      %get3A_238 = tpu.vector_load %get3A_236[%get3A_237] {strides = array<i32>} : memref<1024xf32, #tpu.memory_space<vmem>>, vector<16xf32>,
      %get3A_239 = vector.shape_cast %get3A_238 : vector<16xf32> to vector<16xf32>
      %mul3A_240 = arith.mulf %get3A_239, %get3A_80 : vector<16xf32>
      %swap3A_241 = arith.constant 0 : i32
      %swap3A_242 = tpu.memref_slice %arg8[%scan3A_74, %swap3A_241] : memref<32x1024xf32, #tpu.memory_space<vmem>> -> memref<1x1024xf32, #tpu.memory_space<vmem>>
      %swap3A_243 = tpu.memref_squeeze %swap3A_242 : memref<1x1024xf32, #tpu.memory_space<vmem>> -> memref<1024xf32, #tpu.memory_space<vmem>>
      %swap3A_244 = arith.constant 176 : index
      %swap3A_245 = tpu.vector_load %swap3A_243[%swap3A_244] {strides = array<i32>} : memref<1024xf32, #tpu.memory_space<vmem>>, vector<16xf32>,
      %swap3A_246 = vector.shape_cast %swap3A_245 : vector<16xf32> to vector<16xf32>
      %swap3A_247 = vector.shape_cast %mul3A_240 : vector<16xf32> to vector<16xf32>
      tpu.vector_store %swap3A_243[%swap3A_244], %swap3A_247 {strides = array<i32>} : memref<1024xf32, #tpu.memory_space<vmem>>, vector<16xf32>,
      %get3A_248 = arith.constant 0 : i32
      %get3A_249 = tpu.memref_slice %arg8[%scan3A_74, %get3A_248] : memref<32x1024xf32, #tpu.memory_space<vmem>> -> memref<1x1024xf32, #tpu.memory_space<vmem>>
      %get3A_250 = tpu.memref_squeeze %get3A_249 : memref<1x1024xf32, #tpu.memory_space<vmem>> -> memref<1024xf32, #tpu.memory_space<vmem>>
      %get3A_251 = arith.constant 192 : index
      %get3A_252 = tpu.vector_load %get3A_250[%get3A_251] {strides = array<i32>} : memref<1024xf32, #tpu.memory_space<vmem>>, vector<16xf32>,
      %get3A_253 = vector.shape_cast %get3A_252 : vector<16xf32> to vector<16xf32>
      %mul3A_254 = arith.mulf %get3A_253, %get3A_80 : vector<16xf32>
      %swap3A_255 = arith.constant 0 : i32
      %swap3A_256 = tpu.memref_slice %arg8[%scan3A_74, %swap3A_255] : memref<32x1024xf32, #tpu.memory_space<vmem>> -> memref<1x1024xf32, #tpu.memory_space<vmem>>
      %swap3A_257 = tpu.memref_squeeze %swap3A_256 : memref<1x1024xf32, #tpu.memory_space<vmem>> -> memref<1024xf32, #tpu.memory_space<vmem>>
      %swap3A_258 = arith.constant 192 : index
      %swap3A_259 = tpu.vector_load %swap3A_257[%swap3A_258] {strides = array<i32>} : memref<1024xf32, #tpu.memory_space<vmem>>, vector<16xf32>,
      %swap3A_260 = vector.shape_cast %swap3A_259 : vector<16xf32> to vector<16xf32>
      %swap3A_261 = vector.shape_cast %mul3A_254 : vector<16xf32> to vector<16xf32>
      tpu.vector_store %swap3A_257[%swap3A_258], %swap3A_261 {strides = array<i32>} : memref<1024xf32, #tpu.memory_space<vmem>>, vector<16xf32>,
      %get3A_262 = arith.constant 0 : i32
      %get3A_263 = tpu.memref_slice %arg8[%scan3A_74, %get3A_262] : memref<32x1024xf32, #tpu.memory_space<vmem>> -> memref<1x1024xf32, #tpu.memory_space<vmem>>
      %get3A_264 = tpu.memref_squeeze %get3A_263 : memref<1x1024xf32, #tpu.memory_space<vmem>> -> memref<1024xf32, #tpu.memory_space<vmem>>
      %get3A_265 = arith.constant 208 : index
      %get3A_266 = tpu.vector_load %get3A_264[%get3A_265] {strides = array<i32>} : memref<1024xf32, #tpu.memory_space<vmem>>, vector<16xf32>,
      %get3A_267 = vector.shape_cast %get3A_266 : vector<16xf32> to vector<16xf32>
      %mul3A_268 = arith.mulf %get3A_267, %get3A_80 : vector<16xf32>
      %swap3A_269 = arith.constant 0 : i32
      %swap3A_270 = tpu.memref_slice %arg8[%scan3A_74, %swap3A_269] : memref<32x1024xf32, #tpu.memory_space<vmem>> -> memref<1x1024xf32, #tpu.memory_space<vmem>>
      %swap3A_271 = tpu.memref_squeeze %swap3A_270 : memref<1x1024xf32, #tpu.memory_space<vmem>> -> memref<1024xf32, #tpu.memory_space<vmem>>
      %swap3A_272 = arith.constant 208 : index
      %swap3A_273 = tpu.vector_load %swap3A_271[%swap3A_272] {strides = array<i32>} : memref<1024xf32, #tpu.memory_space<vmem>>, vector<16xf32>,
      %swap3A_274 = vector.shape_cast %swap3A_273 : vector<16xf32> to vector<16xf32>
      %swap3A_275 = vector.shape_cast %mul3A_268 : vector<16xf32> to vector<16xf32>
      tpu.vector_store %swap3A_271[%swap3A_272], %swap3A_275 {strides = array<i32>} : memref<1024xf32, #tpu.memory_space<vmem>>, vector<16xf32>,
      %get3A_276 = arith.constant 0 : i32
      %get3A_277 = tpu.memref_slice %arg8[%scan3A_74, %get3A_276] : memref<32x1024xf32, #tpu.memory_space<vmem>> -> memref<1x1024xf32, #tpu.memory_space<vmem>>
      %get3A_278 = tpu.memref_squeeze %get3A_277 : memref<1x1024xf32, #tpu.memory_space<vmem>> -> memref<1024xf32, #tpu.memory_space<vmem>>
      %get3A_279 = arith.constant 224 : index
      %get3A_280 = tpu.vector_load %get3A_278[%get3A_279] {strides = array<i32>} : memref<1024xf32, #tpu.memory_space<vmem>>, vector<16xf32>,
      %get3A_281 = vector.shape_cast %get3A_280 : vector<16xf32> to vector<16xf32>
      %mul3A_282 = arith.mulf %get3A_281, %get3A_80 : vector<16xf32>
      %swap3A_283 = arith.constant 0 : i32
      %swap3A_284 = tpu.memref_slice %arg8[%scan3A_74, %swap3A_283] : memref<32x1024xf32, #tpu.memory_space<vmem>> -> memref<1x1024xf32, #tpu.memory_space<vmem>>
      %swap3A_285 = tpu.memref_squeeze %swap3A_284 : memref<1x1024xf32, #tpu.memory_space<vmem>> -> memref<1024xf32, #tpu.memory_space<vmem>>
      %swap3A_286 = arith.constant 224 : index
      %swap3A_287 = tpu.vector_load %swap3A_285[%swap3A_286] {strides = array<i32>} : memref<1024xf32, #tpu.memory_space<vmem>>, vector<16xf32>,
      %swap3A_288 = vector.shape_cast %swap3A_287 : vector<16xf32> to vector<16xf32>
      %swap3A_289 = vector.shape_cast %mul3A_282 : vector<16xf32> to vector<16xf32>
      tpu.vector_store %swap3A_285[%swap3A_286], %swap3A_289 {strides = array<i32>} : memref<1024xf32, #tpu.memory_space<vmem>>, vector<16xf32>,
      %get3A_290 = arith.constant 0 : i32
      %get3A_291 = tpu.memref_slice %arg8[%scan3A_74, %get3A_290] : memref<32x1024xf32, #tpu.memory_space<vmem>> -> memref<1x1024xf32, #tpu.memory_space<vmem>>
      %get3A_292 = tpu.memref_squeeze %get3A_291 : memref<1x1024xf32, #tpu.memory_space<vmem>> -> memref<1024xf32, #tpu.memory_space<vmem>>
      %get3A_293 = arith.constant 240 : index
      %get3A_294 = tpu.vector_load %get3A_292[%get3A_293] {strides = array<i32>} : memref<1024xf32, #tpu.memory_space<vmem>>, vector<16xf32>,
      %get3A_295 = vector.shape_cast %get3A_294 : vector<16xf32> to vector<16xf32>
      %mul3A_296 = arith.mulf %get3A_295, %get3A_80 : vector<16xf32>
      %swap3A_297 = arith.constant 0 : i32
      %swap3A_298 = tpu.memref_slice %arg8[%scan3A_74, %swap3A_297] : memref<32x1024xf32, #tpu.memory_space<vmem>> -> memref<1x1024xf32, #tpu.memory_space<vmem>>
      %swap3A_299 = tpu.memref_squeeze %swap3A_298 : memref<1x1024xf32, #tpu.memory_space<vmem>> -> memref<1024xf32, #tpu.memory_space<vmem>>
      %swap3A_300 = arith.constant 240 : index
      %swap3A_301 = tpu.vector_load %swap3A_299[%swap3A_300] {strides = array<i32>} : memref<1024xf32, #tpu.memory_space<vmem>>, vector<16xf32>,
      %swap3A_302 = vector.shape_cast %swap3A_301 : vector<16xf32> to vector<16xf32>
      %swap3A_303 = vector.shape_cast %mul3A_296 : vector<16xf32> to vector<16xf32>
      tpu.vector_store %swap3A_299[%swap3A_300], %swap3A_303 {strides = array<i32>} : memref<1024xf32, #tpu.memory_space<vmem>>, vector<16xf32>,
      %get3A_304 = arith.constant 0 : i32
      %get3A_305 = tpu.memref_slice %arg8[%scan3A_74, %get3A_304] : memref<32x1024xf32, #tpu.memory_space<vmem>> -> memref<1x1024xf32, #tpu.memory_space<vmem>>
      %get3A_306 = tpu.memref_squeeze %get3A_305 : memref<1x1024xf32, #tpu.memory_space<vmem>> -> memref<1024xf32, #tpu.memory_space<vmem>>
      %get3A_307 = arith.constant 256 : index
      %get3A_308 = tpu.vector_load %get3A_306[%get3A_307] {strides = array<i32>} : memref<1024xf32, #tpu.memory_space<vmem>>, vector<16xf32>,
      %get3A_309 = vector.shape_cast %get3A_308 : vector<16xf32> to vector<16xf32>
      %mul3A_310 = arith.mulf %get3A_309, %get3A_80 : vector<16xf32>
      %swap3A_311 = arith.constant 0 : i32
      %swap3A_312 = tpu.memref_slice %arg8[%scan3A_74, %swap3A_311] : memref<32x1024xf32, #tpu.memory_space<vmem>> -> memref<1x1024xf32, #tpu.memory_space<vmem>>
      %swap3A_313 = tpu.memref_squeeze %swap3A_312 : memref<1x1024xf32, #tpu.memory_space<vmem>> -> memref<1024xf32, #tpu.memory_space<vmem>>
      %swap3A_314 = arith.constant 256 : index
      %swap3A_315 = tpu.vector_load %swap3A_313[%swap3A_314] {strides = array<i32>} : memref<1024xf32, #tpu.memory_space<vmem>>, vector<16xf32>,
      %swap3A_316 = vector.shape_cast %swap3A_315 : vector<16xf32> to vector<16xf32>
      %swap3A_317 = vector.shape_cast %mul3A_310 : vector<16xf32> to vector<16xf32>
      tpu.vector_store %swap3A_313[%swap3A_314], %swap3A_317 {strides = array<i32>} : memref<1024xf32, #tpu.memory_space<vmem>>, vector<16xf32>,
      %get3A_318 = arith.constant 0 : i32
      %get3A_319 = tpu.memref_slice %arg8[%scan3A_74, %get3A_318] : memref<32x1024xf32, #tpu.memory_space<vmem>> -> memref<1x1024xf32, #tpu.memory_space<vmem>>
      %get3A_320 = tpu.memref_squeeze %get3A_319 : memref<1x1024xf32, #tpu.memory_space<vmem>> -> memref<1024xf32, #tpu.memory_space<vmem>>
      %get3A_321 = arith.constant 272 : index
      %get3A_322 = tpu.vector_load %get3A_320[%get3A_321] {strides = array<i32>} : memref<1024xf32, #tpu.memory_space<vmem>>, vector<16xf32>,
      %get3A_323 = vector.shape_cast %get3A_322 : vector<16xf32> to vector<16xf32>
      %mul3A_324 = arith.mulf %get3A_323, %get3A_80 : vector<16xf32>
      %swap3A_325 = arith.constant 0 : i32
      %swap3A_326 = tpu.memref_slice %arg8[%scan3A_74, %swap3A_325] : memref<32x1024xf32, #tpu.memory_space<vmem>> -> memref<1x1024xf32, #tpu.memory_space<vmem>>
      %swap3A_327 = tpu.memref_squeeze %swap3A_326 : memref<1x1024xf32, #tpu.memory_space<vmem>> -> memref<1024xf32, #tpu.memory_space<vmem>>
      %swap3A_328 = arith.constant 272 : index
      %swap3A_329 = tpu.vector_load %swap3A_327[%swap3A_328] {strides = array<i32>} : memref<1024xf32, #tpu.memory_space<vmem>>, vector<16xf32>,
      %swap3A_330 = vector.shape_cast %swap3A_329 : vector<16xf32> to vector<16xf32>
      %swap3A_331 = vector.shape_cast %mul3A_324 : vector<16xf32> to vector<16xf32>
      tpu.vector_store %swap3A_327[%swap3A_328], %swap3A_331 {strides = array<i32>} : memref<1024xf32, #tpu.memory_space<vmem>>, vector<16xf32>,
      %get3A_332 = arith.constant 0 : i32
      %get3A_333 = tpu.memref_slice %arg8[%scan3A_74, %get3A_332] : memref<32x1024xf32, #tpu.memory_space<vmem>> -> memref<1x1024xf32, #tpu.memory_space<vmem>>
      %get3A_334 = tpu.memref_squeeze %get3A_333 : memref<1x1024xf32, #tpu.memory_space<vmem>> -> memref<1024xf32, #tpu.memory_space<vmem>>
      %get3A_335 = arith.constant 288 : index
      %get3A_336 = tpu.vector_load %get3A_334[%get3A_335] {strides = array<i32>} : memref<1024xf32, #tpu.memory_space<vmem>>, vector<16xf32>,
      %get3A_337 = vector.shape_cast %get3A_336 : vector<16xf32> to vector<16xf32>
      %mul3A_338 = arith.mulf %get3A_337, %get3A_80 : vector<16xf32>
      %swap3A_339 = arith.constant 0 : i32
      %swap3A_340 = tpu.memref_slice %arg8[%scan3A_74, %swap3A_339] : memref<32x1024xf32, #tpu.memory_space<vmem>> -> memref<1x1024xf32, #tpu.memory_space<vmem>>
      %swap3A_341 = tpu.memref_squeeze %swap3A_340 : memref<1x1024xf32, #tpu.memory_space<vmem>> -> memref<1024xf32, #tpu.memory_space<vmem>>
      %swap3A_342 = arith.constant 288 : index
      %swap3A_343 = tpu.vector_load %swap3A_341[%swap3A_342] {strides = array<i32>} : memref<1024xf32, #tpu.memory_space<vmem>>, vector<16xf32>,
      %swap3A_344 = vector.shape_cast %swap3A_343 : vector<16xf32> to vector<16xf32>
      %swap3A_345 = vector.shape_cast %mul3A_338 : vector<16xf32> to vector<16xf32>
      tpu.vector_store %swap3A_341[%swap3A_342], %swap3A_345 {strides = array<i32>} : memref<1024xf32, #tpu.memory_space<vmem>>, vector<16xf32>,
      %get3A_346 = arith.constant 0 : i32
      %get3A_347 = tpu.memref_slice %arg8[%scan3A_74, %get3A_346] : memref<32x1024xf32, #tpu.memory_space<vmem>> -> memref<1x1024xf32, #tpu.memory_space<vmem>>
      %get3A_348 = tpu.memref_squeeze %get3A_347 : memref<1x1024xf32, #tpu.memory_space<vmem>> -> memref<1024xf32, #tpu.memory_space<vmem>>
      %get3A_349 = arith.constant 304 : index
      %get3A_350 = tpu.vector_load %get3A_348[%get3A_349] {strides = array<i32>} : memref<1024xf32, #tpu.memory_space<vmem>>, vector<16xf32>,
      %get3A_351 = vector.shape_cast %get3A_350 : vector<16xf32> to vector<16xf32>
      %mul3A_352 = arith.mulf %get3A_351, %get3A_80 : vector<16xf32>
      %swap3A_353 = arith.constant 0 : i32
      %swap3A_354 = tpu.memref_slice %arg8[%scan3A_74, %swap3A_353] : memref<32x1024xf32, #tpu.memory_space<vmem>> -> memref<1x1024xf32, #tpu.memory_space<vmem>>
      %swap3A_355 = tpu.memref_squeeze %swap3A_354 : memref<1x1024xf32, #tpu.memory_space<vmem>> -> memref<1024xf32, #tpu.memory_space<vmem>>
      %swap3A_356 = arith.constant 304 : index
      %swap3A_357 = tpu.vector_load %swap3A_355[%swap3A_356] {strides = array<i32>} : memref<1024xf32, #tpu.memory_space<vmem>>, vector<16xf32>,
      %swap3A_358 = vector.shape_cast %swap3A_357 : vector<16xf32> to vector<16xf32>
      %swap3A_359 = vector.shape_cast %mul3A_352 : vector<16xf32> to vector<16xf32>
      tpu.vector_store %swap3A_355[%swap3A_356], %swap3A_359 {strides = array<i32>} : memref<1024xf32, #tpu.memory_space<vmem>>, vector<16xf32>,
      %get3A_360 = arith.constant 0 : i32
      %get3A_361 = tpu.memref_slice %arg8[%scan3A_74, %get3A_360] : memref<32x1024xf32, #tpu.memory_space<vmem>> -> memref<1x1024xf32, #tpu.memory_space<vmem>>
      %get3A_362 = tpu.memref_squeeze %get3A_361 : memref<1x1024xf32, #tpu.memory_space<vmem>> -> memref<1024xf32, #tpu.memory_space<vmem>>
      %get3A_363 = arith.constant 320 : index
      %get3A_364 = tpu.vector_load %get3A_362[%get3A_363] {strides = array<i32>} : memref<1024xf32, #tpu.memory_space<vmem>>, vector<16xf32>,
      %get3A_365 = vector.shape_cast %get3A_364 : vector<16xf32> to vector<16xf32>
      %mul3A_366 = arith.mulf %get3A_365, %get3A_80 : vector<16xf32>
      %swap3A_367 = arith.constant 0 : i32
      %swap3A_368 = tpu.memref_slice %arg8[%scan3A_74, %swap3A_367] : memref<32x1024xf32, #tpu.memory_space<vmem>> -> memref<1x1024xf32, #tpu.memory_space<vmem>>
      %swap3A_369 = tpu.memref_squeeze %swap3A_368 : memref<1x1024xf32, #tpu.memory_space<vmem>> -> memref<1024xf32, #tpu.memory_space<vmem>>
      %swap3A_370 = arith.constant 320 : index
      %swap3A_371 = tpu.vector_load %swap3A_369[%swap3A_370] {strides = array<i32>} : memref<1024xf32, #tpu.memory_space<vmem>>, vector<16xf32>,
      %swap3A_372 = vector.shape_cast %swap3A_371 : vector<16xf32> to vector<16xf32>
      %swap3A_373 = vector.shape_cast %mul3A_366 : vector<16xf32> to vector<16xf32>
      tpu.vector_store %swap3A_369[%swap3A_370], %swap3A_373 {strides = array<i32>} : memref<1024xf32, #tpu.memory_space<vmem>>, vector<16xf32>,
      %get3A_374 = arith.constant 0 : i32
      %get3A_375 = tpu.memref_slice %arg8[%scan3A_74, %get3A_374] : memref<32x1024xf32, #tpu.memory_space<vmem>> -> memref<1x1024xf32, #tpu.memory_space<vmem>>
      %get3A_376 = tpu.memref_squeeze %get3A_375 : memref<1x1024xf32, #tpu.memory_space<vmem>> -> memref<1024xf32, #tpu.memory_space<vmem>>
      %get3A_377 = arith.constant 336 : index
      %get3A_378 = tpu.vector_load %get3A_376[%get3A_377] {strides = array<i32>} : memref<1024xf32, #tpu.memory_space<vmem>>, vector<16xf32>,
      %get3A_379 = vector.shape_cast %get3A_378 : vector<16xf32> to vector<16xf32>
      %mul3A_380 = arith.mulf %get3A_379, %get3A_80 : vector<16xf32>
      %swap3A_381 = arith.constant 0 : i32
      %swap3A_382 = tpu.memref_slice %arg8[%scan3A_74, %swap3A_381] : memref<32x1024xf32, #tpu.memory_space<vmem>> -> memref<1x1024xf32, #tpu.memory_space<vmem>>
      %swap3A_383 = tpu.memref_squeeze %swap3A_382 : memref<1x1024xf32, #tpu.memory_space<vmem>> -> memref<1024xf32, #tpu.memory_space<vmem>>
      %swap3A_384 = arith.constant 336 : index
      %swap3A_385 = tpu.vector_load %swap3A_383[%swap3A_384] {strides = array<i32>} : memref<1024xf32, #tpu.memory_space<vmem>>, vector<16xf32>,
      %swap3A_386 = vector.shape_cast %swap3A_385 : vector<16xf32> to vector<16xf32>
      %swap3A_387 = vector.shape_cast %mul3A_380 : vector<16xf32> to vector<16xf32>
      tpu.vector_store %swap3A_383[%swap3A_384], %swap3A_387 {strides = array<i32>} : memref<1024xf32, #tpu.memory_space<vmem>>, vector<16xf32>,
      %get3A_388 = arith.constant 0 : i32
      %get3A_389 = tpu.memref_slice %arg8[%scan3A_74, %get3A_388] : memref<32x1024xf32, #tpu.memory_space<vmem>> -> memref<1x1024xf32, #tpu.memory_space<vmem>>
      %get3A_390 = tpu.memref_squeeze %get3A_389 : memref<1x1024xf32, #tpu.memory_space<vmem>> -> memref<1024xf32, #tpu.memory_space<vmem>>
      %get3A_391 = arith.constant 352 : index
      %get3A_392 = tpu.vector_load %get3A_390[%get3A_391] {strides = array<i32>} : memref<1024xf32, #tpu.memory_space<vmem>>, vector<16xf32>,
      %get3A_393 = vector.shape_cast %get3A_392 : vector<16xf32> to vector<16xf32>
      %mul3A_394 = arith.mulf %get3A_393, %get3A_80 : vector<16xf32>
      %swap3A_395 = arith.constant 0 : i32
      %swap3A_396 = tpu.memref_slice %arg8[%scan3A_74, %swap3A_395] : memref<32x1024xf32, #tpu.memory_space<vmem>> -> memref<1x1024xf32, #tpu.memory_space<vmem>>
      %swap3A_397 = tpu.memref_squeeze %swap3A_396 : memref<1x1024xf32, #tpu.memory_space<vmem>> -> memref<1024xf32, #tpu.memory_space<vmem>>
      %swap3A_398 = arith.constant 352 : index
      %swap3A_399 = tpu.vector_load %swap3A_397[%swap3A_398] {strides = array<i32>} : memref<1024xf32, #tpu.memory_space<vmem>>, vector<16xf32>,
      %swap3A_400 = vector.shape_cast %swap3A_399 : vector<16xf32> to vector<16xf32>
      %swap3A_401 = vector.shape_cast %mul3A_394 : vector<16xf32> to vector<16xf32>
      tpu.vector_store %swap3A_397[%swap3A_398], %swap3A_401 {strides = array<i32>} : memref<1024xf32, #tpu.memory_space<vmem>>, vector<16xf32>,
      %get3A_402 = arith.constant 0 : i32
      %get3A_403 = tpu.memref_slice %arg8[%scan3A_74, %get3A_402] : memref<32x1024xf32, #tpu.memory_space<vmem>> -> memref<1x1024xf32, #tpu.memory_space<vmem>>
      %get3A_404 = tpu.memref_squeeze %get3A_403 : memref<1x1024xf32, #tpu.memory_space<vmem>> -> memref<1024xf32, #tpu.memory_space<vmem>>
      %get3A_405 = arith.constant 368 : index
      %get3A_406 = tpu.vector_load %get3A_404[%get3A_405] {strides = array<i32>} : memref<1024xf32, #tpu.memory_space<vmem>>, vector<16xf32>,
      %get3A_407 = vector.shape_cast %get3A_406 : vector<16xf32> to vector<16xf32>
      %mul3A_408 = arith.mulf %get3A_407, %get3A_80 : vector<16xf32>
      %swap3A_409 = arith.constant 0 : i32
      %swap3A_410 = tpu.memref_slice %arg8[%scan3A_74, %swap3A_409] : memref<32x1024xf32, #tpu.memory_space<vmem>> -> memref<1x1024xf32, #tpu.memory_space<vmem>>
      %swap3A_411 = tpu.memref_squeeze %swap3A_410 : memref<1x1024xf32, #tpu.memory_space<vmem>> -> memref<1024xf32, #tpu.memory_space<vmem>>
      %swap3A_412 = arith.constant 368 : index
      %swap3A_413 = tpu.vector_load %swap3A_411[%swap3A_412] {strides = array<i32>} : memref<1024xf32, #tpu.memory_space<vmem>>, vector<16xf32>,
      %swap3A_414 = vector.shape_cast %swap3A_413 : vector<16xf32> to vector<16xf32>
      %swap3A_415 = vector.shape_cast %mul3A_408 : vector<16xf32> to vector<16xf32>
      tpu.vector_store %swap3A_411[%swap3A_412], %swap3A_415 {strides = array<i32>} : memref<1024xf32, #tpu.memory_space<vmem>>, vector<16xf32>,
      %get3A_416 = arith.constant 0 : i32
      %get3A_417 = tpu.memref_slice %arg8[%scan3A_74, %get3A_416] : memref<32x1024xf32, #tpu.memory_space<vmem>> -> memref<1x1024xf32, #tpu.memory_space<vmem>>
      %get3A_418 = tpu.memref_squeeze %get3A_417 : memref<1x1024xf32, #tpu.memory_space<vmem>> -> memref<1024xf32, #tpu.memory_space<vmem>>
      %get3A_419 = arith.constant 384 : index
      %get3A_420 = tpu.vector_load %get3A_418[%get3A_419] {strides = array<i32>} : memref<1024xf32, #tpu.memory_space<vmem>>, vector<16xf32>,
      %get3A_421 = vector.shape_cast %get3A_420 : vector<16xf32> to vector<16xf32>
      %mul3A_422 = arith.mulf %get3A_421, %get3A_80 : vector<16xf32>
      %swap3A_423 = arith.constant 0 : i32
      %swap3A_424 = tpu.memref_slice %arg8[%scan3A_74, %swap3A_423] : memref<32x1024xf32, #tpu.memory_space<vmem>> -> memref<1x1024xf32, #tpu.memory_space<vmem>>
      %swap3A_425 = tpu.memref_squeeze %swap3A_424 : memref<1x1024xf32, #tpu.memory_space<vmem>> -> memref<1024xf32, #tpu.memory_space<vmem>>
      %swap3A_426 = arith.constant 384 : index
      %swap3A_427 = tpu.vector_load %swap3A_425[%swap3A_426] {strides = array<i32>} : memref<1024xf32, #tpu.memory_space<vmem>>, vector<16xf32>,
      %swap3A_428 = vector.shape_cast %swap3A_427 : vector<16xf32> to vector<16xf32>
      %swap3A_429 = vector.shape_cast %mul3A_422 : vector<16xf32> to vector<16xf32>
      tpu.vector_store %swap3A_425[%swap3A_426], %swap3A_429 {strides = array<i32>} : memref<1024xf32, #tpu.memory_space<vmem>>, vector<16xf32>,
      %get3A_430 = arith.constant 0 : i32
      %get3A_431 = tpu.memref_slice %arg8[%scan3A_74, %get3A_430] : memref<32x1024xf32, #tpu.memory_space<vmem>> -> memref<1x1024xf32, #tpu.memory_space<vmem>>
      %get3A_432 = tpu.memref_squeeze %get3A_431 : memref<1x1024xf32, #tpu.memory_space<vmem>> -> memref<1024xf32, #tpu.memory_space<vmem>>
      %get3A_433 = arith.constant 400 : index
      %get3A_434 = tpu.vector_load %get3A_432[%get3A_433] {strides = array<i32>} : memref<1024xf32, #tpu.memory_space<vmem>>, vector<16xf32>,
      %get3A_435 = vector.shape_cast %get3A_434 : vector<16xf32> to vector<16xf32>
      %mul3A_436 = arith.mulf %get3A_435, %get3A_80 : vector<16xf32>
      %swap3A_437 = arith.constant 0 : i32
      %swap3A_438 = tpu.memref_slice %arg8[%scan3A_74, %swap3A_437] : memref<32x1024xf32, #tpu.memory_space<vmem>> -> memref<1x1024xf32, #tpu.memory_space<vmem>>
      %swap3A_439 = tpu.memref_squeeze %swap3A_438 : memref<1x1024xf32, #tpu.memory_space<vmem>> -> memref<1024xf32, #tpu.memory_space<vmem>>
      %swap3A_440 = arith.constant 400 : index
      %swap3A_441 = tpu.vector_load %swap3A_439[%swap3A_440] {strides = array<i32>} : memref<1024xf32, #tpu.memory_space<vmem>>, vector<16xf32>,
      %swap3A_442 = vector.shape_cast %swap3A_441 : vector<16xf32> to vector<16xf32>
      %swap3A_443 = vector.shape_cast %mul3A_436 : vector<16xf32> to vector<16xf32>
      tpu.vector_store %swap3A_439[%swap3A_440], %swap3A_443 {strides = array<i32>} : memref<1024xf32, #tpu.memory_space<vmem>>, vector<16xf32>,
      %get3A_444 = arith.constant 0 : i32
      %get3A_445 = tpu.memref_slice %arg8[%scan3A_74, %get3A_444] : memref<32x1024xf32, #tpu.memory_space<vmem>> -> memref<1x1024xf32, #tpu.memory_space<vmem>>
      %get3A_446 = tpu.memref_squeeze %get3A_445 : memref<1x1024xf32, #tpu.memory_space<vmem>> -> memref<1024xf32, #tpu.memory_space<vmem>>
      %get3A_447 = arith.constant 416 : index
      %get3A_448 = tpu.vector_load %get3A_446[%get3A_447] {strides = array<i32>} : memref<1024xf32, #tpu.memory_space<vmem>>, vector<16xf32>,
      %get3A_449 = vector.shape_cast %get3A_448 : vector<16xf32> to vector<16xf32>
      %mul3A_450 = arith.mulf %get3A_449, %get3A_80 : vector<16xf32>
      %swap3A_451 = arith.constant 0 : i32
      %swap3A_452 = tpu.memref_slice %arg8[%scan3A_74, %swap3A_451] : memref<32x1024xf32, #tpu.memory_space<vmem>> -> memref<1x1024xf32, #tpu.memory_space<vmem>>
      %swap3A_453 = tpu.memref_squeeze %swap3A_452 : memref<1x1024xf32, #tpu.memory_space<vmem>> -> memref<1024xf32, #tpu.memory_space<vmem>>
      %swap3A_454 = arith.constant 416 : index
      %swap3A_455 = tpu.vector_load %swap3A_453[%swap3A_454] {strides = array<i32>} : memref<1024xf32, #tpu.memory_space<vmem>>, vector<16xf32>,
      %swap3A_456 = vector.shape_cast %swap3A_455 : vector<16xf32> to vector<16xf32>
      %swap3A_457 = vector.shape_cast %mul3A_450 : vector<16xf32> to vector<16xf32>
      tpu.vector_store %swap3A_453[%swap3A_454], %swap3A_457 {strides = array<i32>} : memref<1024xf32, #tpu.memory_space<vmem>>, vector<16xf32>,
      %get3A_458 = arith.constant 0 : i32
      %get3A_459 = tpu.memref_slice %arg8[%scan3A_74, %get3A_458] : memref<32x1024xf32, #tpu.memory_space<vmem>> -> memref<1x1024xf32, #tpu.memory_space<vmem>>
      %get3A_460 = tpu.memref_squeeze %get3A_459 : memref<1x1024xf32, #tpu.memory_space<vmem>> -> memref<1024xf32, #tpu.memory_space<vmem>>
      %get3A_461 = arith.constant 432 : index
      %get3A_462 = tpu.vector_load %get3A_460[%get3A_461] {strides = array<i32>} : memref<1024xf32, #tpu.memory_space<vmem>>, vector<16xf32>,
      %get3A_463 = vector.shape_cast %get3A_462 : vector<16xf32> to vector<16xf32>
      %mul3A_464 = arith.mulf %get3A_463, %get3A_80 : vector<16xf32>
      %swap3A_465 = arith.constant 0 : i32
      %swap3A_466 = tpu.memref_slice %arg8[%scan3A_74, %swap3A_465] : memref<32x1024xf32, #tpu.memory_space<vmem>> -> memref<1x1024xf32, #tpu.memory_space<vmem>>
      %swap3A_467 = tpu.memref_squeeze %swap3A_466 : memref<1x1024xf32, #tpu.memory_space<vmem>> -> memref<1024xf32, #tpu.memory_space<vmem>>
      %swap3A_468 = arith.constant 432 : index
      %swap3A_469 = tpu.vector_load %swap3A_467[%swap3A_468] {strides = array<i32>} : memref<1024xf32, #tpu.memory_space<vmem>>, vector<16xf32>,
      %swap3A_470 = vector.shape_cast %swap3A_469 : vector<16xf32> to vector<16xf32>
      %swap3A_471 = vector.shape_cast %mul3A_464 : vector<16xf32> to vector<16xf32>
      tpu.vector_store %swap3A_467[%swap3A_468], %swap3A_471 {strides = array<i32>} : memref<1024xf32, #tpu.memory_space<vmem>>, vector<16xf32>,
      %get3A_472 = arith.constant 0 : i32
      %get3A_473 = tpu.memref_slice %arg8[%scan3A_74, %get3A_472] : memref<32x1024xf32, #tpu.memory_space<vmem>> -> memref<1x1024xf32, #tpu.memory_space<vmem>>
      %get3A_474 = tpu.memref_squeeze %get3A_473 : memref<1x1024xf32, #tpu.memory_space<vmem>> -> memref<1024xf32, #tpu.memory_space<vmem>>
      %get3A_475 = arith.constant 448 : index
      %get3A_476 = tpu.vector_load %get3A_474[%get3A_475] {strides = array<i32>} : memref<1024xf32, #tpu.memory_space<vmem>>, vector<16xf32>,
      %get3A_477 = vector.shape_cast %get3A_476 : vector<16xf32> to vector<16xf32>
      %mul3A_478 = arith.mulf %get3A_477, %get3A_80 : vector<16xf32>
      %swap3A_479 = arith.constant 0 : i32
      %swap3A_480 = tpu.memref_slice %arg8[%scan3A_74, %swap3A_479] : memref<32x1024xf32, #tpu.memory_space<vmem>> -> memref<1x1024xf32, #tpu.memory_space<vmem>>
      %swap3A_481 = tpu.memref_squeeze %swap3A_480 : memref<1x1024xf32, #tpu.memory_space<vmem>> -> memref<1024xf32, #tpu.memory_space<vmem>>
      %swap3A_482 = arith.constant 448 : index
      %swap3A_483 = tpu.vector_load %swap3A_481[%swap3A_482] {strides = array<i32>} : memref<1024xf32, #tpu.memory_space<vmem>>, vector<16xf32>,
      %swap3A_484 = vector.shape_cast %swap3A_483 : vector<16xf32> to vector<16xf32>
      %swap3A_485 = vector.shape_cast %mul3A_478 : vector<16xf32> to vector<16xf32>
      tpu.vector_store %swap3A_481[%swap3A_482], %swap3A_485 {strides = array<i32>} : memref<1024xf32, #tpu.memory_space<vmem>>, vector<16xf32>,
      %get3A_486 = arith.constant 0 : i32
      %get3A_487 = tpu.memref_slice %arg8[%scan3A_74, %get3A_486] : memref<32x1024xf32, #tpu.memory_space<vmem>> -> memref<1x1024xf32, #tpu.memory_space<vmem>>
      %get3A_488 = tpu.memref_squeeze %get3A_487 : memref<1x1024xf32, #tpu.memory_space<vmem>> -> memref<1024xf32, #tpu.memory_space<vmem>>
      %get3A_489 = arith.constant 464 : index
      %get3A_490 = tpu.vector_load %get3A_488[%get3A_489] {strides = array<i32>} : memref<1024xf32, #tpu.memory_space<vmem>>, vector<16xf32>,
      %get3A_491 = vector.shape_cast %get3A_490 : vector<16xf32> to vector<16xf32>
      %mul3A_492 = arith.mulf %get3A_491, %get3A_80 : vector<16xf32>
      %swap3A_493 = arith.constant 0 : i32
      %swap3A_494 = tpu.memref_slice %arg8[%scan3A_74, %swap3A_493] : memref<32x1024xf32, #tpu.memory_space<vmem>> -> memref<1x1024xf32, #tpu.memory_space<vmem>>
      %swap3A_495 = tpu.memref_squeeze %swap3A_494 : memref<1x1024xf32, #tpu.memory_space<vmem>> -> memref<1024xf32, #tpu.memory_space<vmem>>
      %swap3A_496 = arith.constant 464 : index
      %swap3A_497 = tpu.vector_load %swap3A_495[%swap3A_496] {strides = array<i32>} : memref<1024xf32, #tpu.memory_space<vmem>>, vector<16xf32>,
      %swap3A_498 = vector.shape_cast %swap3A_497 : vector<16xf32> to vector<16xf32>
      %swap3A_499 = vector.shape_cast %mul3A_492 : vector<16xf32> to vector<16xf32>
      tpu.vector_store %swap3A_495[%swap3A_496], %swap3A_499 {strides = array<i32>} : memref<1024xf32, #tpu.memory_space<vmem>>, vector<16xf32>,
      %get3A_500 = arith.constant 0 : i32
      %get3A_501 = tpu.memref_slice %arg8[%scan3A_74, %get3A_500] : memref<32x1024xf32, #tpu.memory_space<vmem>> -> memref<1x1024xf32, #tpu.memory_space<vmem>>
      %get3A_502 = tpu.memref_squeeze %get3A_501 : memref<1x1024xf32, #tpu.memory_space<vmem>> -> memref<1024xf32, #tpu.memory_space<vmem>>
      %get3A_503 = arith.constant 480 : index
      %get3A_504 = tpu.vector_load %get3A_502[%get3A_503] {strides = array<i32>} : memref<1024xf32, #tpu.memory_space<vmem>>, vector<16xf32>,
      %get3A_505 = vector.shape_cast %get3A_504 : vector<16xf32> to vector<16xf32>
      %mul3A_506 = arith.mulf %get3A_505, %get3A_80 : vector<16xf32>
      %swap3A_507 = arith.constant 0 : i32
      %swap3A_508 = tpu.memref_slice %arg8[%scan3A_74, %swap3A_507] : memref<32x1024xf32, #tpu.memory_space<vmem>> -> memref<1x1024xf32, #tpu.memory_space<vmem>>
      %swap3A_509 = tpu.memref_squeeze %swap3A_508 : memref<1x1024xf32, #tpu.memory_space<vmem>> -> memref<1024xf32, #tpu.memory_space<vmem>>
      %swap3A_510 = arith.constant 480 : index
      %swap3A_511 = tpu.vector_load %swap3A_509[%swap3A_510] {strides = array<i32>} : memref<1024xf32, #tpu.memory_space<vmem>>, vector<16xf32>,
      %swap3A_512 = vector.shape_cast %swap3A_511 : vector<16xf32> to vector<16xf32>
      %swap3A_513 = vector.shape_cast %mul3A_506 : vector<16xf32> to vector<16xf32>
      tpu.vector_store %swap3A_509[%swap3A_510], %swap3A_513 {strides = array<i32>} : memref<1024xf32, #tpu.memory_space<vmem>>, vector<16xf32>,
      %get3A_514 = arith.constant 0 : i32
      %get3A_515 = tpu.memref_slice %arg8[%scan3A_74, %get3A_514] : memref<32x1024xf32, #tpu.memory_space<vmem>> -> memref<1x1024xf32, #tpu.memory_space<vmem>>
      %get3A_516 = tpu.memref_squeeze %get3A_515 : memref<1x1024xf32, #tpu.memory_space<vmem>> -> memref<1024xf32, #tpu.memory_space<vmem>>
      %get3A_517 = arith.constant 496 : index
      %get3A_518 = tpu.vector_load %get3A_516[%get3A_517] {strides = array<i32>} : memref<1024xf32, #tpu.memory_space<vmem>>, vector<16xf32>,
      %get3A_519 = vector.shape_cast %get3A_518 : vector<16xf32> to vector<16xf32>
      %mul3A_520 = arith.mulf %get3A_519, %get3A_80 : vector<16xf32>
      %swap3A_521 = arith.constant 0 : i32
      %swap3A_522 = tpu.memref_slice %arg8[%scan3A_74, %swap3A_521] : memref<32x1024xf32, #tpu.memory_space<vmem>> -> memref<1x1024xf32, #tpu.memory_space<vmem>>
      %swap3A_523 = tpu.memref_squeeze %swap3A_522 : memref<1x1024xf32, #tpu.memory_space<vmem>> -> memref<1024xf32, #tpu.memory_space<vmem>>
      %swap3A_524 = arith.constant 496 : index
      %swap3A_525 = tpu.vector_load %swap3A_523[%swap3A_524] {strides = array<i32>} : memref<1024xf32, #tpu.memory_space<vmem>>, vector<16xf32>,
      %swap3A_526 = vector.shape_cast %swap3A_525 : vector<16xf32> to vector<16xf32>
      %swap3A_527 = vector.shape_cast %mul3A_520 : vector<16xf32> to vector<16xf32>
      tpu.vector_store %swap3A_523[%swap3A_524], %swap3A_527 {strides = array<i32>} : memref<1024xf32, #tpu.memory_space<vmem>>, vector<16xf32>,
      %get3A_528 = arith.constant 0 : i32
      %get3A_529 = tpu.memref_slice %arg8[%scan3A_74, %get3A_528] : memref<32x1024xf32, #tpu.memory_space<vmem>> -> memref<1x1024xf32, #tpu.memory_space<vmem>>
      %get3A_530 = tpu.memref_squeeze %get3A_529 : memref<1x1024xf32, #tpu.memory_space<vmem>> -> memref<1024xf32, #tpu.memory_space<vmem>>
      %get3A_531 = arith.constant 512 : index
      %get3A_532 = tpu.vector_load %get3A_530[%get3A_531] {strides = array<i32>} : memref<1024xf32, #tpu.memory_space<vmem>>, vector<16xf32>,
      %get3A_533 = vector.shape_cast %get3A_532 : vector<16xf32> to vector<16xf32>
      %mul3A_534 = arith.mulf %get3A_533, %get3A_80 : vector<16xf32>
      %swap3A_535 = arith.constant 0 : i32
      %swap3A_536 = tpu.memref_slice %arg8[%scan3A_74, %swap3A_535] : memref<32x1024xf32, #tpu.memory_space<vmem>> -> memref<1x1024xf32, #tpu.memory_space<vmem>>
      %swap3A_537 = tpu.memref_squeeze %swap3A_536 : memref<1x1024xf32, #tpu.memory_space<vmem>> -> memref<1024xf32, #tpu.memory_space<vmem>>
      %swap3A_538 = arith.constant 512 : index
      %swap3A_539 = tpu.vector_load %swap3A_537[%swap3A_538] {strides = array<i32>} : memref<1024xf32, #tpu.memory_space<vmem>>, vector<16xf32>,
      %swap3A_540 = vector.shape_cast %swap3A_539 : vector<16xf32> to vector<16xf32>
      %swap3A_541 = vector.shape_cast %mul3A_534 : vector<16xf32> to vector<16xf32>
      tpu.vector_store %swap3A_537[%swap3A_538], %swap3A_541 {strides = array<i32>} : memref<1024xf32, #tpu.memory_space<vmem>>, vector<16xf32>,
      %get3A_542 = arith.constant 0 : i32
      %get3A_543 = tpu.memref_slice %arg8[%scan3A_74, %get3A_542] : memref<32x1024xf32, #tpu.memory_space<vmem>> -> memref<1x1024xf32, #tpu.memory_space<vmem>>
      %get3A_544 = tpu.memref_squeeze %get3A_543 : memref<1x1024xf32, #tpu.memory_space<vmem>> -> memref<1024xf32, #tpu.memory_space<vmem>>
      %get3A_545 = arith.constant 528 : index
      %get3A_546 = tpu.vector_load %get3A_544[%get3A_545] {strides = array<i32>} : memref<1024xf32, #tpu.memory_space<vmem>>, vector<16xf32>,
      %get3A_547 = vector.shape_cast %get3A_546 : vector<16xf32> to vector<16xf32>
      %mul3A_548 = arith.mulf %get3A_547, %get3A_80 : vector<16xf32>
      %swap3A_549 = arith.constant 0 : i32
      %swap3A_550 = tpu.memref_slice %arg8[%scan3A_74, %swap3A_549] : memref<32x1024xf32, #tpu.memory_space<vmem>> -> memref<1x1024xf32, #tpu.memory_space<vmem>>
      %swap3A_551 = tpu.memref_squeeze %swap3A_550 : memref<1x1024xf32, #tpu.memory_space<vmem>> -> memref<1024xf32, #tpu.memory_space<vmem>>
      %swap3A_552 = arith.constant 528 : index
      %swap3A_553 = tpu.vector_load %swap3A_551[%swap3A_552] {strides = array<i32>} : memref<1024xf32, #tpu.memory_space<vmem>>, vector<16xf32>,
      %swap3A_554 = vector.shape_cast %swap3A_553 : vector<16xf32> to vector<16xf32>
      %swap3A_555 = vector.shape_cast %mul3A_548 : vector<16xf32> to vector<16xf32>
      tpu.vector_store %swap3A_551[%swap3A_552], %swap3A_555 {strides = array<i32>} : memref<1024xf32, #tpu.memory_space<vmem>>, vector<16xf32>,
      %get3A_556 = arith.constant 0 : i32
      %get3A_557 = tpu.memref_slice %arg8[%scan3A_74, %get3A_556] : memref<32x1024xf32, #tpu.memory_space<vmem>> -> memref<1x1024xf32, #tpu.memory_space<vmem>>
      %get3A_558 = tpu.memref_squeeze %get3A_557 : memref<1x1024xf32, #tpu.memory_space<vmem>> -> memref<1024xf32, #tpu.memory_space<vmem>>
      %get3A_559 = arith.constant 544 : index
      %get3A_560 = tpu.vector_load %get3A_558[%get3A_559] {strides = array<i32>} : memref<1024xf32, #tpu.memory_space<vmem>>, vector<16xf32>,
      %get3A_561 = vector.shape_cast %get3A_560 : vector<16xf32> to vector<16xf32>
      %mul3A_562 = arith.mulf %get3A_561, %get3A_80 : vector<16xf32>
      %swap3A_563 = arith.constant 0 : i32
      %swap3A_564 = tpu.memref_slice %arg8[%scan3A_74, %swap3A_563] : memref<32x1024xf32, #tpu.memory_space<vmem>> -> memref<1x1024xf32, #tpu.memory_space<vmem>>
      %swap3A_565 = tpu.memref_squeeze %swap3A_564 : memref<1x1024xf32, #tpu.memory_space<vmem>> -> memref<1024xf32, #tpu.memory_space<vmem>>
      %swap3A_566 = arith.constant 544 : index
      %swap3A_567 = tpu.vector_load %swap3A_565[%swap3A_566] {strides = array<i32>} : memref<1024xf32, #tpu.memory_space<vmem>>, vector<16xf32>,
      %swap3A_568 = vector.shape_cast %swap3A_567 : vector<16xf32> to vector<16xf32>
      %swap3A_569 = vector.shape_cast %mul3A_562 : vector<16xf32> to vector<16xf32>
      tpu.vector_store %swap3A_565[%swap3A_566], %swap3A_569 {strides = array<i32>} : memref<1024xf32, #tpu.memory_space<vmem>>, vector<16xf32>,
      %get3A_570 = arith.constant 0 : i32
      %get3A_571 = tpu.memref_slice %arg8[%scan3A_74, %get3A_570] : memref<32x1024xf32, #tpu.memory_space<vmem>> -> memref<1x1024xf32, #tpu.memory_space<vmem>>
      %get3A_572 = tpu.memref_squeeze %get3A_571 : memref<1x1024xf32, #tpu.memory_space<vmem>> -> memref<1024xf32, #tpu.memory_space<vmem>>
      %get3A_573 = arith.constant 560 : index
      %get3A_574 = tpu.vector_load %get3A_572[%get3A_573] {strides = array<i32>} : memref<1024xf32, #tpu.memory_space<vmem>>, vector<16xf32>,
      %get3A_575 = vector.shape_cast %get3A_574 : vector<16xf32> to vector<16xf32>
      %mul3A_576 = arith.mulf %get3A_575, %get3A_80 : vector<16xf32>
      %swap3A_577 = arith.constant 0 : i32
      %swap3A_578 = tpu.memref_slice %arg8[%scan3A_74, %swap3A_577] : memref<32x1024xf32, #tpu.memory_space<vmem>> -> memref<1x1024xf32, #tpu.memory_space<vmem>>
      %swap3A_579 = tpu.memref_squeeze %swap3A_578 : memref<1x1024xf32, #tpu.memory_space<vmem>> -> memref<1024xf32, #tpu.memory_space<vmem>>
      %swap3A_580 = arith.constant 560 : index
      %swap3A_581 = tpu.vector_load %swap3A_579[%swap3A_580] {strides = array<i32>} : memref<1024xf32, #tpu.memory_space<vmem>>, vector<16xf32>,
      %swap3A_582 = vector.shape_cast %swap3A_581 : vector<16xf32> to vector<16xf32>
      %swap3A_583 = vector.shape_cast %mul3A_576 : vector<16xf32> to vector<16xf32>
      tpu.vector_store %swap3A_579[%swap3A_580], %swap3A_583 {strides = array<i32>} : memref<1024xf32, #tpu.memory_space<vmem>>, vector<16xf32>,
      %get3A_584 = arith.constant 0 : i32
      %get3A_585 = tpu.memref_slice %arg8[%scan3A_74, %get3A_584] : memref<32x1024xf32, #tpu.memory_space<vmem>> -> memref<1x1024xf32, #tpu.memory_space<vmem>>
      %get3A_586 = tpu.memref_squeeze %get3A_585 : memref<1x1024xf32, #tpu.memory_space<vmem>> -> memref<1024xf32, #tpu.memory_space<vmem>>
      %get3A_587 = arith.constant 576 : index
      %get3A_588 = tpu.vector_load %get3A_586[%get3A_587] {strides = array<i32>} : memref<1024xf32, #tpu.memory_space<vmem>>, vector<16xf32>,
      %get3A_589 = vector.shape_cast %get3A_588 : vector<16xf32> to vector<16xf32>
      %mul3A_590 = arith.mulf %get3A_589, %get3A_80 : vector<16xf32>
      %swap3A_591 = arith.constant 0 : i32
      %swap3A_592 = tpu.memref_slice %arg8[%scan3A_74, %swap3A_591] : memref<32x1024xf32, #tpu.memory_space<vmem>> -> memref<1x1024xf32, #tpu.memory_space<vmem>>
      %swap3A_593 = tpu.memref_squeeze %swap3A_592 : memref<1x1024xf32, #tpu.memory_space<vmem>> -> memref<1024xf32, #tpu.memory_space<vmem>>
      %swap3A_594 = arith.constant 576 : index
      %swap3A_595 = tpu.vector_load %swap3A_593[%swap3A_594] {strides = array<i32>} : memref<1024xf32, #tpu.memory_space<vmem>>, vector<16xf32>,
      %swap3A_596 = vector.shape_cast %swap3A_595 : vector<16xf32> to vector<16xf32>
      %swap3A_597 = vector.shape_cast %mul3A_590 : vector<16xf32> to vector<16xf32>
      tpu.vector_store %swap3A_593[%swap3A_594], %swap3A_597 {strides = array<i32>} : memref<1024xf32, #tpu.memory_space<vmem>>, vector<16xf32>,
      %get3A_598 = arith.constant 0 : i32
      %get3A_599 = tpu.memref_slice %arg8[%scan3A_74, %get3A_598] : memref<32x1024xf32, #tpu.memory_space<vmem>> -> memref<1x1024xf32, #tpu.memory_space<vmem>>
      %get3A_600 = tpu.memref_squeeze %get3A_599 : memref<1x1024xf32, #tpu.memory_space<vmem>> -> memref<1024xf32, #tpu.memory_space<vmem>>
      %get3A_601 = arith.constant 592 : index
      %get3A_602 = tpu.vector_load %get3A_600[%get3A_601] {strides = array<i32>} : memref<1024xf32, #tpu.memory_space<vmem>>, vector<16xf32>,
      %get3A_603 = vector.shape_cast %get3A_602 : vector<16xf32> to vector<16xf32>
      %mul3A_604 = arith.mulf %get3A_603, %get3A_80 : vector<16xf32>
      %swap3A_605 = arith.constant 0 : i32
      %swap3A_606 = tpu.memref_slice %arg8[%scan3A_74, %swap3A_605] : memref<32x1024xf32, #tpu.memory_space<vmem>> -> memref<1x1024xf32, #tpu.memory_space<vmem>>
      %swap3A_607 = tpu.memref_squeeze %swap3A_606 : memref<1x1024xf32, #tpu.memory_space<vmem>> -> memref<1024xf32, #tpu.memory_space<vmem>>
      %swap3A_608 = arith.constant 592 : index
      %swap3A_609 = tpu.vector_load %swap3A_607[%swap3A_608] {strides = array<i32>} : memref<1024xf32, #tpu.memory_space<vmem>>, vector<16xf32>,
      %swap3A_610 = vector.shape_cast %swap3A_609 : vector<16xf32> to vector<16xf32>
      %swap3A_611 = vector.shape_cast %mul3A_604 : vector<16xf32> to vector<16xf32>
      tpu.vector_store %swap3A_607[%swap3A_608], %swap3A_611 {strides = array<i32>} : memref<1024xf32, #tpu.memory_space<vmem>>, vector<16xf32>,
      %get3A_612 = arith.constant 0 : i32
      %get3A_613 = tpu.memref_slice %arg8[%scan3A_74, %get3A_612] : memref<32x1024xf32, #tpu.memory_space<vmem>> -> memref<1x1024xf32, #tpu.memory_space<vmem>>
      %get3A_614 = tpu.memref_squeeze %get3A_613 : memref<1x1024xf32, #tpu.memory_space<vmem>> -> memref<1024xf32, #tpu.memory_space<vmem>>
      %get3A_615 = arith.constant 608 : index
      %get3A_616 = tpu.vector_load %get3A_614[%get3A_615] {strides = array<i32>} : memref<1024xf32, #tpu.memory_space<vmem>>, vector<16xf32>,
      %get3A_617 = vector.shape_cast %get3A_616 : vector<16xf32> to vector<16xf32>
      %mul3A_618 = arith.mulf %get3A_617, %get3A_80 : vector<16xf32>
      %swap3A_619 = arith.constant 0 : i32
      %swap3A_620 = tpu.memref_slice %arg8[%scan3A_74, %swap3A_619] : memref<32x1024xf32, #tpu.memory_space<vmem>> -> memref<1x1024xf32, #tpu.memory_space<vmem>>
      %swap3A_621 = tpu.memref_squeeze %swap3A_620 : memref<1x1024xf32, #tpu.memory_space<vmem>> -> memref<1024xf32, #tpu.memory_space<vmem>>
      %swap3A_622 = arith.constant 608 : index
      %swap3A_623 = tpu.vector_load %swap3A_621[%swap3A_622] {strides = array<i32>} : memref<1024xf32, #tpu.memory_space<vmem>>, vector<16xf32>,
      %swap3A_624 = vector.shape_cast %swap3A_623 : vector<16xf32> to vector<16xf32>
      %swap3A_625 = vector.shape_cast %mul3A_618 : vector<16xf32> to vector<16xf32>
      tpu.vector_store %swap3A_621[%swap3A_622], %swap3A_625 {strides = array<i32>} : memref<1024xf32, #tpu.memory_space<vmem>>, vector<16xf32>,
      %get3A_626 = arith.constant 0 : i32
      %get3A_627 = tpu.memref_slice %arg8[%scan3A_74, %get3A_626] : memref<32x1024xf32, #tpu.memory_space<vmem>> -> memref<1x1024xf32, #tpu.memory_space<vmem>>
      %get3A_628 = tpu.memref_squeeze %get3A_627 : memref<1x1024xf32, #tpu.memory_space<vmem>> -> memref<1024xf32, #tpu.memory_space<vmem>>
      %get3A_629 = arith.constant 624 : index
      %get3A_630 = tpu.vector_load %get3A_628[%get3A_629] {strides = array<i32>} : memref<1024xf32, #tpu.memory_space<vmem>>, vector<16xf32>,
      %get3A_631 = vector.shape_cast %get3A_630 : vector<16xf32> to vector<16xf32>
      %mul3A_632 = arith.mulf %get3A_631, %get3A_80 : vector<16xf32>
      %swap3A_633 = arith.constant 0 : i32
      %swap3A_634 = tpu.memref_slice %arg8[%scan3A_74, %swap3A_633] : memref<32x1024xf32, #tpu.memory_space<vmem>> -> memref<1x1024xf32, #tpu.memory_space<vmem>>
      %swap3A_635 = tpu.memref_squeeze %swap3A_634 : memref<1x1024xf32, #tpu.memory_space<vmem>> -> memref<1024xf32, #tpu.memory_space<vmem>>
      %swap3A_636 = arith.constant 624 : index
      %swap3A_637 = tpu.vector_load %swap3A_635[%swap3A_636] {strides = array<i32>} : memref<1024xf32, #tpu.memory_space<vmem>>, vector<16xf32>,
      %swap3A_638 = vector.shape_cast %swap3A_637 : vector<16xf32> to vector<16xf32>
      %swap3A_639 = vector.shape_cast %mul3A_632 : vector<16xf32> to vector<16xf32>
      tpu.vector_store %swap3A_635[%swap3A_636], %swap3A_639 {strides = array<i32>} : memref<1024xf32, #tpu.memory_space<vmem>>, vector<16xf32>,
      %get3A_640 = arith.constant 0 : i32
      %get3A_641 = tpu.memref_slice %arg8[%scan3A_74, %get3A_640] : memref<32x1024xf32, #tpu.memory_space<vmem>> -> memref<1x1024xf32, #tpu.memory_space<vmem>>
      %get3A_642 = tpu.memref_squeeze %get3A_641 : memref<1x1024xf32, #tpu.memory_space<vmem>> -> memref<1024xf32, #tpu.memory_space<vmem>>
      %get3A_643 = arith.constant 640 : index
      %get3A_644 = tpu.vector_load %get3A_642[%get3A_643] {strides = array<i32>} : memref<1024xf32, #tpu.memory_space<vmem>>, vector<16xf32>,
      %get3A_645 = vector.shape_cast %get3A_644 : vector<16xf32> to vector<16xf32>
      %mul3A_646 = arith.mulf %get3A_645, %get3A_80 : vector<16xf32>
      %swap3A_647 = arith.constant 0 : i32
      %swap3A_648 = tpu.memref_slice %arg8[%scan3A_74, %swap3A_647] : memref<32x1024xf32, #tpu.memory_space<vmem>> -> memref<1x1024xf32, #tpu.memory_space<vmem>>
      %swap3A_649 = tpu.memref_squeeze %swap3A_648 : memref<1x1024xf32, #tpu.memory_space<vmem>> -> memref<1024xf32, #tpu.memory_space<vmem>>
      %swap3A_650 = arith.constant 640 : index
      %swap3A_651 = tpu.vector_load %swap3A_649[%swap3A_650] {strides = array<i32>} : memref<1024xf32, #tpu.memory_space<vmem>>, vector<16xf32>,
      %swap3A_652 = vector.shape_cast %swap3A_651 : vector<16xf32> to vector<16xf32>
      %swap3A_653 = vector.shape_cast %mul3A_646 : vector<16xf32> to vector<16xf32>
      tpu.vector_store %swap3A_649[%swap3A_650], %swap3A_653 {strides = array<i32>} : memref<1024xf32, #tpu.memory_space<vmem>>, vector<16xf32>,
      %get3A_654 = arith.constant 0 : i32
      %get3A_655 = tpu.memref_slice %arg8[%scan3A_74, %get3A_654] : memref<32x1024xf32, #tpu.memory_space<vmem>> -> memref<1x1024xf32, #tpu.memory_space<vmem>>
      %get3A_656 = tpu.memref_squeeze %get3A_655 : memref<1x1024xf32, #tpu.memory_space<vmem>> -> memref<1024xf32, #tpu.memory_space<vmem>>
      %get3A_657 = arith.constant 656 : index
      %get3A_658 = tpu.vector_load %get3A_656[%get3A_657] {strides = array<i32>} : memref<1024xf32, #tpu.memory_space<vmem>>, vector<16xf32>,
      %get3A_659 = vector.shape_cast %get3A_658 : vector<16xf32> to vector<16xf32>
      %mul3A_660 = arith.mulf %get3A_659, %get3A_80 : vector<16xf32>
      %swap3A_661 = arith.constant 0 : i32
      %swap3A_662 = tpu.memref_slice %arg8[%scan3A_74, %swap3A_661] : memref<32x1024xf32, #tpu.memory_space<vmem>> -> memref<1x1024xf32, #tpu.memory_space<vmem>>
      %swap3A_663 = tpu.memref_squeeze %swap3A_662 : memref<1x1024xf32, #tpu.memory_space<vmem>> -> memref<1024xf32, #tpu.memory_space<vmem>>
      %swap3A_664 = arith.constant 656 : index
      %swap3A_665 = tpu.vector_load %swap3A_663[%swap3A_664] {strides = array<i32>} : memref<1024xf32, #tpu.memory_space<vmem>>, vector<16xf32>,
      %swap3A_666 = vector.shape_cast %swap3A_665 : vector<16xf32> to vector<16xf32>
      %swap3A_667 = vector.shape_cast %mul3A_660 : vector<16xf32> to vector<16xf32>
      tpu.vector_store %swap3A_663[%swap3A_664], %swap3A_667 {strides = array<i32>} : memref<1024xf32, #tpu.memory_space<vmem>>, vector<16xf32>,
      %get3A_668 = arith.constant 0 : i32
      %get3A_669 = tpu.memref_slice %arg8[%scan3A_74, %get3A_668] : memref<32x1024xf32, #tpu.memory_space<vmem>> -> memref<1x1024xf32, #tpu.memory_space<vmem>>
      %get3A_670 = tpu.memref_squeeze %get3A_669 : memref<1x1024xf32, #tpu.memory_space<vmem>> -> memref<1024xf32, #tpu.memory_space<vmem>>
      %get3A_671 = arith.constant 672 : index
      %get3A_672 = tpu.vector_load %get3A_670[%get3A_671] {strides = array<i32>} : memref<1024xf32, #tpu.memory_space<vmem>>, vector<16xf32>,
      %get3A_673 = vector.shape_cast %get3A_672 : vector<16xf32> to vector<16xf32>
      %mul3A_674 = arith.mulf %get3A_673, %get3A_80 : vector<16xf32>
      %swap3A_675 = arith.constant 0 : i32
      %swap3A_676 = tpu.memref_slice %arg8[%scan3A_74, %swap3A_675] : memref<32x1024xf32, #tpu.memory_space<vmem>> -> memref<1x1024xf32, #tpu.memory_space<vmem>>
      %swap3A_677 = tpu.memref_squeeze %swap3A_676 : memref<1x1024xf32, #tpu.memory_space<vmem>> -> memref<1024xf32, #tpu.memory_space<vmem>>
      %swap3A_678 = arith.constant 672 : index
      %swap3A_679 = tpu.vector_load %swap3A_677[%swap3A_678] {strides = array<i32>} : memref<1024xf32, #tpu.memory_space<vmem>>, vector<16xf32>,
      %swap3A_680 = vector.shape_cast %swap3A_679 : vector<16xf32> to vector<16xf32>
      %swap3A_681 = vector.shape_cast %mul3A_674 : vector<16xf32> to vector<16xf32>
      tpu.vector_store %swap3A_677[%swap3A_678], %swap3A_681 {strides = array<i32>} : memref<1024xf32, #tpu.memory_space<vmem>>, vector<16xf32>,
      %get3A_682 = arith.constant 0 : i32
      %get3A_683 = tpu.memref_slice %arg8[%scan3A_74, %get3A_682] : memref<32x1024xf32, #tpu.memory_space<vmem>> -> memref<1x1024xf32, #tpu.memory_space<vmem>>
      %get3A_684 = tpu.memref_squeeze %get3A_683 : memref<1x1024xf32, #tpu.memory_space<vmem>> -> memref<1024xf32, #tpu.memory_space<vmem>>
      %get3A_685 = arith.constant 688 : index
      %get3A_686 = tpu.vector_load %get3A_684[%get3A_685] {strides = array<i32>} : memref<1024xf32, #tpu.memory_space<vmem>>, vector<16xf32>,
      %get3A_687 = vector.shape_cast %get3A_686 : vector<16xf32> to vector<16xf32>
      %mul3A_688 = arith.mulf %get3A_687, %get3A_80 : vector<16xf32>
      %swap3A_689 = arith.constant 0 : i32
      %swap3A_690 = tpu.memref_slice %arg8[%scan3A_74, %swap3A_689] : memref<32x1024xf32, #tpu.memory_space<vmem>> -> memref<1x1024xf32, #tpu.memory_space<vmem>>
      %swap3A_691 = tpu.memref_squeeze %swap3A_690 : memref<1x1024xf32, #tpu.memory_space<vmem>> -> memref<1024xf32, #tpu.memory_space<vmem>>
      %swap3A_692 = arith.constant 688 : index
      %swap3A_693 = tpu.vector_load %swap3A_691[%swap3A_692] {strides = array<i32>} : memref<1024xf32, #tpu.memory_space<vmem>>, vector<16xf32>,
      %swap3A_694 = vector.shape_cast %swap3A_693 : vector<16xf32> to vector<16xf32>
      %swap3A_695 = vector.shape_cast %mul3A_688 : vector<16xf32> to vector<16xf32>
      tpu.vector_store %swap3A_691[%swap3A_692], %swap3A_695 {strides = array<i32>} : memref<1024xf32, #tpu.memory_space<vmem>>, vector<16xf32>,
      %get3A_696 = arith.constant 0 : i32
      %get3A_697 = tpu.memref_slice %arg8[%scan3A_74, %get3A_696] : memref<32x1024xf32, #tpu.memory_space<vmem>> -> memref<1x1024xf32, #tpu.memory_space<vmem>>
      %get3A_698 = tpu.memref_squeeze %get3A_697 : memref<1x1024xf32, #tpu.memory_space<vmem>> -> memref<1024xf32, #tpu.memory_space<vmem>>
      %get3A_699 = arith.constant 704 : index
      %get3A_700 = tpu.vector_load %get3A_698[%get3A_699] {strides = array<i32>} : memref<1024xf32, #tpu.memory_space<vmem>>, vector<16xf32>,
      %get3A_701 = vector.shape_cast %get3A_700 : vector<16xf32> to vector<16xf32>
      %mul3A_702 = arith.mulf %get3A_701, %get3A_80 : vector<16xf32>
      %swap3A_703 = arith.constant 0 : i32
      %swap3A_704 = tpu.memref_slice %arg8[%scan3A_74, %swap3A_703] : memref<32x1024xf32, #tpu.memory_space<vmem>> -> memref<1x1024xf32, #tpu.memory_space<vmem>>
      %swap3A_705 = tpu.memref_squeeze %swap3A_704 : memref<1x1024xf32, #tpu.memory_space<vmem>> -> memref<1024xf32, #tpu.memory_space<vmem>>
      %swap3A_706 = arith.constant 704 : index
      %swap3A_707 = tpu.vector_load %swap3A_705[%swap3A_706] {strides = array<i32>} : memref<1024xf32, #tpu.memory_space<vmem>>, vector<16xf32>,
      %swap3A_708 = vector.shape_cast %swap3A_707 : vector<16xf32> to vector<16xf32>
      %swap3A_709 = vector.shape_cast %mul3A_702 : vector<16xf32> to vector<16xf32>
      tpu.vector_store %swap3A_705[%swap3A_706], %swap3A_709 {strides = array<i32>} : memref<1024xf32, #tpu.memory_space<vmem>>, vector<16xf32>,
      %get3A_710 = arith.constant 0 : i32
      %get3A_711 = tpu.memref_slice %arg8[%scan3A_74, %get3A_710] : memref<32x1024xf32, #tpu.memory_space<vmem>> -> memref<1x1024xf32, #tpu.memory_space<vmem>>
      %get3A_712 = tpu.memref_squeeze %get3A_711 : memref<1x1024xf32, #tpu.memory_space<vmem>> -> memref<1024xf32, #tpu.memory_space<vmem>>
      %get3A_713 = arith.constant 720 : index
      %get3A_714 = tpu.vector_load %get3A_712[%get3A_713] {strides = array<i32>} : memref<1024xf32, #tpu.memory_space<vmem>>, vector<16xf32>,
      %get3A_715 = vector.shape_cast %get3A_714 : vector<16xf32> to vector<16xf32>
      %mul3A_716 = arith.mulf %get3A_715, %get3A_80 : vector<16xf32>
      %swap3A_717 = arith.constant 0 : i32
      %swap3A_718 = tpu.memref_slice %arg8[%scan3A_74, %swap3A_717] : memref<32x1024xf32, #tpu.memory_space<vmem>> -> memref<1x1024xf32, #tpu.memory_space<vmem>>
      %swap3A_719 = tpu.memref_squeeze %swap3A_718 : memref<1x1024xf32, #tpu.memory_space<vmem>> -> memref<1024xf32, #tpu.memory_space<vmem>>
      %swap3A_720 = arith.constant 720 : index
      %swap3A_721 = tpu.vector_load %swap3A_719[%swap3A_720] {strides = array<i32>} : memref<1024xf32, #tpu.memory_space<vmem>>, vector<16xf32>,
      %swap3A_722 = vector.shape_cast %swap3A_721 : vector<16xf32> to vector<16xf32>
      %swap3A_723 = vector.shape_cast %mul3A_716 : vector<16xf32> to vector<16xf32>
      tpu.vector_store %swap3A_719[%swap3A_720], %swap3A_723 {strides = array<i32>} : memref<1024xf32, #tpu.memory_space<vmem>>, vector<16xf32>,
      %get3A_724 = arith.constant 0 : i32
      %get3A_725 = tpu.memref_slice %arg8[%scan3A_74, %get3A_724] : memref<32x1024xf32, #tpu.memory_space<vmem>> -> memref<1x1024xf32, #tpu.memory_space<vmem>>
      %get3A_726 = tpu.memref_squeeze %get3A_725 : memref<1x1024xf32, #tpu.memory_space<vmem>> -> memref<1024xf32, #tpu.memory_space<vmem>>
      %get3A_727 = arith.constant 736 : index
      %get3A_728 = tpu.vector_load %get3A_726[%get3A_727] {strides = array<i32>} : memref<1024xf32, #tpu.memory_space<vmem>>, vector<16xf32>,
      %get3A_729 = vector.shape_cast %get3A_728 : vector<16xf32> to vector<16xf32>
      %mul3A_730 = arith.mulf %get3A_729, %get3A_80 : vector<16xf32>
      %swap3A_731 = arith.constant 0 : i32
      %swap3A_732 = tpu.memref_slice %arg8[%scan3A_74, %swap3A_731] : memref<32x1024xf32, #tpu.memory_space<vmem>> -> memref<1x1024xf32, #tpu.memory_space<vmem>>
      %swap3A_733 = tpu.memref_squeeze %swap3A_732 : memref<1x1024xf32, #tpu.memory_space<vmem>> -> memref<1024xf32, #tpu.memory_space<vmem>>
      %swap3A_734 = arith.constant 736 : index
      %swap3A_735 = tpu.vector_load %swap3A_733[%swap3A_734] {strides = array<i32>} : memref<1024xf32, #tpu.memory_space<vmem>>, vector<16xf32>,
      %swap3A_736 = vector.shape_cast %swap3A_735 : vector<16xf32> to vector<16xf32>
      %swap3A_737 = vector.shape_cast %mul3A_730 : vector<16xf32> to vector<16xf32>
      tpu.vector_store %swap3A_733[%swap3A_734], %swap3A_737 {strides = array<i32>} : memref<1024xf32, #tpu.memory_space<vmem>>, vector<16xf32>,
      %get3A_738 = arith.constant 0 : i32
      %get3A_739 = tpu.memref_slice %arg8[%scan3A_74, %get3A_738] : memref<32x1024xf32, #tpu.memory_space<vmem>> -> memref<1x1024xf32, #tpu.memory_space<vmem>>
      %get3A_740 = tpu.memref_squeeze %get3A_739 : memref<1x1024xf32, #tpu.memory_space<vmem>> -> memref<1024xf32, #tpu.memory_space<vmem>>
      %get3A_741 = arith.constant 752 : index
      %get3A_742 = tpu.vector_load %get3A_740[%get3A_741] {strides = array<i32>} : memref<1024xf32, #tpu.memory_space<vmem>>, vector<16xf32>,
      %get3A_743 = vector.shape_cast %get3A_742 : vector<16xf32> to vector<16xf32>
      %mul3A_744 = arith.mulf %get3A_743, %get3A_80 : vector<16xf32>
      %swap3A_745 = arith.constant 0 : i32
      %swap3A_746 = tpu.memref_slice %arg8[%scan3A_74, %swap3A_745] : memref<32x1024xf32, #tpu.memory_space<vmem>> -> memref<1x1024xf32, #tpu.memory_space<vmem>>
      %swap3A_747 = tpu.memref_squeeze %swap3A_746 : memref<1x1024xf32, #tpu.memory_space<vmem>> -> memref<1024xf32, #tpu.memory_space<vmem>>
      %swap3A_748 = arith.constant 752 : index
      %swap3A_749 = tpu.vector_load %swap3A_747[%swap3A_748] {strides = array<i32>} : memref<1024xf32, #tpu.memory_space<vmem>>, vector<16xf32>,
      %swap3A_750 = vector.shape_cast %swap3A_749 : vector<16xf32> to vector<16xf32>
      %swap3A_751 = vector.shape_cast %mul3A_744 : vector<16xf32> to vector<16xf32>
      tpu.vector_store %swap3A_747[%swap3A_748], %swap3A_751 {strides = array<i32>} : memref<1024xf32, #tpu.memory_space<vmem>>, vector<16xf32>,
      %get3A_752 = arith.constant 0 : i32
      %get3A_753 = tpu.memref_slice %arg8[%scan3A_74, %get3A_752] : memref<32x1024xf32, #tpu.memory_space<vmem>> -> memref<1x1024xf32, #tpu.memory_space<vmem>>
      %get3A_754 = tpu.memref_squeeze %get3A_753 : memref<1x1024xf32, #tpu.memory_space<vmem>> -> memref<1024xf32, #tpu.memory_space<vmem>>
      %get3A_755 = arith.constant 768 : index
      %get3A_756 = tpu.vector_load %get3A_754[%get3A_755] {strides = array<i32>} : memref<1024xf32, #tpu.memory_space<vmem>>, vector<16xf32>,
      %get3A_757 = vector.shape_cast %get3A_756 : vector<16xf32> to vector<16xf32>
      %mul3A_758 = arith.mulf %get3A_757, %get3A_80 : vector<16xf32>
      %swap3A_759 = arith.constant 0 : i32
      %swap3A_760 = tpu.memref_slice %arg8[%scan3A_74, %swap3A_759] : memref<32x1024xf32, #tpu.memory_space<vmem>> -> memref<1x1024xf32, #tpu.memory_space<vmem>>
      %swap3A_761 = tpu.memref_squeeze %swap3A_760 : memref<1x1024xf32, #tpu.memory_space<vmem>> -> memref<1024xf32, #tpu.memory_space<vmem>>
      %swap3A_762 = arith.constant 768 : index
      %swap3A_763 = tpu.vector_load %swap3A_761[%swap3A_762] {strides = array<i32>} : memref<1024xf32, #tpu.memory_space<vmem>>, vector<16xf32>,
      %swap3A_764 = vector.shape_cast %swap3A_763 : vector<16xf32> to vector<16xf32>
      %swap3A_765 = vector.shape_cast %mul3A_758 : vector<16xf32> to vector<16xf32>
      tpu.vector_store %swap3A_761[%swap3A_762], %swap3A_765 {strides = array<i32>} : memref<1024xf32, #tpu.memory_space<vmem>>, vector<16xf32>,
      %get3A_766 = arith.constant 0 : i32
      %get3A_767 = tpu.memref_slice %arg8[%scan3A_74, %get3A_766] : memref<32x1024xf32, #tpu.memory_space<vmem>> -> memref<1x1024xf32, #tpu.memory_space<vmem>>
      %get3A_768 = tpu.memref_squeeze %get3A_767 : memref<1x1024xf32, #tpu.memory_space<vmem>> -> memref<1024xf32, #tpu.memory_space<vmem>>
      %get3A_769 = arith.constant 784 : index
      %get3A_770 = tpu.vector_load %get3A_768[%get3A_769] {strides = array<i32>} : memref<1024xf32, #tpu.memory_space<vmem>>, vector<16xf32>,
      %get3A_771 = vector.shape_cast %get3A_770 : vector<16xf32> to vector<16xf32>
      %mul3A_772 = arith.mulf %get3A_771, %get3A_80 : vector<16xf32>
      %swap3A_773 = arith.constant 0 : i32
      %swap3A_774 = tpu.memref_slice %arg8[%scan3A_74, %swap3A_773] : memref<32x1024xf32, #tpu.memory_space<vmem>> -> memref<1x1024xf32, #tpu.memory_space<vmem>>
      %swap3A_775 = tpu.memref_squeeze %swap3A_774 : memref<1x1024xf32, #tpu.memory_space<vmem>> -> memref<1024xf32, #tpu.memory_space<vmem>>
      %swap3A_776 = arith.constant 784 : index
      %swap3A_777 = tpu.vector_load %swap3A_775[%swap3A_776] {strides = array<i32>} : memref<1024xf32, #tpu.memory_space<vmem>>, vector<16xf32>,
      %swap3A_778 = vector.shape_cast %swap3A_777 : vector<16xf32> to vector<16xf32>
      %swap3A_779 = vector.shape_cast %mul3A_772 : vector<16xf32> to vector<16xf32>
      tpu.vector_store %swap3A_775[%swap3A_776], %swap3A_779 {strides = array<i32>} : memref<1024xf32, #tpu.memory_space<vmem>>, vector<16xf32>,
      %get3A_780 = arith.constant 0 : i32
      %get3A_781 = tpu.memref_slice %arg8[%scan3A_74, %get3A_780] : memref<32x1024xf32, #tpu.memory_space<vmem>> -> memref<1x1024xf32, #tpu.memory_space<vmem>>
      %get3A_782 = tpu.memref_squeeze %get3A_781 : memref<1x1024xf32, #tpu.memory_space<vmem>> -> memref<1024xf32, #tpu.memory_space<vmem>>
      %get3A_783 = arith.constant 800 : index
      %get3A_784 = tpu.vector_load %get3A_782[%get3A_783] {strides = array<i32>} : memref<1024xf32, #tpu.memory_space<vmem>>, vector<16xf32>,
      %get3A_785 = vector.shape_cast %get3A_784 : vector<16xf32> to vector<16xf32>
      %mul3A_786 = arith.mulf %get3A_785, %get3A_80 : vector<16xf32>
      %swap3A_787 = arith.constant 0 : i32
      %swap3A_788 = tpu.memref_slice %arg8[%scan3A_74, %swap3A_787] : memref<32x1024xf32, #tpu.memory_space<vmem>> -> memref<1x1024xf32, #tpu.memory_space<vmem>>
      %swap3A_789 = tpu.memref_squeeze %swap3A_788 : memref<1x1024xf32, #tpu.memory_space<vmem>> -> memref<1024xf32, #tpu.memory_space<vmem>>
      %swap3A_790 = arith.constant 800 : index
      %swap3A_791 = tpu.vector_load %swap3A_789[%swap3A_790] {strides = array<i32>} : memref<1024xf32, #tpu.memory_space<vmem>>, vector<16xf32>,
      %swap3A_792 = vector.shape_cast %swap3A_791 : vector<16xf32> to vector<16xf32>
      %swap3A_793 = vector.shape_cast %mul3A_786 : vector<16xf32> to vector<16xf32>
      tpu.vector_store %swap3A_789[%swap3A_790], %swap3A_793 {strides = array<i32>} : memref<1024xf32, #tpu.memory_space<vmem>>, vector<16xf32>,
      %get3A_794 = arith.constant 0 : i32
      %get3A_795 = tpu.memref_slice %arg8[%scan3A_74, %get3A_794] : memref<32x1024xf32, #tpu.memory_space<vmem>> -> memref<1x1024xf32, #tpu.memory_space<vmem>>
      %get3A_796 = tpu.memref_squeeze %get3A_795 : memref<1x1024xf32, #tpu.memory_space<vmem>> -> memref<1024xf32, #tpu.memory_space<vmem>>
      %get3A_797 = arith.constant 816 : index
      %get3A_798 = tpu.vector_load %get3A_796[%get3A_797] {strides = array<i32>} : memref<1024xf32, #tpu.memory_space<vmem>>, vector<16xf32>,
      %get3A_799 = vector.shape_cast %get3A_798 : vector<16xf32> to vector<16xf32>
      %mul3A_800 = arith.mulf %get3A_799, %get3A_80 : vector<16xf32>
      %swap3A_801 = arith.constant 0 : i32
      %swap3A_802 = tpu.memref_slice %arg8[%scan3A_74, %swap3A_801] : memref<32x1024xf32, #tpu.memory_space<vmem>> -> memref<1x1024xf32, #tpu.memory_space<vmem>>
      %swap3A_803 = tpu.memref_squeeze %swap3A_802 : memref<1x1024xf32, #tpu.memory_space<vmem>> -> memref<1024xf32, #tpu.memory_space<vmem>>
      %swap3A_804 = arith.constant 816 : index
      %swap3A_805 = tpu.vector_load %swap3A_803[%swap3A_804] {strides = array<i32>} : memref<1024xf32, #tpu.memory_space<vmem>>, vector<16xf32>,
      %swap3A_806 = vector.shape_cast %swap3A_805 : vector<16xf32> to vector<16xf32>
      %swap3A_807 = vector.shape_cast %mul3A_800 : vector<16xf32> to vector<16xf32>
      tpu.vector_store %swap3A_803[%swap3A_804], %swap3A_807 {strides = array<i32>} : memref<1024xf32, #tpu.memory_space<vmem>>, vector<16xf32>,
      %get3A_808 = arith.constant 0 : i32
      %get3A_809 = tpu.memref_slice %arg8[%scan3A_74, %get3A_808] : memref<32x1024xf32, #tpu.memory_space<vmem>> -> memref<1x1024xf32, #tpu.memory_space<vmem>>
      %get3A_810 = tpu.memref_squeeze %get3A_809 : memref<1x1024xf32, #tpu.memory_space<vmem>> -> memref<1024xf32, #tpu.memory_space<vmem>>
      %get3A_811 = arith.constant 832 : index
      %get3A_812 = tpu.vector_load %get3A_810[%get3A_811] {strides = array<i32>} : memref<1024xf32, #tpu.memory_space<vmem>>, vector<16xf32>,
      %get3A_813 = vector.shape_cast %get3A_812 : vector<16xf32> to vector<16xf32>
      %mul3A_814 = arith.mulf %get3A_813, %get3A_80 : vector<16xf32>
      %swap3A_815 = arith.constant 0 : i32
      %swap3A_816 = tpu.memref_slice %arg8[%scan3A_74, %swap3A_815] : memref<32x1024xf32, #tpu.memory_space<vmem>> -> memref<1x1024xf32, #tpu.memory_space<vmem>>
      %swap3A_817 = tpu.memref_squeeze %swap3A_816 : memref<1x1024xf32, #tpu.memory_space<vmem>> -> memref<1024xf32, #tpu.memory_space<vmem>>
      %swap3A_818 = arith.constant 832 : index
      %swap3A_819 = tpu.vector_load %swap3A_817[%swap3A_818] {strides = array<i32>} : memref<1024xf32, #tpu.memory_space<vmem>>, vector<16xf32>,
      %swap3A_820 = vector.shape_cast %swap3A_819 : vector<16xf32> to vector<16xf32>
      %swap3A_821 = vector.shape_cast %mul3A_814 : vector<16xf32> to vector<16xf32>
      tpu.vector_store %swap3A_817[%swap3A_818], %swap3A_821 {strides = array<i32>} : memref<1024xf32, #tpu.memory_space<vmem>>, vector<16xf32>,
      %get3A_822 = arith.constant 0 : i32
      %get3A_823 = tpu.memref_slice %arg8[%scan3A_74, %get3A_822] : memref<32x1024xf32, #tpu.memory_space<vmem>> -> memref<1x1024xf32, #tpu.memory_space<vmem>>
      %get3A_824 = tpu.memref_squeeze %get3A_823 : memref<1x1024xf32, #tpu.memory_space<vmem>> -> memref<1024xf32, #tpu.memory_space<vmem>>
      %get3A_825 = arith.constant 848 : index
      %get3A_826 = tpu.vector_load %get3A_824[%get3A_825] {strides = array<i32>} : memref<1024xf32, #tpu.memory_space<vmem>>, vector<16xf32>,
      %get3A_827 = vector.shape_cast %get3A_826 : vector<16xf32> to vector<16xf32>
      %mul3A_828 = arith.mulf %get3A_827, %get3A_80 : vector<16xf32>
      %swap3A_829 = arith.constant 0 : i32
      %swap3A_830 = tpu.memref_slice %arg8[%scan3A_74, %swap3A_829] : memref<32x1024xf32, #tpu.memory_space<vmem>> -> memref<1x1024xf32, #tpu.memory_space<vmem>>
      %swap3A_831 = tpu.memref_squeeze %swap3A_830 : memref<1x1024xf32, #tpu.memory_space<vmem>> -> memref<1024xf32, #tpu.memory_space<vmem>>
      %swap3A_832 = arith.constant 848 : index
      %swap3A_833 = tpu.vector_load %swap3A_831[%swap3A_832] {strides = array<i32>} : memref<1024xf32, #tpu.memory_space<vmem>>, vector<16xf32>,
      %swap3A_834 = vector.shape_cast %swap3A_833 : vector<16xf32> to vector<16xf32>
      %swap3A_835 = vector.shape_cast %mul3A_828 : vector<16xf32> to vector<16xf32>
      tpu.vector_store %swap3A_831[%swap3A_832], %swap3A_835 {strides = array<i32>} : memref<1024xf32, #tpu.memory_space<vmem>>, vector<16xf32>,
      %get3A_836 = arith.constant 0 : i32
      %get3A_837 = tpu.memref_slice %arg8[%scan3A_74, %get3A_836] : memref<32x1024xf32, #tpu.memory_space<vmem>> -> memref<1x1024xf32, #tpu.memory_space<vmem>>
      %get3A_838 = tpu.memref_squeeze %get3A_837 : memref<1x1024xf32, #tpu.memory_space<vmem>> -> memref<1024xf32, #tpu.memory_space<vmem>>
      %get3A_839 = arith.constant 864 : index
      %get3A_840 = tpu.vector_load %get3A_838[%get3A_839] {strides = array<i32>} : memref<1024xf32, #tpu.memory_space<vmem>>, vector<16xf32>,
      %get3A_841 = vector.shape_cast %get3A_840 : vector<16xf32> to vector<16xf32>
      %mul3A_842 = arith.mulf %get3A_841, %get3A_80 : vector<16xf32>
      %swap3A_843 = arith.constant 0 : i32
      %swap3A_844 = tpu.memref_slice %arg8[%scan3A_74, %swap3A_843] : memref<32x1024xf32, #tpu.memory_space<vmem>> -> memref<1x1024xf32, #tpu.memory_space<vmem>>
      %swap3A_845 = tpu.memref_squeeze %swap3A_844 : memref<1x1024xf32, #tpu.memory_space<vmem>> -> memref<1024xf32, #tpu.memory_space<vmem>>
      %swap3A_846 = arith.constant 864 : index
      %swap3A_847 = tpu.vector_load %swap3A_845[%swap3A_846] {strides = array<i32>} : memref<1024xf32, #tpu.memory_space<vmem>>, vector<16xf32>,
      %swap3A_848 = vector.shape_cast %swap3A_847 : vector<16xf32> to vector<16xf32>
      %swap3A_849 = vector.shape_cast %mul3A_842 : vector<16xf32> to vector<16xf32>
      tpu.vector_store %swap3A_845[%swap3A_846], %swap3A_849 {strides = array<i32>} : memref<1024xf32, #tpu.memory_space<vmem>>, vector<16xf32>,
      %get3A_850 = arith.constant 0 : i32
      %get3A_851 = tpu.memref_slice %arg8[%scan3A_74, %get3A_850] : memref<32x1024xf32, #tpu.memory_space<vmem>> -> memref<1x1024xf32, #tpu.memory_space<vmem>>
      %get3A_852 = tpu.memref_squeeze %get3A_851 : memref<1x1024xf32, #tpu.memory_space<vmem>> -> memref<1024xf32, #tpu.memory_space<vmem>>
      %get3A_853 = arith.constant 880 : index
      %get3A_854 = tpu.vector_load %get3A_852[%get3A_853] {strides = array<i32>} : memref<1024xf32, #tpu.memory_space<vmem>>, vector<16xf32>,
      %get3A_855 = vector.shape_cast %get3A_854 : vector<16xf32> to vector<16xf32>
      %mul3A_856 = arith.mulf %get3A_855, %get3A_80 : vector<16xf32>
      %swap3A_857 = arith.constant 0 : i32
      %swap3A_858 = tpu.memref_slice %arg8[%scan3A_74, %swap3A_857] : memref<32x1024xf32, #tpu.memory_space<vmem>> -> memref<1x1024xf32, #tpu.memory_space<vmem>>
      %swap3A_859 = tpu.memref_squeeze %swap3A_858 : memref<1x1024xf32, #tpu.memory_space<vmem>> -> memref<1024xf32, #tpu.memory_space<vmem>>
      %swap3A_860 = arith.constant 880 : index
      %swap3A_861 = tpu.vector_load %swap3A_859[%swap3A_860] {strides = array<i32>} : memref<1024xf32, #tpu.memory_space<vmem>>, vector<16xf32>,
      %swap3A_862 = vector.shape_cast %swap3A_861 : vector<16xf32> to vector<16xf32>
      %swap3A_863 = vector.shape_cast %mul3A_856 : vector<16xf32> to vector<16xf32>
      tpu.vector_store %swap3A_859[%swap3A_860], %swap3A_863 {strides = array<i32>} : memref<1024xf32, #tpu.memory_space<vmem>>, vector<16xf32>,
      %get3A_864 = arith.constant 0 : i32
      %get3A_865 = tpu.memref_slice %arg8[%scan3A_74, %get3A_864] : memref<32x1024xf32, #tpu.memory_space<vmem>> -> memref<1x1024xf32, #tpu.memory_space<vmem>>
      %get3A_866 = tpu.memref_squeeze %get3A_865 : memref<1x1024xf32, #tpu.memory_space<vmem>> -> memref<1024xf32, #tpu.memory_space<vmem>>
      %get3A_867 = arith.constant 896 : index
      %get3A_868 = tpu.vector_load %get3A_866[%get3A_867] {strides = array<i32>} : memref<1024xf32, #tpu.memory_space<vmem>>, vector<16xf32>,
      %get3A_869 = vector.shape_cast %get3A_868 : vector<16xf32> to vector<16xf32>
      %mul3A_870 = arith.mulf %get3A_869, %get3A_80 : vector<16xf32>
      %swap3A_871 = arith.constant 0 : i32
      %swap3A_872 = tpu.memref_slice %arg8[%scan3A_74, %swap3A_871] : memref<32x1024xf32, #tpu.memory_space<vmem>> -> memref<1x1024xf32, #tpu.memory_space<vmem>>
      %swap3A_873 = tpu.memref_squeeze %swap3A_872 : memref<1x1024xf32, #tpu.memory_space<vmem>> -> memref<1024xf32, #tpu.memory_space<vmem>>
      %swap3A_874 = arith.constant 896 : index
      %swap3A_875 = tpu.vector_load %swap3A_873[%swap3A_874] {strides = array<i32>} : memref<1024xf32, #tpu.memory_space<vmem>>, vector<16xf32>,
      %swap3A_876 = vector.shape_cast %swap3A_875 : vector<16xf32> to vector<16xf32>
      %swap3A_877 = vector.shape_cast %mul3A_870 : vector<16xf32> to vector<16xf32>
      tpu.vector_store %swap3A_873[%swap3A_874], %swap3A_877 {strides = array<i32>} : memref<1024xf32, #tpu.memory_space<vmem>>, vector<16xf32>,
      %get3A_878 = arith.constant 0 : i32
      %get3A_879 = tpu.memref_slice %arg8[%scan3A_74, %get3A_878] : memref<32x1024xf32, #tpu.memory_space<vmem>> -> memref<1x1024xf32, #tpu.memory_space<vmem>>
      %get3A_880 = tpu.memref_squeeze %get3A_879 : memref<1x1024xf32, #tpu.memory_space<vmem>> -> memref<1024xf32, #tpu.memory_space<vmem>>
      %get3A_881 = arith.constant 912 : index
      %get3A_882 = tpu.vector_load %get3A_880[%get3A_881] {strides = array<i32>} : memref<1024xf32, #tpu.memory_space<vmem>>, vector<16xf32>,
      %get3A_883 = vector.shape_cast %get3A_882 : vector<16xf32> to vector<16xf32>
      %mul3A_884 = arith.mulf %get3A_883, %get3A_80 : vector<16xf32>
      %swap3A_885 = arith.constant 0 : i32
      %swap3A_886 = tpu.memref_slice %arg8[%scan3A_74, %swap3A_885] : memref<32x1024xf32, #tpu.memory_space<vmem>> -> memref<1x1024xf32, #tpu.memory_space<vmem>>
      %swap3A_887 = tpu.memref_squeeze %swap3A_886 : memref<1x1024xf32, #tpu.memory_space<vmem>> -> memref<1024xf32, #tpu.memory_space<vmem>>
      %swap3A_888 = arith.constant 912 : index
      %swap3A_889 = tpu.vector_load %swap3A_887[%swap3A_888] {strides = array<i32>} : memref<1024xf32, #tpu.memory_space<vmem>>, vector<16xf32>,
      %swap3A_890 = vector.shape_cast %swap3A_889 : vector<16xf32> to vector<16xf32>
      %swap3A_891 = vector.shape_cast %mul3A_884 : vector<16xf32> to vector<16xf32>
      tpu.vector_store %swap3A_887[%swap3A_888], %swap3A_891 {strides = array<i32>} : memref<1024xf32, #tpu.memory_space<vmem>>, vector<16xf32>,
      %get3A_892 = arith.constant 0 : i32
      %get3A_893 = tpu.memref_slice %arg8[%scan3A_74, %get3A_892] : memref<32x1024xf32, #tpu.memory_space<vmem>> -> memref<1x1024xf32, #tpu.memory_space<vmem>>
      %get3A_894 = tpu.memref_squeeze %get3A_893 : memref<1x1024xf32, #tpu.memory_space<vmem>> -> memref<1024xf32, #tpu.memory_space<vmem>>
      %get3A_895 = arith.constant 928 : index
      %get3A_896 = tpu.vector_load %get3A_894[%get3A_895] {strides = array<i32>} : memref<1024xf32, #tpu.memory_space<vmem>>, vector<16xf32>,
      %get3A_897 = vector.shape_cast %get3A_896 : vector<16xf32> to vector<16xf32>
      %mul3A_898 = arith.mulf %get3A_897, %get3A_80 : vector<16xf32>
      %swap3A_899 = arith.constant 0 : i32
      %swap3A_900 = tpu.memref_slice %arg8[%scan3A_74, %swap3A_899] : memref<32x1024xf32, #tpu.memory_space<vmem>> -> memref<1x1024xf32, #tpu.memory_space<vmem>>
      %swap3A_901 = tpu.memref_squeeze %swap3A_900 : memref<1x1024xf32, #tpu.memory_space<vmem>> -> memref<1024xf32, #tpu.memory_space<vmem>>
      %swap3A_902 = arith.constant 928 : index
      %swap3A_903 = tpu.vector_load %swap3A_901[%swap3A_902] {strides = array<i32>} : memref<1024xf32, #tpu.memory_space<vmem>>, vector<16xf32>,
      %swap3A_904 = vector.shape_cast %swap3A_903 : vector<16xf32> to vector<16xf32>
      %swap3A_905 = vector.shape_cast %mul3A_898 : vector<16xf32> to vector<16xf32>
      tpu.vector_store %swap3A_901[%swap3A_902], %swap3A_905 {strides = array<i32>} : memref<1024xf32, #tpu.memory_space<vmem>>, vector<16xf32>,
      %get3A_906 = arith.constant 0 : i32
      %get3A_907 = tpu.memref_slice %arg8[%scan3A_74, %get3A_906] : memref<32x1024xf32, #tpu.memory_space<vmem>> -> memref<1x1024xf32, #tpu.memory_space<vmem>>
      %get3A_908 = tpu.memref_squeeze %get3A_907 : memref<1x1024xf32, #tpu.memory_space<vmem>> -> memref<1024xf32, #tpu.memory_space<vmem>>
      %get3A_909 = arith.constant 944 : index
      %get3A_910 = tpu.vector_load %get3A_908[%get3A_909] {strides = array<i32>} : memref<1024xf32, #tpu.memory_space<vmem>>, vector<16xf32>,
      %get3A_911 = vector.shape_cast %get3A_910 : vector<16xf32> to vector<16xf32>
      %mul3A_912 = arith.mulf %get3A_911, %get3A_80 : vector<16xf32>
      %swap3A_913 = arith.constant 0 : i32
      %swap3A_914 = tpu.memref_slice %arg8[%scan3A_74, %swap3A_913] : memref<32x1024xf32, #tpu.memory_space<vmem>> -> memref<1x1024xf32, #tpu.memory_space<vmem>>
      %swap3A_915 = tpu.memref_squeeze %swap3A_914 : memref<1x1024xf32, #tpu.memory_space<vmem>> -> memref<1024xf32, #tpu.memory_space<vmem>>
      %swap3A_916 = arith.constant 944 : index
      %swap3A_917 = tpu.vector_load %swap3A_915[%swap3A_916] {strides = array<i32>} : memref<1024xf32, #tpu.memory_space<vmem>>, vector<16xf32>,
      %swap3A_918 = vector.shape_cast %swap3A_917 : vector<16xf32> to vector<16xf32>
      %swap3A_919 = vector.shape_cast %mul3A_912 : vector<16xf32> to vector<16xf32>
      tpu.vector_store %swap3A_915[%swap3A_916], %swap3A_919 {strides = array<i32>} : memref<1024xf32, #tpu.memory_space<vmem>>, vector<16xf32>,
      %get3A_920 = arith.constant 0 : i32
      %get3A_921 = tpu.memref_slice %arg8[%scan3A_74, %get3A_920] : memref<32x1024xf32, #tpu.memory_space<vmem>> -> memref<1x1024xf32, #tpu.memory_space<vmem>>
      %get3A_922 = tpu.memref_squeeze %get3A_921 : memref<1x1024xf32, #tpu.memory_space<vmem>> -> memref<1024xf32, #tpu.memory_space<vmem>>
      %get3A_923 = arith.constant 960 : index
      %get3A_924 = tpu.vector_load %get3A_922[%get3A_923] {strides = array<i32>} : memref<1024xf32, #tpu.memory_space<vmem>>, vector<16xf32>,
      %get3A_925 = vector.shape_cast %get3A_924 : vector<16xf32> to vector<16xf32>
      %mul3A_926 = arith.mulf %get3A_925, %get3A_80 : vector<16xf32>
      %swap3A_927 = arith.constant 0 : i32
      %swap3A_928 = tpu.memref_slice %arg8[%scan3A_74, %swap3A_927] : memref<32x1024xf32, #tpu.memory_space<vmem>> -> memref<1x1024xf32, #tpu.memory_space<vmem>>
      %swap3A_929 = tpu.memref_squeeze %swap3A_928 : memref<1x1024xf32, #tpu.memory_space<vmem>> -> memref<1024xf32, #tpu.memory_space<vmem>>
      %swap3A_930 = arith.constant 960 : index
      %swap3A_931 = tpu.vector_load %swap3A_929[%swap3A_930] {strides = array<i32>} : memref<1024xf32, #tpu.memory_space<vmem>>, vector<16xf32>,
      %swap3A_932 = vector.shape_cast %swap3A_931 : vector<16xf32> to vector<16xf32>
      %swap3A_933 = vector.shape_cast %mul3A_926 : vector<16xf32> to vector<16xf32>
      tpu.vector_store %swap3A_929[%swap3A_930], %swap3A_933 {strides = array<i32>} : memref<1024xf32, #tpu.memory_space<vmem>>, vector<16xf32>,
      %get3A_934 = arith.constant 0 : i32
      %get3A_935 = tpu.memref_slice %arg8[%scan3A_74, %get3A_934] : memref<32x1024xf32, #tpu.memory_space<vmem>> -> memref<1x1024xf32, #tpu.memory_space<vmem>>
      %get3A_936 = tpu.memref_squeeze %get3A_935 : memref<1x1024xf32, #tpu.memory_space<vmem>> -> memref<1024xf32, #tpu.memory_space<vmem>>
      %get3A_937 = arith.constant 976 : index
      %get3A_938 = tpu.vector_load %get3A_936[%get3A_937] {strides = array<i32>} : memref<1024xf32, #tpu.memory_space<vmem>>, vector<16xf32>,
      %get3A_939 = vector.shape_cast %get3A_938 : vector<16xf32> to vector<16xf32>
      %mul3A_940 = arith.mulf %get3A_939, %get3A_80 : vector<16xf32>
      %swap3A_941 = arith.constant 0 : i32
      %swap3A_942 = tpu.memref_slice %arg8[%scan3A_74, %swap3A_941] : memref<32x1024xf32, #tpu.memory_space<vmem>> -> memref<1x1024xf32, #tpu.memory_space<vmem>>
      %swap3A_943 = tpu.memref_squeeze %swap3A_942 : memref<1x1024xf32, #tpu.memory_space<vmem>> -> memref<1024xf32, #tpu.memory_space<vmem>>
      %swap3A_944 = arith.constant 976 : index
      %swap3A_945 = tpu.vector_load %swap3A_943[%swap3A_944] {strides = array<i32>} : memref<1024xf32, #tpu.memory_space<vmem>>, vector<16xf32>,
      %swap3A_946 = vector.shape_cast %swap3A_945 : vector<16xf32> to vector<16xf32>
      %swap3A_947 = vector.shape_cast %mul3A_940 : vector<16xf32> to vector<16xf32>
      tpu.vector_store %swap3A_943[%swap3A_944], %swap3A_947 {strides = array<i32>} : memref<1024xf32, #tpu.memory_space<vmem>>, vector<16xf32>,
      %get3A_948 = arith.constant 0 : i32
      %get3A_949 = tpu.memref_slice %arg8[%scan3A_74, %get3A_948] : memref<32x1024xf32, #tpu.memory_space<vmem>> -> memref<1x1024xf32, #tpu.memory_space<vmem>>
      %get3A_950 = tpu.memref_squeeze %get3A_949 : memref<1x1024xf32, #tpu.memory_space<vmem>> -> memref<1024xf32, #tpu.memory_space<vmem>>
      %get3A_951 = arith.constant 992 : index
      %get3A_952 = tpu.vector_load %get3A_950[%get3A_951] {strides = array<i32>} : memref<1024xf32, #tpu.memory_space<vmem>>, vector<16xf32>,
      %get3A_953 = vector.shape_cast %get3A_952 : vector<16xf32> to vector<16xf32>
      %mul3A_954 = arith.mulf %get3A_953, %get3A_80 : vector<16xf32>
      %swap3A_955 = arith.constant 0 : i32
      %swap3A_956 = tpu.memref_slice %arg8[%scan3A_74, %swap3A_955] : memref<32x1024xf32, #tpu.memory_space<vmem>> -> memref<1x1024xf32, #tpu.memory_space<vmem>>
      %swap3A_957 = tpu.memref_squeeze %swap3A_956 : memref<1x1024xf32, #tpu.memory_space<vmem>> -> memref<1024xf32, #tpu.memory_space<vmem>>
      %swap3A_958 = arith.constant 992 : index
      %swap3A_959 = tpu.vector_load %swap3A_957[%swap3A_958] {strides = array<i32>} : memref<1024xf32, #tpu.memory_space<vmem>>, vector<16xf32>,
      %swap3A_960 = vector.shape_cast %swap3A_959 : vector<16xf32> to vector<16xf32>
      %swap3A_961 = vector.shape_cast %mul3A_954 : vector<16xf32> to vector<16xf32>
      tpu.vector_store %swap3A_957[%swap3A_958], %swap3A_961 {strides = array<i32>} : memref<1024xf32, #tpu.memory_space<vmem>>, vector<16xf32>,
      %get3A_962 = arith.constant 0 : i32
      %get3A_963 = tpu.memref_slice %arg8[%scan3A_74, %get3A_962] : memref<32x1024xf32, #tpu.memory_space<vmem>> -> memref<1x1024xf32, #tpu.memory_space<vmem>>
      %get3A_964 = tpu.memref_squeeze %get3A_963 : memref<1x1024xf32, #tpu.memory_space<vmem>> -> memref<1024xf32, #tpu.memory_space<vmem>>
      %get3A_965 = arith.constant 1008 : index
      %get3A_966 = tpu.vector_load %get3A_964[%get3A_965] {strides = array<i32>} : memref<1024xf32, #tpu.memory_space<vmem>>, vector<16xf32>,
      %get3A_967 = vector.shape_cast %get3A_966 : vector<16xf32> to vector<16xf32>
      %mul3A_968 = arith.mulf %get3A_967, %get3A_80 : vector<16xf32>
      %swap3A_969 = arith.constant 0 : i32
      %swap3A_970 = tpu.memref_slice %arg8[%scan3A_74, %swap3A_969] : memref<32x1024xf32, #tpu.memory_space<vmem>> -> memref<1x1024xf32, #tpu.memory_space<vmem>>
      %swap3A_971 = tpu.memref_squeeze %swap3A_970 : memref<1x1024xf32, #tpu.memory_space<vmem>> -> memref<1024xf32, #tpu.memory_space<vmem>>
      %swap3A_972 = arith.constant 1008 : index
      %swap3A_973 = tpu.vector_load %swap3A_971[%swap3A_972] {strides = array<i32>} : memref<1024xf32, #tpu.memory_space<vmem>>, vector<16xf32>,
      %swap3A_974 = vector.shape_cast %swap3A_973 : vector<16xf32> to vector<16xf32>
      %swap3A_975 = vector.shape_cast %mul3A_968 : vector<16xf32> to vector<16xf32>
      tpu.vector_store %swap3A_971[%swap3A_972], %swap3A_975 {strides = array<i32>} : memref<1024xf32, #tpu.memory_space<vmem>>, vector<16xf32>,
    }
    %scan3A_22 = arith.constant 32 : i32
    %add3A_23 = arith.constant 0 : i32
    %add3A_24 = arith.addi %mul3A_2, %add3A_23 : i32
    "tpu.region"() ({
      %run_scoped3A = tpu.sem_alloc : memref<!tpu.dma_semaphore, #tpu.memory_space<semaphore_mem>>
      %dma_start3A_74 = arith.constant 0 : i32
      %dma_start3A_75 = tpu.memref_slice %arg5[%add3A_24, %dma_start3A_74] : memref<4096x1024xf32, #tpu.memory_space<hbm>> -> memref<32x1024xf32, #tpu.memory_space<hbm>>
      %dma_start3A_76 = arith.constant 0 : i32
      %dma_start3A_77 = tpu.memref_slice %arg5[%add3A_24, %dma_start3A_76] : memref<4096x1024xf32, #tpu.memory_space<hbm>> -> memref<32x1024xf32, #tpu.memory_space<hbm>>
      tpu.enqueue_dma source(%arg8 : memref<32x1024xf32, #tpu.memory_space<vmem>>) target(%dma_start3A_77 : memref<32x1024xf32, #tpu.memory_space<hbm>>) target_semaphore(%run_scoped3A : memref<!tpu.dma_semaphore, #tpu.memory_space<semaphore_mem>>)
      %dma_wait3A_78 = arith.constant 0 : i32
      %dma_wait3A_79 = tpu.memref_slice %arg5[%add3A_24, %dma_wait3A_78] : memref<4096x1024xf32, #tpu.memory_space<hbm>> -> memref<32x1024xf32, #tpu.memory_space<hbm>>
      %dma_wait3A_80 = arith.constant 0 : i32
      %dma_wait3A_81 = tpu.memref_slice %arg5[%add3A_24, %dma_wait3A_80] : memref<4096x1024xf32, #tpu.memory_space<hbm>> -> memref<32x1024xf32, #tpu.memory_space<hbm>>
      tpu.wait_dma2 semaphore(%run_scoped3A : memref<!tpu.dma_semaphore, #tpu.memory_space<semaphore_mem>>) src(%arg8 : memref<32x1024xf32, #tpu.memory_space<vmem>>) dst(%dma_wait3A_81 : memref<32x1024xf32, #tpu.memory_space<hbm>>)
      tpu.yield
    }) : () -> ()
    %dma_start3A_25 = arith.constant 64 : i32
    %dma_start3A_26 = tpu.memref_slice %arg6[%dma_start3A_25] : memref<128xi32, #tpu.memory_space<vmem>> -> memref<32xi32, #tpu.memory_space<vmem>>
    %dma_start3A_27 = arith.constant 0 : i32
    %dma_start3A_28 = arith.constant 0 : i32
    %dma_start3A_29 = tpu.memref_slice %arg2[%dma_start3A_27, %dma_start3A_28] : memref<4096x1024xf32, #tpu.memory_space<hbm>> -> memref<4096x1024xf32, #tpu.memory_space<hbm>>
    tpu.enqueue_indirect_dma source(%dma_start3A_29 : memref<4096x1024xf32, #tpu.memory_space<hbm>>) target(%arg8 : memref<32x1024xf32, #tpu.memory_space<vmem>>) offsets(%dma_start3A_26 : memref<32xi32, #tpu.memory_space<vmem>>) semaphore(%arg10 : memref<!tpu.dma_semaphore, #tpu.memory_space<semaphore_mem>>)
    %dma_wait3A_30 = arith.constant 32 : i32
    %dma_wait3A_31 = tpu.memref_slice %arg6[%dma_wait3A_30] : memref<128xi32, #tpu.memory_space<vmem>> -> memref<32xi32, #tpu.memory_space<vmem>>
    %dma_wait3A_32 = arith.constant 0 : i32
    %dma_wait3A_33 = arith.constant 0 : i32
    %dma_wait3A_34 = tpu.memref_slice %arg2[%dma_wait3A_32, %dma_wait3A_33] : memref<4096x1024xf32, #tpu.memory_space<hbm>> -> memref<4096x1024xf32, #tpu.memory_space<hbm>>
    tpu.wait_indirect_dma semaphore(%arg11 : memref<!tpu.dma_semaphore, #tpu.memory_space<semaphore_mem>>) src(%dma_wait3A_34 : memref<4096x1024xf32, #tpu.memory_space<hbm>>) dst(%arg9 : memref<32x1024xf32, #tpu.memory_space<vmem>>)
    %scan3A_35 = arith.constant 0 : i32
    %scan3A_36 = arith.constant 0 : i32
    %scan3A_37 = arith.constant 32 : i32
    %scan3A_38 = arith.addi %scan3A_36, %scan3A_37 : i32
    %scan3A_39 = arith.constant 1 : i32
    scf.for %scan3A_74 = %scan3A_36 to %scan3A_38 step %scan3A_39  : i32 {
      %add3A_75 = arith.constant 32 : i32
      %add3A_76 = arith.addi %add3A_75, %scan3A_74 : i32
      %mul3A_77 = arith.constant 16 : i32
      %mul3A_78 = arith.muli %add3A_76, %mul3A_77 : i32
      %get3A = arith.index_cast %mul3A_78 : i32 to index
      %get3A_79 = tpu.vector_load %arg7[%get3A] {strides = array<i32>} : memref<2048xf32, #tpu.memory_space<vmem>>, vector<16xf32>,
      %get3A_80 = vector.shape_cast %get3A_79 : vector<16xf32> to vector<16xf32>
      %get3A_81 = arith.constant 0 : i32
      %get3A_82 = tpu.memref_slice %arg9[%scan3A_74, %get3A_81] : memref<32x1024xf32, #tpu.memory_space<vmem>> -> memref<1x1024xf32, #tpu.memory_space<vmem>>
      %get3A_83 = tpu.memref_squeeze %get3A_82 : memref<1x1024xf32, #tpu.memory_space<vmem>> -> memref<1024xf32, #tpu.memory_space<vmem>>
      %get3A_84 = arith.constant 0 : index
      %get3A_85 = tpu.vector_load %get3A_83[%get3A_84] {strides = array<i32>} : memref<1024xf32, #tpu.memory_space<vmem>>, vector<16xf32>,
      %get3A_86 = vector.shape_cast %get3A_85 : vector<16xf32> to vector<16xf32>
      %mul3A_87 = arith.mulf %get3A_86, %get3A_80 : vector<16xf32>
      %swap3A = arith.constant 0 : i32
      %swap3A_88 = tpu.memref_slice %arg9[%scan3A_74, %swap3A] : memref<32x1024xf32, #tpu.memory_space<vmem>> -> memref<1x1024xf32, #tpu.memory_space<vmem>>
      %swap3A_89 = tpu.memref_squeeze %swap3A_88 : memref<1x1024xf32, #tpu.memory_space<vmem>> -> memref<1024xf32, #tpu.memory_space<vmem>>
      %swap3A_90 = arith.constant 0 : index
      %swap3A_91 = tpu.vector_load %swap3A_89[%swap3A_90] {strides = array<i32>} : memref<1024xf32, #tpu.memory_space<vmem>>, vector<16xf32>,
      %swap3A_92 = vector.shape_cast %swap3A_91 : vector<16xf32> to vector<16xf32>
      %swap3A_93 = vector.shape_cast %mul3A_87 : vector<16xf32> to vector<16xf32>
      tpu.vector_store %swap3A_89[%swap3A_90], %swap3A_93 {strides = array<i32>} : memref<1024xf32, #tpu.memory_space<vmem>>, vector<16xf32>,
      %get3A_94 = arith.constant 0 : i32
      %get3A_95 = tpu.memref_slice %arg9[%scan3A_74, %get3A_94] : memref<32x1024xf32, #tpu.memory_space<vmem>> -> memref<1x1024xf32, #tpu.memory_space<vmem>>
      %get3A_96 = tpu.memref_squeeze %get3A_95 : memref<1x1024xf32, #tpu.memory_space<vmem>> -> memref<1024xf32, #tpu.memory_space<vmem>>
      %get3A_97 = arith.constant 16 : index
      %get3A_98 = tpu.vector_load %get3A_96[%get3A_97] {strides = array<i32>} : memref<1024xf32, #tpu.memory_space<vmem>>, vector<16xf32>,
      %get3A_99 = vector.shape_cast %get3A_98 : vector<16xf32> to vector<16xf32>
      %mul3A_100 = arith.mulf %get3A_99, %get3A_80 : vector<16xf32>
      %swap3A_101 = arith.constant 0 : i32
      %swap3A_102 = tpu.memref_slice %arg9[%scan3A_74, %swap3A_101] : memref<32x1024xf32, #tpu.memory_space<vmem>> -> memref<1x1024xf32, #tpu.memory_space<vmem>>
      %swap3A_103 = tpu.memref_squeeze %swap3A_102 : memref<1x1024xf32, #tpu.memory_space<vmem>> -> memref<1024xf32, #tpu.memory_space<vmem>>
      %swap3A_104 = arith.constant 16 : index
      %swap3A_105 = tpu.vector_load %swap3A_103[%swap3A_104] {strides = array<i32>} : memref<1024xf32, #tpu.memory_space<vmem>>, vector<16xf32>,
      %swap3A_106 = vector.shape_cast %swap3A_105 : vector<16xf32> to vector<16xf32>
      %swap3A_107 = vector.shape_cast %mul3A_100 : vector<16xf32> to vector<16xf32>
      tpu.vector_store %swap3A_103[%swap3A_104], %swap3A_107 {strides = array<i32>} : memref<1024xf32, #tpu.memory_space<vmem>>, vector<16xf32>,
      %get3A_108 = arith.constant 0 : i32
      %get3A_109 = tpu.memref_slice %arg9[%scan3A_74, %get3A_108] : memref<32x1024xf32, #tpu.memory_space<vmem>> -> memref<1x1024xf32, #tpu.memory_space<vmem>>
      %get3A_110 = tpu.memref_squeeze %get3A_109 : memref<1x1024xf32, #tpu.memory_space<vmem>> -> memref<1024xf32, #tpu.memory_space<vmem>>
      %get3A_111 = arith.constant 32 : index
      %get3A_112 = tpu.vector_load %get3A_110[%get3A_111] {strides = array<i32>} : memref<1024xf32, #tpu.memory_space<vmem>>, vector<16xf32>,
      %get3A_113 = vector.shape_cast %get3A_112 : vector<16xf32> to vector<16xf32>
      %mul3A_114 = arith.mulf %get3A_113, %get3A_80 : vector<16xf32>
      %swap3A_115 = arith.constant 0 : i32
      %swap3A_116 = tpu.memref_slice %arg9[%scan3A_74, %swap3A_115] : memref<32x1024xf32, #tpu.memory_space<vmem>> -> memref<1x1024xf32, #tpu.memory_space<vmem>>
      %swap3A_117 = tpu.memref_squeeze %swap3A_116 : memref<1x1024xf32, #tpu.memory_space<vmem>> -> memref<1024xf32, #tpu.memory_space<vmem>>
      %swap3A_118 = arith.constant 32 : index
      %swap3A_119 = tpu.vector_load %swap3A_117[%swap3A_118] {strides = array<i32>} : memref<1024xf32, #tpu.memory_space<vmem>>, vector<16xf32>,
      %swap3A_120 = vector.shape_cast %swap3A_119 : vector<16xf32> to vector<16xf32>
      %swap3A_121 = vector.shape_cast %mul3A_114 : vector<16xf32> to vector<16xf32>
      tpu.vector_store %swap3A_117[%swap3A_118], %swap3A_121 {strides = array<i32>} : memref<1024xf32, #tpu.memory_space<vmem>>, vector<16xf32>,
      %get3A_122 = arith.constant 0 : i32
      %get3A_123 = tpu.memref_slice %arg9[%scan3A_74, %get3A_122] : memref<32x1024xf32, #tpu.memory_space<vmem>> -> memref<1x1024xf32, #tpu.memory_space<vmem>>
      %get3A_124 = tpu.memref_squeeze %get3A_123 : memref<1x1024xf32, #tpu.memory_space<vmem>> -> memref<1024xf32, #tpu.memory_space<vmem>>
      %get3A_125 = arith.constant 48 : index
      %get3A_126 = tpu.vector_load %get3A_124[%get3A_125] {strides = array<i32>} : memref<1024xf32, #tpu.memory_space<vmem>>, vector<16xf32>,
      %get3A_127 = vector.shape_cast %get3A_126 : vector<16xf32> to vector<16xf32>
      %mul3A_128 = arith.mulf %get3A_127, %get3A_80 : vector<16xf32>
      %swap3A_129 = arith.constant 0 : i32
      %swap3A_130 = tpu.memref_slice %arg9[%scan3A_74, %swap3A_129] : memref<32x1024xf32, #tpu.memory_space<vmem>> -> memref<1x1024xf32, #tpu.memory_space<vmem>>
      %swap3A_131 = tpu.memref_squeeze %swap3A_130 : memref<1x1024xf32, #tpu.memory_space<vmem>> -> memref<1024xf32, #tpu.memory_space<vmem>>
      %swap3A_132 = arith.constant 48 : index
      %swap3A_133 = tpu.vector_load %swap3A_131[%swap3A_132] {strides = array<i32>} : memref<1024xf32, #tpu.memory_space<vmem>>, vector<16xf32>,
      %swap3A_134 = vector.shape_cast %swap3A_133 : vector<16xf32> to vector<16xf32>
      %swap3A_135 = vector.shape_cast %mul3A_128 : vector<16xf32> to vector<16xf32>
      tpu.vector_store %swap3A_131[%swap3A_132], %swap3A_135 {strides = array<i32>} : memref<1024xf32, #tpu.memory_space<vmem>>, vector<16xf32>,
      %get3A_136 = arith.constant 0 : i32
      %get3A_137 = tpu.memref_slice %arg9[%scan3A_74, %get3A_136] : memref<32x1024xf32, #tpu.memory_space<vmem>> -> memref<1x1024xf32, #tpu.memory_space<vmem>>
      %get3A_138 = tpu.memref_squeeze %get3A_137 : memref<1x1024xf32, #tpu.memory_space<vmem>> -> memref<1024xf32, #tpu.memory_space<vmem>>
      %get3A_139 = arith.constant 64 : index
      %get3A_140 = tpu.vector_load %get3A_138[%get3A_139] {strides = array<i32>} : memref<1024xf32, #tpu.memory_space<vmem>>, vector<16xf32>,
      %get3A_141 = vector.shape_cast %get3A_140 : vector<16xf32> to vector<16xf32>
      %mul3A_142 = arith.mulf %get3A_141, %get3A_80 : vector<16xf32>
      %swap3A_143 = arith.constant 0 : i32
      %swap3A_144 = tpu.memref_slice %arg9[%scan3A_74, %swap3A_143] : memref<32x1024xf32, #tpu.memory_space<vmem>> -> memref<1x1024xf32, #tpu.memory_space<vmem>>
      %swap3A_145 = tpu.memref_squeeze %swap3A_144 : memref<1x1024xf32, #tpu.memory_space<vmem>> -> memref<1024xf32, #tpu.memory_space<vmem>>
      %swap3A_146 = arith.constant 64 : index
      %swap3A_147 = tpu.vector_load %swap3A_145[%swap3A_146] {strides = array<i32>} : memref<1024xf32, #tpu.memory_space<vmem>>, vector<16xf32>,
      %swap3A_148 = vector.shape_cast %swap3A_147 : vector<16xf32> to vector<16xf32>
      %swap3A_149 = vector.shape_cast %mul3A_142 : vector<16xf32> to vector<16xf32>
      tpu.vector_store %swap3A_145[%swap3A_146], %swap3A_149 {strides = array<i32>} : memref<1024xf32, #tpu.memory_space<vmem>>, vector<16xf32>,
      %get3A_150 = arith.constant 0 : i32
      %get3A_151 = tpu.memref_slice %arg9[%scan3A_74, %get3A_150] : memref<32x1024xf32, #tpu.memory_space<vmem>> -> memref<1x1024xf32, #tpu.memory_space<vmem>>
      %get3A_152 = tpu.memref_squeeze %get3A_151 : memref<1x1024xf32, #tpu.memory_space<vmem>> -> memref<1024xf32, #tpu.memory_space<vmem>>
      %get3A_153 = arith.constant 80 : index
      %get3A_154 = tpu.vector_load %get3A_152[%get3A_153] {strides = array<i32>} : memref<1024xf32, #tpu.memory_space<vmem>>, vector<16xf32>,
      %get3A_155 = vector.shape_cast %get3A_154 : vector<16xf32> to vector<16xf32>
      %mul3A_156 = arith.mulf %get3A_155, %get3A_80 : vector<16xf32>
      %swap3A_157 = arith.constant 0 : i32
      %swap3A_158 = tpu.memref_slice %arg9[%scan3A_74, %swap3A_157] : memref<32x1024xf32, #tpu.memory_space<vmem>> -> memref<1x1024xf32, #tpu.memory_space<vmem>>
      %swap3A_159 = tpu.memref_squeeze %swap3A_158 : memref<1x1024xf32, #tpu.memory_space<vmem>> -> memref<1024xf32, #tpu.memory_space<vmem>>
      %swap3A_160 = arith.constant 80 : index
      %swap3A_161 = tpu.vector_load %swap3A_159[%swap3A_160] {strides = array<i32>} : memref<1024xf32, #tpu.memory_space<vmem>>, vector<16xf32>,
      %swap3A_162 = vector.shape_cast %swap3A_161 : vector<16xf32> to vector<16xf32>
      %swap3A_163 = vector.shape_cast %mul3A_156 : vector<16xf32> to vector<16xf32>
      tpu.vector_store %swap3A_159[%swap3A_160], %swap3A_163 {strides = array<i32>} : memref<1024xf32, #tpu.memory_space<vmem>>, vector<16xf32>,
      %get3A_164 = arith.constant 0 : i32
      %get3A_165 = tpu.memref_slice %arg9[%scan3A_74, %get3A_164] : memref<32x1024xf32, #tpu.memory_space<vmem>> -> memref<1x1024xf32, #tpu.memory_space<vmem>>
      %get3A_166 = tpu.memref_squeeze %get3A_165 : memref<1x1024xf32, #tpu.memory_space<vmem>> -> memref<1024xf32, #tpu.memory_space<vmem>>
      %get3A_167 = arith.constant 96 : index
      %get3A_168 = tpu.vector_load %get3A_166[%get3A_167] {strides = array<i32>} : memref<1024xf32, #tpu.memory_space<vmem>>, vector<16xf32>,
      %get3A_169 = vector.shape_cast %get3A_168 : vector<16xf32> to vector<16xf32>
      %mul3A_170 = arith.mulf %get3A_169, %get3A_80 : vector<16xf32>
      %swap3A_171 = arith.constant 0 : i32
      %swap3A_172 = tpu.memref_slice %arg9[%scan3A_74, %swap3A_171] : memref<32x1024xf32, #tpu.memory_space<vmem>> -> memref<1x1024xf32, #tpu.memory_space<vmem>>
      %swap3A_173 = tpu.memref_squeeze %swap3A_172 : memref<1x1024xf32, #tpu.memory_space<vmem>> -> memref<1024xf32, #tpu.memory_space<vmem>>
      %swap3A_174 = arith.constant 96 : index
      %swap3A_175 = tpu.vector_load %swap3A_173[%swap3A_174] {strides = array<i32>} : memref<1024xf32, #tpu.memory_space<vmem>>, vector<16xf32>,
      %swap3A_176 = vector.shape_cast %swap3A_175 : vector<16xf32> to vector<16xf32>
      %swap3A_177 = vector.shape_cast %mul3A_170 : vector<16xf32> to vector<16xf32>
      tpu.vector_store %swap3A_173[%swap3A_174], %swap3A_177 {strides = array<i32>} : memref<1024xf32, #tpu.memory_space<vmem>>, vector<16xf32>,
      %get3A_178 = arith.constant 0 : i32
      %get3A_179 = tpu.memref_slice %arg9[%scan3A_74, %get3A_178] : memref<32x1024xf32, #tpu.memory_space<vmem>> -> memref<1x1024xf32, #tpu.memory_space<vmem>>
      %get3A_180 = tpu.memref_squeeze %get3A_179 : memref<1x1024xf32, #tpu.memory_space<vmem>> -> memref<1024xf32, #tpu.memory_space<vmem>>
      %get3A_181 = arith.constant 112 : index
      %get3A_182 = tpu.vector_load %get3A_180[%get3A_181] {strides = array<i32>} : memref<1024xf32, #tpu.memory_space<vmem>>, vector<16xf32>,
      %get3A_183 = vector.shape_cast %get3A_182 : vector<16xf32> to vector<16xf32>
      %mul3A_184 = arith.mulf %get3A_183, %get3A_80 : vector<16xf32>
      %swap3A_185 = arith.constant 0 : i32
      %swap3A_186 = tpu.memref_slice %arg9[%scan3A_74, %swap3A_185] : memref<32x1024xf32, #tpu.memory_space<vmem>> -> memref<1x1024xf32, #tpu.memory_space<vmem>>
      %swap3A_187 = tpu.memref_squeeze %swap3A_186 : memref<1x1024xf32, #tpu.memory_space<vmem>> -> memref<1024xf32, #tpu.memory_space<vmem>>
      %swap3A_188 = arith.constant 112 : index
      %swap3A_189 = tpu.vector_load %swap3A_187[%swap3A_188] {strides = array<i32>} : memref<1024xf32, #tpu.memory_space<vmem>>, vector<16xf32>,
      %swap3A_190 = vector.shape_cast %swap3A_189 : vector<16xf32> to vector<16xf32>
      %swap3A_191 = vector.shape_cast %mul3A_184 : vector<16xf32> to vector<16xf32>
      tpu.vector_store %swap3A_187[%swap3A_188], %swap3A_191 {strides = array<i32>} : memref<1024xf32, #tpu.memory_space<vmem>>, vector<16xf32>,
      %get3A_192 = arith.constant 0 : i32
      %get3A_193 = tpu.memref_slice %arg9[%scan3A_74, %get3A_192] : memref<32x1024xf32, #tpu.memory_space<vmem>> -> memref<1x1024xf32, #tpu.memory_space<vmem>>
      %get3A_194 = tpu.memref_squeeze %get3A_193 : memref<1x1024xf32, #tpu.memory_space<vmem>> -> memref<1024xf32, #tpu.memory_space<vmem>>
      %get3A_195 = arith.constant 128 : index
      %get3A_196 = tpu.vector_load %get3A_194[%get3A_195] {strides = array<i32>} : memref<1024xf32, #tpu.memory_space<vmem>>, vector<16xf32>,
      %get3A_197 = vector.shape_cast %get3A_196 : vector<16xf32> to vector<16xf32>
      %mul3A_198 = arith.mulf %get3A_197, %get3A_80 : vector<16xf32>
      %swap3A_199 = arith.constant 0 : i32
      %swap3A_200 = tpu.memref_slice %arg9[%scan3A_74, %swap3A_199] : memref<32x1024xf32, #tpu.memory_space<vmem>> -> memref<1x1024xf32, #tpu.memory_space<vmem>>
      %swap3A_201 = tpu.memref_squeeze %swap3A_200 : memref<1x1024xf32, #tpu.memory_space<vmem>> -> memref<1024xf32, #tpu.memory_space<vmem>>
      %swap3A_202 = arith.constant 128 : index
      %swap3A_203 = tpu.vector_load %swap3A_201[%swap3A_202] {strides = array<i32>} : memref<1024xf32, #tpu.memory_space<vmem>>, vector<16xf32>,
      %swap3A_204 = vector.shape_cast %swap3A_203 : vector<16xf32> to vector<16xf32>
      %swap3A_205 = vector.shape_cast %mul3A_198 : vector<16xf32> to vector<16xf32>
      tpu.vector_store %swap3A_201[%swap3A_202], %swap3A_205 {strides = array<i32>} : memref<1024xf32, #tpu.memory_space<vmem>>, vector<16xf32>,
      %get3A_206 = arith.constant 0 : i32
      %get3A_207 = tpu.memref_slice %arg9[%scan3A_74, %get3A_206] : memref<32x1024xf32, #tpu.memory_space<vmem>> -> memref<1x1024xf32, #tpu.memory_space<vmem>>
      %get3A_208 = tpu.memref_squeeze %get3A_207 : memref<1x1024xf32, #tpu.memory_space<vmem>> -> memref<1024xf32, #tpu.memory_space<vmem>>
      %get3A_209 = arith.constant 144 : index
      %get3A_210 = tpu.vector_load %get3A_208[%get3A_209] {strides = array<i32>} : memref<1024xf32, #tpu.memory_space<vmem>>, vector<16xf32>,
      %get3A_211 = vector.shape_cast %get3A_210 : vector<16xf32> to vector<16xf32>
      %mul3A_212 = arith.mulf %get3A_211, %get3A_80 : vector<16xf32>
      %swap3A_213 = arith.constant 0 : i32
      %swap3A_214 = tpu.memref_slice %arg9[%scan3A_74, %swap3A_213] : memref<32x1024xf32, #tpu.memory_space<vmem>> -> memref<1x1024xf32, #tpu.memory_space<vmem>>
      %swap3A_215 = tpu.memref_squeeze %swap3A_214 : memref<1x1024xf32, #tpu.memory_space<vmem>> -> memref<1024xf32, #tpu.memory_space<vmem>>
      %swap3A_216 = arith.constant 144 : index
      %swap3A_217 = tpu.vector_load %swap3A_215[%swap3A_216] {strides = array<i32>} : memref<1024xf32, #tpu.memory_space<vmem>>, vector<16xf32>,
      %swap3A_218 = vector.shape_cast %swap3A_217 : vector<16xf32> to vector<16xf32>
      %swap3A_219 = vector.shape_cast %mul3A_212 : vector<16xf32> to vector<16xf32>
      tpu.vector_store %swap3A_215[%swap3A_216], %swap3A_219 {strides = array<i32>} : memref<1024xf32, #tpu.memory_space<vmem>>, vector<16xf32>,
      %get3A_220 = arith.constant 0 : i32
      %get3A_221 = tpu.memref_slice %arg9[%scan3A_74, %get3A_220] : memref<32x1024xf32, #tpu.memory_space<vmem>> -> memref<1x1024xf32, #tpu.memory_space<vmem>>
      %get3A_222 = tpu.memref_squeeze %get3A_221 : memref<1x1024xf32, #tpu.memory_space<vmem>> -> memref<1024xf32, #tpu.memory_space<vmem>>
      %get3A_223 = arith.constant 160 : index
      %get3A_224 = tpu.vector_load %get3A_222[%get3A_223] {strides = array<i32>} : memref<1024xf32, #tpu.memory_space<vmem>>, vector<16xf32>,
      %get3A_225 = vector.shape_cast %get3A_224 : vector<16xf32> to vector<16xf32>
      %mul3A_226 = arith.mulf %get3A_225, %get3A_80 : vector<16xf32>
      %swap3A_227 = arith.constant 0 : i32
      %swap3A_228 = tpu.memref_slice %arg9[%scan3A_74, %swap3A_227] : memref<32x1024xf32, #tpu.memory_space<vmem>> -> memref<1x1024xf32, #tpu.memory_space<vmem>>
      %swap3A_229 = tpu.memref_squeeze %swap3A_228 : memref<1x1024xf32, #tpu.memory_space<vmem>> -> memref<1024xf32, #tpu.memory_space<vmem>>
      %swap3A_230 = arith.constant 160 : index
      %swap3A_231 = tpu.vector_load %swap3A_229[%swap3A_230] {strides = array<i32>} : memref<1024xf32, #tpu.memory_space<vmem>>, vector<16xf32>,
      %swap3A_232 = vector.shape_cast %swap3A_231 : vector<16xf32> to vector<16xf32>
      %swap3A_233 = vector.shape_cast %mul3A_226 : vector<16xf32> to vector<16xf32>
      tpu.vector_store %swap3A_229[%swap3A_230], %swap3A_233 {strides = array<i32>} : memref<1024xf32, #tpu.memory_space<vmem>>, vector<16xf32>,
      %get3A_234 = arith.constant 0 : i32
      %get3A_235 = tpu.memref_slice %arg9[%scan3A_74, %get3A_234] : memref<32x1024xf32, #tpu.memory_space<vmem>> -> memref<1x1024xf32, #tpu.memory_space<vmem>>
      %get3A_236 = tpu.memref_squeeze %get3A_235 : memref<1x1024xf32, #tpu.memory_space<vmem>> -> memref<1024xf32, #tpu.memory_space<vmem>>
      %get3A_237 = arith.constant 176 : index
      %get3A_238 = tpu.vector_load %get3A_236[%get3A_237] {strides = array<i32>} : memref<1024xf32, #tpu.memory_space<vmem>>, vector<16xf32>,
      %get3A_239 = vector.shape_cast %get3A_238 : vector<16xf32> to vector<16xf32>
      %mul3A_240 = arith.mulf %get3A_239, %get3A_80 : vector<16xf32>
      %swap3A_241 = arith.constant 0 : i32
      %swap3A_242 = tpu.memref_slice %arg9[%scan3A_74, %swap3A_241] : memref<32x1024xf32, #tpu.memory_space<vmem>> -> memref<1x1024xf32, #tpu.memory_space<vmem>>
      %swap3A_243 = tpu.memref_squeeze %swap3A_242 : memref<1x1024xf32, #tpu.memory_space<vmem>> -> memref<1024xf32, #tpu.memory_space<vmem>>
      %swap3A_244 = arith.constant 176 : index
      %swap3A_245 = tpu.vector_load %swap3A_243[%swap3A_244] {strides = array<i32>} : memref<1024xf32, #tpu.memory_space<vmem>>, vector<16xf32>,
      %swap3A_246 = vector.shape_cast %swap3A_245 : vector<16xf32> to vector<16xf32>
      %swap3A_247 = vector.shape_cast %mul3A_240 : vector<16xf32> to vector<16xf32>
      tpu.vector_store %swap3A_243[%swap3A_244], %swap3A_247 {strides = array<i32>} : memref<1024xf32, #tpu.memory_space<vmem>>, vector<16xf32>,
      %get3A_248 = arith.constant 0 : i32
      %get3A_249 = tpu.memref_slice %arg9[%scan3A_74, %get3A_248] : memref<32x1024xf32, #tpu.memory_space<vmem>> -> memref<1x1024xf32, #tpu.memory_space<vmem>>
      %get3A_250 = tpu.memref_squeeze %get3A_249 : memref<1x1024xf32, #tpu.memory_space<vmem>> -> memref<1024xf32, #tpu.memory_space<vmem>>
      %get3A_251 = arith.constant 192 : index
      %get3A_252 = tpu.vector_load %get3A_250[%get3A_251] {strides = array<i32>} : memref<1024xf32, #tpu.memory_space<vmem>>, vector<16xf32>,
      %get3A_253 = vector.shape_cast %get3A_252 : vector<16xf32> to vector<16xf32>
      %mul3A_254 = arith.mulf %get3A_253, %get3A_80 : vector<16xf32>
      %swap3A_255 = arith.constant 0 : i32
      %swap3A_256 = tpu.memref_slice %arg9[%scan3A_74, %swap3A_255] : memref<32x1024xf32, #tpu.memory_space<vmem>> -> memref<1x1024xf32, #tpu.memory_space<vmem>>
      %swap3A_257 = tpu.memref_squeeze %swap3A_256 : memref<1x1024xf32, #tpu.memory_space<vmem>> -> memref<1024xf32, #tpu.memory_space<vmem>>
      %swap3A_258 = arith.constant 192 : index
      %swap3A_259 = tpu.vector_load %swap3A_257[%swap3A_258] {strides = array<i32>} : memref<1024xf32, #tpu.memory_space<vmem>>, vector<16xf32>,
      %swap3A_260 = vector.shape_cast %swap3A_259 : vector<16xf32> to vector<16xf32>
      %swap3A_261 = vector.shape_cast %mul3A_254 : vector<16xf32> to vector<16xf32>
      tpu.vector_store %swap3A_257[%swap3A_258], %swap3A_261 {strides = array<i32>} : memref<1024xf32, #tpu.memory_space<vmem>>, vector<16xf32>,
      %get3A_262 = arith.constant 0 : i32
      %get3A_263 = tpu.memref_slice %arg9[%scan3A_74, %get3A_262] : memref<32x1024xf32, #tpu.memory_space<vmem>> -> memref<1x1024xf32, #tpu.memory_space<vmem>>
      %get3A_264 = tpu.memref_squeeze %get3A_263 : memref<1x1024xf32, #tpu.memory_space<vmem>> -> memref<1024xf32, #tpu.memory_space<vmem>>
      %get3A_265 = arith.constant 208 : index
      %get3A_266 = tpu.vector_load %get3A_264[%get3A_265] {strides = array<i32>} : memref<1024xf32, #tpu.memory_space<vmem>>, vector<16xf32>,
      %get3A_267 = vector.shape_cast %get3A_266 : vector<16xf32> to vector<16xf32>
      %mul3A_268 = arith.mulf %get3A_267, %get3A_80 : vector<16xf32>
      %swap3A_269 = arith.constant 0 : i32
      %swap3A_270 = tpu.memref_slice %arg9[%scan3A_74, %swap3A_269] : memref<32x1024xf32, #tpu.memory_space<vmem>> -> memref<1x1024xf32, #tpu.memory_space<vmem>>
      %swap3A_271 = tpu.memref_squeeze %swap3A_270 : memref<1x1024xf32, #tpu.memory_space<vmem>> -> memref<1024xf32, #tpu.memory_space<vmem>>
      %swap3A_272 = arith.constant 208 : index
      %swap3A_273 = tpu.vector_load %swap3A_271[%swap3A_272] {strides = array<i32>} : memref<1024xf32, #tpu.memory_space<vmem>>, vector<16xf32>,
      %swap3A_274 = vector.shape_cast %swap3A_273 : vector<16xf32> to vector<16xf32>
      %swap3A_275 = vector.shape_cast %mul3A_268 : vector<16xf32> to vector<16xf32>
      tpu.vector_store %swap3A_271[%swap3A_272], %swap3A_275 {strides = array<i32>} : memref<1024xf32, #tpu.memory_space<vmem>>, vector<16xf32>,
      %get3A_276 = arith.constant 0 : i32
      %get3A_277 = tpu.memref_slice %arg9[%scan3A_74, %get3A_276] : memref<32x1024xf32, #tpu.memory_space<vmem>> -> memref<1x1024xf32, #tpu.memory_space<vmem>>
      %get3A_278 = tpu.memref_squeeze %get3A_277 : memref<1x1024xf32, #tpu.memory_space<vmem>> -> memref<1024xf32, #tpu.memory_space<vmem>>
      %get3A_279 = arith.constant 224 : index
      %get3A_280 = tpu.vector_load %get3A_278[%get3A_279] {strides = array<i32>} : memref<1024xf32, #tpu.memory_space<vmem>>, vector<16xf32>,
      %get3A_281 = vector.shape_cast %get3A_280 : vector<16xf32> to vector<16xf32>
      %mul3A_282 = arith.mulf %get3A_281, %get3A_80 : vector<16xf32>
      %swap3A_283 = arith.constant 0 : i32
      %swap3A_284 = tpu.memref_slice %arg9[%scan3A_74, %swap3A_283] : memref<32x1024xf32, #tpu.memory_space<vmem>> -> memref<1x1024xf32, #tpu.memory_space<vmem>>
      %swap3A_285 = tpu.memref_squeeze %swap3A_284 : memref<1x1024xf32, #tpu.memory_space<vmem>> -> memref<1024xf32, #tpu.memory_space<vmem>>
      %swap3A_286 = arith.constant 224 : index
      %swap3A_287 = tpu.vector_load %swap3A_285[%swap3A_286] {strides = array<i32>} : memref<1024xf32, #tpu.memory_space<vmem>>, vector<16xf32>,
      %swap3A_288 = vector.shape_cast %swap3A_287 : vector<16xf32> to vector<16xf32>
      %swap3A_289 = vector.shape_cast %mul3A_282 : vector<16xf32> to vector<16xf32>
      tpu.vector_store %swap3A_285[%swap3A_286], %swap3A_289 {strides = array<i32>} : memref<1024xf32, #tpu.memory_space<vmem>>, vector<16xf32>,
      %get3A_290 = arith.constant 0 : i32
      %get3A_291 = tpu.memref_slice %arg9[%scan3A_74, %get3A_290] : memref<32x1024xf32, #tpu.memory_space<vmem>> -> memref<1x1024xf32, #tpu.memory_space<vmem>>
      %get3A_292 = tpu.memref_squeeze %get3A_291 : memref<1x1024xf32, #tpu.memory_space<vmem>> -> memref<1024xf32, #tpu.memory_space<vmem>>
      %get3A_293 = arith.constant 240 : index
      %get3A_294 = tpu.vector_load %get3A_292[%get3A_293] {strides = array<i32>} : memref<1024xf32, #tpu.memory_space<vmem>>, vector<16xf32>,
      %get3A_295 = vector.shape_cast %get3A_294 : vector<16xf32> to vector<16xf32>
      %mul3A_296 = arith.mulf %get3A_295, %get3A_80 : vector<16xf32>
      %swap3A_297 = arith.constant 0 : i32
      %swap3A_298 = tpu.memref_slice %arg9[%scan3A_74, %swap3A_297] : memref<32x1024xf32, #tpu.memory_space<vmem>> -> memref<1x1024xf32, #tpu.memory_space<vmem>>
      %swap3A_299 = tpu.memref_squeeze %swap3A_298 : memref<1x1024xf32, #tpu.memory_space<vmem>> -> memref<1024xf32, #tpu.memory_space<vmem>>
      %swap3A_300 = arith.constant 240 : index
      %swap3A_301 = tpu.vector_load %swap3A_299[%swap3A_300] {strides = array<i32>} : memref<1024xf32, #tpu.memory_space<vmem>>, vector<16xf32>,
      %swap3A_302 = vector.shape_cast %swap3A_301 : vector<16xf32> to vector<16xf32>
      %swap3A_303 = vector.shape_cast %mul3A_296 : vector<16xf32> to vector<16xf32>
      tpu.vector_store %swap3A_299[%swap3A_300], %swap3A_303 {strides = array<i32>} : memref<1024xf32, #tpu.memory_space<vmem>>, vector<16xf32>,
      %get3A_304 = arith.constant 0 : i32
      %get3A_305 = tpu.memref_slice %arg9[%scan3A_74, %get3A_304] : memref<32x1024xf32, #tpu.memory_space<vmem>> -> memref<1x1024xf32, #tpu.memory_space<vmem>>
      %get3A_306 = tpu.memref_squeeze %get3A_305 : memref<1x1024xf32, #tpu.memory_space<vmem>> -> memref<1024xf32, #tpu.memory_space<vmem>>
      %get3A_307 = arith.constant 256 : index
      %get3A_308 = tpu.vector_load %get3A_306[%get3A_307] {strides = array<i32>} : memref<1024xf32, #tpu.memory_space<vmem>>, vector<16xf32>,
      %get3A_309 = vector.shape_cast %get3A_308 : vector<16xf32> to vector<16xf32>
      %mul3A_310 = arith.mulf %get3A_309, %get3A_80 : vector<16xf32>
      %swap3A_311 = arith.constant 0 : i32
      %swap3A_312 = tpu.memref_slice %arg9[%scan3A_74, %swap3A_311] : memref<32x1024xf32, #tpu.memory_space<vmem>> -> memref<1x1024xf32, #tpu.memory_space<vmem>>
      %swap3A_313 = tpu.memref_squeeze %swap3A_312 : memref<1x1024xf32, #tpu.memory_space<vmem>> -> memref<1024xf32, #tpu.memory_space<vmem>>
      %swap3A_314 = arith.constant 256 : index
      %swap3A_315 = tpu.vector_load %swap3A_313[%swap3A_314] {strides = array<i32>} : memref<1024xf32, #tpu.memory_space<vmem>>, vector<16xf32>,
      %swap3A_316 = vector.shape_cast %swap3A_315 : vector<16xf32> to vector<16xf32>
      %swap3A_317 = vector.shape_cast %mul3A_310 : vector<16xf32> to vector<16xf32>
      tpu.vector_store %swap3A_313[%swap3A_314], %swap3A_317 {strides = array<i32>} : memref<1024xf32, #tpu.memory_space<vmem>>, vector<16xf32>,
      %get3A_318 = arith.constant 0 : i32
      %get3A_319 = tpu.memref_slice %arg9[%scan3A_74, %get3A_318] : memref<32x1024xf32, #tpu.memory_space<vmem>> -> memref<1x1024xf32, #tpu.memory_space<vmem>>
      %get3A_320 = tpu.memref_squeeze %get3A_319 : memref<1x1024xf32, #tpu.memory_space<vmem>> -> memref<1024xf32, #tpu.memory_space<vmem>>
      %get3A_321 = arith.constant 272 : index
      %get3A_322 = tpu.vector_load %get3A_320[%get3A_321] {strides = array<i32>} : memref<1024xf32, #tpu.memory_space<vmem>>, vector<16xf32>,
      %get3A_323 = vector.shape_cast %get3A_322 : vector<16xf32> to vector<16xf32>
      %mul3A_324 = arith.mulf %get3A_323, %get3A_80 : vector<16xf32>
      %swap3A_325 = arith.constant 0 : i32
      %swap3A_326 = tpu.memref_slice %arg9[%scan3A_74, %swap3A_325] : memref<32x1024xf32, #tpu.memory_space<vmem>> -> memref<1x1024xf32, #tpu.memory_space<vmem>>
      %swap3A_327 = tpu.memref_squeeze %swap3A_326 : memref<1x1024xf32, #tpu.memory_space<vmem>> -> memref<1024xf32, #tpu.memory_space<vmem>>
      %swap3A_328 = arith.constant 272 : index
      %swap3A_329 = tpu.vector_load %swap3A_327[%swap3A_328] {strides = array<i32>} : memref<1024xf32, #tpu.memory_space<vmem>>, vector<16xf32>,
      %swap3A_330 = vector.shape_cast %swap3A_329 : vector<16xf32> to vector<16xf32>
      %swap3A_331 = vector.shape_cast %mul3A_324 : vector<16xf32> to vector<16xf32>
      tpu.vector_store %swap3A_327[%swap3A_328], %swap3A_331 {strides = array<i32>} : memref<1024xf32, #tpu.memory_space<vmem>>, vector<16xf32>,
      %get3A_332 = arith.constant 0 : i32
      %get3A_333 = tpu.memref_slice %arg9[%scan3A_74, %get3A_332] : memref<32x1024xf32, #tpu.memory_space<vmem>> -> memref<1x1024xf32, #tpu.memory_space<vmem>>
      %get3A_334 = tpu.memref_squeeze %get3A_333 : memref<1x1024xf32, #tpu.memory_space<vmem>> -> memref<1024xf32, #tpu.memory_space<vmem>>
      %get3A_335 = arith.constant 288 : index
      %get3A_336 = tpu.vector_load %get3A_334[%get3A_335] {strides = array<i32>} : memref<1024xf32, #tpu.memory_space<vmem>>, vector<16xf32>,
      %get3A_337 = vector.shape_cast %get3A_336 : vector<16xf32> to vector<16xf32>
      %mul3A_338 = arith.mulf %get3A_337, %get3A_80 : vector<16xf32>
      %swap3A_339 = arith.constant 0 : i32
      %swap3A_340 = tpu.memref_slice %arg9[%scan3A_74, %swap3A_339] : memref<32x1024xf32, #tpu.memory_space<vmem>> -> memref<1x1024xf32, #tpu.memory_space<vmem>>
      %swap3A_341 = tpu.memref_squeeze %swap3A_340 : memref<1x1024xf32, #tpu.memory_space<vmem>> -> memref<1024xf32, #tpu.memory_space<vmem>>
      %swap3A_342 = arith.constant 288 : index
      %swap3A_343 = tpu.vector_load %swap3A_341[%swap3A_342] {strides = array<i32>} : memref<1024xf32, #tpu.memory_space<vmem>>, vector<16xf32>,
      %swap3A_344 = vector.shape_cast %swap3A_343 : vector<16xf32> to vector<16xf32>
      %swap3A_345 = vector.shape_cast %mul3A_338 : vector<16xf32> to vector<16xf32>
      tpu.vector_store %swap3A_341[%swap3A_342], %swap3A_345 {strides = array<i32>} : memref<1024xf32, #tpu.memory_space<vmem>>, vector<16xf32>,
      %get3A_346 = arith.constant 0 : i32
      %get3A_347 = tpu.memref_slice %arg9[%scan3A_74, %get3A_346] : memref<32x1024xf32, #tpu.memory_space<vmem>> -> memref<1x1024xf32, #tpu.memory_space<vmem>>
      %get3A_348 = tpu.memref_squeeze %get3A_347 : memref<1x1024xf32, #tpu.memory_space<vmem>> -> memref<1024xf32, #tpu.memory_space<vmem>>
      %get3A_349 = arith.constant 304 : index
      %get3A_350 = tpu.vector_load %get3A_348[%get3A_349] {strides = array<i32>} : memref<1024xf32, #tpu.memory_space<vmem>>, vector<16xf32>,
      %get3A_351 = vector.shape_cast %get3A_350 : vector<16xf32> to vector<16xf32>
      %mul3A_352 = arith.mulf %get3A_351, %get3A_80 : vector<16xf32>
      %swap3A_353 = arith.constant 0 : i32
      %swap3A_354 = tpu.memref_slice %arg9[%scan3A_74, %swap3A_353] : memref<32x1024xf32, #tpu.memory_space<vmem>> -> memref<1x1024xf32, #tpu.memory_space<vmem>>
      %swap3A_355 = tpu.memref_squeeze %swap3A_354 : memref<1x1024xf32, #tpu.memory_space<vmem>> -> memref<1024xf32, #tpu.memory_space<vmem>>
      %swap3A_356 = arith.constant 304 : index
      %swap3A_357 = tpu.vector_load %swap3A_355[%swap3A_356] {strides = array<i32>} : memref<1024xf32, #tpu.memory_space<vmem>>, vector<16xf32>,
      %swap3A_358 = vector.shape_cast %swap3A_357 : vector<16xf32> to vector<16xf32>
      %swap3A_359 = vector.shape_cast %mul3A_352 : vector<16xf32> to vector<16xf32>
      tpu.vector_store %swap3A_355[%swap3A_356], %swap3A_359 {strides = array<i32>} : memref<1024xf32, #tpu.memory_space<vmem>>, vector<16xf32>,
      %get3A_360 = arith.constant 0 : i32
      %get3A_361 = tpu.memref_slice %arg9[%scan3A_74, %get3A_360] : memref<32x1024xf32, #tpu.memory_space<vmem>> -> memref<1x1024xf32, #tpu.memory_space<vmem>>
      %get3A_362 = tpu.memref_squeeze %get3A_361 : memref<1x1024xf32, #tpu.memory_space<vmem>> -> memref<1024xf32, #tpu.memory_space<vmem>>
      %get3A_363 = arith.constant 320 : index
      %get3A_364 = tpu.vector_load %get3A_362[%get3A_363] {strides = array<i32>} : memref<1024xf32, #tpu.memory_space<vmem>>, vector<16xf32>,
      %get3A_365 = vector.shape_cast %get3A_364 : vector<16xf32> to vector<16xf32>
      %mul3A_366 = arith.mulf %get3A_365, %get3A_80 : vector<16xf32>
      %swap3A_367 = arith.constant 0 : i32
      %swap3A_368 = tpu.memref_slice %arg9[%scan3A_74, %swap3A_367] : memref<32x1024xf32, #tpu.memory_space<vmem>> -> memref<1x1024xf32, #tpu.memory_space<vmem>>
      %swap3A_369 = tpu.memref_squeeze %swap3A_368 : memref<1x1024xf32, #tpu.memory_space<vmem>> -> memref<1024xf32, #tpu.memory_space<vmem>>
      %swap3A_370 = arith.constant 320 : index
      %swap3A_371 = tpu.vector_load %swap3A_369[%swap3A_370] {strides = array<i32>} : memref<1024xf32, #tpu.memory_space<vmem>>, vector<16xf32>,
      %swap3A_372 = vector.shape_cast %swap3A_371 : vector<16xf32> to vector<16xf32>
      %swap3A_373 = vector.shape_cast %mul3A_366 : vector<16xf32> to vector<16xf32>
      tpu.vector_store %swap3A_369[%swap3A_370], %swap3A_373 {strides = array<i32>} : memref<1024xf32, #tpu.memory_space<vmem>>, vector<16xf32>,
      %get3A_374 = arith.constant 0 : i32
      %get3A_375 = tpu.memref_slice %arg9[%scan3A_74, %get3A_374] : memref<32x1024xf32, #tpu.memory_space<vmem>> -> memref<1x1024xf32, #tpu.memory_space<vmem>>
      %get3A_376 = tpu.memref_squeeze %get3A_375 : memref<1x1024xf32, #tpu.memory_space<vmem>> -> memref<1024xf32, #tpu.memory_space<vmem>>
      %get3A_377 = arith.constant 336 : index
      %get3A_378 = tpu.vector_load %get3A_376[%get3A_377] {strides = array<i32>} : memref<1024xf32, #tpu.memory_space<vmem>>, vector<16xf32>,
      %get3A_379 = vector.shape_cast %get3A_378 : vector<16xf32> to vector<16xf32>
      %mul3A_380 = arith.mulf %get3A_379, %get3A_80 : vector<16xf32>
      %swap3A_381 = arith.constant 0 : i32
      %swap3A_382 = tpu.memref_slice %arg9[%scan3A_74, %swap3A_381] : memref<32x1024xf32, #tpu.memory_space<vmem>> -> memref<1x1024xf32, #tpu.memory_space<vmem>>
      %swap3A_383 = tpu.memref_squeeze %swap3A_382 : memref<1x1024xf32, #tpu.memory_space<vmem>> -> memref<1024xf32, #tpu.memory_space<vmem>>
      %swap3A_384 = arith.constant 336 : index
      %swap3A_385 = tpu.vector_load %swap3A_383[%swap3A_384] {strides = array<i32>} : memref<1024xf32, #tpu.memory_space<vmem>>, vector<16xf32>,
      %swap3A_386 = vector.shape_cast %swap3A_385 : vector<16xf32> to vector<16xf32>
      %swap3A_387 = vector.shape_cast %mul3A_380 : vector<16xf32> to vector<16xf32>
      tpu.vector_store %swap3A_383[%swap3A_384], %swap3A_387 {strides = array<i32>} : memref<1024xf32, #tpu.memory_space<vmem>>, vector<16xf32>,
      %get3A_388 = arith.constant 0 : i32
      %get3A_389 = tpu.memref_slice %arg9[%scan3A_74, %get3A_388] : memref<32x1024xf32, #tpu.memory_space<vmem>> -> memref<1x1024xf32, #tpu.memory_space<vmem>>
      %get3A_390 = tpu.memref_squeeze %get3A_389 : memref<1x1024xf32, #tpu.memory_space<vmem>> -> memref<1024xf32, #tpu.memory_space<vmem>>
      %get3A_391 = arith.constant 352 : index
      %get3A_392 = tpu.vector_load %get3A_390[%get3A_391] {strides = array<i32>} : memref<1024xf32, #tpu.memory_space<vmem>>, vector<16xf32>,
      %get3A_393 = vector.shape_cast %get3A_392 : vector<16xf32> to vector<16xf32>
      %mul3A_394 = arith.mulf %get3A_393, %get3A_80 : vector<16xf32>
      %swap3A_395 = arith.constant 0 : i32
      %swap3A_396 = tpu.memref_slice %arg9[%scan3A_74, %swap3A_395] : memref<32x1024xf32, #tpu.memory_space<vmem>> -> memref<1x1024xf32, #tpu.memory_space<vmem>>
      %swap3A_397 = tpu.memref_squeeze %swap3A_396 : memref<1x1024xf32, #tpu.memory_space<vmem>> -> memref<1024xf32, #tpu.memory_space<vmem>>
      %swap3A_398 = arith.constant 352 : index
      %swap3A_399 = tpu.vector_load %swap3A_397[%swap3A_398] {strides = array<i32>} : memref<1024xf32, #tpu.memory_space<vmem>>, vector<16xf32>,
      %swap3A_400 = vector.shape_cast %swap3A_399 : vector<16xf32> to vector<16xf32>
      %swap3A_401 = vector.shape_cast %mul3A_394 : vector<16xf32> to vector<16xf32>
      tpu.vector_store %swap3A_397[%swap3A_398], %swap3A_401 {strides = array<i32>} : memref<1024xf32, #tpu.memory_space<vmem>>, vector<16xf32>,
      %get3A_402 = arith.constant 0 : i32
      %get3A_403 = tpu.memref_slice %arg9[%scan3A_74, %get3A_402] : memref<32x1024xf32, #tpu.memory_space<vmem>> -> memref<1x1024xf32, #tpu.memory_space<vmem>>
      %get3A_404 = tpu.memref_squeeze %get3A_403 : memref<1x1024xf32, #tpu.memory_space<vmem>> -> memref<1024xf32, #tpu.memory_space<vmem>>
      %get3A_405 = arith.constant 368 : index
      %get3A_406 = tpu.vector_load %get3A_404[%get3A_405] {strides = array<i32>} : memref<1024xf32, #tpu.memory_space<vmem>>, vector<16xf32>,
      %get3A_407 = vector.shape_cast %get3A_406 : vector<16xf32> to vector<16xf32>
      %mul3A_408 = arith.mulf %get3A_407, %get3A_80 : vector<16xf32>
      %swap3A_409 = arith.constant 0 : i32
      %swap3A_410 = tpu.memref_slice %arg9[%scan3A_74, %swap3A_409] : memref<32x1024xf32, #tpu.memory_space<vmem>> -> memref<1x1024xf32, #tpu.memory_space<vmem>>
      %swap3A_411 = tpu.memref_squeeze %swap3A_410 : memref<1x1024xf32, #tpu.memory_space<vmem>> -> memref<1024xf32, #tpu.memory_space<vmem>>
      %swap3A_412 = arith.constant 368 : index
      %swap3A_413 = tpu.vector_load %swap3A_411[%swap3A_412] {strides = array<i32>} : memref<1024xf32, #tpu.memory_space<vmem>>, vector<16xf32>,
      %swap3A_414 = vector.shape_cast %swap3A_413 : vector<16xf32> to vector<16xf32>
      %swap3A_415 = vector.shape_cast %mul3A_408 : vector<16xf32> to vector<16xf32>
      tpu.vector_store %swap3A_411[%swap3A_412], %swap3A_415 {strides = array<i32>} : memref<1024xf32, #tpu.memory_space<vmem>>, vector<16xf32>,
      %get3A_416 = arith.constant 0 : i32
      %get3A_417 = tpu.memref_slice %arg9[%scan3A_74, %get3A_416] : memref<32x1024xf32, #tpu.memory_space<vmem>> -> memref<1x1024xf32, #tpu.memory_space<vmem>>
      %get3A_418 = tpu.memref_squeeze %get3A_417 : memref<1x1024xf32, #tpu.memory_space<vmem>> -> memref<1024xf32, #tpu.memory_space<vmem>>
      %get3A_419 = arith.constant 384 : index
      %get3A_420 = tpu.vector_load %get3A_418[%get3A_419] {strides = array<i32>} : memref<1024xf32, #tpu.memory_space<vmem>>, vector<16xf32>,
      %get3A_421 = vector.shape_cast %get3A_420 : vector<16xf32> to vector<16xf32>
      %mul3A_422 = arith.mulf %get3A_421, %get3A_80 : vector<16xf32>
      %swap3A_423 = arith.constant 0 : i32
      %swap3A_424 = tpu.memref_slice %arg9[%scan3A_74, %swap3A_423] : memref<32x1024xf32, #tpu.memory_space<vmem>> -> memref<1x1024xf32, #tpu.memory_space<vmem>>
      %swap3A_425 = tpu.memref_squeeze %swap3A_424 : memref<1x1024xf32, #tpu.memory_space<vmem>> -> memref<1024xf32, #tpu.memory_space<vmem>>
      %swap3A_426 = arith.constant 384 : index
      %swap3A_427 = tpu.vector_load %swap3A_425[%swap3A_426] {strides = array<i32>} : memref<1024xf32, #tpu.memory_space<vmem>>, vector<16xf32>,
      %swap3A_428 = vector.shape_cast %swap3A_427 : vector<16xf32> to vector<16xf32>
      %swap3A_429 = vector.shape_cast %mul3A_422 : vector<16xf32> to vector<16xf32>
      tpu.vector_store %swap3A_425[%swap3A_426], %swap3A_429 {strides = array<i32>} : memref<1024xf32, #tpu.memory_space<vmem>>, vector<16xf32>,
      %get3A_430 = arith.constant 0 : i32
      %get3A_431 = tpu.memref_slice %arg9[%scan3A_74, %get3A_430] : memref<32x1024xf32, #tpu.memory_space<vmem>> -> memref<1x1024xf32, #tpu.memory_space<vmem>>
      %get3A_432 = tpu.memref_squeeze %get3A_431 : memref<1x1024xf32, #tpu.memory_space<vmem>> -> memref<1024xf32, #tpu.memory_space<vmem>>
      %get3A_433 = arith.constant 400 : index
      %get3A_434 = tpu.vector_load %get3A_432[%get3A_433] {strides = array<i32>} : memref<1024xf32, #tpu.memory_space<vmem>>, vector<16xf32>,
      %get3A_435 = vector.shape_cast %get3A_434 : vector<16xf32> to vector<16xf32>
      %mul3A_436 = arith.mulf %get3A_435, %get3A_80 : vector<16xf32>
      %swap3A_437 = arith.constant 0 : i32
      %swap3A_438 = tpu.memref_slice %arg9[%scan3A_74, %swap3A_437] : memref<32x1024xf32, #tpu.memory_space<vmem>> -> memref<1x1024xf32, #tpu.memory_space<vmem>>
      %swap3A_439 = tpu.memref_squeeze %swap3A_438 : memref<1x1024xf32, #tpu.memory_space<vmem>> -> memref<1024xf32, #tpu.memory_space<vmem>>
      %swap3A_440 = arith.constant 400 : index
      %swap3A_441 = tpu.vector_load %swap3A_439[%swap3A_440] {strides = array<i32>} : memref<1024xf32, #tpu.memory_space<vmem>>, vector<16xf32>,
      %swap3A_442 = vector.shape_cast %swap3A_441 : vector<16xf32> to vector<16xf32>
      %swap3A_443 = vector.shape_cast %mul3A_436 : vector<16xf32> to vector<16xf32>
      tpu.vector_store %swap3A_439[%swap3A_440], %swap3A_443 {strides = array<i32>} : memref<1024xf32, #tpu.memory_space<vmem>>, vector<16xf32>,
      %get3A_444 = arith.constant 0 : i32
      %get3A_445 = tpu.memref_slice %arg9[%scan3A_74, %get3A_444] : memref<32x1024xf32, #tpu.memory_space<vmem>> -> memref<1x1024xf32, #tpu.memory_space<vmem>>
      %get3A_446 = tpu.memref_squeeze %get3A_445 : memref<1x1024xf32, #tpu.memory_space<vmem>> -> memref<1024xf32, #tpu.memory_space<vmem>>
      %get3A_447 = arith.constant 416 : index
      %get3A_448 = tpu.vector_load %get3A_446[%get3A_447] {strides = array<i32>} : memref<1024xf32, #tpu.memory_space<vmem>>, vector<16xf32>,
      %get3A_449 = vector.shape_cast %get3A_448 : vector<16xf32> to vector<16xf32>
      %mul3A_450 = arith.mulf %get3A_449, %get3A_80 : vector<16xf32>
      %swap3A_451 = arith.constant 0 : i32
      %swap3A_452 = tpu.memref_slice %arg9[%scan3A_74, %swap3A_451] : memref<32x1024xf32, #tpu.memory_space<vmem>> -> memref<1x1024xf32, #tpu.memory_space<vmem>>
      %swap3A_453 = tpu.memref_squeeze %swap3A_452 : memref<1x1024xf32, #tpu.memory_space<vmem>> -> memref<1024xf32, #tpu.memory_space<vmem>>
      %swap3A_454 = arith.constant 416 : index
      %swap3A_455 = tpu.vector_load %swap3A_453[%swap3A_454] {strides = array<i32>} : memref<1024xf32, #tpu.memory_space<vmem>>, vector<16xf32>,
      %swap3A_456 = vector.shape_cast %swap3A_455 : vector<16xf32> to vector<16xf32>
      %swap3A_457 = vector.shape_cast %mul3A_450 : vector<16xf32> to vector<16xf32>
      tpu.vector_store %swap3A_453[%swap3A_454], %swap3A_457 {strides = array<i32>} : memref<1024xf32, #tpu.memory_space<vmem>>, vector<16xf32>,
      %get3A_458 = arith.constant 0 : i32
      %get3A_459 = tpu.memref_slice %arg9[%scan3A_74, %get3A_458] : memref<32x1024xf32, #tpu.memory_space<vmem>> -> memref<1x1024xf32, #tpu.memory_space<vmem>>
      %get3A_460 = tpu.memref_squeeze %get3A_459 : memref<1x1024xf32, #tpu.memory_space<vmem>> -> memref<1024xf32, #tpu.memory_space<vmem>>
      %get3A_461 = arith.constant 432 : index
      %get3A_462 = tpu.vector_load %get3A_460[%get3A_461] {strides = array<i32>} : memref<1024xf32, #tpu.memory_space<vmem>>, vector<16xf32>,
      %get3A_463 = vector.shape_cast %get3A_462 : vector<16xf32> to vector<16xf32>
      %mul3A_464 = arith.mulf %get3A_463, %get3A_80 : vector<16xf32>
      %swap3A_465 = arith.constant 0 : i32
      %swap3A_466 = tpu.memref_slice %arg9[%scan3A_74, %swap3A_465] : memref<32x1024xf32, #tpu.memory_space<vmem>> -> memref<1x1024xf32, #tpu.memory_space<vmem>>
      %swap3A_467 = tpu.memref_squeeze %swap3A_466 : memref<1x1024xf32, #tpu.memory_space<vmem>> -> memref<1024xf32, #tpu.memory_space<vmem>>
      %swap3A_468 = arith.constant 432 : index
      %swap3A_469 = tpu.vector_load %swap3A_467[%swap3A_468] {strides = array<i32>} : memref<1024xf32, #tpu.memory_space<vmem>>, vector<16xf32>,
      %swap3A_470 = vector.shape_cast %swap3A_469 : vector<16xf32> to vector<16xf32>
      %swap3A_471 = vector.shape_cast %mul3A_464 : vector<16xf32> to vector<16xf32>
      tpu.vector_store %swap3A_467[%swap3A_468], %swap3A_471 {strides = array<i32>} : memref<1024xf32, #tpu.memory_space<vmem>>, vector<16xf32>,
      %get3A_472 = arith.constant 0 : i32
      %get3A_473 = tpu.memref_slice %arg9[%scan3A_74, %get3A_472] : memref<32x1024xf32, #tpu.memory_space<vmem>> -> memref<1x1024xf32, #tpu.memory_space<vmem>>
      %get3A_474 = tpu.memref_squeeze %get3A_473 : memref<1x1024xf32, #tpu.memory_space<vmem>> -> memref<1024xf32, #tpu.memory_space<vmem>>
      %get3A_475 = arith.constant 448 : index
      %get3A_476 = tpu.vector_load %get3A_474[%get3A_475] {strides = array<i32>} : memref<1024xf32, #tpu.memory_space<vmem>>, vector<16xf32>,
      %get3A_477 = vector.shape_cast %get3A_476 : vector<16xf32> to vector<16xf32>
      %mul3A_478 = arith.mulf %get3A_477, %get3A_80 : vector<16xf32>
      %swap3A_479 = arith.constant 0 : i32
      %swap3A_480 = tpu.memref_slice %arg9[%scan3A_74, %swap3A_479] : memref<32x1024xf32, #tpu.memory_space<vmem>> -> memref<1x1024xf32, #tpu.memory_space<vmem>>
      %swap3A_481 = tpu.memref_squeeze %swap3A_480 : memref<1x1024xf32, #tpu.memory_space<vmem>> -> memref<1024xf32, #tpu.memory_space<vmem>>
      %swap3A_482 = arith.constant 448 : index
      %swap3A_483 = tpu.vector_load %swap3A_481[%swap3A_482] {strides = array<i32>} : memref<1024xf32, #tpu.memory_space<vmem>>, vector<16xf32>,
      %swap3A_484 = vector.shape_cast %swap3A_483 : vector<16xf32> to vector<16xf32>
      %swap3A_485 = vector.shape_cast %mul3A_478 : vector<16xf32> to vector<16xf32>
      tpu.vector_store %swap3A_481[%swap3A_482], %swap3A_485 {strides = array<i32>} : memref<1024xf32, #tpu.memory_space<vmem>>, vector<16xf32>,
      %get3A_486 = arith.constant 0 : i32
      %get3A_487 = tpu.memref_slice %arg9[%scan3A_74, %get3A_486] : memref<32x1024xf32, #tpu.memory_space<vmem>> -> memref<1x1024xf32, #tpu.memory_space<vmem>>
      %get3A_488 = tpu.memref_squeeze %get3A_487 : memref<1x1024xf32, #tpu.memory_space<vmem>> -> memref<1024xf32, #tpu.memory_space<vmem>>
      %get3A_489 = arith.constant 464 : index
      %get3A_490 = tpu.vector_load %get3A_488[%get3A_489] {strides = array<i32>} : memref<1024xf32, #tpu.memory_space<vmem>>, vector<16xf32>,
      %get3A_491 = vector.shape_cast %get3A_490 : vector<16xf32> to vector<16xf32>
      %mul3A_492 = arith.mulf %get3A_491, %get3A_80 : vector<16xf32>
      %swap3A_493 = arith.constant 0 : i32
      %swap3A_494 = tpu.memref_slice %arg9[%scan3A_74, %swap3A_493] : memref<32x1024xf32, #tpu.memory_space<vmem>> -> memref<1x1024xf32, #tpu.memory_space<vmem>>
      %swap3A_495 = tpu.memref_squeeze %swap3A_494 : memref<1x1024xf32, #tpu.memory_space<vmem>> -> memref<1024xf32, #tpu.memory_space<vmem>>
      %swap3A_496 = arith.constant 464 : index
      %swap3A_497 = tpu.vector_load %swap3A_495[%swap3A_496] {strides = array<i32>} : memref<1024xf32, #tpu.memory_space<vmem>>, vector<16xf32>,
      %swap3A_498 = vector.shape_cast %swap3A_497 : vector<16xf32> to vector<16xf32>
      %swap3A_499 = vector.shape_cast %mul3A_492 : vector<16xf32> to vector<16xf32>
      tpu.vector_store %swap3A_495[%swap3A_496], %swap3A_499 {strides = array<i32>} : memref<1024xf32, #tpu.memory_space<vmem>>, vector<16xf32>,
      %get3A_500 = arith.constant 0 : i32
      %get3A_501 = tpu.memref_slice %arg9[%scan3A_74, %get3A_500] : memref<32x1024xf32, #tpu.memory_space<vmem>> -> memref<1x1024xf32, #tpu.memory_space<vmem>>
      %get3A_502 = tpu.memref_squeeze %get3A_501 : memref<1x1024xf32, #tpu.memory_space<vmem>> -> memref<1024xf32, #tpu.memory_space<vmem>>
      %get3A_503 = arith.constant 480 : index
      %get3A_504 = tpu.vector_load %get3A_502[%get3A_503] {strides = array<i32>} : memref<1024xf32, #tpu.memory_space<vmem>>, vector<16xf32>,
      %get3A_505 = vector.shape_cast %get3A_504 : vector<16xf32> to vector<16xf32>
      %mul3A_506 = arith.mulf %get3A_505, %get3A_80 : vector<16xf32>
      %swap3A_507 = arith.constant 0 : i32
      %swap3A_508 = tpu.memref_slice %arg9[%scan3A_74, %swap3A_507] : memref<32x1024xf32, #tpu.memory_space<vmem>> -> memref<1x1024xf32, #tpu.memory_space<vmem>>
      %swap3A_509 = tpu.memref_squeeze %swap3A_508 : memref<1x1024xf32, #tpu.memory_space<vmem>> -> memref<1024xf32, #tpu.memory_space<vmem>>
      %swap3A_510 = arith.constant 480 : index
      %swap3A_511 = tpu.vector_load %swap3A_509[%swap3A_510] {strides = array<i32>} : memref<1024xf32, #tpu.memory_space<vmem>>, vector<16xf32>,
      %swap3A_512 = vector.shape_cast %swap3A_511 : vector<16xf32> to vector<16xf32>
      %swap3A_513 = vector.shape_cast %mul3A_506 : vector<16xf32> to vector<16xf32>
      tpu.vector_store %swap3A_509[%swap3A_510], %swap3A_513 {strides = array<i32>} : memref<1024xf32, #tpu.memory_space<vmem>>, vector<16xf32>,
      %get3A_514 = arith.constant 0 : i32
      %get3A_515 = tpu.memref_slice %arg9[%scan3A_74, %get3A_514] : memref<32x1024xf32, #tpu.memory_space<vmem>> -> memref<1x1024xf32, #tpu.memory_space<vmem>>
      %get3A_516 = tpu.memref_squeeze %get3A_515 : memref<1x1024xf32, #tpu.memory_space<vmem>> -> memref<1024xf32, #tpu.memory_space<vmem>>
      %get3A_517 = arith.constant 496 : index
      %get3A_518 = tpu.vector_load %get3A_516[%get3A_517] {strides = array<i32>} : memref<1024xf32, #tpu.memory_space<vmem>>, vector<16xf32>,
      %get3A_519 = vector.shape_cast %get3A_518 : vector<16xf32> to vector<16xf32>
      %mul3A_520 = arith.mulf %get3A_519, %get3A_80 : vector<16xf32>
      %swap3A_521 = arith.constant 0 : i32
      %swap3A_522 = tpu.memref_slice %arg9[%scan3A_74, %swap3A_521] : memref<32x1024xf32, #tpu.memory_space<vmem>> -> memref<1x1024xf32, #tpu.memory_space<vmem>>
      %swap3A_523 = tpu.memref_squeeze %swap3A_522 : memref<1x1024xf32, #tpu.memory_space<vmem>> -> memref<1024xf32, #tpu.memory_space<vmem>>
      %swap3A_524 = arith.constant 496 : index
      %swap3A_525 = tpu.vector_load %swap3A_523[%swap3A_524] {strides = array<i32>} : memref<1024xf32, #tpu.memory_space<vmem>>, vector<16xf32>,
      %swap3A_526 = vector.shape_cast %swap3A_525 : vector<16xf32> to vector<16xf32>
      %swap3A_527 = vector.shape_cast %mul3A_520 : vector<16xf32> to vector<16xf32>
      tpu.vector_store %swap3A_523[%swap3A_524], %swap3A_527 {strides = array<i32>} : memref<1024xf32, #tpu.memory_space<vmem>>, vector<16xf32>,
      %get3A_528 = arith.constant 0 : i32
      %get3A_529 = tpu.memref_slice %arg9[%scan3A_74, %get3A_528] : memref<32x1024xf32, #tpu.memory_space<vmem>> -> memref<1x1024xf32, #tpu.memory_space<vmem>>
      %get3A_530 = tpu.memref_squeeze %get3A_529 : memref<1x1024xf32, #tpu.memory_space<vmem>> -> memref<1024xf32, #tpu.memory_space<vmem>>
      %get3A_531 = arith.constant 512 : index
      %get3A_532 = tpu.vector_load %get3A_530[%get3A_531] {strides = array<i32>} : memref<1024xf32, #tpu.memory_space<vmem>>, vector<16xf32>,
      %get3A_533 = vector.shape_cast %get3A_532 : vector<16xf32> to vector<16xf32>
      %mul3A_534 = arith.mulf %get3A_533, %get3A_80 : vector<16xf32>
      %swap3A_535 = arith.constant 0 : i32
      %swap3A_536 = tpu.memref_slice %arg9[%scan3A_74, %swap3A_535] : memref<32x1024xf32, #tpu.memory_space<vmem>> -> memref<1x1024xf32, #tpu.memory_space<vmem>>
      %swap3A_537 = tpu.memref_squeeze %swap3A_536 : memref<1x1024xf32, #tpu.memory_space<vmem>> -> memref<1024xf32, #tpu.memory_space<vmem>>
      %swap3A_538 = arith.constant 512 : index
      %swap3A_539 = tpu.vector_load %swap3A_537[%swap3A_538] {strides = array<i32>} : memref<1024xf32, #tpu.memory_space<vmem>>, vector<16xf32>,
      %swap3A_540 = vector.shape_cast %swap3A_539 : vector<16xf32> to vector<16xf32>
      %swap3A_541 = vector.shape_cast %mul3A_534 : vector<16xf32> to vector<16xf32>
      tpu.vector_store %swap3A_537[%swap3A_538], %swap3A_541 {strides = array<i32>} : memref<1024xf32, #tpu.memory_space<vmem>>, vector<16xf32>,
      %get3A_542 = arith.constant 0 : i32
      %get3A_543 = tpu.memref_slice %arg9[%scan3A_74, %get3A_542] : memref<32x1024xf32, #tpu.memory_space<vmem>> -> memref<1x1024xf32, #tpu.memory_space<vmem>>
      %get3A_544 = tpu.memref_squeeze %get3A_543 : memref<1x1024xf32, #tpu.memory_space<vmem>> -> memref<1024xf32, #tpu.memory_space<vmem>>
      %get3A_545 = arith.constant 528 : index
      %get3A_546 = tpu.vector_load %get3A_544[%get3A_545] {strides = array<i32>} : memref<1024xf32, #tpu.memory_space<vmem>>, vector<16xf32>,
      %get3A_547 = vector.shape_cast %get3A_546 : vector<16xf32> to vector<16xf32>
      %mul3A_548 = arith.mulf %get3A_547, %get3A_80 : vector<16xf32>
      %swap3A_549 = arith.constant 0 : i32
      %swap3A_550 = tpu.memref_slice %arg9[%scan3A_74, %swap3A_549] : memref<32x1024xf32, #tpu.memory_space<vmem>> -> memref<1x1024xf32, #tpu.memory_space<vmem>>
      %swap3A_551 = tpu.memref_squeeze %swap3A_550 : memref<1x1024xf32, #tpu.memory_space<vmem>> -> memref<1024xf32, #tpu.memory_space<vmem>>
      %swap3A_552 = arith.constant 528 : index
      %swap3A_553 = tpu.vector_load %swap3A_551[%swap3A_552] {strides = array<i32>} : memref<1024xf32, #tpu.memory_space<vmem>>, vector<16xf32>,
      %swap3A_554 = vector.shape_cast %swap3A_553 : vector<16xf32> to vector<16xf32>
      %swap3A_555 = vector.shape_cast %mul3A_548 : vector<16xf32> to vector<16xf32>
      tpu.vector_store %swap3A_551[%swap3A_552], %swap3A_555 {strides = array<i32>} : memref<1024xf32, #tpu.memory_space<vmem>>, vector<16xf32>,
      %get3A_556 = arith.constant 0 : i32
      %get3A_557 = tpu.memref_slice %arg9[%scan3A_74, %get3A_556] : memref<32x1024xf32, #tpu.memory_space<vmem>> -> memref<1x1024xf32, #tpu.memory_space<vmem>>
      %get3A_558 = tpu.memref_squeeze %get3A_557 : memref<1x1024xf32, #tpu.memory_space<vmem>> -> memref<1024xf32, #tpu.memory_space<vmem>>
      %get3A_559 = arith.constant 544 : index
      %get3A_560 = tpu.vector_load %get3A_558[%get3A_559] {strides = array<i32>} : memref<1024xf32, #tpu.memory_space<vmem>>, vector<16xf32>,
      %get3A_561 = vector.shape_cast %get3A_560 : vector<16xf32> to vector<16xf32>
      %mul3A_562 = arith.mulf %get3A_561, %get3A_80 : vector<16xf32>
      %swap3A_563 = arith.constant 0 : i32
      %swap3A_564 = tpu.memref_slice %arg9[%scan3A_74, %swap3A_563] : memref<32x1024xf32, #tpu.memory_space<vmem>> -> memref<1x1024xf32, #tpu.memory_space<vmem>>
      %swap3A_565 = tpu.memref_squeeze %swap3A_564 : memref<1x1024xf32, #tpu.memory_space<vmem>> -> memref<1024xf32, #tpu.memory_space<vmem>>
      %swap3A_566 = arith.constant 544 : index
      %swap3A_567 = tpu.vector_load %swap3A_565[%swap3A_566] {strides = array<i32>} : memref<1024xf32, #tpu.memory_space<vmem>>, vector<16xf32>,
      %swap3A_568 = vector.shape_cast %swap3A_567 : vector<16xf32> to vector<16xf32>
      %swap3A_569 = vector.shape_cast %mul3A_562 : vector<16xf32> to vector<16xf32>
      tpu.vector_store %swap3A_565[%swap3A_566], %swap3A_569 {strides = array<i32>} : memref<1024xf32, #tpu.memory_space<vmem>>, vector<16xf32>,
      %get3A_570 = arith.constant 0 : i32
      %get3A_571 = tpu.memref_slice %arg9[%scan3A_74, %get3A_570] : memref<32x1024xf32, #tpu.memory_space<vmem>> -> memref<1x1024xf32, #tpu.memory_space<vmem>>
      %get3A_572 = tpu.memref_squeeze %get3A_571 : memref<1x1024xf32, #tpu.memory_space<vmem>> -> memref<1024xf32, #tpu.memory_space<vmem>>
      %get3A_573 = arith.constant 560 : index
      %get3A_574 = tpu.vector_load %get3A_572[%get3A_573] {strides = array<i32>} : memref<1024xf32, #tpu.memory_space<vmem>>, vector<16xf32>,
      %get3A_575 = vector.shape_cast %get3A_574 : vector<16xf32> to vector<16xf32>
      %mul3A_576 = arith.mulf %get3A_575, %get3A_80 : vector<16xf32>
      %swap3A_577 = arith.constant 0 : i32
      %swap3A_578 = tpu.memref_slice %arg9[%scan3A_74, %swap3A_577] : memref<32x1024xf32, #tpu.memory_space<vmem>> -> memref<1x1024xf32, #tpu.memory_space<vmem>>
      %swap3A_579 = tpu.memref_squeeze %swap3A_578 : memref<1x1024xf32, #tpu.memory_space<vmem>> -> memref<1024xf32, #tpu.memory_space<vmem>>
      %swap3A_580 = arith.constant 560 : index
      %swap3A_581 = tpu.vector_load %swap3A_579[%swap3A_580] {strides = array<i32>} : memref<1024xf32, #tpu.memory_space<vmem>>, vector<16xf32>,
      %swap3A_582 = vector.shape_cast %swap3A_581 : vector<16xf32> to vector<16xf32>
      %swap3A_583 = vector.shape_cast %mul3A_576 : vector<16xf32> to vector<16xf32>
      tpu.vector_store %swap3A_579[%swap3A_580], %swap3A_583 {strides = array<i32>} : memref<1024xf32, #tpu.memory_space<vmem>>, vector<16xf32>,
      %get3A_584 = arith.constant 0 : i32
      %get3A_585 = tpu.memref_slice %arg9[%scan3A_74, %get3A_584] : memref<32x1024xf32, #tpu.memory_space<vmem>> -> memref<1x1024xf32, #tpu.memory_space<vmem>>
      %get3A_586 = tpu.memref_squeeze %get3A_585 : memref<1x1024xf32, #tpu.memory_space<vmem>> -> memref<1024xf32, #tpu.memory_space<vmem>>
      %get3A_587 = arith.constant 576 : index
      %get3A_588 = tpu.vector_load %get3A_586[%get3A_587] {strides = array<i32>} : memref<1024xf32, #tpu.memory_space<vmem>>, vector<16xf32>,
      %get3A_589 = vector.shape_cast %get3A_588 : vector<16xf32> to vector<16xf32>
      %mul3A_590 = arith.mulf %get3A_589, %get3A_80 : vector<16xf32>
      %swap3A_591 = arith.constant 0 : i32
      %swap3A_592 = tpu.memref_slice %arg9[%scan3A_74, %swap3A_591] : memref<32x1024xf32, #tpu.memory_space<vmem>> -> memref<1x1024xf32, #tpu.memory_space<vmem>>
      %swap3A_593 = tpu.memref_squeeze %swap3A_592 : memref<1x1024xf32, #tpu.memory_space<vmem>> -> memref<1024xf32, #tpu.memory_space<vmem>>
      %swap3A_594 = arith.constant 576 : index
      %swap3A_595 = tpu.vector_load %swap3A_593[%swap3A_594] {strides = array<i32>} : memref<1024xf32, #tpu.memory_space<vmem>>, vector<16xf32>,
      %swap3A_596 = vector.shape_cast %swap3A_595 : vector<16xf32> to vector<16xf32>
      %swap3A_597 = vector.shape_cast %mul3A_590 : vector<16xf32> to vector<16xf32>
      tpu.vector_store %swap3A_593[%swap3A_594], %swap3A_597 {strides = array<i32>} : memref<1024xf32, #tpu.memory_space<vmem>>, vector<16xf32>,
      %get3A_598 = arith.constant 0 : i32
      %get3A_599 = tpu.memref_slice %arg9[%scan3A_74, %get3A_598] : memref<32x1024xf32, #tpu.memory_space<vmem>> -> memref<1x1024xf32, #tpu.memory_space<vmem>>
      %get3A_600 = tpu.memref_squeeze %get3A_599 : memref<1x1024xf32, #tpu.memory_space<vmem>> -> memref<1024xf32, #tpu.memory_space<vmem>>
      %get3A_601 = arith.constant 592 : index
      %get3A_602 = tpu.vector_load %get3A_600[%get3A_601] {strides = array<i32>} : memref<1024xf32, #tpu.memory_space<vmem>>, vector<16xf32>,
      %get3A_603 = vector.shape_cast %get3A_602 : vector<16xf32> to vector<16xf32>
      %mul3A_604 = arith.mulf %get3A_603, %get3A_80 : vector<16xf32>
      %swap3A_605 = arith.constant 0 : i32
      %swap3A_606 = tpu.memref_slice %arg9[%scan3A_74, %swap3A_605] : memref<32x1024xf32, #tpu.memory_space<vmem>> -> memref<1x1024xf32, #tpu.memory_space<vmem>>
      %swap3A_607 = tpu.memref_squeeze %swap3A_606 : memref<1x1024xf32, #tpu.memory_space<vmem>> -> memref<1024xf32, #tpu.memory_space<vmem>>
      %swap3A_608 = arith.constant 592 : index
      %swap3A_609 = tpu.vector_load %swap3A_607[%swap3A_608] {strides = array<i32>} : memref<1024xf32, #tpu.memory_space<vmem>>, vector<16xf32>,
      %swap3A_610 = vector.shape_cast %swap3A_609 : vector<16xf32> to vector<16xf32>
      %swap3A_611 = vector.shape_cast %mul3A_604 : vector<16xf32> to vector<16xf32>
      tpu.vector_store %swap3A_607[%swap3A_608], %swap3A_611 {strides = array<i32>} : memref<1024xf32, #tpu.memory_space<vmem>>, vector<16xf32>,
      %get3A_612 = arith.constant 0 : i32
      %get3A_613 = tpu.memref_slice %arg9[%scan3A_74, %get3A_612] : memref<32x1024xf32, #tpu.memory_space<vmem>> -> memref<1x1024xf32, #tpu.memory_space<vmem>>
      %get3A_614 = tpu.memref_squeeze %get3A_613 : memref<1x1024xf32, #tpu.memory_space<vmem>> -> memref<1024xf32, #tpu.memory_space<vmem>>
      %get3A_615 = arith.constant 608 : index
      %get3A_616 = tpu.vector_load %get3A_614[%get3A_615] {strides = array<i32>} : memref<1024xf32, #tpu.memory_space<vmem>>, vector<16xf32>,
      %get3A_617 = vector.shape_cast %get3A_616 : vector<16xf32> to vector<16xf32>
      %mul3A_618 = arith.mulf %get3A_617, %get3A_80 : vector<16xf32>
      %swap3A_619 = arith.constant 0 : i32
      %swap3A_620 = tpu.memref_slice %arg9[%scan3A_74, %swap3A_619] : memref<32x1024xf32, #tpu.memory_space<vmem>> -> memref<1x1024xf32, #tpu.memory_space<vmem>>
      %swap3A_621 = tpu.memref_squeeze %swap3A_620 : memref<1x1024xf32, #tpu.memory_space<vmem>> -> memref<1024xf32, #tpu.memory_space<vmem>>
      %swap3A_622 = arith.constant 608 : index
      %swap3A_623 = tpu.vector_load %swap3A_621[%swap3A_622] {strides = array<i32>} : memref<1024xf32, #tpu.memory_space<vmem>>, vector<16xf32>,
      %swap3A_624 = vector.shape_cast %swap3A_623 : vector<16xf32> to vector<16xf32>
      %swap3A_625 = vector.shape_cast %mul3A_618 : vector<16xf32> to vector<16xf32>
      tpu.vector_store %swap3A_621[%swap3A_622], %swap3A_625 {strides = array<i32>} : memref<1024xf32, #tpu.memory_space<vmem>>, vector<16xf32>,
      %get3A_626 = arith.constant 0 : i32
      %get3A_627 = tpu.memref_slice %arg9[%scan3A_74, %get3A_626] : memref<32x1024xf32, #tpu.memory_space<vmem>> -> memref<1x1024xf32, #tpu.memory_space<vmem>>
      %get3A_628 = tpu.memref_squeeze %get3A_627 : memref<1x1024xf32, #tpu.memory_space<vmem>> -> memref<1024xf32, #tpu.memory_space<vmem>>
      %get3A_629 = arith.constant 624 : index
      %get3A_630 = tpu.vector_load %get3A_628[%get3A_629] {strides = array<i32>} : memref<1024xf32, #tpu.memory_space<vmem>>, vector<16xf32>,
      %get3A_631 = vector.shape_cast %get3A_630 : vector<16xf32> to vector<16xf32>
      %mul3A_632 = arith.mulf %get3A_631, %get3A_80 : vector<16xf32>
      %swap3A_633 = arith.constant 0 : i32
      %swap3A_634 = tpu.memref_slice %arg9[%scan3A_74, %swap3A_633] : memref<32x1024xf32, #tpu.memory_space<vmem>> -> memref<1x1024xf32, #tpu.memory_space<vmem>>
      %swap3A_635 = tpu.memref_squeeze %swap3A_634 : memref<1x1024xf32, #tpu.memory_space<vmem>> -> memref<1024xf32, #tpu.memory_space<vmem>>
      %swap3A_636 = arith.constant 624 : index
      %swap3A_637 = tpu.vector_load %swap3A_635[%swap3A_636] {strides = array<i32>} : memref<1024xf32, #tpu.memory_space<vmem>>, vector<16xf32>,
      %swap3A_638 = vector.shape_cast %swap3A_637 : vector<16xf32> to vector<16xf32>
      %swap3A_639 = vector.shape_cast %mul3A_632 : vector<16xf32> to vector<16xf32>
      tpu.vector_store %swap3A_635[%swap3A_636], %swap3A_639 {strides = array<i32>} : memref<1024xf32, #tpu.memory_space<vmem>>, vector<16xf32>,
      %get3A_640 = arith.constant 0 : i32
      %get3A_641 = tpu.memref_slice %arg9[%scan3A_74, %get3A_640] : memref<32x1024xf32, #tpu.memory_space<vmem>> -> memref<1x1024xf32, #tpu.memory_space<vmem>>
      %get3A_642 = tpu.memref_squeeze %get3A_641 : memref<1x1024xf32, #tpu.memory_space<vmem>> -> memref<1024xf32, #tpu.memory_space<vmem>>
      %get3A_643 = arith.constant 640 : index
      %get3A_644 = tpu.vector_load %get3A_642[%get3A_643] {strides = array<i32>} : memref<1024xf32, #tpu.memory_space<vmem>>, vector<16xf32>,
      %get3A_645 = vector.shape_cast %get3A_644 : vector<16xf32> to vector<16xf32>
      %mul3A_646 = arith.mulf %get3A_645, %get3A_80 : vector<16xf32>
      %swap3A_647 = arith.constant 0 : i32
      %swap3A_648 = tpu.memref_slice %arg9[%scan3A_74, %swap3A_647] : memref<32x1024xf32, #tpu.memory_space<vmem>> -> memref<1x1024xf32, #tpu.memory_space<vmem>>
      %swap3A_649 = tpu.memref_squeeze %swap3A_648 : memref<1x1024xf32, #tpu.memory_space<vmem>> -> memref<1024xf32, #tpu.memory_space<vmem>>
      %swap3A_650 = arith.constant 640 : index
      %swap3A_651 = tpu.vector_load %swap3A_649[%swap3A_650] {strides = array<i32>} : memref<1024xf32, #tpu.memory_space<vmem>>, vector<16xf32>,
      %swap3A_652 = vector.shape_cast %swap3A_651 : vector<16xf32> to vector<16xf32>
      %swap3A_653 = vector.shape_cast %mul3A_646 : vector<16xf32> to vector<16xf32>
      tpu.vector_store %swap3A_649[%swap3A_650], %swap3A_653 {strides = array<i32>} : memref<1024xf32, #tpu.memory_space<vmem>>, vector<16xf32>,
      %get3A_654 = arith.constant 0 : i32
      %get3A_655 = tpu.memref_slice %arg9[%scan3A_74, %get3A_654] : memref<32x1024xf32, #tpu.memory_space<vmem>> -> memref<1x1024xf32, #tpu.memory_space<vmem>>
      %get3A_656 = tpu.memref_squeeze %get3A_655 : memref<1x1024xf32, #tpu.memory_space<vmem>> -> memref<1024xf32, #tpu.memory_space<vmem>>
      %get3A_657 = arith.constant 656 : index
      %get3A_658 = tpu.vector_load %get3A_656[%get3A_657] {strides = array<i32>} : memref<1024xf32, #tpu.memory_space<vmem>>, vector<16xf32>,
      %get3A_659 = vector.shape_cast %get3A_658 : vector<16xf32> to vector<16xf32>
      %mul3A_660 = arith.mulf %get3A_659, %get3A_80 : vector<16xf32>
      %swap3A_661 = arith.constant 0 : i32
      %swap3A_662 = tpu.memref_slice %arg9[%scan3A_74, %swap3A_661] : memref<32x1024xf32, #tpu.memory_space<vmem>> -> memref<1x1024xf32, #tpu.memory_space<vmem>>
      %swap3A_663 = tpu.memref_squeeze %swap3A_662 : memref<1x1024xf32, #tpu.memory_space<vmem>> -> memref<1024xf32, #tpu.memory_space<vmem>>
      %swap3A_664 = arith.constant 656 : index
      %swap3A_665 = tpu.vector_load %swap3A_663[%swap3A_664] {strides = array<i32>} : memref<1024xf32, #tpu.memory_space<vmem>>, vector<16xf32>,
      %swap3A_666 = vector.shape_cast %swap3A_665 : vector<16xf32> to vector<16xf32>
      %swap3A_667 = vector.shape_cast %mul3A_660 : vector<16xf32> to vector<16xf32>
      tpu.vector_store %swap3A_663[%swap3A_664], %swap3A_667 {strides = array<i32>} : memref<1024xf32, #tpu.memory_space<vmem>>, vector<16xf32>,
      %get3A_668 = arith.constant 0 : i32
      %get3A_669 = tpu.memref_slice %arg9[%scan3A_74, %get3A_668] : memref<32x1024xf32, #tpu.memory_space<vmem>> -> memref<1x1024xf32, #tpu.memory_space<vmem>>
      %get3A_670 = tpu.memref_squeeze %get3A_669 : memref<1x1024xf32, #tpu.memory_space<vmem>> -> memref<1024xf32, #tpu.memory_space<vmem>>
      %get3A_671 = arith.constant 672 : index
      %get3A_672 = tpu.vector_load %get3A_670[%get3A_671] {strides = array<i32>} : memref<1024xf32, #tpu.memory_space<vmem>>, vector<16xf32>,
      %get3A_673 = vector.shape_cast %get3A_672 : vector<16xf32> to vector<16xf32>
      %mul3A_674 = arith.mulf %get3A_673, %get3A_80 : vector<16xf32>
      %swap3A_675 = arith.constant 0 : i32
      %swap3A_676 = tpu.memref_slice %arg9[%scan3A_74, %swap3A_675] : memref<32x1024xf32, #tpu.memory_space<vmem>> -> memref<1x1024xf32, #tpu.memory_space<vmem>>
      %swap3A_677 = tpu.memref_squeeze %swap3A_676 : memref<1x1024xf32, #tpu.memory_space<vmem>> -> memref<1024xf32, #tpu.memory_space<vmem>>
      %swap3A_678 = arith.constant 672 : index
      %swap3A_679 = tpu.vector_load %swap3A_677[%swap3A_678] {strides = array<i32>} : memref<1024xf32, #tpu.memory_space<vmem>>, vector<16xf32>,
      %swap3A_680 = vector.shape_cast %swap3A_679 : vector<16xf32> to vector<16xf32>
      %swap3A_681 = vector.shape_cast %mul3A_674 : vector<16xf32> to vector<16xf32>
      tpu.vector_store %swap3A_677[%swap3A_678], %swap3A_681 {strides = array<i32>} : memref<1024xf32, #tpu.memory_space<vmem>>, vector<16xf32>,
      %get3A_682 = arith.constant 0 : i32
      %get3A_683 = tpu.memref_slice %arg9[%scan3A_74, %get3A_682] : memref<32x1024xf32, #tpu.memory_space<vmem>> -> memref<1x1024xf32, #tpu.memory_space<vmem>>
      %get3A_684 = tpu.memref_squeeze %get3A_683 : memref<1x1024xf32, #tpu.memory_space<vmem>> -> memref<1024xf32, #tpu.memory_space<vmem>>
      %get3A_685 = arith.constant 688 : index
      %get3A_686 = tpu.vector_load %get3A_684[%get3A_685] {strides = array<i32>} : memref<1024xf32, #tpu.memory_space<vmem>>, vector<16xf32>,
      %get3A_687 = vector.shape_cast %get3A_686 : vector<16xf32> to vector<16xf32>
      %mul3A_688 = arith.mulf %get3A_687, %get3A_80 : vector<16xf32>
      %swap3A_689 = arith.constant 0 : i32
      %swap3A_690 = tpu.memref_slice %arg9[%scan3A_74, %swap3A_689] : memref<32x1024xf32, #tpu.memory_space<vmem>> -> memref<1x1024xf32, #tpu.memory_space<vmem>>
      %swap3A_691 = tpu.memref_squeeze %swap3A_690 : memref<1x1024xf32, #tpu.memory_space<vmem>> -> memref<1024xf32, #tpu.memory_space<vmem>>
      %swap3A_692 = arith.constant 688 : index
      %swap3A_693 = tpu.vector_load %swap3A_691[%swap3A_692] {strides = array<i32>} : memref<1024xf32, #tpu.memory_space<vmem>>, vector<16xf32>,
      %swap3A_694 = vector.shape_cast %swap3A_693 : vector<16xf32> to vector<16xf32>
      %swap3A_695 = vector.shape_cast %mul3A_688 : vector<16xf32> to vector<16xf32>
      tpu.vector_store %swap3A_691[%swap3A_692], %swap3A_695 {strides = array<i32>} : memref<1024xf32, #tpu.memory_space<vmem>>, vector<16xf32>,
      %get3A_696 = arith.constant 0 : i32
      %get3A_697 = tpu.memref_slice %arg9[%scan3A_74, %get3A_696] : memref<32x1024xf32, #tpu.memory_space<vmem>> -> memref<1x1024xf32, #tpu.memory_space<vmem>>
      %get3A_698 = tpu.memref_squeeze %get3A_697 : memref<1x1024xf32, #tpu.memory_space<vmem>> -> memref<1024xf32, #tpu.memory_space<vmem>>
      %get3A_699 = arith.constant 704 : index
      %get3A_700 = tpu.vector_load %get3A_698[%get3A_699] {strides = array<i32>} : memref<1024xf32, #tpu.memory_space<vmem>>, vector<16xf32>,
      %get3A_701 = vector.shape_cast %get3A_700 : vector<16xf32> to vector<16xf32>
      %mul3A_702 = arith.mulf %get3A_701, %get3A_80 : vector<16xf32>
      %swap3A_703 = arith.constant 0 : i32
      %swap3A_704 = tpu.memref_slice %arg9[%scan3A_74, %swap3A_703] : memref<32x1024xf32, #tpu.memory_space<vmem>> -> memref<1x1024xf32, #tpu.memory_space<vmem>>
      %swap3A_705 = tpu.memref_squeeze %swap3A_704 : memref<1x1024xf32, #tpu.memory_space<vmem>> -> memref<1024xf32, #tpu.memory_space<vmem>>
      %swap3A_706 = arith.constant 704 : index
      %swap3A_707 = tpu.vector_load %swap3A_705[%swap3A_706] {strides = array<i32>} : memref<1024xf32, #tpu.memory_space<vmem>>, vector<16xf32>,
      %swap3A_708 = vector.shape_cast %swap3A_707 : vector<16xf32> to vector<16xf32>
      %swap3A_709 = vector.shape_cast %mul3A_702 : vector<16xf32> to vector<16xf32>
      tpu.vector_store %swap3A_705[%swap3A_706], %swap3A_709 {strides = array<i32>} : memref<1024xf32, #tpu.memory_space<vmem>>, vector<16xf32>,
      %get3A_710 = arith.constant 0 : i32
      %get3A_711 = tpu.memref_slice %arg9[%scan3A_74, %get3A_710] : memref<32x1024xf32, #tpu.memory_space<vmem>> -> memref<1x1024xf32, #tpu.memory_space<vmem>>
      %get3A_712 = tpu.memref_squeeze %get3A_711 : memref<1x1024xf32, #tpu.memory_space<vmem>> -> memref<1024xf32, #tpu.memory_space<vmem>>
      %get3A_713 = arith.constant 720 : index
      %get3A_714 = tpu.vector_load %get3A_712[%get3A_713] {strides = array<i32>} : memref<1024xf32, #tpu.memory_space<vmem>>, vector<16xf32>,
      %get3A_715 = vector.shape_cast %get3A_714 : vector<16xf32> to vector<16xf32>
      %mul3A_716 = arith.mulf %get3A_715, %get3A_80 : vector<16xf32>
      %swap3A_717 = arith.constant 0 : i32
      %swap3A_718 = tpu.memref_slice %arg9[%scan3A_74, %swap3A_717] : memref<32x1024xf32, #tpu.memory_space<vmem>> -> memref<1x1024xf32, #tpu.memory_space<vmem>>
      %swap3A_719 = tpu.memref_squeeze %swap3A_718 : memref<1x1024xf32, #tpu.memory_space<vmem>> -> memref<1024xf32, #tpu.memory_space<vmem>>
      %swap3A_720 = arith.constant 720 : index
      %swap3A_721 = tpu.vector_load %swap3A_719[%swap3A_720] {strides = array<i32>} : memref<1024xf32, #tpu.memory_space<vmem>>, vector<16xf32>,
      %swap3A_722 = vector.shape_cast %swap3A_721 : vector<16xf32> to vector<16xf32>
      %swap3A_723 = vector.shape_cast %mul3A_716 : vector<16xf32> to vector<16xf32>
      tpu.vector_store %swap3A_719[%swap3A_720], %swap3A_723 {strides = array<i32>} : memref<1024xf32, #tpu.memory_space<vmem>>, vector<16xf32>,
      %get3A_724 = arith.constant 0 : i32
      %get3A_725 = tpu.memref_slice %arg9[%scan3A_74, %get3A_724] : memref<32x1024xf32, #tpu.memory_space<vmem>> -> memref<1x1024xf32, #tpu.memory_space<vmem>>
      %get3A_726 = tpu.memref_squeeze %get3A_725 : memref<1x1024xf32, #tpu.memory_space<vmem>> -> memref<1024xf32, #tpu.memory_space<vmem>>
      %get3A_727 = arith.constant 736 : index
      %get3A_728 = tpu.vector_load %get3A_726[%get3A_727] {strides = array<i32>} : memref<1024xf32, #tpu.memory_space<vmem>>, vector<16xf32>,
      %get3A_729 = vector.shape_cast %get3A_728 : vector<16xf32> to vector<16xf32>
      %mul3A_730 = arith.mulf %get3A_729, %get3A_80 : vector<16xf32>
      %swap3A_731 = arith.constant 0 : i32
      %swap3A_732 = tpu.memref_slice %arg9[%scan3A_74, %swap3A_731] : memref<32x1024xf32, #tpu.memory_space<vmem>> -> memref<1x1024xf32, #tpu.memory_space<vmem>>
      %swap3A_733 = tpu.memref_squeeze %swap3A_732 : memref<1x1024xf32, #tpu.memory_space<vmem>> -> memref<1024xf32, #tpu.memory_space<vmem>>
      %swap3A_734 = arith.constant 736 : index
      %swap3A_735 = tpu.vector_load %swap3A_733[%swap3A_734] {strides = array<i32>} : memref<1024xf32, #tpu.memory_space<vmem>>, vector<16xf32>,
      %swap3A_736 = vector.shape_cast %swap3A_735 : vector<16xf32> to vector<16xf32>
      %swap3A_737 = vector.shape_cast %mul3A_730 : vector<16xf32> to vector<16xf32>
      tpu.vector_store %swap3A_733[%swap3A_734], %swap3A_737 {strides = array<i32>} : memref<1024xf32, #tpu.memory_space<vmem>>, vector<16xf32>,
      %get3A_738 = arith.constant 0 : i32
      %get3A_739 = tpu.memref_slice %arg9[%scan3A_74, %get3A_738] : memref<32x1024xf32, #tpu.memory_space<vmem>> -> memref<1x1024xf32, #tpu.memory_space<vmem>>
      %get3A_740 = tpu.memref_squeeze %get3A_739 : memref<1x1024xf32, #tpu.memory_space<vmem>> -> memref<1024xf32, #tpu.memory_space<vmem>>
      %get3A_741 = arith.constant 752 : index
      %get3A_742 = tpu.vector_load %get3A_740[%get3A_741] {strides = array<i32>} : memref<1024xf32, #tpu.memory_space<vmem>>, vector<16xf32>,
      %get3A_743 = vector.shape_cast %get3A_742 : vector<16xf32> to vector<16xf32>
      %mul3A_744 = arith.mulf %get3A_743, %get3A_80 : vector<16xf32>
      %swap3A_745 = arith.constant 0 : i32
      %swap3A_746 = tpu.memref_slice %arg9[%scan3A_74, %swap3A_745] : memref<32x1024xf32, #tpu.memory_space<vmem>> -> memref<1x1024xf32, #tpu.memory_space<vmem>>
      %swap3A_747 = tpu.memref_squeeze %swap3A_746 : memref<1x1024xf32, #tpu.memory_space<vmem>> -> memref<1024xf32, #tpu.memory_space<vmem>>
      %swap3A_748 = arith.constant 752 : index
      %swap3A_749 = tpu.vector_load %swap3A_747[%swap3A_748] {strides = array<i32>} : memref<1024xf32, #tpu.memory_space<vmem>>, vector<16xf32>,
      %swap3A_750 = vector.shape_cast %swap3A_749 : vector<16xf32> to vector<16xf32>
      %swap3A_751 = vector.shape_cast %mul3A_744 : vector<16xf32> to vector<16xf32>
      tpu.vector_store %swap3A_747[%swap3A_748], %swap3A_751 {strides = array<i32>} : memref<1024xf32, #tpu.memory_space<vmem>>, vector<16xf32>,
      %get3A_752 = arith.constant 0 : i32
      %get3A_753 = tpu.memref_slice %arg9[%scan3A_74, %get3A_752] : memref<32x1024xf32, #tpu.memory_space<vmem>> -> memref<1x1024xf32, #tpu.memory_space<vmem>>
      %get3A_754 = tpu.memref_squeeze %get3A_753 : memref<1x1024xf32, #tpu.memory_space<vmem>> -> memref<1024xf32, #tpu.memory_space<vmem>>
      %get3A_755 = arith.constant 768 : index
      %get3A_756 = tpu.vector_load %get3A_754[%get3A_755] {strides = array<i32>} : memref<1024xf32, #tpu.memory_space<vmem>>, vector<16xf32>,
      %get3A_757 = vector.shape_cast %get3A_756 : vector<16xf32> to vector<16xf32>
      %mul3A_758 = arith.mulf %get3A_757, %get3A_80 : vector<16xf32>
      %swap3A_759 = arith.constant 0 : i32
      %swap3A_760 = tpu.memref_slice %arg9[%scan3A_74, %swap3A_759] : memref<32x1024xf32, #tpu.memory_space<vmem>> -> memref<1x1024xf32, #tpu.memory_space<vmem>>
      %swap3A_761 = tpu.memref_squeeze %swap3A_760 : memref<1x1024xf32, #tpu.memory_space<vmem>> -> memref<1024xf32, #tpu.memory_space<vmem>>
      %swap3A_762 = arith.constant 768 : index
      %swap3A_763 = tpu.vector_load %swap3A_761[%swap3A_762] {strides = array<i32>} : memref<1024xf32, #tpu.memory_space<vmem>>, vector<16xf32>,
      %swap3A_764 = vector.shape_cast %swap3A_763 : vector<16xf32> to vector<16xf32>
      %swap3A_765 = vector.shape_cast %mul3A_758 : vector<16xf32> to vector<16xf32>
      tpu.vector_store %swap3A_761[%swap3A_762], %swap3A_765 {strides = array<i32>} : memref<1024xf32, #tpu.memory_space<vmem>>, vector<16xf32>,
      %get3A_766 = arith.constant 0 : i32
      %get3A_767 = tpu.memref_slice %arg9[%scan3A_74, %get3A_766] : memref<32x1024xf32, #tpu.memory_space<vmem>> -> memref<1x1024xf32, #tpu.memory_space<vmem>>
      %get3A_768 = tpu.memref_squeeze %get3A_767 : memref<1x1024xf32, #tpu.memory_space<vmem>> -> memref<1024xf32, #tpu.memory_space<vmem>>
      %get3A_769 = arith.constant 784 : index
      %get3A_770 = tpu.vector_load %get3A_768[%get3A_769] {strides = array<i32>} : memref<1024xf32, #tpu.memory_space<vmem>>, vector<16xf32>,
      %get3A_771 = vector.shape_cast %get3A_770 : vector<16xf32> to vector<16xf32>
      %mul3A_772 = arith.mulf %get3A_771, %get3A_80 : vector<16xf32>
      %swap3A_773 = arith.constant 0 : i32
      %swap3A_774 = tpu.memref_slice %arg9[%scan3A_74, %swap3A_773] : memref<32x1024xf32, #tpu.memory_space<vmem>> -> memref<1x1024xf32, #tpu.memory_space<vmem>>
      %swap3A_775 = tpu.memref_squeeze %swap3A_774 : memref<1x1024xf32, #tpu.memory_space<vmem>> -> memref<1024xf32, #tpu.memory_space<vmem>>
      %swap3A_776 = arith.constant 784 : index
      %swap3A_777 = tpu.vector_load %swap3A_775[%swap3A_776] {strides = array<i32>} : memref<1024xf32, #tpu.memory_space<vmem>>, vector<16xf32>,
      %swap3A_778 = vector.shape_cast %swap3A_777 : vector<16xf32> to vector<16xf32>
      %swap3A_779 = vector.shape_cast %mul3A_772 : vector<16xf32> to vector<16xf32>
      tpu.vector_store %swap3A_775[%swap3A_776], %swap3A_779 {strides = array<i32>} : memref<1024xf32, #tpu.memory_space<vmem>>, vector<16xf32>,
      %get3A_780 = arith.constant 0 : i32
      %get3A_781 = tpu.memref_slice %arg9[%scan3A_74, %get3A_780] : memref<32x1024xf32, #tpu.memory_space<vmem>> -> memref<1x1024xf32, #tpu.memory_space<vmem>>
      %get3A_782 = tpu.memref_squeeze %get3A_781 : memref<1x1024xf32, #tpu.memory_space<vmem>> -> memref<1024xf32, #tpu.memory_space<vmem>>
      %get3A_783 = arith.constant 800 : index
      %get3A_784 = tpu.vector_load %get3A_782[%get3A_783] {strides = array<i32>} : memref<1024xf32, #tpu.memory_space<vmem>>, vector<16xf32>,
      %get3A_785 = vector.shape_cast %get3A_784 : vector<16xf32> to vector<16xf32>
      %mul3A_786 = arith.mulf %get3A_785, %get3A_80 : vector<16xf32>
      %swap3A_787 = arith.constant 0 : i32
      %swap3A_788 = tpu.memref_slice %arg9[%scan3A_74, %swap3A_787] : memref<32x1024xf32, #tpu.memory_space<vmem>> -> memref<1x1024xf32, #tpu.memory_space<vmem>>
      %swap3A_789 = tpu.memref_squeeze %swap3A_788 : memref<1x1024xf32, #tpu.memory_space<vmem>> -> memref<1024xf32, #tpu.memory_space<vmem>>
      %swap3A_790 = arith.constant 800 : index
      %swap3A_791 = tpu.vector_load %swap3A_789[%swap3A_790] {strides = array<i32>} : memref<1024xf32, #tpu.memory_space<vmem>>, vector<16xf32>,
      %swap3A_792 = vector.shape_cast %swap3A_791 : vector<16xf32> to vector<16xf32>
      %swap3A_793 = vector.shape_cast %mul3A_786 : vector<16xf32> to vector<16xf32>
      tpu.vector_store %swap3A_789[%swap3A_790], %swap3A_793 {strides = array<i32>} : memref<1024xf32, #tpu.memory_space<vmem>>, vector<16xf32>,
      %get3A_794 = arith.constant 0 : i32
      %get3A_795 = tpu.memref_slice %arg9[%scan3A_74, %get3A_794] : memref<32x1024xf32, #tpu.memory_space<vmem>> -> memref<1x1024xf32, #tpu.memory_space<vmem>>
      %get3A_796 = tpu.memref_squeeze %get3A_795 : memref<1x1024xf32, #tpu.memory_space<vmem>> -> memref<1024xf32, #tpu.memory_space<vmem>>
      %get3A_797 = arith.constant 816 : index
      %get3A_798 = tpu.vector_load %get3A_796[%get3A_797] {strides = array<i32>} : memref<1024xf32, #tpu.memory_space<vmem>>, vector<16xf32>,
      %get3A_799 = vector.shape_cast %get3A_798 : vector<16xf32> to vector<16xf32>
      %mul3A_800 = arith.mulf %get3A_799, %get3A_80 : vector<16xf32>
      %swap3A_801 = arith.constant 0 : i32
      %swap3A_802 = tpu.memref_slice %arg9[%scan3A_74, %swap3A_801] : memref<32x1024xf32, #tpu.memory_space<vmem>> -> memref<1x1024xf32, #tpu.memory_space<vmem>>
      %swap3A_803 = tpu.memref_squeeze %swap3A_802 : memref<1x1024xf32, #tpu.memory_space<vmem>> -> memref<1024xf32, #tpu.memory_space<vmem>>
      %swap3A_804 = arith.constant 816 : index
      %swap3A_805 = tpu.vector_load %swap3A_803[%swap3A_804] {strides = array<i32>} : memref<1024xf32, #tpu.memory_space<vmem>>, vector<16xf32>,
      %swap3A_806 = vector.shape_cast %swap3A_805 : vector<16xf32> to vector<16xf32>
      %swap3A_807 = vector.shape_cast %mul3A_800 : vector<16xf32> to vector<16xf32>
      tpu.vector_store %swap3A_803[%swap3A_804], %swap3A_807 {strides = array<i32>} : memref<1024xf32, #tpu.memory_space<vmem>>, vector<16xf32>,
      %get3A_808 = arith.constant 0 : i32
      %get3A_809 = tpu.memref_slice %arg9[%scan3A_74, %get3A_808] : memref<32x1024xf32, #tpu.memory_space<vmem>> -> memref<1x1024xf32, #tpu.memory_space<vmem>>
      %get3A_810 = tpu.memref_squeeze %get3A_809 : memref<1x1024xf32, #tpu.memory_space<vmem>> -> memref<1024xf32, #tpu.memory_space<vmem>>
      %get3A_811 = arith.constant 832 : index
      %get3A_812 = tpu.vector_load %get3A_810[%get3A_811] {strides = array<i32>} : memref<1024xf32, #tpu.memory_space<vmem>>, vector<16xf32>,
      %get3A_813 = vector.shape_cast %get3A_812 : vector<16xf32> to vector<16xf32>
      %mul3A_814 = arith.mulf %get3A_813, %get3A_80 : vector<16xf32>
      %swap3A_815 = arith.constant 0 : i32
      %swap3A_816 = tpu.memref_slice %arg9[%scan3A_74, %swap3A_815] : memref<32x1024xf32, #tpu.memory_space<vmem>> -> memref<1x1024xf32, #tpu.memory_space<vmem>>
      %swap3A_817 = tpu.memref_squeeze %swap3A_816 : memref<1x1024xf32, #tpu.memory_space<vmem>> -> memref<1024xf32, #tpu.memory_space<vmem>>
      %swap3A_818 = arith.constant 832 : index
      %swap3A_819 = tpu.vector_load %swap3A_817[%swap3A_818] {strides = array<i32>} : memref<1024xf32, #tpu.memory_space<vmem>>, vector<16xf32>,
      %swap3A_820 = vector.shape_cast %swap3A_819 : vector<16xf32> to vector<16xf32>
      %swap3A_821 = vector.shape_cast %mul3A_814 : vector<16xf32> to vector<16xf32>
      tpu.vector_store %swap3A_817[%swap3A_818], %swap3A_821 {strides = array<i32>} : memref<1024xf32, #tpu.memory_space<vmem>>, vector<16xf32>,
      %get3A_822 = arith.constant 0 : i32
      %get3A_823 = tpu.memref_slice %arg9[%scan3A_74, %get3A_822] : memref<32x1024xf32, #tpu.memory_space<vmem>> -> memref<1x1024xf32, #tpu.memory_space<vmem>>
      %get3A_824 = tpu.memref_squeeze %get3A_823 : memref<1x1024xf32, #tpu.memory_space<vmem>> -> memref<1024xf32, #tpu.memory_space<vmem>>
      %get3A_825 = arith.constant 848 : index
      %get3A_826 = tpu.vector_load %get3A_824[%get3A_825] {strides = array<i32>} : memref<1024xf32, #tpu.memory_space<vmem>>, vector<16xf32>,
      %get3A_827 = vector.shape_cast %get3A_826 : vector<16xf32> to vector<16xf32>
      %mul3A_828 = arith.mulf %get3A_827, %get3A_80 : vector<16xf32>
      %swap3A_829 = arith.constant 0 : i32
      %swap3A_830 = tpu.memref_slice %arg9[%scan3A_74, %swap3A_829] : memref<32x1024xf32, #tpu.memory_space<vmem>> -> memref<1x1024xf32, #tpu.memory_space<vmem>>
      %swap3A_831 = tpu.memref_squeeze %swap3A_830 : memref<1x1024xf32, #tpu.memory_space<vmem>> -> memref<1024xf32, #tpu.memory_space<vmem>>
      %swap3A_832 = arith.constant 848 : index
      %swap3A_833 = tpu.vector_load %swap3A_831[%swap3A_832] {strides = array<i32>} : memref<1024xf32, #tpu.memory_space<vmem>>, vector<16xf32>,
      %swap3A_834 = vector.shape_cast %swap3A_833 : vector<16xf32> to vector<16xf32>
      %swap3A_835 = vector.shape_cast %mul3A_828 : vector<16xf32> to vector<16xf32>
      tpu.vector_store %swap3A_831[%swap3A_832], %swap3A_835 {strides = array<i32>} : memref<1024xf32, #tpu.memory_space<vmem>>, vector<16xf32>,
      %get3A_836 = arith.constant 0 : i32
      %get3A_837 = tpu.memref_slice %arg9[%scan3A_74, %get3A_836] : memref<32x1024xf32, #tpu.memory_space<vmem>> -> memref<1x1024xf32, #tpu.memory_space<vmem>>
      %get3A_838 = tpu.memref_squeeze %get3A_837 : memref<1x1024xf32, #tpu.memory_space<vmem>> -> memref<1024xf32, #tpu.memory_space<vmem>>
      %get3A_839 = arith.constant 864 : index
      %get3A_840 = tpu.vector_load %get3A_838[%get3A_839] {strides = array<i32>} : memref<1024xf32, #tpu.memory_space<vmem>>, vector<16xf32>,
      %get3A_841 = vector.shape_cast %get3A_840 : vector<16xf32> to vector<16xf32>
      %mul3A_842 = arith.mulf %get3A_841, %get3A_80 : vector<16xf32>
      %swap3A_843 = arith.constant 0 : i32
      %swap3A_844 = tpu.memref_slice %arg9[%scan3A_74, %swap3A_843] : memref<32x1024xf32, #tpu.memory_space<vmem>> -> memref<1x1024xf32, #tpu.memory_space<vmem>>
      %swap3A_845 = tpu.memref_squeeze %swap3A_844 : memref<1x1024xf32, #tpu.memory_space<vmem>> -> memref<1024xf32, #tpu.memory_space<vmem>>
      %swap3A_846 = arith.constant 864 : index
      %swap3A_847 = tpu.vector_load %swap3A_845[%swap3A_846] {strides = array<i32>} : memref<1024xf32, #tpu.memory_space<vmem>>, vector<16xf32>,
      %swap3A_848 = vector.shape_cast %swap3A_847 : vector<16xf32> to vector<16xf32>
      %swap3A_849 = vector.shape_cast %mul3A_842 : vector<16xf32> to vector<16xf32>
      tpu.vector_store %swap3A_845[%swap3A_846], %swap3A_849 {strides = array<i32>} : memref<1024xf32, #tpu.memory_space<vmem>>, vector<16xf32>,
      %get3A_850 = arith.constant 0 : i32
      %get3A_851 = tpu.memref_slice %arg9[%scan3A_74, %get3A_850] : memref<32x1024xf32, #tpu.memory_space<vmem>> -> memref<1x1024xf32, #tpu.memory_space<vmem>>
      %get3A_852 = tpu.memref_squeeze %get3A_851 : memref<1x1024xf32, #tpu.memory_space<vmem>> -> memref<1024xf32, #tpu.memory_space<vmem>>
      %get3A_853 = arith.constant 880 : index
      %get3A_854 = tpu.vector_load %get3A_852[%get3A_853] {strides = array<i32>} : memref<1024xf32, #tpu.memory_space<vmem>>, vector<16xf32>,
      %get3A_855 = vector.shape_cast %get3A_854 : vector<16xf32> to vector<16xf32>
      %mul3A_856 = arith.mulf %get3A_855, %get3A_80 : vector<16xf32>
      %swap3A_857 = arith.constant 0 : i32
      %swap3A_858 = tpu.memref_slice %arg9[%scan3A_74, %swap3A_857] : memref<32x1024xf32, #tpu.memory_space<vmem>> -> memref<1x1024xf32, #tpu.memory_space<vmem>>
      %swap3A_859 = tpu.memref_squeeze %swap3A_858 : memref<1x1024xf32, #tpu.memory_space<vmem>> -> memref<1024xf32, #tpu.memory_space<vmem>>
      %swap3A_860 = arith.constant 880 : index
      %swap3A_861 = tpu.vector_load %swap3A_859[%swap3A_860] {strides = array<i32>} : memref<1024xf32, #tpu.memory_space<vmem>>, vector<16xf32>,
      %swap3A_862 = vector.shape_cast %swap3A_861 : vector<16xf32> to vector<16xf32>
      %swap3A_863 = vector.shape_cast %mul3A_856 : vector<16xf32> to vector<16xf32>
      tpu.vector_store %swap3A_859[%swap3A_860], %swap3A_863 {strides = array<i32>} : memref<1024xf32, #tpu.memory_space<vmem>>, vector<16xf32>,
      %get3A_864 = arith.constant 0 : i32
      %get3A_865 = tpu.memref_slice %arg9[%scan3A_74, %get3A_864] : memref<32x1024xf32, #tpu.memory_space<vmem>> -> memref<1x1024xf32, #tpu.memory_space<vmem>>
      %get3A_866 = tpu.memref_squeeze %get3A_865 : memref<1x1024xf32, #tpu.memory_space<vmem>> -> memref<1024xf32, #tpu.memory_space<vmem>>
      %get3A_867 = arith.constant 896 : index
      %get3A_868 = tpu.vector_load %get3A_866[%get3A_867] {strides = array<i32>} : memref<1024xf32, #tpu.memory_space<vmem>>, vector<16xf32>,
      %get3A_869 = vector.shape_cast %get3A_868 : vector<16xf32> to vector<16xf32>
      %mul3A_870 = arith.mulf %get3A_869, %get3A_80 : vector<16xf32>
      %swap3A_871 = arith.constant 0 : i32
      %swap3A_872 = tpu.memref_slice %arg9[%scan3A_74, %swap3A_871] : memref<32x1024xf32, #tpu.memory_space<vmem>> -> memref<1x1024xf32, #tpu.memory_space<vmem>>
      %swap3A_873 = tpu.memref_squeeze %swap3A_872 : memref<1x1024xf32, #tpu.memory_space<vmem>> -> memref<1024xf32, #tpu.memory_space<vmem>>
      %swap3A_874 = arith.constant 896 : index
      %swap3A_875 = tpu.vector_load %swap3A_873[%swap3A_874] {strides = array<i32>} : memref<1024xf32, #tpu.memory_space<vmem>>, vector<16xf32>,
      %swap3A_876 = vector.shape_cast %swap3A_875 : vector<16xf32> to vector<16xf32>
      %swap3A_877 = vector.shape_cast %mul3A_870 : vector<16xf32> to vector<16xf32>
      tpu.vector_store %swap3A_873[%swap3A_874], %swap3A_877 {strides = array<i32>} : memref<1024xf32, #tpu.memory_space<vmem>>, vector<16xf32>,
      %get3A_878 = arith.constant 0 : i32
      %get3A_879 = tpu.memref_slice %arg9[%scan3A_74, %get3A_878] : memref<32x1024xf32, #tpu.memory_space<vmem>> -> memref<1x1024xf32, #tpu.memory_space<vmem>>
      %get3A_880 = tpu.memref_squeeze %get3A_879 : memref<1x1024xf32, #tpu.memory_space<vmem>> -> memref<1024xf32, #tpu.memory_space<vmem>>
      %get3A_881 = arith.constant 912 : index
      %get3A_882 = tpu.vector_load %get3A_880[%get3A_881] {strides = array<i32>} : memref<1024xf32, #tpu.memory_space<vmem>>, vector<16xf32>,
      %get3A_883 = vector.shape_cast %get3A_882 : vector<16xf32> to vector<16xf32>
      %mul3A_884 = arith.mulf %get3A_883, %get3A_80 : vector<16xf32>
      %swap3A_885 = arith.constant 0 : i32
      %swap3A_886 = tpu.memref_slice %arg9[%scan3A_74, %swap3A_885] : memref<32x1024xf32, #tpu.memory_space<vmem>> -> memref<1x1024xf32, #tpu.memory_space<vmem>>
      %swap3A_887 = tpu.memref_squeeze %swap3A_886 : memref<1x1024xf32, #tpu.memory_space<vmem>> -> memref<1024xf32, #tpu.memory_space<vmem>>
      %swap3A_888 = arith.constant 912 : index
      %swap3A_889 = tpu.vector_load %swap3A_887[%swap3A_888] {strides = array<i32>} : memref<1024xf32, #tpu.memory_space<vmem>>, vector<16xf32>,
      %swap3A_890 = vector.shape_cast %swap3A_889 : vector<16xf32> to vector<16xf32>
      %swap3A_891 = vector.shape_cast %mul3A_884 : vector<16xf32> to vector<16xf32>
      tpu.vector_store %swap3A_887[%swap3A_888], %swap3A_891 {strides = array<i32>} : memref<1024xf32, #tpu.memory_space<vmem>>, vector<16xf32>,
      %get3A_892 = arith.constant 0 : i32
      %get3A_893 = tpu.memref_slice %arg9[%scan3A_74, %get3A_892] : memref<32x1024xf32, #tpu.memory_space<vmem>> -> memref<1x1024xf32, #tpu.memory_space<vmem>>
      %get3A_894 = tpu.memref_squeeze %get3A_893 : memref<1x1024xf32, #tpu.memory_space<vmem>> -> memref<1024xf32, #tpu.memory_space<vmem>>
      %get3A_895 = arith.constant 928 : index
      %get3A_896 = tpu.vector_load %get3A_894[%get3A_895] {strides = array<i32>} : memref<1024xf32, #tpu.memory_space<vmem>>, vector<16xf32>,
      %get3A_897 = vector.shape_cast %get3A_896 : vector<16xf32> to vector<16xf32>
      %mul3A_898 = arith.mulf %get3A_897, %get3A_80 : vector<16xf32>
      %swap3A_899 = arith.constant 0 : i32
      %swap3A_900 = tpu.memref_slice %arg9[%scan3A_74, %swap3A_899] : memref<32x1024xf32, #tpu.memory_space<vmem>> -> memref<1x1024xf32, #tpu.memory_space<vmem>>
      %swap3A_901 = tpu.memref_squeeze %swap3A_900 : memref<1x1024xf32, #tpu.memory_space<vmem>> -> memref<1024xf32, #tpu.memory_space<vmem>>
      %swap3A_902 = arith.constant 928 : index
      %swap3A_903 = tpu.vector_load %swap3A_901[%swap3A_902] {strides = array<i32>} : memref<1024xf32, #tpu.memory_space<vmem>>, vector<16xf32>,
      %swap3A_904 = vector.shape_cast %swap3A_903 : vector<16xf32> to vector<16xf32>
      %swap3A_905 = vector.shape_cast %mul3A_898 : vector<16xf32> to vector<16xf32>
      tpu.vector_store %swap3A_901[%swap3A_902], %swap3A_905 {strides = array<i32>} : memref<1024xf32, #tpu.memory_space<vmem>>, vector<16xf32>,
      %get3A_906 = arith.constant 0 : i32
      %get3A_907 = tpu.memref_slice %arg9[%scan3A_74, %get3A_906] : memref<32x1024xf32, #tpu.memory_space<vmem>> -> memref<1x1024xf32, #tpu.memory_space<vmem>>
      %get3A_908 = tpu.memref_squeeze %get3A_907 : memref<1x1024xf32, #tpu.memory_space<vmem>> -> memref<1024xf32, #tpu.memory_space<vmem>>
      %get3A_909 = arith.constant 944 : index
      %get3A_910 = tpu.vector_load %get3A_908[%get3A_909] {strides = array<i32>} : memref<1024xf32, #tpu.memory_space<vmem>>, vector<16xf32>,
      %get3A_911 = vector.shape_cast %get3A_910 : vector<16xf32> to vector<16xf32>
      %mul3A_912 = arith.mulf %get3A_911, %get3A_80 : vector<16xf32>
      %swap3A_913 = arith.constant 0 : i32
      %swap3A_914 = tpu.memref_slice %arg9[%scan3A_74, %swap3A_913] : memref<32x1024xf32, #tpu.memory_space<vmem>> -> memref<1x1024xf32, #tpu.memory_space<vmem>>
      %swap3A_915 = tpu.memref_squeeze %swap3A_914 : memref<1x1024xf32, #tpu.memory_space<vmem>> -> memref<1024xf32, #tpu.memory_space<vmem>>
      %swap3A_916 = arith.constant 944 : index
      %swap3A_917 = tpu.vector_load %swap3A_915[%swap3A_916] {strides = array<i32>} : memref<1024xf32, #tpu.memory_space<vmem>>, vector<16xf32>,
      %swap3A_918 = vector.shape_cast %swap3A_917 : vector<16xf32> to vector<16xf32>
      %swap3A_919 = vector.shape_cast %mul3A_912 : vector<16xf32> to vector<16xf32>
      tpu.vector_store %swap3A_915[%swap3A_916], %swap3A_919 {strides = array<i32>} : memref<1024xf32, #tpu.memory_space<vmem>>, vector<16xf32>,
      %get3A_920 = arith.constant 0 : i32
      %get3A_921 = tpu.memref_slice %arg9[%scan3A_74, %get3A_920] : memref<32x1024xf32, #tpu.memory_space<vmem>> -> memref<1x1024xf32, #tpu.memory_space<vmem>>
      %get3A_922 = tpu.memref_squeeze %get3A_921 : memref<1x1024xf32, #tpu.memory_space<vmem>> -> memref<1024xf32, #tpu.memory_space<vmem>>
      %get3A_923 = arith.constant 960 : index
      %get3A_924 = tpu.vector_load %get3A_922[%get3A_923] {strides = array<i32>} : memref<1024xf32, #tpu.memory_space<vmem>>, vector<16xf32>,
      %get3A_925 = vector.shape_cast %get3A_924 : vector<16xf32> to vector<16xf32>
      %mul3A_926 = arith.mulf %get3A_925, %get3A_80 : vector<16xf32>
      %swap3A_927 = arith.constant 0 : i32
      %swap3A_928 = tpu.memref_slice %arg9[%scan3A_74, %swap3A_927] : memref<32x1024xf32, #tpu.memory_space<vmem>> -> memref<1x1024xf32, #tpu.memory_space<vmem>>
      %swap3A_929 = tpu.memref_squeeze %swap3A_928 : memref<1x1024xf32, #tpu.memory_space<vmem>> -> memref<1024xf32, #tpu.memory_space<vmem>>
      %swap3A_930 = arith.constant 960 : index
      %swap3A_931 = tpu.vector_load %swap3A_929[%swap3A_930] {strides = array<i32>} : memref<1024xf32, #tpu.memory_space<vmem>>, vector<16xf32>,
      %swap3A_932 = vector.shape_cast %swap3A_931 : vector<16xf32> to vector<16xf32>
      %swap3A_933 = vector.shape_cast %mul3A_926 : vector<16xf32> to vector<16xf32>
      tpu.vector_store %swap3A_929[%swap3A_930], %swap3A_933 {strides = array<i32>} : memref<1024xf32, #tpu.memory_space<vmem>>, vector<16xf32>,
      %get3A_934 = arith.constant 0 : i32
      %get3A_935 = tpu.memref_slice %arg9[%scan3A_74, %get3A_934] : memref<32x1024xf32, #tpu.memory_space<vmem>> -> memref<1x1024xf32, #tpu.memory_space<vmem>>
      %get3A_936 = tpu.memref_squeeze %get3A_935 : memref<1x1024xf32, #tpu.memory_space<vmem>> -> memref<1024xf32, #tpu.memory_space<vmem>>
      %get3A_937 = arith.constant 976 : index
      %get3A_938 = tpu.vector_load %get3A_936[%get3A_937] {strides = array<i32>} : memref<1024xf32, #tpu.memory_space<vmem>>, vector<16xf32>,
      %get3A_939 = vector.shape_cast %get3A_938 : vector<16xf32> to vector<16xf32>
      %mul3A_940 = arith.mulf %get3A_939, %get3A_80 : vector<16xf32>
      %swap3A_941 = arith.constant 0 : i32
      %swap3A_942 = tpu.memref_slice %arg9[%scan3A_74, %swap3A_941] : memref<32x1024xf32, #tpu.memory_space<vmem>> -> memref<1x1024xf32, #tpu.memory_space<vmem>>
      %swap3A_943 = tpu.memref_squeeze %swap3A_942 : memref<1x1024xf32, #tpu.memory_space<vmem>> -> memref<1024xf32, #tpu.memory_space<vmem>>
      %swap3A_944 = arith.constant 976 : index
      %swap3A_945 = tpu.vector_load %swap3A_943[%swap3A_944] {strides = array<i32>} : memref<1024xf32, #tpu.memory_space<vmem>>, vector<16xf32>,
      %swap3A_946 = vector.shape_cast %swap3A_945 : vector<16xf32> to vector<16xf32>
      %swap3A_947 = vector.shape_cast %mul3A_940 : vector<16xf32> to vector<16xf32>
      tpu.vector_store %swap3A_943[%swap3A_944], %swap3A_947 {strides = array<i32>} : memref<1024xf32, #tpu.memory_space<vmem>>, vector<16xf32>,
      %get3A_948 = arith.constant 0 : i32
      %get3A_949 = tpu.memref_slice %arg9[%scan3A_74, %get3A_948] : memref<32x1024xf32, #tpu.memory_space<vmem>> -> memref<1x1024xf32, #tpu.memory_space<vmem>>
      %get3A_950 = tpu.memref_squeeze %get3A_949 : memref<1x1024xf32, #tpu.memory_space<vmem>> -> memref<1024xf32, #tpu.memory_space<vmem>>
      %get3A_951 = arith.constant 992 : index
      %get3A_952 = tpu.vector_load %get3A_950[%get3A_951] {strides = array<i32>} : memref<1024xf32, #tpu.memory_space<vmem>>, vector<16xf32>,
      %get3A_953 = vector.shape_cast %get3A_952 : vector<16xf32> to vector<16xf32>
      %mul3A_954 = arith.mulf %get3A_953, %get3A_80 : vector<16xf32>
      %swap3A_955 = arith.constant 0 : i32
      %swap3A_956 = tpu.memref_slice %arg9[%scan3A_74, %swap3A_955] : memref<32x1024xf32, #tpu.memory_space<vmem>> -> memref<1x1024xf32, #tpu.memory_space<vmem>>
      %swap3A_957 = tpu.memref_squeeze %swap3A_956 : memref<1x1024xf32, #tpu.memory_space<vmem>> -> memref<1024xf32, #tpu.memory_space<vmem>>
      %swap3A_958 = arith.constant 992 : index
      %swap3A_959 = tpu.vector_load %swap3A_957[%swap3A_958] {strides = array<i32>} : memref<1024xf32, #tpu.memory_space<vmem>>, vector<16xf32>,
      %swap3A_960 = vector.shape_cast %swap3A_959 : vector<16xf32> to vector<16xf32>
      %swap3A_961 = vector.shape_cast %mul3A_954 : vector<16xf32> to vector<16xf32>
      tpu.vector_store %swap3A_957[%swap3A_958], %swap3A_961 {strides = array<i32>} : memref<1024xf32, #tpu.memory_space<vmem>>, vector<16xf32>,
      %get3A_962 = arith.constant 0 : i32
      %get3A_963 = tpu.memref_slice %arg9[%scan3A_74, %get3A_962] : memref<32x1024xf32, #tpu.memory_space<vmem>> -> memref<1x1024xf32, #tpu.memory_space<vmem>>
      %get3A_964 = tpu.memref_squeeze %get3A_963 : memref<1x1024xf32, #tpu.memory_space<vmem>> -> memref<1024xf32, #tpu.memory_space<vmem>>
      %get3A_965 = arith.constant 1008 : index
      %get3A_966 = tpu.vector_load %get3A_964[%get3A_965] {strides = array<i32>} : memref<1024xf32, #tpu.memory_space<vmem>>, vector<16xf32>,
      %get3A_967 = vector.shape_cast %get3A_966 : vector<16xf32> to vector<16xf32>
      %mul3A_968 = arith.mulf %get3A_967, %get3A_80 : vector<16xf32>
      %swap3A_969 = arith.constant 0 : i32
      %swap3A_970 = tpu.memref_slice %arg9[%scan3A_74, %swap3A_969] : memref<32x1024xf32, #tpu.memory_space<vmem>> -> memref<1x1024xf32, #tpu.memory_space<vmem>>
      %swap3A_971 = tpu.memref_squeeze %swap3A_970 : memref<1x1024xf32, #tpu.memory_space<vmem>> -> memref<1024xf32, #tpu.memory_space<vmem>>
      %swap3A_972 = arith.constant 1008 : index
      %swap3A_973 = tpu.vector_load %swap3A_971[%swap3A_972] {strides = array<i32>} : memref<1024xf32, #tpu.memory_space<vmem>>, vector<16xf32>,
      %swap3A_974 = vector.shape_cast %swap3A_973 : vector<16xf32> to vector<16xf32>
      %swap3A_975 = vector.shape_cast %mul3A_968 : vector<16xf32> to vector<16xf32>
      tpu.vector_store %swap3A_971[%swap3A_972], %swap3A_975 {strides = array<i32>} : memref<1024xf32, #tpu.memory_space<vmem>>, vector<16xf32>,
    }
    %scan3A_40 = arith.constant 32 : i32
    %add3A_41 = arith.constant 32 : i32
    %add3A_42 = arith.addi %mul3A_2, %add3A_41 : i32
    "tpu.region"() ({
      %run_scoped3A = tpu.sem_alloc : memref<!tpu.dma_semaphore, #tpu.memory_space<semaphore_mem>>
      %dma_start3A_74 = arith.constant 0 : i32
      %dma_start3A_75 = tpu.memref_slice %arg5[%add3A_42, %dma_start3A_74] : memref<4096x1024xf32, #tpu.memory_space<hbm>> -> memref<32x1024xf32, #tpu.memory_space<hbm>>
      %dma_start3A_76 = arith.constant 0 : i32
      %dma_start3A_77 = tpu.memref_slice %arg5[%add3A_42, %dma_start3A_76] : memref<4096x1024xf32, #tpu.memory_space<hbm>> -> memref<32x1024xf32, #tpu.memory_space<hbm>>
      tpu.enqueue_dma source(%arg9 : memref<32x1024xf32, #tpu.memory_space<vmem>>) target(%dma_start3A_77 : memref<32x1024xf32, #tpu.memory_space<hbm>>) target_semaphore(%run_scoped3A : memref<!tpu.dma_semaphore, #tpu.memory_space<semaphore_mem>>)
      %dma_wait3A_78 = arith.constant 0 : i32
      %dma_wait3A_79 = tpu.memref_slice %arg5[%add3A_42, %dma_wait3A_78] : memref<4096x1024xf32, #tpu.memory_space<hbm>> -> memref<32x1024xf32, #tpu.memory_space<hbm>>
      %dma_wait3A_80 = arith.constant 0 : i32
      %dma_wait3A_81 = tpu.memref_slice %arg5[%add3A_42, %dma_wait3A_80] : memref<4096x1024xf32, #tpu.memory_space<hbm>> -> memref<32x1024xf32, #tpu.memory_space<hbm>>
      tpu.wait_dma2 semaphore(%run_scoped3A : memref<!tpu.dma_semaphore, #tpu.memory_space<semaphore_mem>>) src(%arg9 : memref<32x1024xf32, #tpu.memory_space<vmem>>) dst(%dma_wait3A_81 : memref<32x1024xf32, #tpu.memory_space<hbm>>)
      tpu.yield
    }) : () -> ()
    %dma_start3A_43 = arith.constant 96 : i32
    %dma_start3A_44 = tpu.memref_slice %arg6[%dma_start3A_43] : memref<128xi32, #tpu.memory_space<vmem>> -> memref<32xi32, #tpu.memory_space<vmem>>
    %dma_start3A_45 = arith.constant 0 : i32
    %dma_start3A_46 = arith.constant 0 : i32
    %dma_start3A_47 = tpu.memref_slice %arg2[%dma_start3A_45, %dma_start3A_46] : memref<4096x1024xf32, #tpu.memory_space<hbm>> -> memref<4096x1024xf32, #tpu.memory_space<hbm>>
    tpu.enqueue_indirect_dma source(%dma_start3A_47 : memref<4096x1024xf32, #tpu.memory_space<hbm>>) target(%arg9 : memref<32x1024xf32, #tpu.memory_space<vmem>>) offsets(%dma_start3A_44 : memref<32xi32, #tpu.memory_space<vmem>>) semaphore(%arg11 : memref<!tpu.dma_semaphore, #tpu.memory_space<semaphore_mem>>)
    %dma_wait3A_48 = arith.constant 64 : i32
    %dma_wait3A_49 = tpu.memref_slice %arg6[%dma_wait3A_48] : memref<128xi32, #tpu.memory_space<vmem>> -> memref<32xi32, #tpu.memory_space<vmem>>
    %dma_wait3A_50 = arith.constant 0 : i32
    %dma_wait3A_51 = arith.constant 0 : i32
    %dma_wait3A_52 = tpu.memref_slice %arg2[%dma_wait3A_50, %dma_wait3A_51] : memref<4096x1024xf32, #tpu.memory_space<hbm>> -> memref<4096x1024xf32, #tpu.memory_space<hbm>>
    tpu.wait_indirect_dma semaphore(%arg10 : memref<!tpu.dma_semaphore, #tpu.memory_space<semaphore_mem>>) src(%dma_wait3A_52 : memref<4096x1024xf32, #tpu.memory_space<hbm>>) dst(%arg8 : memref<32x1024xf32, #tpu.memory_space<vmem>>)
    %scan3A_53 = arith.constant 0 : i32
    %scan3A_54 = arith.constant 0 : i32
    %scan3A_55 = arith.constant 32 : i32
    %scan3A_56 = arith.addi %scan3A_54, %scan3A_55 : i32
    %scan3A_57 = arith.constant 1 : i32
    scf.for %scan3A_74 = %scan3A_54 to %scan3A_56 step %scan3A_57  : i32 {
      %add3A_75 = arith.constant 64 : i32
      %add3A_76 = arith.addi %add3A_75, %scan3A_74 : i32
      %mul3A_77 = arith.constant 16 : i32
      %mul3A_78 = arith.muli %add3A_76, %mul3A_77 : i32
      %get3A = arith.index_cast %mul3A_78 : i32 to index
      %get3A_79 = tpu.vector_load %arg7[%get3A] {strides = array<i32>} : memref<2048xf32, #tpu.memory_space<vmem>>, vector<16xf32>,
      %get3A_80 = vector.shape_cast %get3A_79 : vector<16xf32> to vector<16xf32>
      %get3A_81 = arith.constant 0 : i32
      %get3A_82 = tpu.memref_slice %arg8[%scan3A_74, %get3A_81] : memref<32x1024xf32, #tpu.memory_space<vmem>> -> memref<1x1024xf32, #tpu.memory_space<vmem>>
      %get3A_83 = tpu.memref_squeeze %get3A_82 : memref<1x1024xf32, #tpu.memory_space<vmem>> -> memref<1024xf32, #tpu.memory_space<vmem>>
      %get3A_84 = arith.constant 0 : index
      %get3A_85 = tpu.vector_load %get3A_83[%get3A_84] {strides = array<i32>} : memref<1024xf32, #tpu.memory_space<vmem>>, vector<16xf32>,
      %get3A_86 = vector.shape_cast %get3A_85 : vector<16xf32> to vector<16xf32>
      %mul3A_87 = arith.mulf %get3A_86, %get3A_80 : vector<16xf32>
      %swap3A = arith.constant 0 : i32
      %swap3A_88 = tpu.memref_slice %arg8[%scan3A_74, %swap3A] : memref<32x1024xf32, #tpu.memory_space<vmem>> -> memref<1x1024xf32, #tpu.memory_space<vmem>>
      %swap3A_89 = tpu.memref_squeeze %swap3A_88 : memref<1x1024xf32, #tpu.memory_space<vmem>> -> memref<1024xf32, #tpu.memory_space<vmem>>
      %swap3A_90 = arith.constant 0 : index
      %swap3A_91 = tpu.vector_load %swap3A_89[%swap3A_90] {strides = array<i32>} : memref<1024xf32, #tpu.memory_space<vmem>>, vector<16xf32>,
      %swap3A_92 = vector.shape_cast %swap3A_91 : vector<16xf32> to vector<16xf32>
      %swap3A_93 = vector.shape_cast %mul3A_87 : vector<16xf32> to vector<16xf32>
      tpu.vector_store %swap3A_89[%swap3A_90], %swap3A_93 {strides = array<i32>} : memref<1024xf32, #tpu.memory_space<vmem>>, vector<16xf32>,
      %get3A_94 = arith.constant 0 : i32
      %get3A_95 = tpu.memref_slice %arg8[%scan3A_74, %get3A_94] : memref<32x1024xf32, #tpu.memory_space<vmem>> -> memref<1x1024xf32, #tpu.memory_space<vmem>>
      %get3A_96 = tpu.memref_squeeze %get3A_95 : memref<1x1024xf32, #tpu.memory_space<vmem>> -> memref<1024xf32, #tpu.memory_space<vmem>>
      %get3A_97 = arith.constant 16 : index
      %get3A_98 = tpu.vector_load %get3A_96[%get3A_97] {strides = array<i32>} : memref<1024xf32, #tpu.memory_space<vmem>>, vector<16xf32>,
      %get3A_99 = vector.shape_cast %get3A_98 : vector<16xf32> to vector<16xf32>
      %mul3A_100 = arith.mulf %get3A_99, %get3A_80 : vector<16xf32>
      %swap3A_101 = arith.constant 0 : i32
      %swap3A_102 = tpu.memref_slice %arg8[%scan3A_74, %swap3A_101] : memref<32x1024xf32, #tpu.memory_space<vmem>> -> memref<1x1024xf32, #tpu.memory_space<vmem>>
      %swap3A_103 = tpu.memref_squeeze %swap3A_102 : memref<1x1024xf32, #tpu.memory_space<vmem>> -> memref<1024xf32, #tpu.memory_space<vmem>>
      %swap3A_104 = arith.constant 16 : index
      %swap3A_105 = tpu.vector_load %swap3A_103[%swap3A_104] {strides = array<i32>} : memref<1024xf32, #tpu.memory_space<vmem>>, vector<16xf32>,
      %swap3A_106 = vector.shape_cast %swap3A_105 : vector<16xf32> to vector<16xf32>
      %swap3A_107 = vector.shape_cast %mul3A_100 : vector<16xf32> to vector<16xf32>
      tpu.vector_store %swap3A_103[%swap3A_104], %swap3A_107 {strides = array<i32>} : memref<1024xf32, #tpu.memory_space<vmem>>, vector<16xf32>,
      %get3A_108 = arith.constant 0 : i32
      %get3A_109 = tpu.memref_slice %arg8[%scan3A_74, %get3A_108] : memref<32x1024xf32, #tpu.memory_space<vmem>> -> memref<1x1024xf32, #tpu.memory_space<vmem>>
      %get3A_110 = tpu.memref_squeeze %get3A_109 : memref<1x1024xf32, #tpu.memory_space<vmem>> -> memref<1024xf32, #tpu.memory_space<vmem>>
      %get3A_111 = arith.constant 32 : index
      %get3A_112 = tpu.vector_load %get3A_110[%get3A_111] {strides = array<i32>} : memref<1024xf32, #tpu.memory_space<vmem>>, vector<16xf32>,
      %get3A_113 = vector.shape_cast %get3A_112 : vector<16xf32> to vector<16xf32>
      %mul3A_114 = arith.mulf %get3A_113, %get3A_80 : vector<16xf32>
      %swap3A_115 = arith.constant 0 : i32
      %swap3A_116 = tpu.memref_slice %arg8[%scan3A_74, %swap3A_115] : memref<32x1024xf32, #tpu.memory_space<vmem>> -> memref<1x1024xf32, #tpu.memory_space<vmem>>
      %swap3A_117 = tpu.memref_squeeze %swap3A_116 : memref<1x1024xf32, #tpu.memory_space<vmem>> -> memref<1024xf32, #tpu.memory_space<vmem>>
      %swap3A_118 = arith.constant 32 : index
      %swap3A_119 = tpu.vector_load %swap3A_117[%swap3A_118] {strides = array<i32>} : memref<1024xf32, #tpu.memory_space<vmem>>, vector<16xf32>,
      %swap3A_120 = vector.shape_cast %swap3A_119 : vector<16xf32> to vector<16xf32>
      %swap3A_121 = vector.shape_cast %mul3A_114 : vector<16xf32> to vector<16xf32>
      tpu.vector_store %swap3A_117[%swap3A_118], %swap3A_121 {strides = array<i32>} : memref<1024xf32, #tpu.memory_space<vmem>>, vector<16xf32>,
      %get3A_122 = arith.constant 0 : i32
      %get3A_123 = tpu.memref_slice %arg8[%scan3A_74, %get3A_122] : memref<32x1024xf32, #tpu.memory_space<vmem>> -> memref<1x1024xf32, #tpu.memory_space<vmem>>
      %get3A_124 = tpu.memref_squeeze %get3A_123 : memref<1x1024xf32, #tpu.memory_space<vmem>> -> memref<1024xf32, #tpu.memory_space<vmem>>
      %get3A_125 = arith.constant 48 : index
      %get3A_126 = tpu.vector_load %get3A_124[%get3A_125] {strides = array<i32>} : memref<1024xf32, #tpu.memory_space<vmem>>, vector<16xf32>,
      %get3A_127 = vector.shape_cast %get3A_126 : vector<16xf32> to vector<16xf32>
      %mul3A_128 = arith.mulf %get3A_127, %get3A_80 : vector<16xf32>
      %swap3A_129 = arith.constant 0 : i32
      %swap3A_130 = tpu.memref_slice %arg8[%scan3A_74, %swap3A_129] : memref<32x1024xf32, #tpu.memory_space<vmem>> -> memref<1x1024xf32, #tpu.memory_space<vmem>>
      %swap3A_131 = tpu.memref_squeeze %swap3A_130 : memref<1x1024xf32, #tpu.memory_space<vmem>> -> memref<1024xf32, #tpu.memory_space<vmem>>
      %swap3A_132 = arith.constant 48 : index
      %swap3A_133 = tpu.vector_load %swap3A_131[%swap3A_132] {strides = array<i32>} : memref<1024xf32, #tpu.memory_space<vmem>>, vector<16xf32>,
      %swap3A_134 = vector.shape_cast %swap3A_133 : vector<16xf32> to vector<16xf32>
      %swap3A_135 = vector.shape_cast %mul3A_128 : vector<16xf32> to vector<16xf32>
      tpu.vector_store %swap3A_131[%swap3A_132], %swap3A_135 {strides = array<i32>} : memref<1024xf32, #tpu.memory_space<vmem>>, vector<16xf32>,
      %get3A_136 = arith.constant 0 : i32
      %get3A_137 = tpu.memref_slice %arg8[%scan3A_74, %get3A_136] : memref<32x1024xf32, #tpu.memory_space<vmem>> -> memref<1x1024xf32, #tpu.memory_space<vmem>>
      %get3A_138 = tpu.memref_squeeze %get3A_137 : memref<1x1024xf32, #tpu.memory_space<vmem>> -> memref<1024xf32, #tpu.memory_space<vmem>>
      %get3A_139 = arith.constant 64 : index
      %get3A_140 = tpu.vector_load %get3A_138[%get3A_139] {strides = array<i32>} : memref<1024xf32, #tpu.memory_space<vmem>>, vector<16xf32>,
      %get3A_141 = vector.shape_cast %get3A_140 : vector<16xf32> to vector<16xf32>
      %mul3A_142 = arith.mulf %get3A_141, %get3A_80 : vector<16xf32>
      %swap3A_143 = arith.constant 0 : i32
      %swap3A_144 = tpu.memref_slice %arg8[%scan3A_74, %swap3A_143] : memref<32x1024xf32, #tpu.memory_space<vmem>> -> memref<1x1024xf32, #tpu.memory_space<vmem>>
      %swap3A_145 = tpu.memref_squeeze %swap3A_144 : memref<1x1024xf32, #tpu.memory_space<vmem>> -> memref<1024xf32, #tpu.memory_space<vmem>>
      %swap3A_146 = arith.constant 64 : index
      %swap3A_147 = tpu.vector_load %swap3A_145[%swap3A_146] {strides = array<i32>} : memref<1024xf32, #tpu.memory_space<vmem>>, vector<16xf32>,
      %swap3A_148 = vector.shape_cast %swap3A_147 : vector<16xf32> to vector<16xf32>
      %swap3A_149 = vector.shape_cast %mul3A_142 : vector<16xf32> to vector<16xf32>
      tpu.vector_store %swap3A_145[%swap3A_146], %swap3A_149 {strides = array<i32>} : memref<1024xf32, #tpu.memory_space<vmem>>, vector<16xf32>,
      %get3A_150 = arith.constant 0 : i32
      %get3A_151 = tpu.memref_slice %arg8[%scan3A_74, %get3A_150] : memref<32x1024xf32, #tpu.memory_space<vmem>> -> memref<1x1024xf32, #tpu.memory_space<vmem>>
      %get3A_152 = tpu.memref_squeeze %get3A_151 : memref<1x1024xf32, #tpu.memory_space<vmem>> -> memref<1024xf32, #tpu.memory_space<vmem>>
      %get3A_153 = arith.constant 80 : index
      %get3A_154 = tpu.vector_load %get3A_152[%get3A_153] {strides = array<i32>} : memref<1024xf32, #tpu.memory_space<vmem>>, vector<16xf32>,
      %get3A_155 = vector.shape_cast %get3A_154 : vector<16xf32> to vector<16xf32>
      %mul3A_156 = arith.mulf %get3A_155, %get3A_80 : vector<16xf32>
      %swap3A_157 = arith.constant 0 : i32
      %swap3A_158 = tpu.memref_slice %arg8[%scan3A_74, %swap3A_157] : memref<32x1024xf32, #tpu.memory_space<vmem>> -> memref<1x1024xf32, #tpu.memory_space<vmem>>
      %swap3A_159 = tpu.memref_squeeze %swap3A_158 : memref<1x1024xf32, #tpu.memory_space<vmem>> -> memref<1024xf32, #tpu.memory_space<vmem>>
      %swap3A_160 = arith.constant 80 : index
      %swap3A_161 = tpu.vector_load %swap3A_159[%swap3A_160] {strides = array<i32>} : memref<1024xf32, #tpu.memory_space<vmem>>, vector<16xf32>,
      %swap3A_162 = vector.shape_cast %swap3A_161 : vector<16xf32> to vector<16xf32>
      %swap3A_163 = vector.shape_cast %mul3A_156 : vector<16xf32> to vector<16xf32>
      tpu.vector_store %swap3A_159[%swap3A_160], %swap3A_163 {strides = array<i32>} : memref<1024xf32, #tpu.memory_space<vmem>>, vector<16xf32>,
      %get3A_164 = arith.constant 0 : i32
      %get3A_165 = tpu.memref_slice %arg8[%scan3A_74, %get3A_164] : memref<32x1024xf32, #tpu.memory_space<vmem>> -> memref<1x1024xf32, #tpu.memory_space<vmem>>
      %get3A_166 = tpu.memref_squeeze %get3A_165 : memref<1x1024xf32, #tpu.memory_space<vmem>> -> memref<1024xf32, #tpu.memory_space<vmem>>
      %get3A_167 = arith.constant 96 : index
      %get3A_168 = tpu.vector_load %get3A_166[%get3A_167] {strides = array<i32>} : memref<1024xf32, #tpu.memory_space<vmem>>, vector<16xf32>,
      %get3A_169 = vector.shape_cast %get3A_168 : vector<16xf32> to vector<16xf32>
      %mul3A_170 = arith.mulf %get3A_169, %get3A_80 : vector<16xf32>
      %swap3A_171 = arith.constant 0 : i32
      %swap3A_172 = tpu.memref_slice %arg8[%scan3A_74, %swap3A_171] : memref<32x1024xf32, #tpu.memory_space<vmem>> -> memref<1x1024xf32, #tpu.memory_space<vmem>>
      %swap3A_173 = tpu.memref_squeeze %swap3A_172 : memref<1x1024xf32, #tpu.memory_space<vmem>> -> memref<1024xf32, #tpu.memory_space<vmem>>
      %swap3A_174 = arith.constant 96 : index
      %swap3A_175 = tpu.vector_load %swap3A_173[%swap3A_174] {strides = array<i32>} : memref<1024xf32, #tpu.memory_space<vmem>>, vector<16xf32>,
      %swap3A_176 = vector.shape_cast %swap3A_175 : vector<16xf32> to vector<16xf32>
      %swap3A_177 = vector.shape_cast %mul3A_170 : vector<16xf32> to vector<16xf32>
      tpu.vector_store %swap3A_173[%swap3A_174], %swap3A_177 {strides = array<i32>} : memref<1024xf32, #tpu.memory_space<vmem>>, vector<16xf32>,
      %get3A_178 = arith.constant 0 : i32
      %get3A_179 = tpu.memref_slice %arg8[%scan3A_74, %get3A_178] : memref<32x1024xf32, #tpu.memory_space<vmem>> -> memref<1x1024xf32, #tpu.memory_space<vmem>>
      %get3A_180 = tpu.memref_squeeze %get3A_179 : memref<1x1024xf32, #tpu.memory_space<vmem>> -> memref<1024xf32, #tpu.memory_space<vmem>>
      %get3A_181 = arith.constant 112 : index
      %get3A_182 = tpu.vector_load %get3A_180[%get3A_181] {strides = array<i32>} : memref<1024xf32, #tpu.memory_space<vmem>>, vector<16xf32>,
      %get3A_183 = vector.shape_cast %get3A_182 : vector<16xf32> to vector<16xf32>
      %mul3A_184 = arith.mulf %get3A_183, %get3A_80 : vector<16xf32>
      %swap3A_185 = arith.constant 0 : i32
      %swap3A_186 = tpu.memref_slice %arg8[%scan3A_74, %swap3A_185] : memref<32x1024xf32, #tpu.memory_space<vmem>> -> memref<1x1024xf32, #tpu.memory_space<vmem>>
      %swap3A_187 = tpu.memref_squeeze %swap3A_186 : memref<1x1024xf32, #tpu.memory_space<vmem>> -> memref<1024xf32, #tpu.memory_space<vmem>>
      %swap3A_188 = arith.constant 112 : index
      %swap3A_189 = tpu.vector_load %swap3A_187[%swap3A_188] {strides = array<i32>} : memref<1024xf32, #tpu.memory_space<vmem>>, vector<16xf32>,
      %swap3A_190 = vector.shape_cast %swap3A_189 : vector<16xf32> to vector<16xf32>
      %swap3A_191 = vector.shape_cast %mul3A_184 : vector<16xf32> to vector<16xf32>
      tpu.vector_store %swap3A_187[%swap3A_188], %swap3A_191 {strides = array<i32>} : memref<1024xf32, #tpu.memory_space<vmem>>, vector<16xf32>,
      %get3A_192 = arith.constant 0 : i32
      %get3A_193 = tpu.memref_slice %arg8[%scan3A_74, %get3A_192] : memref<32x1024xf32, #tpu.memory_space<vmem>> -> memref<1x1024xf32, #tpu.memory_space<vmem>>
      %get3A_194 = tpu.memref_squeeze %get3A_193 : memref<1x1024xf32, #tpu.memory_space<vmem>> -> memref<1024xf32, #tpu.memory_space<vmem>>
      %get3A_195 = arith.constant 128 : index
      %get3A_196 = tpu.vector_load %get3A_194[%get3A_195] {strides = array<i32>} : memref<1024xf32, #tpu.memory_space<vmem>>, vector<16xf32>,
      %get3A_197 = vector.shape_cast %get3A_196 : vector<16xf32> to vector<16xf32>
      %mul3A_198 = arith.mulf %get3A_197, %get3A_80 : vector<16xf32>
      %swap3A_199 = arith.constant 0 : i32
      %swap3A_200 = tpu.memref_slice %arg8[%scan3A_74, %swap3A_199] : memref<32x1024xf32, #tpu.memory_space<vmem>> -> memref<1x1024xf32, #tpu.memory_space<vmem>>
      %swap3A_201 = tpu.memref_squeeze %swap3A_200 : memref<1x1024xf32, #tpu.memory_space<vmem>> -> memref<1024xf32, #tpu.memory_space<vmem>>
      %swap3A_202 = arith.constant 128 : index
      %swap3A_203 = tpu.vector_load %swap3A_201[%swap3A_202] {strides = array<i32>} : memref<1024xf32, #tpu.memory_space<vmem>>, vector<16xf32>,
      %swap3A_204 = vector.shape_cast %swap3A_203 : vector<16xf32> to vector<16xf32>
      %swap3A_205 = vector.shape_cast %mul3A_198 : vector<16xf32> to vector<16xf32>
      tpu.vector_store %swap3A_201[%swap3A_202], %swap3A_205 {strides = array<i32>} : memref<1024xf32, #tpu.memory_space<vmem>>, vector<16xf32>,
      %get3A_206 = arith.constant 0 : i32
      %get3A_207 = tpu.memref_slice %arg8[%scan3A_74, %get3A_206] : memref<32x1024xf32, #tpu.memory_space<vmem>> -> memref<1x1024xf32, #tpu.memory_space<vmem>>
      %get3A_208 = tpu.memref_squeeze %get3A_207 : memref<1x1024xf32, #tpu.memory_space<vmem>> -> memref<1024xf32, #tpu.memory_space<vmem>>
      %get3A_209 = arith.constant 144 : index
      %get3A_210 = tpu.vector_load %get3A_208[%get3A_209] {strides = array<i32>} : memref<1024xf32, #tpu.memory_space<vmem>>, vector<16xf32>,
      %get3A_211 = vector.shape_cast %get3A_210 : vector<16xf32> to vector<16xf32>
      %mul3A_212 = arith.mulf %get3A_211, %get3A_80 : vector<16xf32>
      %swap3A_213 = arith.constant 0 : i32
      %swap3A_214 = tpu.memref_slice %arg8[%scan3A_74, %swap3A_213] : memref<32x1024xf32, #tpu.memory_space<vmem>> -> memref<1x1024xf32, #tpu.memory_space<vmem>>
      %swap3A_215 = tpu.memref_squeeze %swap3A_214 : memref<1x1024xf32, #tpu.memory_space<vmem>> -> memref<1024xf32, #tpu.memory_space<vmem>>
      %swap3A_216 = arith.constant 144 : index
      %swap3A_217 = tpu.vector_load %swap3A_215[%swap3A_216] {strides = array<i32>} : memref<1024xf32, #tpu.memory_space<vmem>>, vector<16xf32>,
      %swap3A_218 = vector.shape_cast %swap3A_217 : vector<16xf32> to vector<16xf32>
      %swap3A_219 = vector.shape_cast %mul3A_212 : vector<16xf32> to vector<16xf32>
      tpu.vector_store %swap3A_215[%swap3A_216], %swap3A_219 {strides = array<i32>} : memref<1024xf32, #tpu.memory_space<vmem>>, vector<16xf32>,
      %get3A_220 = arith.constant 0 : i32
      %get3A_221 = tpu.memref_slice %arg8[%scan3A_74, %get3A_220] : memref<32x1024xf32, #tpu.memory_space<vmem>> -> memref<1x1024xf32, #tpu.memory_space<vmem>>
      %get3A_222 = tpu.memref_squeeze %get3A_221 : memref<1x1024xf32, #tpu.memory_space<vmem>> -> memref<1024xf32, #tpu.memory_space<vmem>>
      %get3A_223 = arith.constant 160 : index
      %get3A_224 = tpu.vector_load %get3A_222[%get3A_223] {strides = array<i32>} : memref<1024xf32, #tpu.memory_space<vmem>>, vector<16xf32>,
      %get3A_225 = vector.shape_cast %get3A_224 : vector<16xf32> to vector<16xf32>
      %mul3A_226 = arith.mulf %get3A_225, %get3A_80 : vector<16xf32>
      %swap3A_227 = arith.constant 0 : i32
      %swap3A_228 = tpu.memref_slice %arg8[%scan3A_74, %swap3A_227] : memref<32x1024xf32, #tpu.memory_space<vmem>> -> memref<1x1024xf32, #tpu.memory_space<vmem>>
      %swap3A_229 = tpu.memref_squeeze %swap3A_228 : memref<1x1024xf32, #tpu.memory_space<vmem>> -> memref<1024xf32, #tpu.memory_space<vmem>>
      %swap3A_230 = arith.constant 160 : index
      %swap3A_231 = tpu.vector_load %swap3A_229[%swap3A_230] {strides = array<i32>} : memref<1024xf32, #tpu.memory_space<vmem>>, vector<16xf32>,
      %swap3A_232 = vector.shape_cast %swap3A_231 : vector<16xf32> to vector<16xf32>
      %swap3A_233 = vector.shape_cast %mul3A_226 : vector<16xf32> to vector<16xf32>
      tpu.vector_store %swap3A_229[%swap3A_230], %swap3A_233 {strides = array<i32>} : memref<1024xf32, #tpu.memory_space<vmem>>, vector<16xf32>,
      %get3A_234 = arith.constant 0 : i32
      %get3A_235 = tpu.memref_slice %arg8[%scan3A_74, %get3A_234] : memref<32x1024xf32, #tpu.memory_space<vmem>> -> memref<1x1024xf32, #tpu.memory_space<vmem>>
      %get3A_236 = tpu.memref_squeeze %get3A_235 : memref<1x1024xf32, #tpu.memory_space<vmem>> -> memref<1024xf32, #tpu.memory_space<vmem>>
      %get3A_237 = arith.constant 176 : index
      %get3A_238 = tpu.vector_load %get3A_236[%get3A_237] {strides = array<i32>} : memref<1024xf32, #tpu.memory_space<vmem>>, vector<16xf32>,
      %get3A_239 = vector.shape_cast %get3A_238 : vector<16xf32> to vector<16xf32>
      %mul3A_240 = arith.mulf %get3A_239, %get3A_80 : vector<16xf32>
      %swap3A_241 = arith.constant 0 : i32
      %swap3A_242 = tpu.memref_slice %arg8[%scan3A_74, %swap3A_241] : memref<32x1024xf32, #tpu.memory_space<vmem>> -> memref<1x1024xf32, #tpu.memory_space<vmem>>
      %swap3A_243 = tpu.memref_squeeze %swap3A_242 : memref<1x1024xf32, #tpu.memory_space<vmem>> -> memref<1024xf32, #tpu.memory_space<vmem>>
      %swap3A_244 = arith.constant 176 : index
      %swap3A_245 = tpu.vector_load %swap3A_243[%swap3A_244] {strides = array<i32>} : memref<1024xf32, #tpu.memory_space<vmem>>, vector<16xf32>,
      %swap3A_246 = vector.shape_cast %swap3A_245 : vector<16xf32> to vector<16xf32>
      %swap3A_247 = vector.shape_cast %mul3A_240 : vector<16xf32> to vector<16xf32>
      tpu.vector_store %swap3A_243[%swap3A_244], %swap3A_247 {strides = array<i32>} : memref<1024xf32, #tpu.memory_space<vmem>>, vector<16xf32>,
      %get3A_248 = arith.constant 0 : i32
      %get3A_249 = tpu.memref_slice %arg8[%scan3A_74, %get3A_248] : memref<32x1024xf32, #tpu.memory_space<vmem>> -> memref<1x1024xf32, #tpu.memory_space<vmem>>
      %get3A_250 = tpu.memref_squeeze %get3A_249 : memref<1x1024xf32, #tpu.memory_space<vmem>> -> memref<1024xf32, #tpu.memory_space<vmem>>
      %get3A_251 = arith.constant 192 : index
      %get3A_252 = tpu.vector_load %get3A_250[%get3A_251] {strides = array<i32>} : memref<1024xf32, #tpu.memory_space<vmem>>, vector<16xf32>,
      %get3A_253 = vector.shape_cast %get3A_252 : vector<16xf32> to vector<16xf32>
      %mul3A_254 = arith.mulf %get3A_253, %get3A_80 : vector<16xf32>
      %swap3A_255 = arith.constant 0 : i32
      %swap3A_256 = tpu.memref_slice %arg8[%scan3A_74, %swap3A_255] : memref<32x1024xf32, #tpu.memory_space<vmem>> -> memref<1x1024xf32, #tpu.memory_space<vmem>>
      %swap3A_257 = tpu.memref_squeeze %swap3A_256 : memref<1x1024xf32, #tpu.memory_space<vmem>> -> memref<1024xf32, #tpu.memory_space<vmem>>
      %swap3A_258 = arith.constant 192 : index
      %swap3A_259 = tpu.vector_load %swap3A_257[%swap3A_258] {strides = array<i32>} : memref<1024xf32, #tpu.memory_space<vmem>>, vector<16xf32>,
      %swap3A_260 = vector.shape_cast %swap3A_259 : vector<16xf32> to vector<16xf32>
      %swap3A_261 = vector.shape_cast %mul3A_254 : vector<16xf32> to vector<16xf32>
      tpu.vector_store %swap3A_257[%swap3A_258], %swap3A_261 {strides = array<i32>} : memref<1024xf32, #tpu.memory_space<vmem>>, vector<16xf32>,
      %get3A_262 = arith.constant 0 : i32
      %get3A_263 = tpu.memref_slice %arg8[%scan3A_74, %get3A_262] : memref<32x1024xf32, #tpu.memory_space<vmem>> -> memref<1x1024xf32, #tpu.memory_space<vmem>>
      %get3A_264 = tpu.memref_squeeze %get3A_263 : memref<1x1024xf32, #tpu.memory_space<vmem>> -> memref<1024xf32, #tpu.memory_space<vmem>>
      %get3A_265 = arith.constant 208 : index
      %get3A_266 = tpu.vector_load %get3A_264[%get3A_265] {strides = array<i32>} : memref<1024xf32, #tpu.memory_space<vmem>>, vector<16xf32>,
      %get3A_267 = vector.shape_cast %get3A_266 : vector<16xf32> to vector<16xf32>
      %mul3A_268 = arith.mulf %get3A_267, %get3A_80 : vector<16xf32>
      %swap3A_269 = arith.constant 0 : i32
      %swap3A_270 = tpu.memref_slice %arg8[%scan3A_74, %swap3A_269] : memref<32x1024xf32, #tpu.memory_space<vmem>> -> memref<1x1024xf32, #tpu.memory_space<vmem>>
      %swap3A_271 = tpu.memref_squeeze %swap3A_270 : memref<1x1024xf32, #tpu.memory_space<vmem>> -> memref<1024xf32, #tpu.memory_space<vmem>>
      %swap3A_272 = arith.constant 208 : index
      %swap3A_273 = tpu.vector_load %swap3A_271[%swap3A_272] {strides = array<i32>} : memref<1024xf32, #tpu.memory_space<vmem>>, vector<16xf32>,
      %swap3A_274 = vector.shape_cast %swap3A_273 : vector<16xf32> to vector<16xf32>
      %swap3A_275 = vector.shape_cast %mul3A_268 : vector<16xf32> to vector<16xf32>
      tpu.vector_store %swap3A_271[%swap3A_272], %swap3A_275 {strides = array<i32>} : memref<1024xf32, #tpu.memory_space<vmem>>, vector<16xf32>,
      %get3A_276 = arith.constant 0 : i32
      %get3A_277 = tpu.memref_slice %arg8[%scan3A_74, %get3A_276] : memref<32x1024xf32, #tpu.memory_space<vmem>> -> memref<1x1024xf32, #tpu.memory_space<vmem>>
      %get3A_278 = tpu.memref_squeeze %get3A_277 : memref<1x1024xf32, #tpu.memory_space<vmem>> -> memref<1024xf32, #tpu.memory_space<vmem>>
      %get3A_279 = arith.constant 224 : index
      %get3A_280 = tpu.vector_load %get3A_278[%get3A_279] {strides = array<i32>} : memref<1024xf32, #tpu.memory_space<vmem>>, vector<16xf32>,
      %get3A_281 = vector.shape_cast %get3A_280 : vector<16xf32> to vector<16xf32>
      %mul3A_282 = arith.mulf %get3A_281, %get3A_80 : vector<16xf32>
      %swap3A_283 = arith.constant 0 : i32
      %swap3A_284 = tpu.memref_slice %arg8[%scan3A_74, %swap3A_283] : memref<32x1024xf32, #tpu.memory_space<vmem>> -> memref<1x1024xf32, #tpu.memory_space<vmem>>
      %swap3A_285 = tpu.memref_squeeze %swap3A_284 : memref<1x1024xf32, #tpu.memory_space<vmem>> -> memref<1024xf32, #tpu.memory_space<vmem>>
      %swap3A_286 = arith.constant 224 : index
      %swap3A_287 = tpu.vector_load %swap3A_285[%swap3A_286] {strides = array<i32>} : memref<1024xf32, #tpu.memory_space<vmem>>, vector<16xf32>,
      %swap3A_288 = vector.shape_cast %swap3A_287 : vector<16xf32> to vector<16xf32>
      %swap3A_289 = vector.shape_cast %mul3A_282 : vector<16xf32> to vector<16xf32>
      tpu.vector_store %swap3A_285[%swap3A_286], %swap3A_289 {strides = array<i32>} : memref<1024xf32, #tpu.memory_space<vmem>>, vector<16xf32>,
      %get3A_290 = arith.constant 0 : i32
      %get3A_291 = tpu.memref_slice %arg8[%scan3A_74, %get3A_290] : memref<32x1024xf32, #tpu.memory_space<vmem>> -> memref<1x1024xf32, #tpu.memory_space<vmem>>
      %get3A_292 = tpu.memref_squeeze %get3A_291 : memref<1x1024xf32, #tpu.memory_space<vmem>> -> memref<1024xf32, #tpu.memory_space<vmem>>
      %get3A_293 = arith.constant 240 : index
      %get3A_294 = tpu.vector_load %get3A_292[%get3A_293] {strides = array<i32>} : memref<1024xf32, #tpu.memory_space<vmem>>, vector<16xf32>,
      %get3A_295 = vector.shape_cast %get3A_294 : vector<16xf32> to vector<16xf32>
      %mul3A_296 = arith.mulf %get3A_295, %get3A_80 : vector<16xf32>
      %swap3A_297 = arith.constant 0 : i32
      %swap3A_298 = tpu.memref_slice %arg8[%scan3A_74, %swap3A_297] : memref<32x1024xf32, #tpu.memory_space<vmem>> -> memref<1x1024xf32, #tpu.memory_space<vmem>>
      %swap3A_299 = tpu.memref_squeeze %swap3A_298 : memref<1x1024xf32, #tpu.memory_space<vmem>> -> memref<1024xf32, #tpu.memory_space<vmem>>
      %swap3A_300 = arith.constant 240 : index
      %swap3A_301 = tpu.vector_load %swap3A_299[%swap3A_300] {strides = array<i32>} : memref<1024xf32, #tpu.memory_space<vmem>>, vector<16xf32>,
      %swap3A_302 = vector.shape_cast %swap3A_301 : vector<16xf32> to vector<16xf32>
      %swap3A_303 = vector.shape_cast %mul3A_296 : vector<16xf32> to vector<16xf32>
      tpu.vector_store %swap3A_299[%swap3A_300], %swap3A_303 {strides = array<i32>} : memref<1024xf32, #tpu.memory_space<vmem>>, vector<16xf32>,
      %get3A_304 = arith.constant 0 : i32
      %get3A_305 = tpu.memref_slice %arg8[%scan3A_74, %get3A_304] : memref<32x1024xf32, #tpu.memory_space<vmem>> -> memref<1x1024xf32, #tpu.memory_space<vmem>>
      %get3A_306 = tpu.memref_squeeze %get3A_305 : memref<1x1024xf32, #tpu.memory_space<vmem>> -> memref<1024xf32, #tpu.memory_space<vmem>>
      %get3A_307 = arith.constant 256 : index
      %get3A_308 = tpu.vector_load %get3A_306[%get3A_307] {strides = array<i32>} : memref<1024xf32, #tpu.memory_space<vmem>>, vector<16xf32>,
      %get3A_309 = vector.shape_cast %get3A_308 : vector<16xf32> to vector<16xf32>
      %mul3A_310 = arith.mulf %get3A_309, %get3A_80 : vector<16xf32>
      %swap3A_311 = arith.constant 0 : i32
      %swap3A_312 = tpu.memref_slice %arg8[%scan3A_74, %swap3A_311] : memref<32x1024xf32, #tpu.memory_space<vmem>> -> memref<1x1024xf32, #tpu.memory_space<vmem>>
      %swap3A_313 = tpu.memref_squeeze %swap3A_312 : memref<1x1024xf32, #tpu.memory_space<vmem>> -> memref<1024xf32, #tpu.memory_space<vmem>>
      %swap3A_314 = arith.constant 256 : index
      %swap3A_315 = tpu.vector_load %swap3A_313[%swap3A_314] {strides = array<i32>} : memref<1024xf32, #tpu.memory_space<vmem>>, vector<16xf32>,
      %swap3A_316 = vector.shape_cast %swap3A_315 : vector<16xf32> to vector<16xf32>
      %swap3A_317 = vector.shape_cast %mul3A_310 : vector<16xf32> to vector<16xf32>
      tpu.vector_store %swap3A_313[%swap3A_314], %swap3A_317 {strides = array<i32>} : memref<1024xf32, #tpu.memory_space<vmem>>, vector<16xf32>,
      %get3A_318 = arith.constant 0 : i32
      %get3A_319 = tpu.memref_slice %arg8[%scan3A_74, %get3A_318] : memref<32x1024xf32, #tpu.memory_space<vmem>> -> memref<1x1024xf32, #tpu.memory_space<vmem>>
      %get3A_320 = tpu.memref_squeeze %get3A_319 : memref<1x1024xf32, #tpu.memory_space<vmem>> -> memref<1024xf32, #tpu.memory_space<vmem>>
      %get3A_321 = arith.constant 272 : index
      %get3A_322 = tpu.vector_load %get3A_320[%get3A_321] {strides = array<i32>} : memref<1024xf32, #tpu.memory_space<vmem>>, vector<16xf32>,
      %get3A_323 = vector.shape_cast %get3A_322 : vector<16xf32> to vector<16xf32>
      %mul3A_324 = arith.mulf %get3A_323, %get3A_80 : vector<16xf32>
      %swap3A_325 = arith.constant 0 : i32
      %swap3A_326 = tpu.memref_slice %arg8[%scan3A_74, %swap3A_325] : memref<32x1024xf32, #tpu.memory_space<vmem>> -> memref<1x1024xf32, #tpu.memory_space<vmem>>
      %swap3A_327 = tpu.memref_squeeze %swap3A_326 : memref<1x1024xf32, #tpu.memory_space<vmem>> -> memref<1024xf32, #tpu.memory_space<vmem>>
      %swap3A_328 = arith.constant 272 : index
      %swap3A_329 = tpu.vector_load %swap3A_327[%swap3A_328] {strides = array<i32>} : memref<1024xf32, #tpu.memory_space<vmem>>, vector<16xf32>,
      %swap3A_330 = vector.shape_cast %swap3A_329 : vector<16xf32> to vector<16xf32>
      %swap3A_331 = vector.shape_cast %mul3A_324 : vector<16xf32> to vector<16xf32>
      tpu.vector_store %swap3A_327[%swap3A_328], %swap3A_331 {strides = array<i32>} : memref<1024xf32, #tpu.memory_space<vmem>>, vector<16xf32>,
      %get3A_332 = arith.constant 0 : i32
      %get3A_333 = tpu.memref_slice %arg8[%scan3A_74, %get3A_332] : memref<32x1024xf32, #tpu.memory_space<vmem>> -> memref<1x1024xf32, #tpu.memory_space<vmem>>
      %get3A_334 = tpu.memref_squeeze %get3A_333 : memref<1x1024xf32, #tpu.memory_space<vmem>> -> memref<1024xf32, #tpu.memory_space<vmem>>
      %get3A_335 = arith.constant 288 : index
      %get3A_336 = tpu.vector_load %get3A_334[%get3A_335] {strides = array<i32>} : memref<1024xf32, #tpu.memory_space<vmem>>, vector<16xf32>,
      %get3A_337 = vector.shape_cast %get3A_336 : vector<16xf32> to vector<16xf32>
      %mul3A_338 = arith.mulf %get3A_337, %get3A_80 : vector<16xf32>
      %swap3A_339 = arith.constant 0 : i32
      %swap3A_340 = tpu.memref_slice %arg8[%scan3A_74, %swap3A_339] : memref<32x1024xf32, #tpu.memory_space<vmem>> -> memref<1x1024xf32, #tpu.memory_space<vmem>>
      %swap3A_341 = tpu.memref_squeeze %swap3A_340 : memref<1x1024xf32, #tpu.memory_space<vmem>> -> memref<1024xf32, #tpu.memory_space<vmem>>
      %swap3A_342 = arith.constant 288 : index
      %swap3A_343 = tpu.vector_load %swap3A_341[%swap3A_342] {strides = array<i32>} : memref<1024xf32, #tpu.memory_space<vmem>>, vector<16xf32>,
      %swap3A_344 = vector.shape_cast %swap3A_343 : vector<16xf32> to vector<16xf32>
      %swap3A_345 = vector.shape_cast %mul3A_338 : vector<16xf32> to vector<16xf32>
      tpu.vector_store %swap3A_341[%swap3A_342], %swap3A_345 {strides = array<i32>} : memref<1024xf32, #tpu.memory_space<vmem>>, vector<16xf32>,
      %get3A_346 = arith.constant 0 : i32
      %get3A_347 = tpu.memref_slice %arg8[%scan3A_74, %get3A_346] : memref<32x1024xf32, #tpu.memory_space<vmem>> -> memref<1x1024xf32, #tpu.memory_space<vmem>>
      %get3A_348 = tpu.memref_squeeze %get3A_347 : memref<1x1024xf32, #tpu.memory_space<vmem>> -> memref<1024xf32, #tpu.memory_space<vmem>>
      %get3A_349 = arith.constant 304 : index
      %get3A_350 = tpu.vector_load %get3A_348[%get3A_349] {strides = array<i32>} : memref<1024xf32, #tpu.memory_space<vmem>>, vector<16xf32>,
      %get3A_351 = vector.shape_cast %get3A_350 : vector<16xf32> to vector<16xf32>
      %mul3A_352 = arith.mulf %get3A_351, %get3A_80 : vector<16xf32>
      %swap3A_353 = arith.constant 0 : i32
      %swap3A_354 = tpu.memref_slice %arg8[%scan3A_74, %swap3A_353] : memref<32x1024xf32, #tpu.memory_space<vmem>> -> memref<1x1024xf32, #tpu.memory_space<vmem>>
      %swap3A_355 = tpu.memref_squeeze %swap3A_354 : memref<1x1024xf32, #tpu.memory_space<vmem>> -> memref<1024xf32, #tpu.memory_space<vmem>>
      %swap3A_356 = arith.constant 304 : index
      %swap3A_357 = tpu.vector_load %swap3A_355[%swap3A_356] {strides = array<i32>} : memref<1024xf32, #tpu.memory_space<vmem>>, vector<16xf32>,
      %swap3A_358 = vector.shape_cast %swap3A_357 : vector<16xf32> to vector<16xf32>
      %swap3A_359 = vector.shape_cast %mul3A_352 : vector<16xf32> to vector<16xf32>
      tpu.vector_store %swap3A_355[%swap3A_356], %swap3A_359 {strides = array<i32>} : memref<1024xf32, #tpu.memory_space<vmem>>, vector<16xf32>,
      %get3A_360 = arith.constant 0 : i32
      %get3A_361 = tpu.memref_slice %arg8[%scan3A_74, %get3A_360] : memref<32x1024xf32, #tpu.memory_space<vmem>> -> memref<1x1024xf32, #tpu.memory_space<vmem>>
      %get3A_362 = tpu.memref_squeeze %get3A_361 : memref<1x1024xf32, #tpu.memory_space<vmem>> -> memref<1024xf32, #tpu.memory_space<vmem>>
      %get3A_363 = arith.constant 320 : index
      %get3A_364 = tpu.vector_load %get3A_362[%get3A_363] {strides = array<i32>} : memref<1024xf32, #tpu.memory_space<vmem>>, vector<16xf32>,
      %get3A_365 = vector.shape_cast %get3A_364 : vector<16xf32> to vector<16xf32>
      %mul3A_366 = arith.mulf %get3A_365, %get3A_80 : vector<16xf32>
      %swap3A_367 = arith.constant 0 : i32
      %swap3A_368 = tpu.memref_slice %arg8[%scan3A_74, %swap3A_367] : memref<32x1024xf32, #tpu.memory_space<vmem>> -> memref<1x1024xf32, #tpu.memory_space<vmem>>
      %swap3A_369 = tpu.memref_squeeze %swap3A_368 : memref<1x1024xf32, #tpu.memory_space<vmem>> -> memref<1024xf32, #tpu.memory_space<vmem>>
      %swap3A_370 = arith.constant 320 : index
      %swap3A_371 = tpu.vector_load %swap3A_369[%swap3A_370] {strides = array<i32>} : memref<1024xf32, #tpu.memory_space<vmem>>, vector<16xf32>,
      %swap3A_372 = vector.shape_cast %swap3A_371 : vector<16xf32> to vector<16xf32>
      %swap3A_373 = vector.shape_cast %mul3A_366 : vector<16xf32> to vector<16xf32>
      tpu.vector_store %swap3A_369[%swap3A_370], %swap3A_373 {strides = array<i32>} : memref<1024xf32, #tpu.memory_space<vmem>>, vector<16xf32>,
      %get3A_374 = arith.constant 0 : i32
      %get3A_375 = tpu.memref_slice %arg8[%scan3A_74, %get3A_374] : memref<32x1024xf32, #tpu.memory_space<vmem>> -> memref<1x1024xf32, #tpu.memory_space<vmem>>
      %get3A_376 = tpu.memref_squeeze %get3A_375 : memref<1x1024xf32, #tpu.memory_space<vmem>> -> memref<1024xf32, #tpu.memory_space<vmem>>
      %get3A_377 = arith.constant 336 : index
      %get3A_378 = tpu.vector_load %get3A_376[%get3A_377] {strides = array<i32>} : memref<1024xf32, #tpu.memory_space<vmem>>, vector<16xf32>,
      %get3A_379 = vector.shape_cast %get3A_378 : vector<16xf32> to vector<16xf32>
      %mul3A_380 = arith.mulf %get3A_379, %get3A_80 : vector<16xf32>
      %swap3A_381 = arith.constant 0 : i32
      %swap3A_382 = tpu.memref_slice %arg8[%scan3A_74, %swap3A_381] : memref<32x1024xf32, #tpu.memory_space<vmem>> -> memref<1x1024xf32, #tpu.memory_space<vmem>>
      %swap3A_383 = tpu.memref_squeeze %swap3A_382 : memref<1x1024xf32, #tpu.memory_space<vmem>> -> memref<1024xf32, #tpu.memory_space<vmem>>
      %swap3A_384 = arith.constant 336 : index
      %swap3A_385 = tpu.vector_load %swap3A_383[%swap3A_384] {strides = array<i32>} : memref<1024xf32, #tpu.memory_space<vmem>>, vector<16xf32>,
      %swap3A_386 = vector.shape_cast %swap3A_385 : vector<16xf32> to vector<16xf32>
      %swap3A_387 = vector.shape_cast %mul3A_380 : vector<16xf32> to vector<16xf32>
      tpu.vector_store %swap3A_383[%swap3A_384], %swap3A_387 {strides = array<i32>} : memref<1024xf32, #tpu.memory_space<vmem>>, vector<16xf32>,
      %get3A_388 = arith.constant 0 : i32
      %get3A_389 = tpu.memref_slice %arg8[%scan3A_74, %get3A_388] : memref<32x1024xf32, #tpu.memory_space<vmem>> -> memref<1x1024xf32, #tpu.memory_space<vmem>>
      %get3A_390 = tpu.memref_squeeze %get3A_389 : memref<1x1024xf32, #tpu.memory_space<vmem>> -> memref<1024xf32, #tpu.memory_space<vmem>>
      %get3A_391 = arith.constant 352 : index
      %get3A_392 = tpu.vector_load %get3A_390[%get3A_391] {strides = array<i32>} : memref<1024xf32, #tpu.memory_space<vmem>>, vector<16xf32>,
      %get3A_393 = vector.shape_cast %get3A_392 : vector<16xf32> to vector<16xf32>
      %mul3A_394 = arith.mulf %get3A_393, %get3A_80 : vector<16xf32>
      %swap3A_395 = arith.constant 0 : i32
      %swap3A_396 = tpu.memref_slice %arg8[%scan3A_74, %swap3A_395] : memref<32x1024xf32, #tpu.memory_space<vmem>> -> memref<1x1024xf32, #tpu.memory_space<vmem>>
      %swap3A_397 = tpu.memref_squeeze %swap3A_396 : memref<1x1024xf32, #tpu.memory_space<vmem>> -> memref<1024xf32, #tpu.memory_space<vmem>>
      %swap3A_398 = arith.constant 352 : index
      %swap3A_399 = tpu.vector_load %swap3A_397[%swap3A_398] {strides = array<i32>} : memref<1024xf32, #tpu.memory_space<vmem>>, vector<16xf32>,
      %swap3A_400 = vector.shape_cast %swap3A_399 : vector<16xf32> to vector<16xf32>
      %swap3A_401 = vector.shape_cast %mul3A_394 : vector<16xf32> to vector<16xf32>
      tpu.vector_store %swap3A_397[%swap3A_398], %swap3A_401 {strides = array<i32>} : memref<1024xf32, #tpu.memory_space<vmem>>, vector<16xf32>,
      %get3A_402 = arith.constant 0 : i32
      %get3A_403 = tpu.memref_slice %arg8[%scan3A_74, %get3A_402] : memref<32x1024xf32, #tpu.memory_space<vmem>> -> memref<1x1024xf32, #tpu.memory_space<vmem>>
      %get3A_404 = tpu.memref_squeeze %get3A_403 : memref<1x1024xf32, #tpu.memory_space<vmem>> -> memref<1024xf32, #tpu.memory_space<vmem>>
      %get3A_405 = arith.constant 368 : index
      %get3A_406 = tpu.vector_load %get3A_404[%get3A_405] {strides = array<i32>} : memref<1024xf32, #tpu.memory_space<vmem>>, vector<16xf32>,
      %get3A_407 = vector.shape_cast %get3A_406 : vector<16xf32> to vector<16xf32>
      %mul3A_408 = arith.mulf %get3A_407, %get3A_80 : vector<16xf32>
      %swap3A_409 = arith.constant 0 : i32
      %swap3A_410 = tpu.memref_slice %arg8[%scan3A_74, %swap3A_409] : memref<32x1024xf32, #tpu.memory_space<vmem>> -> memref<1x1024xf32, #tpu.memory_space<vmem>>
      %swap3A_411 = tpu.memref_squeeze %swap3A_410 : memref<1x1024xf32, #tpu.memory_space<vmem>> -> memref<1024xf32, #tpu.memory_space<vmem>>
      %swap3A_412 = arith.constant 368 : index
      %swap3A_413 = tpu.vector_load %swap3A_411[%swap3A_412] {strides = array<i32>} : memref<1024xf32, #tpu.memory_space<vmem>>, vector<16xf32>,
      %swap3A_414 = vector.shape_cast %swap3A_413 : vector<16xf32> to vector<16xf32>
      %swap3A_415 = vector.shape_cast %mul3A_408 : vector<16xf32> to vector<16xf32>
      tpu.vector_store %swap3A_411[%swap3A_412], %swap3A_415 {strides = array<i32>} : memref<1024xf32, #tpu.memory_space<vmem>>, vector<16xf32>,
      %get3A_416 = arith.constant 0 : i32
      %get3A_417 = tpu.memref_slice %arg8[%scan3A_74, %get3A_416] : memref<32x1024xf32, #tpu.memory_space<vmem>> -> memref<1x1024xf32, #tpu.memory_space<vmem>>
      %get3A_418 = tpu.memref_squeeze %get3A_417 : memref<1x1024xf32, #tpu.memory_space<vmem>> -> memref<1024xf32, #tpu.memory_space<vmem>>
      %get3A_419 = arith.constant 384 : index
      %get3A_420 = tpu.vector_load %get3A_418[%get3A_419] {strides = array<i32>} : memref<1024xf32, #tpu.memory_space<vmem>>, vector<16xf32>,
      %get3A_421 = vector.shape_cast %get3A_420 : vector<16xf32> to vector<16xf32>
      %mul3A_422 = arith.mulf %get3A_421, %get3A_80 : vector<16xf32>
      %swap3A_423 = arith.constant 0 : i32
      %swap3A_424 = tpu.memref_slice %arg8[%scan3A_74, %swap3A_423] : memref<32x1024xf32, #tpu.memory_space<vmem>> -> memref<1x1024xf32, #tpu.memory_space<vmem>>
      %swap3A_425 = tpu.memref_squeeze %swap3A_424 : memref<1x1024xf32, #tpu.memory_space<vmem>> -> memref<1024xf32, #tpu.memory_space<vmem>>
      %swap3A_426 = arith.constant 384 : index
      %swap3A_427 = tpu.vector_load %swap3A_425[%swap3A_426] {strides = array<i32>} : memref<1024xf32, #tpu.memory_space<vmem>>, vector<16xf32>,
      %swap3A_428 = vector.shape_cast %swap3A_427 : vector<16xf32> to vector<16xf32>
      %swap3A_429 = vector.shape_cast %mul3A_422 : vector<16xf32> to vector<16xf32>
      tpu.vector_store %swap3A_425[%swap3A_426], %swap3A_429 {strides = array<i32>} : memref<1024xf32, #tpu.memory_space<vmem>>, vector<16xf32>,
      %get3A_430 = arith.constant 0 : i32
      %get3A_431 = tpu.memref_slice %arg8[%scan3A_74, %get3A_430] : memref<32x1024xf32, #tpu.memory_space<vmem>> -> memref<1x1024xf32, #tpu.memory_space<vmem>>
      %get3A_432 = tpu.memref_squeeze %get3A_431 : memref<1x1024xf32, #tpu.memory_space<vmem>> -> memref<1024xf32, #tpu.memory_space<vmem>>
      %get3A_433 = arith.constant 400 : index
      %get3A_434 = tpu.vector_load %get3A_432[%get3A_433] {strides = array<i32>} : memref<1024xf32, #tpu.memory_space<vmem>>, vector<16xf32>,
      %get3A_435 = vector.shape_cast %get3A_434 : vector<16xf32> to vector<16xf32>
      %mul3A_436 = arith.mulf %get3A_435, %get3A_80 : vector<16xf32>
      %swap3A_437 = arith.constant 0 : i32
      %swap3A_438 = tpu.memref_slice %arg8[%scan3A_74, %swap3A_437] : memref<32x1024xf32, #tpu.memory_space<vmem>> -> memref<1x1024xf32, #tpu.memory_space<vmem>>
      %swap3A_439 = tpu.memref_squeeze %swap3A_438 : memref<1x1024xf32, #tpu.memory_space<vmem>> -> memref<1024xf32, #tpu.memory_space<vmem>>
      %swap3A_440 = arith.constant 400 : index
      %swap3A_441 = tpu.vector_load %swap3A_439[%swap3A_440] {strides = array<i32>} : memref<1024xf32, #tpu.memory_space<vmem>>, vector<16xf32>,
      %swap3A_442 = vector.shape_cast %swap3A_441 : vector<16xf32> to vector<16xf32>
      %swap3A_443 = vector.shape_cast %mul3A_436 : vector<16xf32> to vector<16xf32>
      tpu.vector_store %swap3A_439[%swap3A_440], %swap3A_443 {strides = array<i32>} : memref<1024xf32, #tpu.memory_space<vmem>>, vector<16xf32>,
      %get3A_444 = arith.constant 0 : i32
      %get3A_445 = tpu.memref_slice %arg8[%scan3A_74, %get3A_444] : memref<32x1024xf32, #tpu.memory_space<vmem>> -> memref<1x1024xf32, #tpu.memory_space<vmem>>
      %get3A_446 = tpu.memref_squeeze %get3A_445 : memref<1x1024xf32, #tpu.memory_space<vmem>> -> memref<1024xf32, #tpu.memory_space<vmem>>
      %get3A_447 = arith.constant 416 : index
      %get3A_448 = tpu.vector_load %get3A_446[%get3A_447] {strides = array<i32>} : memref<1024xf32, #tpu.memory_space<vmem>>, vector<16xf32>,
      %get3A_449 = vector.shape_cast %get3A_448 : vector<16xf32> to vector<16xf32>
      %mul3A_450 = arith.mulf %get3A_449, %get3A_80 : vector<16xf32>
      %swap3A_451 = arith.constant 0 : i32
      %swap3A_452 = tpu.memref_slice %arg8[%scan3A_74, %swap3A_451] : memref<32x1024xf32, #tpu.memory_space<vmem>> -> memref<1x1024xf32, #tpu.memory_space<vmem>>
      %swap3A_453 = tpu.memref_squeeze %swap3A_452 : memref<1x1024xf32, #tpu.memory_space<vmem>> -> memref<1024xf32, #tpu.memory_space<vmem>>
      %swap3A_454 = arith.constant 416 : index
      %swap3A_455 = tpu.vector_load %swap3A_453[%swap3A_454] {strides = array<i32>} : memref<1024xf32, #tpu.memory_space<vmem>>, vector<16xf32>,
      %swap3A_456 = vector.shape_cast %swap3A_455 : vector<16xf32> to vector<16xf32>
      %swap3A_457 = vector.shape_cast %mul3A_450 : vector<16xf32> to vector<16xf32>
      tpu.vector_store %swap3A_453[%swap3A_454], %swap3A_457 {strides = array<i32>} : memref<1024xf32, #tpu.memory_space<vmem>>, vector<16xf32>,
      %get3A_458 = arith.constant 0 : i32
      %get3A_459 = tpu.memref_slice %arg8[%scan3A_74, %get3A_458] : memref<32x1024xf32, #tpu.memory_space<vmem>> -> memref<1x1024xf32, #tpu.memory_space<vmem>>
      %get3A_460 = tpu.memref_squeeze %get3A_459 : memref<1x1024xf32, #tpu.memory_space<vmem>> -> memref<1024xf32, #tpu.memory_space<vmem>>
      %get3A_461 = arith.constant 432 : index
      %get3A_462 = tpu.vector_load %get3A_460[%get3A_461] {strides = array<i32>} : memref<1024xf32, #tpu.memory_space<vmem>>, vector<16xf32>,
      %get3A_463 = vector.shape_cast %get3A_462 : vector<16xf32> to vector<16xf32>
      %mul3A_464 = arith.mulf %get3A_463, %get3A_80 : vector<16xf32>
      %swap3A_465 = arith.constant 0 : i32
      %swap3A_466 = tpu.memref_slice %arg8[%scan3A_74, %swap3A_465] : memref<32x1024xf32, #tpu.memory_space<vmem>> -> memref<1x1024xf32, #tpu.memory_space<vmem>>
      %swap3A_467 = tpu.memref_squeeze %swap3A_466 : memref<1x1024xf32, #tpu.memory_space<vmem>> -> memref<1024xf32, #tpu.memory_space<vmem>>
      %swap3A_468 = arith.constant 432 : index
      %swap3A_469 = tpu.vector_load %swap3A_467[%swap3A_468] {strides = array<i32>} : memref<1024xf32, #tpu.memory_space<vmem>>, vector<16xf32>,
      %swap3A_470 = vector.shape_cast %swap3A_469 : vector<16xf32> to vector<16xf32>
      %swap3A_471 = vector.shape_cast %mul3A_464 : vector<16xf32> to vector<16xf32>
      tpu.vector_store %swap3A_467[%swap3A_468], %swap3A_471 {strides = array<i32>} : memref<1024xf32, #tpu.memory_space<vmem>>, vector<16xf32>,
      %get3A_472 = arith.constant 0 : i32
      %get3A_473 = tpu.memref_slice %arg8[%scan3A_74, %get3A_472] : memref<32x1024xf32, #tpu.memory_space<vmem>> -> memref<1x1024xf32, #tpu.memory_space<vmem>>
      %get3A_474 = tpu.memref_squeeze %get3A_473 : memref<1x1024xf32, #tpu.memory_space<vmem>> -> memref<1024xf32, #tpu.memory_space<vmem>>
      %get3A_475 = arith.constant 448 : index
      %get3A_476 = tpu.vector_load %get3A_474[%get3A_475] {strides = array<i32>} : memref<1024xf32, #tpu.memory_space<vmem>>, vector<16xf32>,
      %get3A_477 = vector.shape_cast %get3A_476 : vector<16xf32> to vector<16xf32>
      %mul3A_478 = arith.mulf %get3A_477, %get3A_80 : vector<16xf32>
      %swap3A_479 = arith.constant 0 : i32
      %swap3A_480 = tpu.memref_slice %arg8[%scan3A_74, %swap3A_479] : memref<32x1024xf32, #tpu.memory_space<vmem>> -> memref<1x1024xf32, #tpu.memory_space<vmem>>
      %swap3A_481 = tpu.memref_squeeze %swap3A_480 : memref<1x1024xf32, #tpu.memory_space<vmem>> -> memref<1024xf32, #tpu.memory_space<vmem>>
      %swap3A_482 = arith.constant 448 : index
      %swap3A_483 = tpu.vector_load %swap3A_481[%swap3A_482] {strides = array<i32>} : memref<1024xf32, #tpu.memory_space<vmem>>, vector<16xf32>,
      %swap3A_484 = vector.shape_cast %swap3A_483 : vector<16xf32> to vector<16xf32>
      %swap3A_485 = vector.shape_cast %mul3A_478 : vector<16xf32> to vector<16xf32>
      tpu.vector_store %swap3A_481[%swap3A_482], %swap3A_485 {strides = array<i32>} : memref<1024xf32, #tpu.memory_space<vmem>>, vector<16xf32>,
      %get3A_486 = arith.constant 0 : i32
      %get3A_487 = tpu.memref_slice %arg8[%scan3A_74, %get3A_486] : memref<32x1024xf32, #tpu.memory_space<vmem>> -> memref<1x1024xf32, #tpu.memory_space<vmem>>
      %get3A_488 = tpu.memref_squeeze %get3A_487 : memref<1x1024xf32, #tpu.memory_space<vmem>> -> memref<1024xf32, #tpu.memory_space<vmem>>
      %get3A_489 = arith.constant 464 : index
      %get3A_490 = tpu.vector_load %get3A_488[%get3A_489] {strides = array<i32>} : memref<1024xf32, #tpu.memory_space<vmem>>, vector<16xf32>,
      %get3A_491 = vector.shape_cast %get3A_490 : vector<16xf32> to vector<16xf32>
      %mul3A_492 = arith.mulf %get3A_491, %get3A_80 : vector<16xf32>
      %swap3A_493 = arith.constant 0 : i32
      %swap3A_494 = tpu.memref_slice %arg8[%scan3A_74, %swap3A_493] : memref<32x1024xf32, #tpu.memory_space<vmem>> -> memref<1x1024xf32, #tpu.memory_space<vmem>>
      %swap3A_495 = tpu.memref_squeeze %swap3A_494 : memref<1x1024xf32, #tpu.memory_space<vmem>> -> memref<1024xf32, #tpu.memory_space<vmem>>
      %swap3A_496 = arith.constant 464 : index
      %swap3A_497 = tpu.vector_load %swap3A_495[%swap3A_496] {strides = array<i32>} : memref<1024xf32, #tpu.memory_space<vmem>>, vector<16xf32>,
      %swap3A_498 = vector.shape_cast %swap3A_497 : vector<16xf32> to vector<16xf32>
      %swap3A_499 = vector.shape_cast %mul3A_492 : vector<16xf32> to vector<16xf32>
      tpu.vector_store %swap3A_495[%swap3A_496], %swap3A_499 {strides = array<i32>} : memref<1024xf32, #tpu.memory_space<vmem>>, vector<16xf32>,
      %get3A_500 = arith.constant 0 : i32
      %get3A_501 = tpu.memref_slice %arg8[%scan3A_74, %get3A_500] : memref<32x1024xf32, #tpu.memory_space<vmem>> -> memref<1x1024xf32, #tpu.memory_space<vmem>>
      %get3A_502 = tpu.memref_squeeze %get3A_501 : memref<1x1024xf32, #tpu.memory_space<vmem>> -> memref<1024xf32, #tpu.memory_space<vmem>>
      %get3A_503 = arith.constant 480 : index
      %get3A_504 = tpu.vector_load %get3A_502[%get3A_503] {strides = array<i32>} : memref<1024xf32, #tpu.memory_space<vmem>>, vector<16xf32>,
      %get3A_505 = vector.shape_cast %get3A_504 : vector<16xf32> to vector<16xf32>
      %mul3A_506 = arith.mulf %get3A_505, %get3A_80 : vector<16xf32>
      %swap3A_507 = arith.constant 0 : i32
      %swap3A_508 = tpu.memref_slice %arg8[%scan3A_74, %swap3A_507] : memref<32x1024xf32, #tpu.memory_space<vmem>> -> memref<1x1024xf32, #tpu.memory_space<vmem>>
      %swap3A_509 = tpu.memref_squeeze %swap3A_508 : memref<1x1024xf32, #tpu.memory_space<vmem>> -> memref<1024xf32, #tpu.memory_space<vmem>>
      %swap3A_510 = arith.constant 480 : index
      %swap3A_511 = tpu.vector_load %swap3A_509[%swap3A_510] {strides = array<i32>} : memref<1024xf32, #tpu.memory_space<vmem>>, vector<16xf32>,
      %swap3A_512 = vector.shape_cast %swap3A_511 : vector<16xf32> to vector<16xf32>
      %swap3A_513 = vector.shape_cast %mul3A_506 : vector<16xf32> to vector<16xf32>
      tpu.vector_store %swap3A_509[%swap3A_510], %swap3A_513 {strides = array<i32>} : memref<1024xf32, #tpu.memory_space<vmem>>, vector<16xf32>,
      %get3A_514 = arith.constant 0 : i32
      %get3A_515 = tpu.memref_slice %arg8[%scan3A_74, %get3A_514] : memref<32x1024xf32, #tpu.memory_space<vmem>> -> memref<1x1024xf32, #tpu.memory_space<vmem>>
      %get3A_516 = tpu.memref_squeeze %get3A_515 : memref<1x1024xf32, #tpu.memory_space<vmem>> -> memref<1024xf32, #tpu.memory_space<vmem>>
      %get3A_517 = arith.constant 496 : index
      %get3A_518 = tpu.vector_load %get3A_516[%get3A_517] {strides = array<i32>} : memref<1024xf32, #tpu.memory_space<vmem>>, vector<16xf32>,
      %get3A_519 = vector.shape_cast %get3A_518 : vector<16xf32> to vector<16xf32>
      %mul3A_520 = arith.mulf %get3A_519, %get3A_80 : vector<16xf32>
      %swap3A_521 = arith.constant 0 : i32
      %swap3A_522 = tpu.memref_slice %arg8[%scan3A_74, %swap3A_521] : memref<32x1024xf32, #tpu.memory_space<vmem>> -> memref<1x1024xf32, #tpu.memory_space<vmem>>
      %swap3A_523 = tpu.memref_squeeze %swap3A_522 : memref<1x1024xf32, #tpu.memory_space<vmem>> -> memref<1024xf32, #tpu.memory_space<vmem>>
      %swap3A_524 = arith.constant 496 : index
      %swap3A_525 = tpu.vector_load %swap3A_523[%swap3A_524] {strides = array<i32>} : memref<1024xf32, #tpu.memory_space<vmem>>, vector<16xf32>,
      %swap3A_526 = vector.shape_cast %swap3A_525 : vector<16xf32> to vector<16xf32>
      %swap3A_527 = vector.shape_cast %mul3A_520 : vector<16xf32> to vector<16xf32>
      tpu.vector_store %swap3A_523[%swap3A_524], %swap3A_527 {strides = array<i32>} : memref<1024xf32, #tpu.memory_space<vmem>>, vector<16xf32>,
      %get3A_528 = arith.constant 0 : i32
      %get3A_529 = tpu.memref_slice %arg8[%scan3A_74, %get3A_528] : memref<32x1024xf32, #tpu.memory_space<vmem>> -> memref<1x1024xf32, #tpu.memory_space<vmem>>
      %get3A_530 = tpu.memref_squeeze %get3A_529 : memref<1x1024xf32, #tpu.memory_space<vmem>> -> memref<1024xf32, #tpu.memory_space<vmem>>
      %get3A_531 = arith.constant 512 : index
      %get3A_532 = tpu.vector_load %get3A_530[%get3A_531] {strides = array<i32>} : memref<1024xf32, #tpu.memory_space<vmem>>, vector<16xf32>,
      %get3A_533 = vector.shape_cast %get3A_532 : vector<16xf32> to vector<16xf32>
      %mul3A_534 = arith.mulf %get3A_533, %get3A_80 : vector<16xf32>
      %swap3A_535 = arith.constant 0 : i32
      %swap3A_536 = tpu.memref_slice %arg8[%scan3A_74, %swap3A_535] : memref<32x1024xf32, #tpu.memory_space<vmem>> -> memref<1x1024xf32, #tpu.memory_space<vmem>>
      %swap3A_537 = tpu.memref_squeeze %swap3A_536 : memref<1x1024xf32, #tpu.memory_space<vmem>> -> memref<1024xf32, #tpu.memory_space<vmem>>
      %swap3A_538 = arith.constant 512 : index
      %swap3A_539 = tpu.vector_load %swap3A_537[%swap3A_538] {strides = array<i32>} : memref<1024xf32, #tpu.memory_space<vmem>>, vector<16xf32>,
      %swap3A_540 = vector.shape_cast %swap3A_539 : vector<16xf32> to vector<16xf32>
      %swap3A_541 = vector.shape_cast %mul3A_534 : vector<16xf32> to vector<16xf32>
      tpu.vector_store %swap3A_537[%swap3A_538], %swap3A_541 {strides = array<i32>} : memref<1024xf32, #tpu.memory_space<vmem>>, vector<16xf32>,
      %get3A_542 = arith.constant 0 : i32
      %get3A_543 = tpu.memref_slice %arg8[%scan3A_74, %get3A_542] : memref<32x1024xf32, #tpu.memory_space<vmem>> -> memref<1x1024xf32, #tpu.memory_space<vmem>>
      %get3A_544 = tpu.memref_squeeze %get3A_543 : memref<1x1024xf32, #tpu.memory_space<vmem>> -> memref<1024xf32, #tpu.memory_space<vmem>>
      %get3A_545 = arith.constant 528 : index
      %get3A_546 = tpu.vector_load %get3A_544[%get3A_545] {strides = array<i32>} : memref<1024xf32, #tpu.memory_space<vmem>>, vector<16xf32>,
      %get3A_547 = vector.shape_cast %get3A_546 : vector<16xf32> to vector<16xf32>
      %mul3A_548 = arith.mulf %get3A_547, %get3A_80 : vector<16xf32>
      %swap3A_549 = arith.constant 0 : i32
      %swap3A_550 = tpu.memref_slice %arg8[%scan3A_74, %swap3A_549] : memref<32x1024xf32, #tpu.memory_space<vmem>> -> memref<1x1024xf32, #tpu.memory_space<vmem>>
      %swap3A_551 = tpu.memref_squeeze %swap3A_550 : memref<1x1024xf32, #tpu.memory_space<vmem>> -> memref<1024xf32, #tpu.memory_space<vmem>>
      %swap3A_552 = arith.constant 528 : index
      %swap3A_553 = tpu.vector_load %swap3A_551[%swap3A_552] {strides = array<i32>} : memref<1024xf32, #tpu.memory_space<vmem>>, vector<16xf32>,
      %swap3A_554 = vector.shape_cast %swap3A_553 : vector<16xf32> to vector<16xf32>
      %swap3A_555 = vector.shape_cast %mul3A_548 : vector<16xf32> to vector<16xf32>
      tpu.vector_store %swap3A_551[%swap3A_552], %swap3A_555 {strides = array<i32>} : memref<1024xf32, #tpu.memory_space<vmem>>, vector<16xf32>,
      %get3A_556 = arith.constant 0 : i32
      %get3A_557 = tpu.memref_slice %arg8[%scan3A_74, %get3A_556] : memref<32x1024xf32, #tpu.memory_space<vmem>> -> memref<1x1024xf32, #tpu.memory_space<vmem>>
      %get3A_558 = tpu.memref_squeeze %get3A_557 : memref<1x1024xf32, #tpu.memory_space<vmem>> -> memref<1024xf32, #tpu.memory_space<vmem>>
      %get3A_559 = arith.constant 544 : index
      %get3A_560 = tpu.vector_load %get3A_558[%get3A_559] {strides = array<i32>} : memref<1024xf32, #tpu.memory_space<vmem>>, vector<16xf32>,
      %get3A_561 = vector.shape_cast %get3A_560 : vector<16xf32> to vector<16xf32>
      %mul3A_562 = arith.mulf %get3A_561, %get3A_80 : vector<16xf32>
      %swap3A_563 = arith.constant 0 : i32
      %swap3A_564 = tpu.memref_slice %arg8[%scan3A_74, %swap3A_563] : memref<32x1024xf32, #tpu.memory_space<vmem>> -> memref<1x1024xf32, #tpu.memory_space<vmem>>
      %swap3A_565 = tpu.memref_squeeze %swap3A_564 : memref<1x1024xf32, #tpu.memory_space<vmem>> -> memref<1024xf32, #tpu.memory_space<vmem>>
      %swap3A_566 = arith.constant 544 : index
      %swap3A_567 = tpu.vector_load %swap3A_565[%swap3A_566] {strides = array<i32>} : memref<1024xf32, #tpu.memory_space<vmem>>, vector<16xf32>,
      %swap3A_568 = vector.shape_cast %swap3A_567 : vector<16xf32> to vector<16xf32>
      %swap3A_569 = vector.shape_cast %mul3A_562 : vector<16xf32> to vector<16xf32>
      tpu.vector_store %swap3A_565[%swap3A_566], %swap3A_569 {strides = array<i32>} : memref<1024xf32, #tpu.memory_space<vmem>>, vector<16xf32>,
      %get3A_570 = arith.constant 0 : i32
      %get3A_571 = tpu.memref_slice %arg8[%scan3A_74, %get3A_570] : memref<32x1024xf32, #tpu.memory_space<vmem>> -> memref<1x1024xf32, #tpu.memory_space<vmem>>
      %get3A_572 = tpu.memref_squeeze %get3A_571 : memref<1x1024xf32, #tpu.memory_space<vmem>> -> memref<1024xf32, #tpu.memory_space<vmem>>
      %get3A_573 = arith.constant 560 : index
      %get3A_574 = tpu.vector_load %get3A_572[%get3A_573] {strides = array<i32>} : memref<1024xf32, #tpu.memory_space<vmem>>, vector<16xf32>,
      %get3A_575 = vector.shape_cast %get3A_574 : vector<16xf32> to vector<16xf32>
      %mul3A_576 = arith.mulf %get3A_575, %get3A_80 : vector<16xf32>
      %swap3A_577 = arith.constant 0 : i32
      %swap3A_578 = tpu.memref_slice %arg8[%scan3A_74, %swap3A_577] : memref<32x1024xf32, #tpu.memory_space<vmem>> -> memref<1x1024xf32, #tpu.memory_space<vmem>>
      %swap3A_579 = tpu.memref_squeeze %swap3A_578 : memref<1x1024xf32, #tpu.memory_space<vmem>> -> memref<1024xf32, #tpu.memory_space<vmem>>
      %swap3A_580 = arith.constant 560 : index
      %swap3A_581 = tpu.vector_load %swap3A_579[%swap3A_580] {strides = array<i32>} : memref<1024xf32, #tpu.memory_space<vmem>>, vector<16xf32>,
      %swap3A_582 = vector.shape_cast %swap3A_581 : vector<16xf32> to vector<16xf32>
      %swap3A_583 = vector.shape_cast %mul3A_576 : vector<16xf32> to vector<16xf32>
      tpu.vector_store %swap3A_579[%swap3A_580], %swap3A_583 {strides = array<i32>} : memref<1024xf32, #tpu.memory_space<vmem>>, vector<16xf32>,
      %get3A_584 = arith.constant 0 : i32
      %get3A_585 = tpu.memref_slice %arg8[%scan3A_74, %get3A_584] : memref<32x1024xf32, #tpu.memory_space<vmem>> -> memref<1x1024xf32, #tpu.memory_space<vmem>>
      %get3A_586 = tpu.memref_squeeze %get3A_585 : memref<1x1024xf32, #tpu.memory_space<vmem>> -> memref<1024xf32, #tpu.memory_space<vmem>>
      %get3A_587 = arith.constant 576 : index
      %get3A_588 = tpu.vector_load %get3A_586[%get3A_587] {strides = array<i32>} : memref<1024xf32, #tpu.memory_space<vmem>>, vector<16xf32>,
      %get3A_589 = vector.shape_cast %get3A_588 : vector<16xf32> to vector<16xf32>
      %mul3A_590 = arith.mulf %get3A_589, %get3A_80 : vector<16xf32>
      %swap3A_591 = arith.constant 0 : i32
      %swap3A_592 = tpu.memref_slice %arg8[%scan3A_74, %swap3A_591] : memref<32x1024xf32, #tpu.memory_space<vmem>> -> memref<1x1024xf32, #tpu.memory_space<vmem>>
      %swap3A_593 = tpu.memref_squeeze %swap3A_592 : memref<1x1024xf32, #tpu.memory_space<vmem>> -> memref<1024xf32, #tpu.memory_space<vmem>>
      %swap3A_594 = arith.constant 576 : index
      %swap3A_595 = tpu.vector_load %swap3A_593[%swap3A_594] {strides = array<i32>} : memref<1024xf32, #tpu.memory_space<vmem>>, vector<16xf32>,
      %swap3A_596 = vector.shape_cast %swap3A_595 : vector<16xf32> to vector<16xf32>
      %swap3A_597 = vector.shape_cast %mul3A_590 : vector<16xf32> to vector<16xf32>
      tpu.vector_store %swap3A_593[%swap3A_594], %swap3A_597 {strides = array<i32>} : memref<1024xf32, #tpu.memory_space<vmem>>, vector<16xf32>,
      %get3A_598 = arith.constant 0 : i32
      %get3A_599 = tpu.memref_slice %arg8[%scan3A_74, %get3A_598] : memref<32x1024xf32, #tpu.memory_space<vmem>> -> memref<1x1024xf32, #tpu.memory_space<vmem>>
      %get3A_600 = tpu.memref_squeeze %get3A_599 : memref<1x1024xf32, #tpu.memory_space<vmem>> -> memref<1024xf32, #tpu.memory_space<vmem>>
      %get3A_601 = arith.constant 592 : index
      %get3A_602 = tpu.vector_load %get3A_600[%get3A_601] {strides = array<i32>} : memref<1024xf32, #tpu.memory_space<vmem>>, vector<16xf32>,
      %get3A_603 = vector.shape_cast %get3A_602 : vector<16xf32> to vector<16xf32>
      %mul3A_604 = arith.mulf %get3A_603, %get3A_80 : vector<16xf32>
      %swap3A_605 = arith.constant 0 : i32
      %swap3A_606 = tpu.memref_slice %arg8[%scan3A_74, %swap3A_605] : memref<32x1024xf32, #tpu.memory_space<vmem>> -> memref<1x1024xf32, #tpu.memory_space<vmem>>
      %swap3A_607 = tpu.memref_squeeze %swap3A_606 : memref<1x1024xf32, #tpu.memory_space<vmem>> -> memref<1024xf32, #tpu.memory_space<vmem>>
      %swap3A_608 = arith.constant 592 : index
      %swap3A_609 = tpu.vector_load %swap3A_607[%swap3A_608] {strides = array<i32>} : memref<1024xf32, #tpu.memory_space<vmem>>, vector<16xf32>,
      %swap3A_610 = vector.shape_cast %swap3A_609 : vector<16xf32> to vector<16xf32>
      %swap3A_611 = vector.shape_cast %mul3A_604 : vector<16xf32> to vector<16xf32>
      tpu.vector_store %swap3A_607[%swap3A_608], %swap3A_611 {strides = array<i32>} : memref<1024xf32, #tpu.memory_space<vmem>>, vector<16xf32>,
      %get3A_612 = arith.constant 0 : i32
      %get3A_613 = tpu.memref_slice %arg8[%scan3A_74, %get3A_612] : memref<32x1024xf32, #tpu.memory_space<vmem>> -> memref<1x1024xf32, #tpu.memory_space<vmem>>
      %get3A_614 = tpu.memref_squeeze %get3A_613 : memref<1x1024xf32, #tpu.memory_space<vmem>> -> memref<1024xf32, #tpu.memory_space<vmem>>
      %get3A_615 = arith.constant 608 : index
      %get3A_616 = tpu.vector_load %get3A_614[%get3A_615] {strides = array<i32>} : memref<1024xf32, #tpu.memory_space<vmem>>, vector<16xf32>,
      %get3A_617 = vector.shape_cast %get3A_616 : vector<16xf32> to vector<16xf32>
      %mul3A_618 = arith.mulf %get3A_617, %get3A_80 : vector<16xf32>
      %swap3A_619 = arith.constant 0 : i32
      %swap3A_620 = tpu.memref_slice %arg8[%scan3A_74, %swap3A_619] : memref<32x1024xf32, #tpu.memory_space<vmem>> -> memref<1x1024xf32, #tpu.memory_space<vmem>>
      %swap3A_621 = tpu.memref_squeeze %swap3A_620 : memref<1x1024xf32, #tpu.memory_space<vmem>> -> memref<1024xf32, #tpu.memory_space<vmem>>
      %swap3A_622 = arith.constant 608 : index
      %swap3A_623 = tpu.vector_load %swap3A_621[%swap3A_622] {strides = array<i32>} : memref<1024xf32, #tpu.memory_space<vmem>>, vector<16xf32>,
      %swap3A_624 = vector.shape_cast %swap3A_623 : vector<16xf32> to vector<16xf32>
      %swap3A_625 = vector.shape_cast %mul3A_618 : vector<16xf32> to vector<16xf32>
      tpu.vector_store %swap3A_621[%swap3A_622], %swap3A_625 {strides = array<i32>} : memref<1024xf32, #tpu.memory_space<vmem>>, vector<16xf32>,
      %get3A_626 = arith.constant 0 : i32
      %get3A_627 = tpu.memref_slice %arg8[%scan3A_74, %get3A_626] : memref<32x1024xf32, #tpu.memory_space<vmem>> -> memref<1x1024xf32, #tpu.memory_space<vmem>>
      %get3A_628 = tpu.memref_squeeze %get3A_627 : memref<1x1024xf32, #tpu.memory_space<vmem>> -> memref<1024xf32, #tpu.memory_space<vmem>>
      %get3A_629 = arith.constant 624 : index
      %get3A_630 = tpu.vector_load %get3A_628[%get3A_629] {strides = array<i32>} : memref<1024xf32, #tpu.memory_space<vmem>>, vector<16xf32>,
      %get3A_631 = vector.shape_cast %get3A_630 : vector<16xf32> to vector<16xf32>
      %mul3A_632 = arith.mulf %get3A_631, %get3A_80 : vector<16xf32>
      %swap3A_633 = arith.constant 0 : i32
      %swap3A_634 = tpu.memref_slice %arg8[%scan3A_74, %swap3A_633] : memref<32x1024xf32, #tpu.memory_space<vmem>> -> memref<1x1024xf32, #tpu.memory_space<vmem>>
      %swap3A_635 = tpu.memref_squeeze %swap3A_634 : memref<1x1024xf32, #tpu.memory_space<vmem>> -> memref<1024xf32, #tpu.memory_space<vmem>>
      %swap3A_636 = arith.constant 624 : index
      %swap3A_637 = tpu.vector_load %swap3A_635[%swap3A_636] {strides = array<i32>} : memref<1024xf32, #tpu.memory_space<vmem>>, vector<16xf32>,
      %swap3A_638 = vector.shape_cast %swap3A_637 : vector<16xf32> to vector<16xf32>
      %swap3A_639 = vector.shape_cast %mul3A_632 : vector<16xf32> to vector<16xf32>
      tpu.vector_store %swap3A_635[%swap3A_636], %swap3A_639 {strides = array<i32>} : memref<1024xf32, #tpu.memory_space<vmem>>, vector<16xf32>,
      %get3A_640 = arith.constant 0 : i32
      %get3A_641 = tpu.memref_slice %arg8[%scan3A_74, %get3A_640] : memref<32x1024xf32, #tpu.memory_space<vmem>> -> memref<1x1024xf32, #tpu.memory_space<vmem>>
      %get3A_642 = tpu.memref_squeeze %get3A_641 : memref<1x1024xf32, #tpu.memory_space<vmem>> -> memref<1024xf32, #tpu.memory_space<vmem>>
      %get3A_643 = arith.constant 640 : index
      %get3A_644 = tpu.vector_load %get3A_642[%get3A_643] {strides = array<i32>} : memref<1024xf32, #tpu.memory_space<vmem>>, vector<16xf32>,
      %get3A_645 = vector.shape_cast %get3A_644 : vector<16xf32> to vector<16xf32>
      %mul3A_646 = arith.mulf %get3A_645, %get3A_80 : vector<16xf32>
      %swap3A_647 = arith.constant 0 : i32
      %swap3A_648 = tpu.memref_slice %arg8[%scan3A_74, %swap3A_647] : memref<32x1024xf32, #tpu.memory_space<vmem>> -> memref<1x1024xf32, #tpu.memory_space<vmem>>
      %swap3A_649 = tpu.memref_squeeze %swap3A_648 : memref<1x1024xf32, #tpu.memory_space<vmem>> -> memref<1024xf32, #tpu.memory_space<vmem>>
      %swap3A_650 = arith.constant 640 : index
      %swap3A_651 = tpu.vector_load %swap3A_649[%swap3A_650] {strides = array<i32>} : memref<1024xf32, #tpu.memory_space<vmem>>, vector<16xf32>,
      %swap3A_652 = vector.shape_cast %swap3A_651 : vector<16xf32> to vector<16xf32>
      %swap3A_653 = vector.shape_cast %mul3A_646 : vector<16xf32> to vector<16xf32>
      tpu.vector_store %swap3A_649[%swap3A_650], %swap3A_653 {strides = array<i32>} : memref<1024xf32, #tpu.memory_space<vmem>>, vector<16xf32>,
      %get3A_654 = arith.constant 0 : i32
      %get3A_655 = tpu.memref_slice %arg8[%scan3A_74, %get3A_654] : memref<32x1024xf32, #tpu.memory_space<vmem>> -> memref<1x1024xf32, #tpu.memory_space<vmem>>
      %get3A_656 = tpu.memref_squeeze %get3A_655 : memref<1x1024xf32, #tpu.memory_space<vmem>> -> memref<1024xf32, #tpu.memory_space<vmem>>
      %get3A_657 = arith.constant 656 : index
      %get3A_658 = tpu.vector_load %get3A_656[%get3A_657] {strides = array<i32>} : memref<1024xf32, #tpu.memory_space<vmem>>, vector<16xf32>,
      %get3A_659 = vector.shape_cast %get3A_658 : vector<16xf32> to vector<16xf32>
      %mul3A_660 = arith.mulf %get3A_659, %get3A_80 : vector<16xf32>
      %swap3A_661 = arith.constant 0 : i32
      %swap3A_662 = tpu.memref_slice %arg8[%scan3A_74, %swap3A_661] : memref<32x1024xf32, #tpu.memory_space<vmem>> -> memref<1x1024xf32, #tpu.memory_space<vmem>>
      %swap3A_663 = tpu.memref_squeeze %swap3A_662 : memref<1x1024xf32, #tpu.memory_space<vmem>> -> memref<1024xf32, #tpu.memory_space<vmem>>
      %swap3A_664 = arith.constant 656 : index
      %swap3A_665 = tpu.vector_load %swap3A_663[%swap3A_664] {strides = array<i32>} : memref<1024xf32, #tpu.memory_space<vmem>>, vector<16xf32>,
      %swap3A_666 = vector.shape_cast %swap3A_665 : vector<16xf32> to vector<16xf32>
      %swap3A_667 = vector.shape_cast %mul3A_660 : vector<16xf32> to vector<16xf32>
      tpu.vector_store %swap3A_663[%swap3A_664], %swap3A_667 {strides = array<i32>} : memref<1024xf32, #tpu.memory_space<vmem>>, vector<16xf32>,
      %get3A_668 = arith.constant 0 : i32
      %get3A_669 = tpu.memref_slice %arg8[%scan3A_74, %get3A_668] : memref<32x1024xf32, #tpu.memory_space<vmem>> -> memref<1x1024xf32, #tpu.memory_space<vmem>>
      %get3A_670 = tpu.memref_squeeze %get3A_669 : memref<1x1024xf32, #tpu.memory_space<vmem>> -> memref<1024xf32, #tpu.memory_space<vmem>>
      %get3A_671 = arith.constant 672 : index
      %get3A_672 = tpu.vector_load %get3A_670[%get3A_671] {strides = array<i32>} : memref<1024xf32, #tpu.memory_space<vmem>>, vector<16xf32>,
      %get3A_673 = vector.shape_cast %get3A_672 : vector<16xf32> to vector<16xf32>
      %mul3A_674 = arith.mulf %get3A_673, %get3A_80 : vector<16xf32>
      %swap3A_675 = arith.constant 0 : i32
      %swap3A_676 = tpu.memref_slice %arg8[%scan3A_74, %swap3A_675] : memref<32x1024xf32, #tpu.memory_space<vmem>> -> memref<1x1024xf32, #tpu.memory_space<vmem>>
      %swap3A_677 = tpu.memref_squeeze %swap3A_676 : memref<1x1024xf32, #tpu.memory_space<vmem>> -> memref<1024xf32, #tpu.memory_space<vmem>>
      %swap3A_678 = arith.constant 672 : index
      %swap3A_679 = tpu.vector_load %swap3A_677[%swap3A_678] {strides = array<i32>} : memref<1024xf32, #tpu.memory_space<vmem>>, vector<16xf32>,
      %swap3A_680 = vector.shape_cast %swap3A_679 : vector<16xf32> to vector<16xf32>
      %swap3A_681 = vector.shape_cast %mul3A_674 : vector<16xf32> to vector<16xf32>
      tpu.vector_store %swap3A_677[%swap3A_678], %swap3A_681 {strides = array<i32>} : memref<1024xf32, #tpu.memory_space<vmem>>, vector<16xf32>,
      %get3A_682 = arith.constant 0 : i32
      %get3A_683 = tpu.memref_slice %arg8[%scan3A_74, %get3A_682] : memref<32x1024xf32, #tpu.memory_space<vmem>> -> memref<1x1024xf32, #tpu.memory_space<vmem>>
      %get3A_684 = tpu.memref_squeeze %get3A_683 : memref<1x1024xf32, #tpu.memory_space<vmem>> -> memref<1024xf32, #tpu.memory_space<vmem>>
      %get3A_685 = arith.constant 688 : index
      %get3A_686 = tpu.vector_load %get3A_684[%get3A_685] {strides = array<i32>} : memref<1024xf32, #tpu.memory_space<vmem>>, vector<16xf32>,
      %get3A_687 = vector.shape_cast %get3A_686 : vector<16xf32> to vector<16xf32>
      %mul3A_688 = arith.mulf %get3A_687, %get3A_80 : vector<16xf32>
      %swap3A_689 = arith.constant 0 : i32
      %swap3A_690 = tpu.memref_slice %arg8[%scan3A_74, %swap3A_689] : memref<32x1024xf32, #tpu.memory_space<vmem>> -> memref<1x1024xf32, #tpu.memory_space<vmem>>
      %swap3A_691 = tpu.memref_squeeze %swap3A_690 : memref<1x1024xf32, #tpu.memory_space<vmem>> -> memref<1024xf32, #tpu.memory_space<vmem>>
      %swap3A_692 = arith.constant 688 : index
      %swap3A_693 = tpu.vector_load %swap3A_691[%swap3A_692] {strides = array<i32>} : memref<1024xf32, #tpu.memory_space<vmem>>, vector<16xf32>,
      %swap3A_694 = vector.shape_cast %swap3A_693 : vector<16xf32> to vector<16xf32>
      %swap3A_695 = vector.shape_cast %mul3A_688 : vector<16xf32> to vector<16xf32>
      tpu.vector_store %swap3A_691[%swap3A_692], %swap3A_695 {strides = array<i32>} : memref<1024xf32, #tpu.memory_space<vmem>>, vector<16xf32>,
      %get3A_696 = arith.constant 0 : i32
      %get3A_697 = tpu.memref_slice %arg8[%scan3A_74, %get3A_696] : memref<32x1024xf32, #tpu.memory_space<vmem>> -> memref<1x1024xf32, #tpu.memory_space<vmem>>
      %get3A_698 = tpu.memref_squeeze %get3A_697 : memref<1x1024xf32, #tpu.memory_space<vmem>> -> memref<1024xf32, #tpu.memory_space<vmem>>
      %get3A_699 = arith.constant 704 : index
      %get3A_700 = tpu.vector_load %get3A_698[%get3A_699] {strides = array<i32>} : memref<1024xf32, #tpu.memory_space<vmem>>, vector<16xf32>,
      %get3A_701 = vector.shape_cast %get3A_700 : vector<16xf32> to vector<16xf32>
      %mul3A_702 = arith.mulf %get3A_701, %get3A_80 : vector<16xf32>
      %swap3A_703 = arith.constant 0 : i32
      %swap3A_704 = tpu.memref_slice %arg8[%scan3A_74, %swap3A_703] : memref<32x1024xf32, #tpu.memory_space<vmem>> -> memref<1x1024xf32, #tpu.memory_space<vmem>>
      %swap3A_705 = tpu.memref_squeeze %swap3A_704 : memref<1x1024xf32, #tpu.memory_space<vmem>> -> memref<1024xf32, #tpu.memory_space<vmem>>
      %swap3A_706 = arith.constant 704 : index
      %swap3A_707 = tpu.vector_load %swap3A_705[%swap3A_706] {strides = array<i32>} : memref<1024xf32, #tpu.memory_space<vmem>>, vector<16xf32>,
      %swap3A_708 = vector.shape_cast %swap3A_707 : vector<16xf32> to vector<16xf32>
      %swap3A_709 = vector.shape_cast %mul3A_702 : vector<16xf32> to vector<16xf32>
      tpu.vector_store %swap3A_705[%swap3A_706], %swap3A_709 {strides = array<i32>} : memref<1024xf32, #tpu.memory_space<vmem>>, vector<16xf32>,
      %get3A_710 = arith.constant 0 : i32
      %get3A_711 = tpu.memref_slice %arg8[%scan3A_74, %get3A_710] : memref<32x1024xf32, #tpu.memory_space<vmem>> -> memref<1x1024xf32, #tpu.memory_space<vmem>>
      %get3A_712 = tpu.memref_squeeze %get3A_711 : memref<1x1024xf32, #tpu.memory_space<vmem>> -> memref<1024xf32, #tpu.memory_space<vmem>>
      %get3A_713 = arith.constant 720 : index
      %get3A_714 = tpu.vector_load %get3A_712[%get3A_713] {strides = array<i32>} : memref<1024xf32, #tpu.memory_space<vmem>>, vector<16xf32>,
      %get3A_715 = vector.shape_cast %get3A_714 : vector<16xf32> to vector<16xf32>
      %mul3A_716 = arith.mulf %get3A_715, %get3A_80 : vector<16xf32>
      %swap3A_717 = arith.constant 0 : i32
      %swap3A_718 = tpu.memref_slice %arg8[%scan3A_74, %swap3A_717] : memref<32x1024xf32, #tpu.memory_space<vmem>> -> memref<1x1024xf32, #tpu.memory_space<vmem>>
      %swap3A_719 = tpu.memref_squeeze %swap3A_718 : memref<1x1024xf32, #tpu.memory_space<vmem>> -> memref<1024xf32, #tpu.memory_space<vmem>>
      %swap3A_720 = arith.constant 720 : index
      %swap3A_721 = tpu.vector_load %swap3A_719[%swap3A_720] {strides = array<i32>} : memref<1024xf32, #tpu.memory_space<vmem>>, vector<16xf32>,
      %swap3A_722 = vector.shape_cast %swap3A_721 : vector<16xf32> to vector<16xf32>
      %swap3A_723 = vector.shape_cast %mul3A_716 : vector<16xf32> to vector<16xf32>
      tpu.vector_store %swap3A_719[%swap3A_720], %swap3A_723 {strides = array<i32>} : memref<1024xf32, #tpu.memory_space<vmem>>, vector<16xf32>,
      %get3A_724 = arith.constant 0 : i32
      %get3A_725 = tpu.memref_slice %arg8[%scan3A_74, %get3A_724] : memref<32x1024xf32, #tpu.memory_space<vmem>> -> memref<1x1024xf32, #tpu.memory_space<vmem>>
      %get3A_726 = tpu.memref_squeeze %get3A_725 : memref<1x1024xf32, #tpu.memory_space<vmem>> -> memref<1024xf32, #tpu.memory_space<vmem>>
      %get3A_727 = arith.constant 736 : index
      %get3A_728 = tpu.vector_load %get3A_726[%get3A_727] {strides = array<i32>} : memref<1024xf32, #tpu.memory_space<vmem>>, vector<16xf32>,
      %get3A_729 = vector.shape_cast %get3A_728 : vector<16xf32> to vector<16xf32>
      %mul3A_730 = arith.mulf %get3A_729, %get3A_80 : vector<16xf32>
      %swap3A_731 = arith.constant 0 : i32
      %swap3A_732 = tpu.memref_slice %arg8[%scan3A_74, %swap3A_731] : memref<32x1024xf32, #tpu.memory_space<vmem>> -> memref<1x1024xf32, #tpu.memory_space<vmem>>
      %swap3A_733 = tpu.memref_squeeze %swap3A_732 : memref<1x1024xf32, #tpu.memory_space<vmem>> -> memref<1024xf32, #tpu.memory_space<vmem>>
      %swap3A_734 = arith.constant 736 : index
      %swap3A_735 = tpu.vector_load %swap3A_733[%swap3A_734] {strides = array<i32>} : memref<1024xf32, #tpu.memory_space<vmem>>, vector<16xf32>,
      %swap3A_736 = vector.shape_cast %swap3A_735 : vector<16xf32> to vector<16xf32>
      %swap3A_737 = vector.shape_cast %mul3A_730 : vector<16xf32> to vector<16xf32>
      tpu.vector_store %swap3A_733[%swap3A_734], %swap3A_737 {strides = array<i32>} : memref<1024xf32, #tpu.memory_space<vmem>>, vector<16xf32>,
      %get3A_738 = arith.constant 0 : i32
      %get3A_739 = tpu.memref_slice %arg8[%scan3A_74, %get3A_738] : memref<32x1024xf32, #tpu.memory_space<vmem>> -> memref<1x1024xf32, #tpu.memory_space<vmem>>
      %get3A_740 = tpu.memref_squeeze %get3A_739 : memref<1x1024xf32, #tpu.memory_space<vmem>> -> memref<1024xf32, #tpu.memory_space<vmem>>
      %get3A_741 = arith.constant 752 : index
      %get3A_742 = tpu.vector_load %get3A_740[%get3A_741] {strides = array<i32>} : memref<1024xf32, #tpu.memory_space<vmem>>, vector<16xf32>,
      %get3A_743 = vector.shape_cast %get3A_742 : vector<16xf32> to vector<16xf32>
      %mul3A_744 = arith.mulf %get3A_743, %get3A_80 : vector<16xf32>
      %swap3A_745 = arith.constant 0 : i32
      %swap3A_746 = tpu.memref_slice %arg8[%scan3A_74, %swap3A_745] : memref<32x1024xf32, #tpu.memory_space<vmem>> -> memref<1x1024xf32, #tpu.memory_space<vmem>>
      %swap3A_747 = tpu.memref_squeeze %swap3A_746 : memref<1x1024xf32, #tpu.memory_space<vmem>> -> memref<1024xf32, #tpu.memory_space<vmem>>
      %swap3A_748 = arith.constant 752 : index
      %swap3A_749 = tpu.vector_load %swap3A_747[%swap3A_748] {strides = array<i32>} : memref<1024xf32, #tpu.memory_space<vmem>>, vector<16xf32>,
      %swap3A_750 = vector.shape_cast %swap3A_749 : vector<16xf32> to vector<16xf32>
      %swap3A_751 = vector.shape_cast %mul3A_744 : vector<16xf32> to vector<16xf32>
      tpu.vector_store %swap3A_747[%swap3A_748], %swap3A_751 {strides = array<i32>} : memref<1024xf32, #tpu.memory_space<vmem>>, vector<16xf32>,
      %get3A_752 = arith.constant 0 : i32
      %get3A_753 = tpu.memref_slice %arg8[%scan3A_74, %get3A_752] : memref<32x1024xf32, #tpu.memory_space<vmem>> -> memref<1x1024xf32, #tpu.memory_space<vmem>>
      %get3A_754 = tpu.memref_squeeze %get3A_753 : memref<1x1024xf32, #tpu.memory_space<vmem>> -> memref<1024xf32, #tpu.memory_space<vmem>>
      %get3A_755 = arith.constant 768 : index
      %get3A_756 = tpu.vector_load %get3A_754[%get3A_755] {strides = array<i32>} : memref<1024xf32, #tpu.memory_space<vmem>>, vector<16xf32>,
      %get3A_757 = vector.shape_cast %get3A_756 : vector<16xf32> to vector<16xf32>
      %mul3A_758 = arith.mulf %get3A_757, %get3A_80 : vector<16xf32>
      %swap3A_759 = arith.constant 0 : i32
      %swap3A_760 = tpu.memref_slice %arg8[%scan3A_74, %swap3A_759] : memref<32x1024xf32, #tpu.memory_space<vmem>> -> memref<1x1024xf32, #tpu.memory_space<vmem>>
      %swap3A_761 = tpu.memref_squeeze %swap3A_760 : memref<1x1024xf32, #tpu.memory_space<vmem>> -> memref<1024xf32, #tpu.memory_space<vmem>>
      %swap3A_762 = arith.constant 768 : index
      %swap3A_763 = tpu.vector_load %swap3A_761[%swap3A_762] {strides = array<i32>} : memref<1024xf32, #tpu.memory_space<vmem>>, vector<16xf32>,
      %swap3A_764 = vector.shape_cast %swap3A_763 : vector<16xf32> to vector<16xf32>
      %swap3A_765 = vector.shape_cast %mul3A_758 : vector<16xf32> to vector<16xf32>
      tpu.vector_store %swap3A_761[%swap3A_762], %swap3A_765 {strides = array<i32>} : memref<1024xf32, #tpu.memory_space<vmem>>, vector<16xf32>,
      %get3A_766 = arith.constant 0 : i32
      %get3A_767 = tpu.memref_slice %arg8[%scan3A_74, %get3A_766] : memref<32x1024xf32, #tpu.memory_space<vmem>> -> memref<1x1024xf32, #tpu.memory_space<vmem>>
      %get3A_768 = tpu.memref_squeeze %get3A_767 : memref<1x1024xf32, #tpu.memory_space<vmem>> -> memref<1024xf32, #tpu.memory_space<vmem>>
      %get3A_769 = arith.constant 784 : index
      %get3A_770 = tpu.vector_load %get3A_768[%get3A_769] {strides = array<i32>} : memref<1024xf32, #tpu.memory_space<vmem>>, vector<16xf32>,
      %get3A_771 = vector.shape_cast %get3A_770 : vector<16xf32> to vector<16xf32>
      %mul3A_772 = arith.mulf %get3A_771, %get3A_80 : vector<16xf32>
      %swap3A_773 = arith.constant 0 : i32
      %swap3A_774 = tpu.memref_slice %arg8[%scan3A_74, %swap3A_773] : memref<32x1024xf32, #tpu.memory_space<vmem>> -> memref<1x1024xf32, #tpu.memory_space<vmem>>
      %swap3A_775 = tpu.memref_squeeze %swap3A_774 : memref<1x1024xf32, #tpu.memory_space<vmem>> -> memref<1024xf32, #tpu.memory_space<vmem>>
      %swap3A_776 = arith.constant 784 : index
      %swap3A_777 = tpu.vector_load %swap3A_775[%swap3A_776] {strides = array<i32>} : memref<1024xf32, #tpu.memory_space<vmem>>, vector<16xf32>,
      %swap3A_778 = vector.shape_cast %swap3A_777 : vector<16xf32> to vector<16xf32>
      %swap3A_779 = vector.shape_cast %mul3A_772 : vector<16xf32> to vector<16xf32>
      tpu.vector_store %swap3A_775[%swap3A_776], %swap3A_779 {strides = array<i32>} : memref<1024xf32, #tpu.memory_space<vmem>>, vector<16xf32>,
      %get3A_780 = arith.constant 0 : i32
      %get3A_781 = tpu.memref_slice %arg8[%scan3A_74, %get3A_780] : memref<32x1024xf32, #tpu.memory_space<vmem>> -> memref<1x1024xf32, #tpu.memory_space<vmem>>
      %get3A_782 = tpu.memref_squeeze %get3A_781 : memref<1x1024xf32, #tpu.memory_space<vmem>> -> memref<1024xf32, #tpu.memory_space<vmem>>
      %get3A_783 = arith.constant 800 : index
      %get3A_784 = tpu.vector_load %get3A_782[%get3A_783] {strides = array<i32>} : memref<1024xf32, #tpu.memory_space<vmem>>, vector<16xf32>,
      %get3A_785 = vector.shape_cast %get3A_784 : vector<16xf32> to vector<16xf32>
      %mul3A_786 = arith.mulf %get3A_785, %get3A_80 : vector<16xf32>
      %swap3A_787 = arith.constant 0 : i32
      %swap3A_788 = tpu.memref_slice %arg8[%scan3A_74, %swap3A_787] : memref<32x1024xf32, #tpu.memory_space<vmem>> -> memref<1x1024xf32, #tpu.memory_space<vmem>>
      %swap3A_789 = tpu.memref_squeeze %swap3A_788 : memref<1x1024xf32, #tpu.memory_space<vmem>> -> memref<1024xf32, #tpu.memory_space<vmem>>
      %swap3A_790 = arith.constant 800 : index
      %swap3A_791 = tpu.vector_load %swap3A_789[%swap3A_790] {strides = array<i32>} : memref<1024xf32, #tpu.memory_space<vmem>>, vector<16xf32>,
      %swap3A_792 = vector.shape_cast %swap3A_791 : vector<16xf32> to vector<16xf32>
      %swap3A_793 = vector.shape_cast %mul3A_786 : vector<16xf32> to vector<16xf32>
      tpu.vector_store %swap3A_789[%swap3A_790], %swap3A_793 {strides = array<i32>} : memref<1024xf32, #tpu.memory_space<vmem>>, vector<16xf32>,
      %get3A_794 = arith.constant 0 : i32
      %get3A_795 = tpu.memref_slice %arg8[%scan3A_74, %get3A_794] : memref<32x1024xf32, #tpu.memory_space<vmem>> -> memref<1x1024xf32, #tpu.memory_space<vmem>>
      %get3A_796 = tpu.memref_squeeze %get3A_795 : memref<1x1024xf32, #tpu.memory_space<vmem>> -> memref<1024xf32, #tpu.memory_space<vmem>>
      %get3A_797 = arith.constant 816 : index
      %get3A_798 = tpu.vector_load %get3A_796[%get3A_797] {strides = array<i32>} : memref<1024xf32, #tpu.memory_space<vmem>>, vector<16xf32>,
      %get3A_799 = vector.shape_cast %get3A_798 : vector<16xf32> to vector<16xf32>
      %mul3A_800 = arith.mulf %get3A_799, %get3A_80 : vector<16xf32>
      %swap3A_801 = arith.constant 0 : i32
      %swap3A_802 = tpu.memref_slice %arg8[%scan3A_74, %swap3A_801] : memref<32x1024xf32, #tpu.memory_space<vmem>> -> memref<1x1024xf32, #tpu.memory_space<vmem>>
      %swap3A_803 = tpu.memref_squeeze %swap3A_802 : memref<1x1024xf32, #tpu.memory_space<vmem>> -> memref<1024xf32, #tpu.memory_space<vmem>>
      %swap3A_804 = arith.constant 816 : index
      %swap3A_805 = tpu.vector_load %swap3A_803[%swap3A_804] {strides = array<i32>} : memref<1024xf32, #tpu.memory_space<vmem>>, vector<16xf32>,
      %swap3A_806 = vector.shape_cast %swap3A_805 : vector<16xf32> to vector<16xf32>
      %swap3A_807 = vector.shape_cast %mul3A_800 : vector<16xf32> to vector<16xf32>
      tpu.vector_store %swap3A_803[%swap3A_804], %swap3A_807 {strides = array<i32>} : memref<1024xf32, #tpu.memory_space<vmem>>, vector<16xf32>,
      %get3A_808 = arith.constant 0 : i32
      %get3A_809 = tpu.memref_slice %arg8[%scan3A_74, %get3A_808] : memref<32x1024xf32, #tpu.memory_space<vmem>> -> memref<1x1024xf32, #tpu.memory_space<vmem>>
      %get3A_810 = tpu.memref_squeeze %get3A_809 : memref<1x1024xf32, #tpu.memory_space<vmem>> -> memref<1024xf32, #tpu.memory_space<vmem>>
      %get3A_811 = arith.constant 832 : index
      %get3A_812 = tpu.vector_load %get3A_810[%get3A_811] {strides = array<i32>} : memref<1024xf32, #tpu.memory_space<vmem>>, vector<16xf32>,
      %get3A_813 = vector.shape_cast %get3A_812 : vector<16xf32> to vector<16xf32>
      %mul3A_814 = arith.mulf %get3A_813, %get3A_80 : vector<16xf32>
      %swap3A_815 = arith.constant 0 : i32
      %swap3A_816 = tpu.memref_slice %arg8[%scan3A_74, %swap3A_815] : memref<32x1024xf32, #tpu.memory_space<vmem>> -> memref<1x1024xf32, #tpu.memory_space<vmem>>
      %swap3A_817 = tpu.memref_squeeze %swap3A_816 : memref<1x1024xf32, #tpu.memory_space<vmem>> -> memref<1024xf32, #tpu.memory_space<vmem>>
      %swap3A_818 = arith.constant 832 : index
      %swap3A_819 = tpu.vector_load %swap3A_817[%swap3A_818] {strides = array<i32>} : memref<1024xf32, #tpu.memory_space<vmem>>, vector<16xf32>,
      %swap3A_820 = vector.shape_cast %swap3A_819 : vector<16xf32> to vector<16xf32>
      %swap3A_821 = vector.shape_cast %mul3A_814 : vector<16xf32> to vector<16xf32>
      tpu.vector_store %swap3A_817[%swap3A_818], %swap3A_821 {strides = array<i32>} : memref<1024xf32, #tpu.memory_space<vmem>>, vector<16xf32>,
      %get3A_822 = arith.constant 0 : i32
      %get3A_823 = tpu.memref_slice %arg8[%scan3A_74, %get3A_822] : memref<32x1024xf32, #tpu.memory_space<vmem>> -> memref<1x1024xf32, #tpu.memory_space<vmem>>
      %get3A_824 = tpu.memref_squeeze %get3A_823 : memref<1x1024xf32, #tpu.memory_space<vmem>> -> memref<1024xf32, #tpu.memory_space<vmem>>
      %get3A_825 = arith.constant 848 : index
      %get3A_826 = tpu.vector_load %get3A_824[%get3A_825] {strides = array<i32>} : memref<1024xf32, #tpu.memory_space<vmem>>, vector<16xf32>,
      %get3A_827 = vector.shape_cast %get3A_826 : vector<16xf32> to vector<16xf32>
      %mul3A_828 = arith.mulf %get3A_827, %get3A_80 : vector<16xf32>
      %swap3A_829 = arith.constant 0 : i32
      %swap3A_830 = tpu.memref_slice %arg8[%scan3A_74, %swap3A_829] : memref<32x1024xf32, #tpu.memory_space<vmem>> -> memref<1x1024xf32, #tpu.memory_space<vmem>>
      %swap3A_831 = tpu.memref_squeeze %swap3A_830 : memref<1x1024xf32, #tpu.memory_space<vmem>> -> memref<1024xf32, #tpu.memory_space<vmem>>
      %swap3A_832 = arith.constant 848 : index
      %swap3A_833 = tpu.vector_load %swap3A_831[%swap3A_832] {strides = array<i32>} : memref<1024xf32, #tpu.memory_space<vmem>>, vector<16xf32>,
      %swap3A_834 = vector.shape_cast %swap3A_833 : vector<16xf32> to vector<16xf32>
      %swap3A_835 = vector.shape_cast %mul3A_828 : vector<16xf32> to vector<16xf32>
      tpu.vector_store %swap3A_831[%swap3A_832], %swap3A_835 {strides = array<i32>} : memref<1024xf32, #tpu.memory_space<vmem>>, vector<16xf32>,
      %get3A_836 = arith.constant 0 : i32
      %get3A_837 = tpu.memref_slice %arg8[%scan3A_74, %get3A_836] : memref<32x1024xf32, #tpu.memory_space<vmem>> -> memref<1x1024xf32, #tpu.memory_space<vmem>>
      %get3A_838 = tpu.memref_squeeze %get3A_837 : memref<1x1024xf32, #tpu.memory_space<vmem>> -> memref<1024xf32, #tpu.memory_space<vmem>>
      %get3A_839 = arith.constant 864 : index
      %get3A_840 = tpu.vector_load %get3A_838[%get3A_839] {strides = array<i32>} : memref<1024xf32, #tpu.memory_space<vmem>>, vector<16xf32>,
      %get3A_841 = vector.shape_cast %get3A_840 : vector<16xf32> to vector<16xf32>
      %mul3A_842 = arith.mulf %get3A_841, %get3A_80 : vector<16xf32>
      %swap3A_843 = arith.constant 0 : i32
      %swap3A_844 = tpu.memref_slice %arg8[%scan3A_74, %swap3A_843] : memref<32x1024xf32, #tpu.memory_space<vmem>> -> memref<1x1024xf32, #tpu.memory_space<vmem>>
      %swap3A_845 = tpu.memref_squeeze %swap3A_844 : memref<1x1024xf32, #tpu.memory_space<vmem>> -> memref<1024xf32, #tpu.memory_space<vmem>>
      %swap3A_846 = arith.constant 864 : index
      %swap3A_847 = tpu.vector_load %swap3A_845[%swap3A_846] {strides = array<i32>} : memref<1024xf32, #tpu.memory_space<vmem>>, vector<16xf32>,
      %swap3A_848 = vector.shape_cast %swap3A_847 : vector<16xf32> to vector<16xf32>
      %swap3A_849 = vector.shape_cast %mul3A_842 : vector<16xf32> to vector<16xf32>
      tpu.vector_store %swap3A_845[%swap3A_846], %swap3A_849 {strides = array<i32>} : memref<1024xf32, #tpu.memory_space<vmem>>, vector<16xf32>,
      %get3A_850 = arith.constant 0 : i32
      %get3A_851 = tpu.memref_slice %arg8[%scan3A_74, %get3A_850] : memref<32x1024xf32, #tpu.memory_space<vmem>> -> memref<1x1024xf32, #tpu.memory_space<vmem>>
      %get3A_852 = tpu.memref_squeeze %get3A_851 : memref<1x1024xf32, #tpu.memory_space<vmem>> -> memref<1024xf32, #tpu.memory_space<vmem>>
      %get3A_853 = arith.constant 880 : index
      %get3A_854 = tpu.vector_load %get3A_852[%get3A_853] {strides = array<i32>} : memref<1024xf32, #tpu.memory_space<vmem>>, vector<16xf32>,
      %get3A_855 = vector.shape_cast %get3A_854 : vector<16xf32> to vector<16xf32>
      %mul3A_856 = arith.mulf %get3A_855, %get3A_80 : vector<16xf32>
      %swap3A_857 = arith.constant 0 : i32
      %swap3A_858 = tpu.memref_slice %arg8[%scan3A_74, %swap3A_857] : memref<32x1024xf32, #tpu.memory_space<vmem>> -> memref<1x1024xf32, #tpu.memory_space<vmem>>
      %swap3A_859 = tpu.memref_squeeze %swap3A_858 : memref<1x1024xf32, #tpu.memory_space<vmem>> -> memref<1024xf32, #tpu.memory_space<vmem>>
      %swap3A_860 = arith.constant 880 : index
      %swap3A_861 = tpu.vector_load %swap3A_859[%swap3A_860] {strides = array<i32>} : memref<1024xf32, #tpu.memory_space<vmem>>, vector<16xf32>,
      %swap3A_862 = vector.shape_cast %swap3A_861 : vector<16xf32> to vector<16xf32>
      %swap3A_863 = vector.shape_cast %mul3A_856 : vector<16xf32> to vector<16xf32>
      tpu.vector_store %swap3A_859[%swap3A_860], %swap3A_863 {strides = array<i32>} : memref<1024xf32, #tpu.memory_space<vmem>>, vector<16xf32>,
      %get3A_864 = arith.constant 0 : i32
      %get3A_865 = tpu.memref_slice %arg8[%scan3A_74, %get3A_864] : memref<32x1024xf32, #tpu.memory_space<vmem>> -> memref<1x1024xf32, #tpu.memory_space<vmem>>
      %get3A_866 = tpu.memref_squeeze %get3A_865 : memref<1x1024xf32, #tpu.memory_space<vmem>> -> memref<1024xf32, #tpu.memory_space<vmem>>
      %get3A_867 = arith.constant 896 : index
      %get3A_868 = tpu.vector_load %get3A_866[%get3A_867] {strides = array<i32>} : memref<1024xf32, #tpu.memory_space<vmem>>, vector<16xf32>,
      %get3A_869 = vector.shape_cast %get3A_868 : vector<16xf32> to vector<16xf32>
      %mul3A_870 = arith.mulf %get3A_869, %get3A_80 : vector<16xf32>
      %swap3A_871 = arith.constant 0 : i32
      %swap3A_872 = tpu.memref_slice %arg8[%scan3A_74, %swap3A_871] : memref<32x1024xf32, #tpu.memory_space<vmem>> -> memref<1x1024xf32, #tpu.memory_space<vmem>>
      %swap3A_873 = tpu.memref_squeeze %swap3A_872 : memref<1x1024xf32, #tpu.memory_space<vmem>> -> memref<1024xf32, #tpu.memory_space<vmem>>
      %swap3A_874 = arith.constant 896 : index
      %swap3A_875 = tpu.vector_load %swap3A_873[%swap3A_874] {strides = array<i32>} : memref<1024xf32, #tpu.memory_space<vmem>>, vector<16xf32>,
      %swap3A_876 = vector.shape_cast %swap3A_875 : vector<16xf32> to vector<16xf32>
      %swap3A_877 = vector.shape_cast %mul3A_870 : vector<16xf32> to vector<16xf32>
      tpu.vector_store %swap3A_873[%swap3A_874], %swap3A_877 {strides = array<i32>} : memref<1024xf32, #tpu.memory_space<vmem>>, vector<16xf32>,
      %get3A_878 = arith.constant 0 : i32
      %get3A_879 = tpu.memref_slice %arg8[%scan3A_74, %get3A_878] : memref<32x1024xf32, #tpu.memory_space<vmem>> -> memref<1x1024xf32, #tpu.memory_space<vmem>>
      %get3A_880 = tpu.memref_squeeze %get3A_879 : memref<1x1024xf32, #tpu.memory_space<vmem>> -> memref<1024xf32, #tpu.memory_space<vmem>>
      %get3A_881 = arith.constant 912 : index
      %get3A_882 = tpu.vector_load %get3A_880[%get3A_881] {strides = array<i32>} : memref<1024xf32, #tpu.memory_space<vmem>>, vector<16xf32>,
      %get3A_883 = vector.shape_cast %get3A_882 : vector<16xf32> to vector<16xf32>
      %mul3A_884 = arith.mulf %get3A_883, %get3A_80 : vector<16xf32>
      %swap3A_885 = arith.constant 0 : i32
      %swap3A_886 = tpu.memref_slice %arg8[%scan3A_74, %swap3A_885] : memref<32x1024xf32, #tpu.memory_space<vmem>> -> memref<1x1024xf32, #tpu.memory_space<vmem>>
      %swap3A_887 = tpu.memref_squeeze %swap3A_886 : memref<1x1024xf32, #tpu.memory_space<vmem>> -> memref<1024xf32, #tpu.memory_space<vmem>>
      %swap3A_888 = arith.constant 912 : index
      %swap3A_889 = tpu.vector_load %swap3A_887[%swap3A_888] {strides = array<i32>} : memref<1024xf32, #tpu.memory_space<vmem>>, vector<16xf32>,
      %swap3A_890 = vector.shape_cast %swap3A_889 : vector<16xf32> to vector<16xf32>
      %swap3A_891 = vector.shape_cast %mul3A_884 : vector<16xf32> to vector<16xf32>
      tpu.vector_store %swap3A_887[%swap3A_888], %swap3A_891 {strides = array<i32>} : memref<1024xf32, #tpu.memory_space<vmem>>, vector<16xf32>,
      %get3A_892 = arith.constant 0 : i32
      %get3A_893 = tpu.memref_slice %arg8[%scan3A_74, %get3A_892] : memref<32x1024xf32, #tpu.memory_space<vmem>> -> memref<1x1024xf32, #tpu.memory_space<vmem>>
      %get3A_894 = tpu.memref_squeeze %get3A_893 : memref<1x1024xf32, #tpu.memory_space<vmem>> -> memref<1024xf32, #tpu.memory_space<vmem>>
      %get3A_895 = arith.constant 928 : index
      %get3A_896 = tpu.vector_load %get3A_894[%get3A_895] {strides = array<i32>} : memref<1024xf32, #tpu.memory_space<vmem>>, vector<16xf32>,
      %get3A_897 = vector.shape_cast %get3A_896 : vector<16xf32> to vector<16xf32>
      %mul3A_898 = arith.mulf %get3A_897, %get3A_80 : vector<16xf32>
      %swap3A_899 = arith.constant 0 : i32
      %swap3A_900 = tpu.memref_slice %arg8[%scan3A_74, %swap3A_899] : memref<32x1024xf32, #tpu.memory_space<vmem>> -> memref<1x1024xf32, #tpu.memory_space<vmem>>
      %swap3A_901 = tpu.memref_squeeze %swap3A_900 : memref<1x1024xf32, #tpu.memory_space<vmem>> -> memref<1024xf32, #tpu.memory_space<vmem>>
      %swap3A_902 = arith.constant 928 : index
      %swap3A_903 = tpu.vector_load %swap3A_901[%swap3A_902] {strides = array<i32>} : memref<1024xf32, #tpu.memory_space<vmem>>, vector<16xf32>,
      %swap3A_904 = vector.shape_cast %swap3A_903 : vector<16xf32> to vector<16xf32>
      %swap3A_905 = vector.shape_cast %mul3A_898 : vector<16xf32> to vector<16xf32>
      tpu.vector_store %swap3A_901[%swap3A_902], %swap3A_905 {strides = array<i32>} : memref<1024xf32, #tpu.memory_space<vmem>>, vector<16xf32>,
      %get3A_906 = arith.constant 0 : i32
      %get3A_907 = tpu.memref_slice %arg8[%scan3A_74, %get3A_906] : memref<32x1024xf32, #tpu.memory_space<vmem>> -> memref<1x1024xf32, #tpu.memory_space<vmem>>
      %get3A_908 = tpu.memref_squeeze %get3A_907 : memref<1x1024xf32, #tpu.memory_space<vmem>> -> memref<1024xf32, #tpu.memory_space<vmem>>
      %get3A_909 = arith.constant 944 : index
      %get3A_910 = tpu.vector_load %get3A_908[%get3A_909] {strides = array<i32>} : memref<1024xf32, #tpu.memory_space<vmem>>, vector<16xf32>,
      %get3A_911 = vector.shape_cast %get3A_910 : vector<16xf32> to vector<16xf32>
      %mul3A_912 = arith.mulf %get3A_911, %get3A_80 : vector<16xf32>
      %swap3A_913 = arith.constant 0 : i32
      %swap3A_914 = tpu.memref_slice %arg8[%scan3A_74, %swap3A_913] : memref<32x1024xf32, #tpu.memory_space<vmem>> -> memref<1x1024xf32, #tpu.memory_space<vmem>>
      %swap3A_915 = tpu.memref_squeeze %swap3A_914 : memref<1x1024xf32, #tpu.memory_space<vmem>> -> memref<1024xf32, #tpu.memory_space<vmem>>
      %swap3A_916 = arith.constant 944 : index
      %swap3A_917 = tpu.vector_load %swap3A_915[%swap3A_916] {strides = array<i32>} : memref<1024xf32, #tpu.memory_space<vmem>>, vector<16xf32>,
      %swap3A_918 = vector.shape_cast %swap3A_917 : vector<16xf32> to vector<16xf32>
      %swap3A_919 = vector.shape_cast %mul3A_912 : vector<16xf32> to vector<16xf32>
      tpu.vector_store %swap3A_915[%swap3A_916], %swap3A_919 {strides = array<i32>} : memref<1024xf32, #tpu.memory_space<vmem>>, vector<16xf32>,
      %get3A_920 = arith.constant 0 : i32
      %get3A_921 = tpu.memref_slice %arg8[%scan3A_74, %get3A_920] : memref<32x1024xf32, #tpu.memory_space<vmem>> -> memref<1x1024xf32, #tpu.memory_space<vmem>>
      %get3A_922 = tpu.memref_squeeze %get3A_921 : memref<1x1024xf32, #tpu.memory_space<vmem>> -> memref<1024xf32, #tpu.memory_space<vmem>>
      %get3A_923 = arith.constant 960 : index
      %get3A_924 = tpu.vector_load %get3A_922[%get3A_923] {strides = array<i32>} : memref<1024xf32, #tpu.memory_space<vmem>>, vector<16xf32>,
      %get3A_925 = vector.shape_cast %get3A_924 : vector<16xf32> to vector<16xf32>
      %mul3A_926 = arith.mulf %get3A_925, %get3A_80 : vector<16xf32>
      %swap3A_927 = arith.constant 0 : i32
      %swap3A_928 = tpu.memref_slice %arg8[%scan3A_74, %swap3A_927] : memref<32x1024xf32, #tpu.memory_space<vmem>> -> memref<1x1024xf32, #tpu.memory_space<vmem>>
      %swap3A_929 = tpu.memref_squeeze %swap3A_928 : memref<1x1024xf32, #tpu.memory_space<vmem>> -> memref<1024xf32, #tpu.memory_space<vmem>>
      %swap3A_930 = arith.constant 960 : index
      %swap3A_931 = tpu.vector_load %swap3A_929[%swap3A_930] {strides = array<i32>} : memref<1024xf32, #tpu.memory_space<vmem>>, vector<16xf32>,
      %swap3A_932 = vector.shape_cast %swap3A_931 : vector<16xf32> to vector<16xf32>
      %swap3A_933 = vector.shape_cast %mul3A_926 : vector<16xf32> to vector<16xf32>
      tpu.vector_store %swap3A_929[%swap3A_930], %swap3A_933 {strides = array<i32>} : memref<1024xf32, #tpu.memory_space<vmem>>, vector<16xf32>,
      %get3A_934 = arith.constant 0 : i32
      %get3A_935 = tpu.memref_slice %arg8[%scan3A_74, %get3A_934] : memref<32x1024xf32, #tpu.memory_space<vmem>> -> memref<1x1024xf32, #tpu.memory_space<vmem>>
      %get3A_936 = tpu.memref_squeeze %get3A_935 : memref<1x1024xf32, #tpu.memory_space<vmem>> -> memref<1024xf32, #tpu.memory_space<vmem>>
      %get3A_937 = arith.constant 976 : index
      %get3A_938 = tpu.vector_load %get3A_936[%get3A_937] {strides = array<i32>} : memref<1024xf32, #tpu.memory_space<vmem>>, vector<16xf32>,
      %get3A_939 = vector.shape_cast %get3A_938 : vector<16xf32> to vector<16xf32>
      %mul3A_940 = arith.mulf %get3A_939, %get3A_80 : vector<16xf32>
      %swap3A_941 = arith.constant 0 : i32
      %swap3A_942 = tpu.memref_slice %arg8[%scan3A_74, %swap3A_941] : memref<32x1024xf32, #tpu.memory_space<vmem>> -> memref<1x1024xf32, #tpu.memory_space<vmem>>
      %swap3A_943 = tpu.memref_squeeze %swap3A_942 : memref<1x1024xf32, #tpu.memory_space<vmem>> -> memref<1024xf32, #tpu.memory_space<vmem>>
      %swap3A_944 = arith.constant 976 : index
      %swap3A_945 = tpu.vector_load %swap3A_943[%swap3A_944] {strides = array<i32>} : memref<1024xf32, #tpu.memory_space<vmem>>, vector<16xf32>,
      %swap3A_946 = vector.shape_cast %swap3A_945 : vector<16xf32> to vector<16xf32>
      %swap3A_947 = vector.shape_cast %mul3A_940 : vector<16xf32> to vector<16xf32>
      tpu.vector_store %swap3A_943[%swap3A_944], %swap3A_947 {strides = array<i32>} : memref<1024xf32, #tpu.memory_space<vmem>>, vector<16xf32>,
      %get3A_948 = arith.constant 0 : i32
      %get3A_949 = tpu.memref_slice %arg8[%scan3A_74, %get3A_948] : memref<32x1024xf32, #tpu.memory_space<vmem>> -> memref<1x1024xf32, #tpu.memory_space<vmem>>
      %get3A_950 = tpu.memref_squeeze %get3A_949 : memref<1x1024xf32, #tpu.memory_space<vmem>> -> memref<1024xf32, #tpu.memory_space<vmem>>
      %get3A_951 = arith.constant 992 : index
      %get3A_952 = tpu.vector_load %get3A_950[%get3A_951] {strides = array<i32>} : memref<1024xf32, #tpu.memory_space<vmem>>, vector<16xf32>,
      %get3A_953 = vector.shape_cast %get3A_952 : vector<16xf32> to vector<16xf32>
      %mul3A_954 = arith.mulf %get3A_953, %get3A_80 : vector<16xf32>
      %swap3A_955 = arith.constant 0 : i32
      %swap3A_956 = tpu.memref_slice %arg8[%scan3A_74, %swap3A_955] : memref<32x1024xf32, #tpu.memory_space<vmem>> -> memref<1x1024xf32, #tpu.memory_space<vmem>>
      %swap3A_957 = tpu.memref_squeeze %swap3A_956 : memref<1x1024xf32, #tpu.memory_space<vmem>> -> memref<1024xf32, #tpu.memory_space<vmem>>
      %swap3A_958 = arith.constant 992 : index
      %swap3A_959 = tpu.vector_load %swap3A_957[%swap3A_958] {strides = array<i32>} : memref<1024xf32, #tpu.memory_space<vmem>>, vector<16xf32>,
      %swap3A_960 = vector.shape_cast %swap3A_959 : vector<16xf32> to vector<16xf32>
      %swap3A_961 = vector.shape_cast %mul3A_954 : vector<16xf32> to vector<16xf32>
      tpu.vector_store %swap3A_957[%swap3A_958], %swap3A_961 {strides = array<i32>} : memref<1024xf32, #tpu.memory_space<vmem>>, vector<16xf32>,
      %get3A_962 = arith.constant 0 : i32
      %get3A_963 = tpu.memref_slice %arg8[%scan3A_74, %get3A_962] : memref<32x1024xf32, #tpu.memory_space<vmem>> -> memref<1x1024xf32, #tpu.memory_space<vmem>>
      %get3A_964 = tpu.memref_squeeze %get3A_963 : memref<1x1024xf32, #tpu.memory_space<vmem>> -> memref<1024xf32, #tpu.memory_space<vmem>>
      %get3A_965 = arith.constant 1008 : index
      %get3A_966 = tpu.vector_load %get3A_964[%get3A_965] {strides = array<i32>} : memref<1024xf32, #tpu.memory_space<vmem>>, vector<16xf32>,
      %get3A_967 = vector.shape_cast %get3A_966 : vector<16xf32> to vector<16xf32>
      %mul3A_968 = arith.mulf %get3A_967, %get3A_80 : vector<16xf32>
      %swap3A_969 = arith.constant 0 : i32
      %swap3A_970 = tpu.memref_slice %arg8[%scan3A_74, %swap3A_969] : memref<32x1024xf32, #tpu.memory_space<vmem>> -> memref<1x1024xf32, #tpu.memory_space<vmem>>
      %swap3A_971 = tpu.memref_squeeze %swap3A_970 : memref<1x1024xf32, #tpu.memory_space<vmem>> -> memref<1024xf32, #tpu.memory_space<vmem>>
      %swap3A_972 = arith.constant 1008 : index
      %swap3A_973 = tpu.vector_load %swap3A_971[%swap3A_972] {strides = array<i32>} : memref<1024xf32, #tpu.memory_space<vmem>>, vector<16xf32>,
      %swap3A_974 = vector.shape_cast %swap3A_973 : vector<16xf32> to vector<16xf32>
      %swap3A_975 = vector.shape_cast %mul3A_968 : vector<16xf32> to vector<16xf32>
      tpu.vector_store %swap3A_971[%swap3A_972], %swap3A_975 {strides = array<i32>} : memref<1024xf32, #tpu.memory_space<vmem>>, vector<16xf32>,
    }
    %scan3A_58 = arith.constant 32 : i32
    %add3A_59 = arith.constant 64 : i32
    %add3A_60 = arith.addi %mul3A_2, %add3A_59 : i32
    "tpu.region"() ({
      %run_scoped3A = tpu.sem_alloc : memref<!tpu.dma_semaphore, #tpu.memory_space<semaphore_mem>>
      %dma_start3A_74 = arith.constant 0 : i32
      %dma_start3A_75 = tpu.memref_slice %arg5[%add3A_60, %dma_start3A_74] : memref<4096x1024xf32, #tpu.memory_space<hbm>> -> memref<32x1024xf32, #tpu.memory_space<hbm>>
      %dma_start3A_76 = arith.constant 0 : i32
      %dma_start3A_77 = tpu.memref_slice %arg5[%add3A_60, %dma_start3A_76] : memref<4096x1024xf32, #tpu.memory_space<hbm>> -> memref<32x1024xf32, #tpu.memory_space<hbm>>
      tpu.enqueue_dma source(%arg8 : memref<32x1024xf32, #tpu.memory_space<vmem>>) target(%dma_start3A_77 : memref<32x1024xf32, #tpu.memory_space<hbm>>) target_semaphore(%run_scoped3A : memref<!tpu.dma_semaphore, #tpu.memory_space<semaphore_mem>>)
      %dma_wait3A_78 = arith.constant 0 : i32
      %dma_wait3A_79 = tpu.memref_slice %arg5[%add3A_60, %dma_wait3A_78] : memref<4096x1024xf32, #tpu.memory_space<hbm>> -> memref<32x1024xf32, #tpu.memory_space<hbm>>
      %dma_wait3A_80 = arith.constant 0 : i32
      %dma_wait3A_81 = tpu.memref_slice %arg5[%add3A_60, %dma_wait3A_80] : memref<4096x1024xf32, #tpu.memory_space<hbm>> -> memref<32x1024xf32, #tpu.memory_space<hbm>>
      tpu.wait_dma2 semaphore(%run_scoped3A : memref<!tpu.dma_semaphore, #tpu.memory_space<semaphore_mem>>) src(%arg8 : memref<32x1024xf32, #tpu.memory_space<vmem>>) dst(%dma_wait3A_81 : memref<32x1024xf32, #tpu.memory_space<hbm>>)
      tpu.yield
    }) : () -> ()
    %dma_wait3A_61 = arith.constant 96 : i32
    %dma_wait3A_62 = tpu.memref_slice %arg6[%dma_wait3A_61] : memref<128xi32, #tpu.memory_space<vmem>> -> memref<32xi32, #tpu.memory_space<vmem>>
    %dma_wait3A_63 = arith.constant 0 : i32
    %dma_wait3A_64 = arith.constant 0 : i32
    %dma_wait3A_65 = tpu.memref_slice %arg2[%dma_wait3A_63, %dma_wait3A_64] : memref<4096x1024xf32, #tpu.memory_space<hbm>> -> memref<4096x1024xf32, #tpu.memory_space<hbm>>
    tpu.wait_indirect_dma semaphore(%arg11 : memref<!tpu.dma_semaphore, #tpu.memory_space<semaphore_mem>>) src(%dma_wait3A_65 : memref<4096x1024xf32, #tpu.memory_space<hbm>>) dst(%arg9 : memref<32x1024xf32, #tpu.memory_space<vmem>>)
    %scan3A_66 = arith.constant 0 : i32
    %scan3A_67 = arith.constant 0 : i32
    %scan3A_68 = arith.constant 32 : i32
    %scan3A_69 = arith.addi %scan3A_67, %scan3A_68 : i32
    %scan3A_70 = arith.constant 1 : i32
    scf.for %scan3A_74 = %scan3A_67 to %scan3A_69 step %scan3A_70  : i32 {
      %add3A_75 = arith.constant 96 : i32
      %add3A_76 = arith.addi %add3A_75, %scan3A_74 : i32
      %mul3A_77 = arith.constant 16 : i32
      %mul3A_78 = arith.muli %add3A_76, %mul3A_77 : i32
      %get3A = arith.index_cast %mul3A_78 : i32 to index
      %get3A_79 = tpu.vector_load %arg7[%get3A] {strides = array<i32>} : memref<2048xf32, #tpu.memory_space<vmem>>, vector<16xf32>,
      %get3A_80 = vector.shape_cast %get3A_79 : vector<16xf32> to vector<16xf32>
      %get3A_81 = arith.constant 0 : i32
      %get3A_82 = tpu.memref_slice %arg9[%scan3A_74, %get3A_81] : memref<32x1024xf32, #tpu.memory_space<vmem>> -> memref<1x1024xf32, #tpu.memory_space<vmem>>
      %get3A_83 = tpu.memref_squeeze %get3A_82 : memref<1x1024xf32, #tpu.memory_space<vmem>> -> memref<1024xf32, #tpu.memory_space<vmem>>
      %get3A_84 = arith.constant 0 : index
      %get3A_85 = tpu.vector_load %get3A_83[%get3A_84] {strides = array<i32>} : memref<1024xf32, #tpu.memory_space<vmem>>, vector<16xf32>,
      %get3A_86 = vector.shape_cast %get3A_85 : vector<16xf32> to vector<16xf32>
      %mul3A_87 = arith.mulf %get3A_86, %get3A_80 : vector<16xf32>
      %swap3A = arith.constant 0 : i32
      %swap3A_88 = tpu.memref_slice %arg9[%scan3A_74, %swap3A] : memref<32x1024xf32, #tpu.memory_space<vmem>> -> memref<1x1024xf32, #tpu.memory_space<vmem>>
      %swap3A_89 = tpu.memref_squeeze %swap3A_88 : memref<1x1024xf32, #tpu.memory_space<vmem>> -> memref<1024xf32, #tpu.memory_space<vmem>>
      %swap3A_90 = arith.constant 0 : index
      %swap3A_91 = tpu.vector_load %swap3A_89[%swap3A_90] {strides = array<i32>} : memref<1024xf32, #tpu.memory_space<vmem>>, vector<16xf32>,
      %swap3A_92 = vector.shape_cast %swap3A_91 : vector<16xf32> to vector<16xf32>
      %swap3A_93 = vector.shape_cast %mul3A_87 : vector<16xf32> to vector<16xf32>
      tpu.vector_store %swap3A_89[%swap3A_90], %swap3A_93 {strides = array<i32>} : memref<1024xf32, #tpu.memory_space<vmem>>, vector<16xf32>,
      %get3A_94 = arith.constant 0 : i32
      %get3A_95 = tpu.memref_slice %arg9[%scan3A_74, %get3A_94] : memref<32x1024xf32, #tpu.memory_space<vmem>> -> memref<1x1024xf32, #tpu.memory_space<vmem>>
      %get3A_96 = tpu.memref_squeeze %get3A_95 : memref<1x1024xf32, #tpu.memory_space<vmem>> -> memref<1024xf32, #tpu.memory_space<vmem>>
      %get3A_97 = arith.constant 16 : index
      %get3A_98 = tpu.vector_load %get3A_96[%get3A_97] {strides = array<i32>} : memref<1024xf32, #tpu.memory_space<vmem>>, vector<16xf32>,
      %get3A_99 = vector.shape_cast %get3A_98 : vector<16xf32> to vector<16xf32>
      %mul3A_100 = arith.mulf %get3A_99, %get3A_80 : vector<16xf32>
      %swap3A_101 = arith.constant 0 : i32
      %swap3A_102 = tpu.memref_slice %arg9[%scan3A_74, %swap3A_101] : memref<32x1024xf32, #tpu.memory_space<vmem>> -> memref<1x1024xf32, #tpu.memory_space<vmem>>
      %swap3A_103 = tpu.memref_squeeze %swap3A_102 : memref<1x1024xf32, #tpu.memory_space<vmem>> -> memref<1024xf32, #tpu.memory_space<vmem>>
      %swap3A_104 = arith.constant 16 : index
      %swap3A_105 = tpu.vector_load %swap3A_103[%swap3A_104] {strides = array<i32>} : memref<1024xf32, #tpu.memory_space<vmem>>, vector<16xf32>,
      %swap3A_106 = vector.shape_cast %swap3A_105 : vector<16xf32> to vector<16xf32>
      %swap3A_107 = vector.shape_cast %mul3A_100 : vector<16xf32> to vector<16xf32>
      tpu.vector_store %swap3A_103[%swap3A_104], %swap3A_107 {strides = array<i32>} : memref<1024xf32, #tpu.memory_space<vmem>>, vector<16xf32>,
      %get3A_108 = arith.constant 0 : i32
      %get3A_109 = tpu.memref_slice %arg9[%scan3A_74, %get3A_108] : memref<32x1024xf32, #tpu.memory_space<vmem>> -> memref<1x1024xf32, #tpu.memory_space<vmem>>
      %get3A_110 = tpu.memref_squeeze %get3A_109 : memref<1x1024xf32, #tpu.memory_space<vmem>> -> memref<1024xf32, #tpu.memory_space<vmem>>
      %get3A_111 = arith.constant 32 : index
      %get3A_112 = tpu.vector_load %get3A_110[%get3A_111] {strides = array<i32>} : memref<1024xf32, #tpu.memory_space<vmem>>, vector<16xf32>,
      %get3A_113 = vector.shape_cast %get3A_112 : vector<16xf32> to vector<16xf32>
      %mul3A_114 = arith.mulf %get3A_113, %get3A_80 : vector<16xf32>
      %swap3A_115 = arith.constant 0 : i32
      %swap3A_116 = tpu.memref_slice %arg9[%scan3A_74, %swap3A_115] : memref<32x1024xf32, #tpu.memory_space<vmem>> -> memref<1x1024xf32, #tpu.memory_space<vmem>>
      %swap3A_117 = tpu.memref_squeeze %swap3A_116 : memref<1x1024xf32, #tpu.memory_space<vmem>> -> memref<1024xf32, #tpu.memory_space<vmem>>
      %swap3A_118 = arith.constant 32 : index
      %swap3A_119 = tpu.vector_load %swap3A_117[%swap3A_118] {strides = array<i32>} : memref<1024xf32, #tpu.memory_space<vmem>>, vector<16xf32>,
      %swap3A_120 = vector.shape_cast %swap3A_119 : vector<16xf32> to vector<16xf32>
      %swap3A_121 = vector.shape_cast %mul3A_114 : vector<16xf32> to vector<16xf32>
      tpu.vector_store %swap3A_117[%swap3A_118], %swap3A_121 {strides = array<i32>} : memref<1024xf32, #tpu.memory_space<vmem>>, vector<16xf32>,
      %get3A_122 = arith.constant 0 : i32
      %get3A_123 = tpu.memref_slice %arg9[%scan3A_74, %get3A_122] : memref<32x1024xf32, #tpu.memory_space<vmem>> -> memref<1x1024xf32, #tpu.memory_space<vmem>>
      %get3A_124 = tpu.memref_squeeze %get3A_123 : memref<1x1024xf32, #tpu.memory_space<vmem>> -> memref<1024xf32, #tpu.memory_space<vmem>>
      %get3A_125 = arith.constant 48 : index
      %get3A_126 = tpu.vector_load %get3A_124[%get3A_125] {strides = array<i32>} : memref<1024xf32, #tpu.memory_space<vmem>>, vector<16xf32>,
      %get3A_127 = vector.shape_cast %get3A_126 : vector<16xf32> to vector<16xf32>
      %mul3A_128 = arith.mulf %get3A_127, %get3A_80 : vector<16xf32>
      %swap3A_129 = arith.constant 0 : i32
      %swap3A_130 = tpu.memref_slice %arg9[%scan3A_74, %swap3A_129] : memref<32x1024xf32, #tpu.memory_space<vmem>> -> memref<1x1024xf32, #tpu.memory_space<vmem>>
      %swap3A_131 = tpu.memref_squeeze %swap3A_130 : memref<1x1024xf32, #tpu.memory_space<vmem>> -> memref<1024xf32, #tpu.memory_space<vmem>>
      %swap3A_132 = arith.constant 48 : index
      %swap3A_133 = tpu.vector_load %swap3A_131[%swap3A_132] {strides = array<i32>} : memref<1024xf32, #tpu.memory_space<vmem>>, vector<16xf32>,
      %swap3A_134 = vector.shape_cast %swap3A_133 : vector<16xf32> to vector<16xf32>
      %swap3A_135 = vector.shape_cast %mul3A_128 : vector<16xf32> to vector<16xf32>
      tpu.vector_store %swap3A_131[%swap3A_132], %swap3A_135 {strides = array<i32>} : memref<1024xf32, #tpu.memory_space<vmem>>, vector<16xf32>,
      %get3A_136 = arith.constant 0 : i32
      %get3A_137 = tpu.memref_slice %arg9[%scan3A_74, %get3A_136] : memref<32x1024xf32, #tpu.memory_space<vmem>> -> memref<1x1024xf32, #tpu.memory_space<vmem>>
      %get3A_138 = tpu.memref_squeeze %get3A_137 : memref<1x1024xf32, #tpu.memory_space<vmem>> -> memref<1024xf32, #tpu.memory_space<vmem>>
      %get3A_139 = arith.constant 64 : index
      %get3A_140 = tpu.vector_load %get3A_138[%get3A_139] {strides = array<i32>} : memref<1024xf32, #tpu.memory_space<vmem>>, vector<16xf32>,
      %get3A_141 = vector.shape_cast %get3A_140 : vector<16xf32> to vector<16xf32>
      %mul3A_142 = arith.mulf %get3A_141, %get3A_80 : vector<16xf32>
      %swap3A_143 = arith.constant 0 : i32
      %swap3A_144 = tpu.memref_slice %arg9[%scan3A_74, %swap3A_143] : memref<32x1024xf32, #tpu.memory_space<vmem>> -> memref<1x1024xf32, #tpu.memory_space<vmem>>
      %swap3A_145 = tpu.memref_squeeze %swap3A_144 : memref<1x1024xf32, #tpu.memory_space<vmem>> -> memref<1024xf32, #tpu.memory_space<vmem>>
      %swap3A_146 = arith.constant 64 : index
      %swap3A_147 = tpu.vector_load %swap3A_145[%swap3A_146] {strides = array<i32>} : memref<1024xf32, #tpu.memory_space<vmem>>, vector<16xf32>,
      %swap3A_148 = vector.shape_cast %swap3A_147 : vector<16xf32> to vector<16xf32>
      %swap3A_149 = vector.shape_cast %mul3A_142 : vector<16xf32> to vector<16xf32>
      tpu.vector_store %swap3A_145[%swap3A_146], %swap3A_149 {strides = array<i32>} : memref<1024xf32, #tpu.memory_space<vmem>>, vector<16xf32>,
      %get3A_150 = arith.constant 0 : i32
      %get3A_151 = tpu.memref_slice %arg9[%scan3A_74, %get3A_150] : memref<32x1024xf32, #tpu.memory_space<vmem>> -> memref<1x1024xf32, #tpu.memory_space<vmem>>
      %get3A_152 = tpu.memref_squeeze %get3A_151 : memref<1x1024xf32, #tpu.memory_space<vmem>> -> memref<1024xf32, #tpu.memory_space<vmem>>
      %get3A_153 = arith.constant 80 : index
      %get3A_154 = tpu.vector_load %get3A_152[%get3A_153] {strides = array<i32>} : memref<1024xf32, #tpu.memory_space<vmem>>, vector<16xf32>,
      %get3A_155 = vector.shape_cast %get3A_154 : vector<16xf32> to vector<16xf32>
      %mul3A_156 = arith.mulf %get3A_155, %get3A_80 : vector<16xf32>
      %swap3A_157 = arith.constant 0 : i32
      %swap3A_158 = tpu.memref_slice %arg9[%scan3A_74, %swap3A_157] : memref<32x1024xf32, #tpu.memory_space<vmem>> -> memref<1x1024xf32, #tpu.memory_space<vmem>>
      %swap3A_159 = tpu.memref_squeeze %swap3A_158 : memref<1x1024xf32, #tpu.memory_space<vmem>> -> memref<1024xf32, #tpu.memory_space<vmem>>
      %swap3A_160 = arith.constant 80 : index
      %swap3A_161 = tpu.vector_load %swap3A_159[%swap3A_160] {strides = array<i32>} : memref<1024xf32, #tpu.memory_space<vmem>>, vector<16xf32>,
      %swap3A_162 = vector.shape_cast %swap3A_161 : vector<16xf32> to vector<16xf32>
      %swap3A_163 = vector.shape_cast %mul3A_156 : vector<16xf32> to vector<16xf32>
      tpu.vector_store %swap3A_159[%swap3A_160], %swap3A_163 {strides = array<i32>} : memref<1024xf32, #tpu.memory_space<vmem>>, vector<16xf32>,
      %get3A_164 = arith.constant 0 : i32
      %get3A_165 = tpu.memref_slice %arg9[%scan3A_74, %get3A_164] : memref<32x1024xf32, #tpu.memory_space<vmem>> -> memref<1x1024xf32, #tpu.memory_space<vmem>>
      %get3A_166 = tpu.memref_squeeze %get3A_165 : memref<1x1024xf32, #tpu.memory_space<vmem>> -> memref<1024xf32, #tpu.memory_space<vmem>>
      %get3A_167 = arith.constant 96 : index
      %get3A_168 = tpu.vector_load %get3A_166[%get3A_167] {strides = array<i32>} : memref<1024xf32, #tpu.memory_space<vmem>>, vector<16xf32>,
      %get3A_169 = vector.shape_cast %get3A_168 : vector<16xf32> to vector<16xf32>
      %mul3A_170 = arith.mulf %get3A_169, %get3A_80 : vector<16xf32>
      %swap3A_171 = arith.constant 0 : i32
      %swap3A_172 = tpu.memref_slice %arg9[%scan3A_74, %swap3A_171] : memref<32x1024xf32, #tpu.memory_space<vmem>> -> memref<1x1024xf32, #tpu.memory_space<vmem>>
      %swap3A_173 = tpu.memref_squeeze %swap3A_172 : memref<1x1024xf32, #tpu.memory_space<vmem>> -> memref<1024xf32, #tpu.memory_space<vmem>>
      %swap3A_174 = arith.constant 96 : index
      %swap3A_175 = tpu.vector_load %swap3A_173[%swap3A_174] {strides = array<i32>} : memref<1024xf32, #tpu.memory_space<vmem>>, vector<16xf32>,
      %swap3A_176 = vector.shape_cast %swap3A_175 : vector<16xf32> to vector<16xf32>
      %swap3A_177 = vector.shape_cast %mul3A_170 : vector<16xf32> to vector<16xf32>
      tpu.vector_store %swap3A_173[%swap3A_174], %swap3A_177 {strides = array<i32>} : memref<1024xf32, #tpu.memory_space<vmem>>, vector<16xf32>,
      %get3A_178 = arith.constant 0 : i32
      %get3A_179 = tpu.memref_slice %arg9[%scan3A_74, %get3A_178] : memref<32x1024xf32, #tpu.memory_space<vmem>> -> memref<1x1024xf32, #tpu.memory_space<vmem>>
      %get3A_180 = tpu.memref_squeeze %get3A_179 : memref<1x1024xf32, #tpu.memory_space<vmem>> -> memref<1024xf32, #tpu.memory_space<vmem>>
      %get3A_181 = arith.constant 112 : index
      %get3A_182 = tpu.vector_load %get3A_180[%get3A_181] {strides = array<i32>} : memref<1024xf32, #tpu.memory_space<vmem>>, vector<16xf32>,
      %get3A_183 = vector.shape_cast %get3A_182 : vector<16xf32> to vector<16xf32>
      %mul3A_184 = arith.mulf %get3A_183, %get3A_80 : vector<16xf32>
      %swap3A_185 = arith.constant 0 : i32
      %swap3A_186 = tpu.memref_slice %arg9[%scan3A_74, %swap3A_185] : memref<32x1024xf32, #tpu.memory_space<vmem>> -> memref<1x1024xf32, #tpu.memory_space<vmem>>
      %swap3A_187 = tpu.memref_squeeze %swap3A_186 : memref<1x1024xf32, #tpu.memory_space<vmem>> -> memref<1024xf32, #tpu.memory_space<vmem>>
      %swap3A_188 = arith.constant 112 : index
      %swap3A_189 = tpu.vector_load %swap3A_187[%swap3A_188] {strides = array<i32>} : memref<1024xf32, #tpu.memory_space<vmem>>, vector<16xf32>,
      %swap3A_190 = vector.shape_cast %swap3A_189 : vector<16xf32> to vector<16xf32>
      %swap3A_191 = vector.shape_cast %mul3A_184 : vector<16xf32> to vector<16xf32>
      tpu.vector_store %swap3A_187[%swap3A_188], %swap3A_191 {strides = array<i32>} : memref<1024xf32, #tpu.memory_space<vmem>>, vector<16xf32>,
      %get3A_192 = arith.constant 0 : i32
      %get3A_193 = tpu.memref_slice %arg9[%scan3A_74, %get3A_192] : memref<32x1024xf32, #tpu.memory_space<vmem>> -> memref<1x1024xf32, #tpu.memory_space<vmem>>
      %get3A_194 = tpu.memref_squeeze %get3A_193 : memref<1x1024xf32, #tpu.memory_space<vmem>> -> memref<1024xf32, #tpu.memory_space<vmem>>
      %get3A_195 = arith.constant 128 : index
      %get3A_196 = tpu.vector_load %get3A_194[%get3A_195] {strides = array<i32>} : memref<1024xf32, #tpu.memory_space<vmem>>, vector<16xf32>,
      %get3A_197 = vector.shape_cast %get3A_196 : vector<16xf32> to vector<16xf32>
      %mul3A_198 = arith.mulf %get3A_197, %get3A_80 : vector<16xf32>
      %swap3A_199 = arith.constant 0 : i32
      %swap3A_200 = tpu.memref_slice %arg9[%scan3A_74, %swap3A_199] : memref<32x1024xf32, #tpu.memory_space<vmem>> -> memref<1x1024xf32, #tpu.memory_space<vmem>>
      %swap3A_201 = tpu.memref_squeeze %swap3A_200 : memref<1x1024xf32, #tpu.memory_space<vmem>> -> memref<1024xf32, #tpu.memory_space<vmem>>
      %swap3A_202 = arith.constant 128 : index
      %swap3A_203 = tpu.vector_load %swap3A_201[%swap3A_202] {strides = array<i32>} : memref<1024xf32, #tpu.memory_space<vmem>>, vector<16xf32>,
      %swap3A_204 = vector.shape_cast %swap3A_203 : vector<16xf32> to vector<16xf32>
      %swap3A_205 = vector.shape_cast %mul3A_198 : vector<16xf32> to vector<16xf32>
      tpu.vector_store %swap3A_201[%swap3A_202], %swap3A_205 {strides = array<i32>} : memref<1024xf32, #tpu.memory_space<vmem>>, vector<16xf32>,
      %get3A_206 = arith.constant 0 : i32
      %get3A_207 = tpu.memref_slice %arg9[%scan3A_74, %get3A_206] : memref<32x1024xf32, #tpu.memory_space<vmem>> -> memref<1x1024xf32, #tpu.memory_space<vmem>>
      %get3A_208 = tpu.memref_squeeze %get3A_207 : memref<1x1024xf32, #tpu.memory_space<vmem>> -> memref<1024xf32, #tpu.memory_space<vmem>>
      %get3A_209 = arith.constant 144 : index
      %get3A_210 = tpu.vector_load %get3A_208[%get3A_209] {strides = array<i32>} : memref<1024xf32, #tpu.memory_space<vmem>>, vector<16xf32>,
      %get3A_211 = vector.shape_cast %get3A_210 : vector<16xf32> to vector<16xf32>
      %mul3A_212 = arith.mulf %get3A_211, %get3A_80 : vector<16xf32>
      %swap3A_213 = arith.constant 0 : i32
      %swap3A_214 = tpu.memref_slice %arg9[%scan3A_74, %swap3A_213] : memref<32x1024xf32, #tpu.memory_space<vmem>> -> memref<1x1024xf32, #tpu.memory_space<vmem>>
      %swap3A_215 = tpu.memref_squeeze %swap3A_214 : memref<1x1024xf32, #tpu.memory_space<vmem>> -> memref<1024xf32, #tpu.memory_space<vmem>>
      %swap3A_216 = arith.constant 144 : index
      %swap3A_217 = tpu.vector_load %swap3A_215[%swap3A_216] {strides = array<i32>} : memref<1024xf32, #tpu.memory_space<vmem>>, vector<16xf32>,
      %swap3A_218 = vector.shape_cast %swap3A_217 : vector<16xf32> to vector<16xf32>
      %swap3A_219 = vector.shape_cast %mul3A_212 : vector<16xf32> to vector<16xf32>
      tpu.vector_store %swap3A_215[%swap3A_216], %swap3A_219 {strides = array<i32>} : memref<1024xf32, #tpu.memory_space<vmem>>, vector<16xf32>,
      %get3A_220 = arith.constant 0 : i32
      %get3A_221 = tpu.memref_slice %arg9[%scan3A_74, %get3A_220] : memref<32x1024xf32, #tpu.memory_space<vmem>> -> memref<1x1024xf32, #tpu.memory_space<vmem>>
      %get3A_222 = tpu.memref_squeeze %get3A_221 : memref<1x1024xf32, #tpu.memory_space<vmem>> -> memref<1024xf32, #tpu.memory_space<vmem>>
      %get3A_223 = arith.constant 160 : index
      %get3A_224 = tpu.vector_load %get3A_222[%get3A_223] {strides = array<i32>} : memref<1024xf32, #tpu.memory_space<vmem>>, vector<16xf32>,
      %get3A_225 = vector.shape_cast %get3A_224 : vector<16xf32> to vector<16xf32>
      %mul3A_226 = arith.mulf %get3A_225, %get3A_80 : vector<16xf32>
      %swap3A_227 = arith.constant 0 : i32
      %swap3A_228 = tpu.memref_slice %arg9[%scan3A_74, %swap3A_227] : memref<32x1024xf32, #tpu.memory_space<vmem>> -> memref<1x1024xf32, #tpu.memory_space<vmem>>
      %swap3A_229 = tpu.memref_squeeze %swap3A_228 : memref<1x1024xf32, #tpu.memory_space<vmem>> -> memref<1024xf32, #tpu.memory_space<vmem>>
      %swap3A_230 = arith.constant 160 : index
      %swap3A_231 = tpu.vector_load %swap3A_229[%swap3A_230] {strides = array<i32>} : memref<1024xf32, #tpu.memory_space<vmem>>, vector<16xf32>,
      %swap3A_232 = vector.shape_cast %swap3A_231 : vector<16xf32> to vector<16xf32>
      %swap3A_233 = vector.shape_cast %mul3A_226 : vector<16xf32> to vector<16xf32>
      tpu.vector_store %swap3A_229[%swap3A_230], %swap3A_233 {strides = array<i32>} : memref<1024xf32, #tpu.memory_space<vmem>>, vector<16xf32>,
      %get3A_234 = arith.constant 0 : i32
      %get3A_235 = tpu.memref_slice %arg9[%scan3A_74, %get3A_234] : memref<32x1024xf32, #tpu.memory_space<vmem>> -> memref<1x1024xf32, #tpu.memory_space<vmem>>
      %get3A_236 = tpu.memref_squeeze %get3A_235 : memref<1x1024xf32, #tpu.memory_space<vmem>> -> memref<1024xf32, #tpu.memory_space<vmem>>
      %get3A_237 = arith.constant 176 : index
      %get3A_238 = tpu.vector_load %get3A_236[%get3A_237] {strides = array<i32>} : memref<1024xf32, #tpu.memory_space<vmem>>, vector<16xf32>,
      %get3A_239 = vector.shape_cast %get3A_238 : vector<16xf32> to vector<16xf32>
      %mul3A_240 = arith.mulf %get3A_239, %get3A_80 : vector<16xf32>
      %swap3A_241 = arith.constant 0 : i32
      %swap3A_242 = tpu.memref_slice %arg9[%scan3A_74, %swap3A_241] : memref<32x1024xf32, #tpu.memory_space<vmem>> -> memref<1x1024xf32, #tpu.memory_space<vmem>>
      %swap3A_243 = tpu.memref_squeeze %swap3A_242 : memref<1x1024xf32, #tpu.memory_space<vmem>> -> memref<1024xf32, #tpu.memory_space<vmem>>
      %swap3A_244 = arith.constant 176 : index
      %swap3A_245 = tpu.vector_load %swap3A_243[%swap3A_244] {strides = array<i32>} : memref<1024xf32, #tpu.memory_space<vmem>>, vector<16xf32>,
      %swap3A_246 = vector.shape_cast %swap3A_245 : vector<16xf32> to vector<16xf32>
      %swap3A_247 = vector.shape_cast %mul3A_240 : vector<16xf32> to vector<16xf32>
      tpu.vector_store %swap3A_243[%swap3A_244], %swap3A_247 {strides = array<i32>} : memref<1024xf32, #tpu.memory_space<vmem>>, vector<16xf32>,
      %get3A_248 = arith.constant 0 : i32
      %get3A_249 = tpu.memref_slice %arg9[%scan3A_74, %get3A_248] : memref<32x1024xf32, #tpu.memory_space<vmem>> -> memref<1x1024xf32, #tpu.memory_space<vmem>>
      %get3A_250 = tpu.memref_squeeze %get3A_249 : memref<1x1024xf32, #tpu.memory_space<vmem>> -> memref<1024xf32, #tpu.memory_space<vmem>>
      %get3A_251 = arith.constant 192 : index
      %get3A_252 = tpu.vector_load %get3A_250[%get3A_251] {strides = array<i32>} : memref<1024xf32, #tpu.memory_space<vmem>>, vector<16xf32>,
      %get3A_253 = vector.shape_cast %get3A_252 : vector<16xf32> to vector<16xf32>
      %mul3A_254 = arith.mulf %get3A_253, %get3A_80 : vector<16xf32>
      %swap3A_255 = arith.constant 0 : i32
      %swap3A_256 = tpu.memref_slice %arg9[%scan3A_74, %swap3A_255] : memref<32x1024xf32, #tpu.memory_space<vmem>> -> memref<1x1024xf32, #tpu.memory_space<vmem>>
      %swap3A_257 = tpu.memref_squeeze %swap3A_256 : memref<1x1024xf32, #tpu.memory_space<vmem>> -> memref<1024xf32, #tpu.memory_space<vmem>>
      %swap3A_258 = arith.constant 192 : index
      %swap3A_259 = tpu.vector_load %swap3A_257[%swap3A_258] {strides = array<i32>} : memref<1024xf32, #tpu.memory_space<vmem>>, vector<16xf32>,
      %swap3A_260 = vector.shape_cast %swap3A_259 : vector<16xf32> to vector<16xf32>
      %swap3A_261 = vector.shape_cast %mul3A_254 : vector<16xf32> to vector<16xf32>
      tpu.vector_store %swap3A_257[%swap3A_258], %swap3A_261 {strides = array<i32>} : memref<1024xf32, #tpu.memory_space<vmem>>, vector<16xf32>,
      %get3A_262 = arith.constant 0 : i32
      %get3A_263 = tpu.memref_slice %arg9[%scan3A_74, %get3A_262] : memref<32x1024xf32, #tpu.memory_space<vmem>> -> memref<1x1024xf32, #tpu.memory_space<vmem>>
      %get3A_264 = tpu.memref_squeeze %get3A_263 : memref<1x1024xf32, #tpu.memory_space<vmem>> -> memref<1024xf32, #tpu.memory_space<vmem>>
      %get3A_265 = arith.constant 208 : index
      %get3A_266 = tpu.vector_load %get3A_264[%get3A_265] {strides = array<i32>} : memref<1024xf32, #tpu.memory_space<vmem>>, vector<16xf32>,
      %get3A_267 = vector.shape_cast %get3A_266 : vector<16xf32> to vector<16xf32>
      %mul3A_268 = arith.mulf %get3A_267, %get3A_80 : vector<16xf32>
      %swap3A_269 = arith.constant 0 : i32
      %swap3A_270 = tpu.memref_slice %arg9[%scan3A_74, %swap3A_269] : memref<32x1024xf32, #tpu.memory_space<vmem>> -> memref<1x1024xf32, #tpu.memory_space<vmem>>
      %swap3A_271 = tpu.memref_squeeze %swap3A_270 : memref<1x1024xf32, #tpu.memory_space<vmem>> -> memref<1024xf32, #tpu.memory_space<vmem>>
      %swap3A_272 = arith.constant 208 : index
      %swap3A_273 = tpu.vector_load %swap3A_271[%swap3A_272] {strides = array<i32>} : memref<1024xf32, #tpu.memory_space<vmem>>, vector<16xf32>,
      %swap3A_274 = vector.shape_cast %swap3A_273 : vector<16xf32> to vector<16xf32>
      %swap3A_275 = vector.shape_cast %mul3A_268 : vector<16xf32> to vector<16xf32>
      tpu.vector_store %swap3A_271[%swap3A_272], %swap3A_275 {strides = array<i32>} : memref<1024xf32, #tpu.memory_space<vmem>>, vector<16xf32>,
      %get3A_276 = arith.constant 0 : i32
      %get3A_277 = tpu.memref_slice %arg9[%scan3A_74, %get3A_276] : memref<32x1024xf32, #tpu.memory_space<vmem>> -> memref<1x1024xf32, #tpu.memory_space<vmem>>
      %get3A_278 = tpu.memref_squeeze %get3A_277 : memref<1x1024xf32, #tpu.memory_space<vmem>> -> memref<1024xf32, #tpu.memory_space<vmem>>
      %get3A_279 = arith.constant 224 : index
      %get3A_280 = tpu.vector_load %get3A_278[%get3A_279] {strides = array<i32>} : memref<1024xf32, #tpu.memory_space<vmem>>, vector<16xf32>,
      %get3A_281 = vector.shape_cast %get3A_280 : vector<16xf32> to vector<16xf32>
      %mul3A_282 = arith.mulf %get3A_281, %get3A_80 : vector<16xf32>
      %swap3A_283 = arith.constant 0 : i32
      %swap3A_284 = tpu.memref_slice %arg9[%scan3A_74, %swap3A_283] : memref<32x1024xf32, #tpu.memory_space<vmem>> -> memref<1x1024xf32, #tpu.memory_space<vmem>>
      %swap3A_285 = tpu.memref_squeeze %swap3A_284 : memref<1x1024xf32, #tpu.memory_space<vmem>> -> memref<1024xf32, #tpu.memory_space<vmem>>
      %swap3A_286 = arith.constant 224 : index
      %swap3A_287 = tpu.vector_load %swap3A_285[%swap3A_286] {strides = array<i32>} : memref<1024xf32, #tpu.memory_space<vmem>>, vector<16xf32>,
      %swap3A_288 = vector.shape_cast %swap3A_287 : vector<16xf32> to vector<16xf32>
      %swap3A_289 = vector.shape_cast %mul3A_282 : vector<16xf32> to vector<16xf32>
      tpu.vector_store %swap3A_285[%swap3A_286], %swap3A_289 {strides = array<i32>} : memref<1024xf32, #tpu.memory_space<vmem>>, vector<16xf32>,
      %get3A_290 = arith.constant 0 : i32
      %get3A_291 = tpu.memref_slice %arg9[%scan3A_74, %get3A_290] : memref<32x1024xf32, #tpu.memory_space<vmem>> -> memref<1x1024xf32, #tpu.memory_space<vmem>>
      %get3A_292 = tpu.memref_squeeze %get3A_291 : memref<1x1024xf32, #tpu.memory_space<vmem>> -> memref<1024xf32, #tpu.memory_space<vmem>>
      %get3A_293 = arith.constant 240 : index
      %get3A_294 = tpu.vector_load %get3A_292[%get3A_293] {strides = array<i32>} : memref<1024xf32, #tpu.memory_space<vmem>>, vector<16xf32>,
      %get3A_295 = vector.shape_cast %get3A_294 : vector<16xf32> to vector<16xf32>
      %mul3A_296 = arith.mulf %get3A_295, %get3A_80 : vector<16xf32>
      %swap3A_297 = arith.constant 0 : i32
      %swap3A_298 = tpu.memref_slice %arg9[%scan3A_74, %swap3A_297] : memref<32x1024xf32, #tpu.memory_space<vmem>> -> memref<1x1024xf32, #tpu.memory_space<vmem>>
      %swap3A_299 = tpu.memref_squeeze %swap3A_298 : memref<1x1024xf32, #tpu.memory_space<vmem>> -> memref<1024xf32, #tpu.memory_space<vmem>>
      %swap3A_300 = arith.constant 240 : index
      %swap3A_301 = tpu.vector_load %swap3A_299[%swap3A_300] {strides = array<i32>} : memref<1024xf32, #tpu.memory_space<vmem>>, vector<16xf32>,
      %swap3A_302 = vector.shape_cast %swap3A_301 : vector<16xf32> to vector<16xf32>
      %swap3A_303 = vector.shape_cast %mul3A_296 : vector<16xf32> to vector<16xf32>
      tpu.vector_store %swap3A_299[%swap3A_300], %swap3A_303 {strides = array<i32>} : memref<1024xf32, #tpu.memory_space<vmem>>, vector<16xf32>,
      %get3A_304 = arith.constant 0 : i32
      %get3A_305 = tpu.memref_slice %arg9[%scan3A_74, %get3A_304] : memref<32x1024xf32, #tpu.memory_space<vmem>> -> memref<1x1024xf32, #tpu.memory_space<vmem>>
      %get3A_306 = tpu.memref_squeeze %get3A_305 : memref<1x1024xf32, #tpu.memory_space<vmem>> -> memref<1024xf32, #tpu.memory_space<vmem>>
      %get3A_307 = arith.constant 256 : index
      %get3A_308 = tpu.vector_load %get3A_306[%get3A_307] {strides = array<i32>} : memref<1024xf32, #tpu.memory_space<vmem>>, vector<16xf32>,
      %get3A_309 = vector.shape_cast %get3A_308 : vector<16xf32> to vector<16xf32>
      %mul3A_310 = arith.mulf %get3A_309, %get3A_80 : vector<16xf32>
      %swap3A_311 = arith.constant 0 : i32
      %swap3A_312 = tpu.memref_slice %arg9[%scan3A_74, %swap3A_311] : memref<32x1024xf32, #tpu.memory_space<vmem>> -> memref<1x1024xf32, #tpu.memory_space<vmem>>
      %swap3A_313 = tpu.memref_squeeze %swap3A_312 : memref<1x1024xf32, #tpu.memory_space<vmem>> -> memref<1024xf32, #tpu.memory_space<vmem>>
      %swap3A_314 = arith.constant 256 : index
      %swap3A_315 = tpu.vector_load %swap3A_313[%swap3A_314] {strides = array<i32>} : memref<1024xf32, #tpu.memory_space<vmem>>, vector<16xf32>,
      %swap3A_316 = vector.shape_cast %swap3A_315 : vector<16xf32> to vector<16xf32>
      %swap3A_317 = vector.shape_cast %mul3A_310 : vector<16xf32> to vector<16xf32>
      tpu.vector_store %swap3A_313[%swap3A_314], %swap3A_317 {strides = array<i32>} : memref<1024xf32, #tpu.memory_space<vmem>>, vector<16xf32>,
      %get3A_318 = arith.constant 0 : i32
      %get3A_319 = tpu.memref_slice %arg9[%scan3A_74, %get3A_318] : memref<32x1024xf32, #tpu.memory_space<vmem>> -> memref<1x1024xf32, #tpu.memory_space<vmem>>
      %get3A_320 = tpu.memref_squeeze %get3A_319 : memref<1x1024xf32, #tpu.memory_space<vmem>> -> memref<1024xf32, #tpu.memory_space<vmem>>
      %get3A_321 = arith.constant 272 : index
      %get3A_322 = tpu.vector_load %get3A_320[%get3A_321] {strides = array<i32>} : memref<1024xf32, #tpu.memory_space<vmem>>, vector<16xf32>,
      %get3A_323 = vector.shape_cast %get3A_322 : vector<16xf32> to vector<16xf32>
      %mul3A_324 = arith.mulf %get3A_323, %get3A_80 : vector<16xf32>
      %swap3A_325 = arith.constant 0 : i32
      %swap3A_326 = tpu.memref_slice %arg9[%scan3A_74, %swap3A_325] : memref<32x1024xf32, #tpu.memory_space<vmem>> -> memref<1x1024xf32, #tpu.memory_space<vmem>>
      %swap3A_327 = tpu.memref_squeeze %swap3A_326 : memref<1x1024xf32, #tpu.memory_space<vmem>> -> memref<1024xf32, #tpu.memory_space<vmem>>
      %swap3A_328 = arith.constant 272 : index
      %swap3A_329 = tpu.vector_load %swap3A_327[%swap3A_328] {strides = array<i32>} : memref<1024xf32, #tpu.memory_space<vmem>>, vector<16xf32>,
      %swap3A_330 = vector.shape_cast %swap3A_329 : vector<16xf32> to vector<16xf32>
      %swap3A_331 = vector.shape_cast %mul3A_324 : vector<16xf32> to vector<16xf32>
      tpu.vector_store %swap3A_327[%swap3A_328], %swap3A_331 {strides = array<i32>} : memref<1024xf32, #tpu.memory_space<vmem>>, vector<16xf32>,
      %get3A_332 = arith.constant 0 : i32
      %get3A_333 = tpu.memref_slice %arg9[%scan3A_74, %get3A_332] : memref<32x1024xf32, #tpu.memory_space<vmem>> -> memref<1x1024xf32, #tpu.memory_space<vmem>>
      %get3A_334 = tpu.memref_squeeze %get3A_333 : memref<1x1024xf32, #tpu.memory_space<vmem>> -> memref<1024xf32, #tpu.memory_space<vmem>>
      %get3A_335 = arith.constant 288 : index
      %get3A_336 = tpu.vector_load %get3A_334[%get3A_335] {strides = array<i32>} : memref<1024xf32, #tpu.memory_space<vmem>>, vector<16xf32>,
      %get3A_337 = vector.shape_cast %get3A_336 : vector<16xf32> to vector<16xf32>
      %mul3A_338 = arith.mulf %get3A_337, %get3A_80 : vector<16xf32>
      %swap3A_339 = arith.constant 0 : i32
      %swap3A_340 = tpu.memref_slice %arg9[%scan3A_74, %swap3A_339] : memref<32x1024xf32, #tpu.memory_space<vmem>> -> memref<1x1024xf32, #tpu.memory_space<vmem>>
      %swap3A_341 = tpu.memref_squeeze %swap3A_340 : memref<1x1024xf32, #tpu.memory_space<vmem>> -> memref<1024xf32, #tpu.memory_space<vmem>>
      %swap3A_342 = arith.constant 288 : index
      %swap3A_343 = tpu.vector_load %swap3A_341[%swap3A_342] {strides = array<i32>} : memref<1024xf32, #tpu.memory_space<vmem>>, vector<16xf32>,
      %swap3A_344 = vector.shape_cast %swap3A_343 : vector<16xf32> to vector<16xf32>
      %swap3A_345 = vector.shape_cast %mul3A_338 : vector<16xf32> to vector<16xf32>
      tpu.vector_store %swap3A_341[%swap3A_342], %swap3A_345 {strides = array<i32>} : memref<1024xf32, #tpu.memory_space<vmem>>, vector<16xf32>,
      %get3A_346 = arith.constant 0 : i32
      %get3A_347 = tpu.memref_slice %arg9[%scan3A_74, %get3A_346] : memref<32x1024xf32, #tpu.memory_space<vmem>> -> memref<1x1024xf32, #tpu.memory_space<vmem>>
      %get3A_348 = tpu.memref_squeeze %get3A_347 : memref<1x1024xf32, #tpu.memory_space<vmem>> -> memref<1024xf32, #tpu.memory_space<vmem>>
      %get3A_349 = arith.constant 304 : index
      %get3A_350 = tpu.vector_load %get3A_348[%get3A_349] {strides = array<i32>} : memref<1024xf32, #tpu.memory_space<vmem>>, vector<16xf32>,
      %get3A_351 = vector.shape_cast %get3A_350 : vector<16xf32> to vector<16xf32>
      %mul3A_352 = arith.mulf %get3A_351, %get3A_80 : vector<16xf32>
      %swap3A_353 = arith.constant 0 : i32
      %swap3A_354 = tpu.memref_slice %arg9[%scan3A_74, %swap3A_353] : memref<32x1024xf32, #tpu.memory_space<vmem>> -> memref<1x1024xf32, #tpu.memory_space<vmem>>
      %swap3A_355 = tpu.memref_squeeze %swap3A_354 : memref<1x1024xf32, #tpu.memory_space<vmem>> -> memref<1024xf32, #tpu.memory_space<vmem>>
      %swap3A_356 = arith.constant 304 : index
      %swap3A_357 = tpu.vector_load %swap3A_355[%swap3A_356] {strides = array<i32>} : memref<1024xf32, #tpu.memory_space<vmem>>, vector<16xf32>,
      %swap3A_358 = vector.shape_cast %swap3A_357 : vector<16xf32> to vector<16xf32>
      %swap3A_359 = vector.shape_cast %mul3A_352 : vector<16xf32> to vector<16xf32>
      tpu.vector_store %swap3A_355[%swap3A_356], %swap3A_359 {strides = array<i32>} : memref<1024xf32, #tpu.memory_space<vmem>>, vector<16xf32>,
      %get3A_360 = arith.constant 0 : i32
      %get3A_361 = tpu.memref_slice %arg9[%scan3A_74, %get3A_360] : memref<32x1024xf32, #tpu.memory_space<vmem>> -> memref<1x1024xf32, #tpu.memory_space<vmem>>
      %get3A_362 = tpu.memref_squeeze %get3A_361 : memref<1x1024xf32, #tpu.memory_space<vmem>> -> memref<1024xf32, #tpu.memory_space<vmem>>
      %get3A_363 = arith.constant 320 : index
      %get3A_364 = tpu.vector_load %get3A_362[%get3A_363] {strides = array<i32>} : memref<1024xf32, #tpu.memory_space<vmem>>, vector<16xf32>,
      %get3A_365 = vector.shape_cast %get3A_364 : vector<16xf32> to vector<16xf32>
      %mul3A_366 = arith.mulf %get3A_365, %get3A_80 : vector<16xf32>
      %swap3A_367 = arith.constant 0 : i32
      %swap3A_368 = tpu.memref_slice %arg9[%scan3A_74, %swap3A_367] : memref<32x1024xf32, #tpu.memory_space<vmem>> -> memref<1x1024xf32, #tpu.memory_space<vmem>>
      %swap3A_369 = tpu.memref_squeeze %swap3A_368 : memref<1x1024xf32, #tpu.memory_space<vmem>> -> memref<1024xf32, #tpu.memory_space<vmem>>
      %swap3A_370 = arith.constant 320 : index
      %swap3A_371 = tpu.vector_load %swap3A_369[%swap3A_370] {strides = array<i32>} : memref<1024xf32, #tpu.memory_space<vmem>>, vector<16xf32>,
      %swap3A_372 = vector.shape_cast %swap3A_371 : vector<16xf32> to vector<16xf32>
      %swap3A_373 = vector.shape_cast %mul3A_366 : vector<16xf32> to vector<16xf32>
      tpu.vector_store %swap3A_369[%swap3A_370], %swap3A_373 {strides = array<i32>} : memref<1024xf32, #tpu.memory_space<vmem>>, vector<16xf32>,
      %get3A_374 = arith.constant 0 : i32
      %get3A_375 = tpu.memref_slice %arg9[%scan3A_74, %get3A_374] : memref<32x1024xf32, #tpu.memory_space<vmem>> -> memref<1x1024xf32, #tpu.memory_space<vmem>>
      %get3A_376 = tpu.memref_squeeze %get3A_375 : memref<1x1024xf32, #tpu.memory_space<vmem>> -> memref<1024xf32, #tpu.memory_space<vmem>>
      %get3A_377 = arith.constant 336 : index
      %get3A_378 = tpu.vector_load %get3A_376[%get3A_377] {strides = array<i32>} : memref<1024xf32, #tpu.memory_space<vmem>>, vector<16xf32>,
      %get3A_379 = vector.shape_cast %get3A_378 : vector<16xf32> to vector<16xf32>
      %mul3A_380 = arith.mulf %get3A_379, %get3A_80 : vector<16xf32>
      %swap3A_381 = arith.constant 0 : i32
      %swap3A_382 = tpu.memref_slice %arg9[%scan3A_74, %swap3A_381] : memref<32x1024xf32, #tpu.memory_space<vmem>> -> memref<1x1024xf32, #tpu.memory_space<vmem>>
      %swap3A_383 = tpu.memref_squeeze %swap3A_382 : memref<1x1024xf32, #tpu.memory_space<vmem>> -> memref<1024xf32, #tpu.memory_space<vmem>>
      %swap3A_384 = arith.constant 336 : index
      %swap3A_385 = tpu.vector_load %swap3A_383[%swap3A_384] {strides = array<i32>} : memref<1024xf32, #tpu.memory_space<vmem>>, vector<16xf32>,
      %swap3A_386 = vector.shape_cast %swap3A_385 : vector<16xf32> to vector<16xf32>
      %swap3A_387 = vector.shape_cast %mul3A_380 : vector<16xf32> to vector<16xf32>
      tpu.vector_store %swap3A_383[%swap3A_384], %swap3A_387 {strides = array<i32>} : memref<1024xf32, #tpu.memory_space<vmem>>, vector<16xf32>,
      %get3A_388 = arith.constant 0 : i32
      %get3A_389 = tpu.memref_slice %arg9[%scan3A_74, %get3A_388] : memref<32x1024xf32, #tpu.memory_space<vmem>> -> memref<1x1024xf32, #tpu.memory_space<vmem>>
      %get3A_390 = tpu.memref_squeeze %get3A_389 : memref<1x1024xf32, #tpu.memory_space<vmem>> -> memref<1024xf32, #tpu.memory_space<vmem>>
      %get3A_391 = arith.constant 352 : index
      %get3A_392 = tpu.vector_load %get3A_390[%get3A_391] {strides = array<i32>} : memref<1024xf32, #tpu.memory_space<vmem>>, vector<16xf32>,
      %get3A_393 = vector.shape_cast %get3A_392 : vector<16xf32> to vector<16xf32>
      %mul3A_394 = arith.mulf %get3A_393, %get3A_80 : vector<16xf32>
      %swap3A_395 = arith.constant 0 : i32
      %swap3A_396 = tpu.memref_slice %arg9[%scan3A_74, %swap3A_395] : memref<32x1024xf32, #tpu.memory_space<vmem>> -> memref<1x1024xf32, #tpu.memory_space<vmem>>
      %swap3A_397 = tpu.memref_squeeze %swap3A_396 : memref<1x1024xf32, #tpu.memory_space<vmem>> -> memref<1024xf32, #tpu.memory_space<vmem>>
      %swap3A_398 = arith.constant 352 : index
      %swap3A_399 = tpu.vector_load %swap3A_397[%swap3A_398] {strides = array<i32>} : memref<1024xf32, #tpu.memory_space<vmem>>, vector<16xf32>,
      %swap3A_400 = vector.shape_cast %swap3A_399 : vector<16xf32> to vector<16xf32>
      %swap3A_401 = vector.shape_cast %mul3A_394 : vector<16xf32> to vector<16xf32>
      tpu.vector_store %swap3A_397[%swap3A_398], %swap3A_401 {strides = array<i32>} : memref<1024xf32, #tpu.memory_space<vmem>>, vector<16xf32>,
      %get3A_402 = arith.constant 0 : i32
      %get3A_403 = tpu.memref_slice %arg9[%scan3A_74, %get3A_402] : memref<32x1024xf32, #tpu.memory_space<vmem>> -> memref<1x1024xf32, #tpu.memory_space<vmem>>
      %get3A_404 = tpu.memref_squeeze %get3A_403 : memref<1x1024xf32, #tpu.memory_space<vmem>> -> memref<1024xf32, #tpu.memory_space<vmem>>
      %get3A_405 = arith.constant 368 : index
      %get3A_406 = tpu.vector_load %get3A_404[%get3A_405] {strides = array<i32>} : memref<1024xf32, #tpu.memory_space<vmem>>, vector<16xf32>,
      %get3A_407 = vector.shape_cast %get3A_406 : vector<16xf32> to vector<16xf32>
      %mul3A_408 = arith.mulf %get3A_407, %get3A_80 : vector<16xf32>
      %swap3A_409 = arith.constant 0 : i32
      %swap3A_410 = tpu.memref_slice %arg9[%scan3A_74, %swap3A_409] : memref<32x1024xf32, #tpu.memory_space<vmem>> -> memref<1x1024xf32, #tpu.memory_space<vmem>>
      %swap3A_411 = tpu.memref_squeeze %swap3A_410 : memref<1x1024xf32, #tpu.memory_space<vmem>> -> memref<1024xf32, #tpu.memory_space<vmem>>
      %swap3A_412 = arith.constant 368 : index
      %swap3A_413 = tpu.vector_load %swap3A_411[%swap3A_412] {strides = array<i32>} : memref<1024xf32, #tpu.memory_space<vmem>>, vector<16xf32>,
      %swap3A_414 = vector.shape_cast %swap3A_413 : vector<16xf32> to vector<16xf32>
      %swap3A_415 = vector.shape_cast %mul3A_408 : vector<16xf32> to vector<16xf32>
      tpu.vector_store %swap3A_411[%swap3A_412], %swap3A_415 {strides = array<i32>} : memref<1024xf32, #tpu.memory_space<vmem>>, vector<16xf32>,
      %get3A_416 = arith.constant 0 : i32
      %get3A_417 = tpu.memref_slice %arg9[%scan3A_74, %get3A_416] : memref<32x1024xf32, #tpu.memory_space<vmem>> -> memref<1x1024xf32, #tpu.memory_space<vmem>>
      %get3A_418 = tpu.memref_squeeze %get3A_417 : memref<1x1024xf32, #tpu.memory_space<vmem>> -> memref<1024xf32, #tpu.memory_space<vmem>>
      %get3A_419 = arith.constant 384 : index
      %get3A_420 = tpu.vector_load %get3A_418[%get3A_419] {strides = array<i32>} : memref<1024xf32, #tpu.memory_space<vmem>>, vector<16xf32>,
      %get3A_421 = vector.shape_cast %get3A_420 : vector<16xf32> to vector<16xf32>
      %mul3A_422 = arith.mulf %get3A_421, %get3A_80 : vector<16xf32>
      %swap3A_423 = arith.constant 0 : i32
      %swap3A_424 = tpu.memref_slice %arg9[%scan3A_74, %swap3A_423] : memref<32x1024xf32, #tpu.memory_space<vmem>> -> memref<1x1024xf32, #tpu.memory_space<vmem>>
      %swap3A_425 = tpu.memref_squeeze %swap3A_424 : memref<1x1024xf32, #tpu.memory_space<vmem>> -> memref<1024xf32, #tpu.memory_space<vmem>>
      %swap3A_426 = arith.constant 384 : index
      %swap3A_427 = tpu.vector_load %swap3A_425[%swap3A_426] {strides = array<i32>} : memref<1024xf32, #tpu.memory_space<vmem>>, vector<16xf32>,
      %swap3A_428 = vector.shape_cast %swap3A_427 : vector<16xf32> to vector<16xf32>
      %swap3A_429 = vector.shape_cast %mul3A_422 : vector<16xf32> to vector<16xf32>
      tpu.vector_store %swap3A_425[%swap3A_426], %swap3A_429 {strides = array<i32>} : memref<1024xf32, #tpu.memory_space<vmem>>, vector<16xf32>,
      %get3A_430 = arith.constant 0 : i32
      %get3A_431 = tpu.memref_slice %arg9[%scan3A_74, %get3A_430] : memref<32x1024xf32, #tpu.memory_space<vmem>> -> memref<1x1024xf32, #tpu.memory_space<vmem>>
      %get3A_432 = tpu.memref_squeeze %get3A_431 : memref<1x1024xf32, #tpu.memory_space<vmem>> -> memref<1024xf32, #tpu.memory_space<vmem>>
      %get3A_433 = arith.constant 400 : index
      %get3A_434 = tpu.vector_load %get3A_432[%get3A_433] {strides = array<i32>} : memref<1024xf32, #tpu.memory_space<vmem>>, vector<16xf32>,
      %get3A_435 = vector.shape_cast %get3A_434 : vector<16xf32> to vector<16xf32>
      %mul3A_436 = arith.mulf %get3A_435, %get3A_80 : vector<16xf32>
      %swap3A_437 = arith.constant 0 : i32
      %swap3A_438 = tpu.memref_slice %arg9[%scan3A_74, %swap3A_437] : memref<32x1024xf32, #tpu.memory_space<vmem>> -> memref<1x1024xf32, #tpu.memory_space<vmem>>
      %swap3A_439 = tpu.memref_squeeze %swap3A_438 : memref<1x1024xf32, #tpu.memory_space<vmem>> -> memref<1024xf32, #tpu.memory_space<vmem>>
      %swap3A_440 = arith.constant 400 : index
      %swap3A_441 = tpu.vector_load %swap3A_439[%swap3A_440] {strides = array<i32>} : memref<1024xf32, #tpu.memory_space<vmem>>, vector<16xf32>,
      %swap3A_442 = vector.shape_cast %swap3A_441 : vector<16xf32> to vector<16xf32>
      %swap3A_443 = vector.shape_cast %mul3A_436 : vector<16xf32> to vector<16xf32>
      tpu.vector_store %swap3A_439[%swap3A_440], %swap3A_443 {strides = array<i32>} : memref<1024xf32, #tpu.memory_space<vmem>>, vector<16xf32>,
      %get3A_444 = arith.constant 0 : i32
      %get3A_445 = tpu.memref_slice %arg9[%scan3A_74, %get3A_444] : memref<32x1024xf32, #tpu.memory_space<vmem>> -> memref<1x1024xf32, #tpu.memory_space<vmem>>
      %get3A_446 = tpu.memref_squeeze %get3A_445 : memref<1x1024xf32, #tpu.memory_space<vmem>> -> memref<1024xf32, #tpu.memory_space<vmem>>
      %get3A_447 = arith.constant 416 : index
      %get3A_448 = tpu.vector_load %get3A_446[%get3A_447] {strides = array<i32>} : memref<1024xf32, #tpu.memory_space<vmem>>, vector<16xf32>,
      %get3A_449 = vector.shape_cast %get3A_448 : vector<16xf32> to vector<16xf32>
      %mul3A_450 = arith.mulf %get3A_449, %get3A_80 : vector<16xf32>
      %swap3A_451 = arith.constant 0 : i32
      %swap3A_452 = tpu.memref_slice %arg9[%scan3A_74, %swap3A_451] : memref<32x1024xf32, #tpu.memory_space<vmem>> -> memref<1x1024xf32, #tpu.memory_space<vmem>>
      %swap3A_453 = tpu.memref_squeeze %swap3A_452 : memref<1x1024xf32, #tpu.memory_space<vmem>> -> memref<1024xf32, #tpu.memory_space<vmem>>
      %swap3A_454 = arith.constant 416 : index
      %swap3A_455 = tpu.vector_load %swap3A_453[%swap3A_454] {strides = array<i32>} : memref<1024xf32, #tpu.memory_space<vmem>>, vector<16xf32>,
      %swap3A_456 = vector.shape_cast %swap3A_455 : vector<16xf32> to vector<16xf32>
      %swap3A_457 = vector.shape_cast %mul3A_450 : vector<16xf32> to vector<16xf32>
      tpu.vector_store %swap3A_453[%swap3A_454], %swap3A_457 {strides = array<i32>} : memref<1024xf32, #tpu.memory_space<vmem>>, vector<16xf32>,
      %get3A_458 = arith.constant 0 : i32
      %get3A_459 = tpu.memref_slice %arg9[%scan3A_74, %get3A_458] : memref<32x1024xf32, #tpu.memory_space<vmem>> -> memref<1x1024xf32, #tpu.memory_space<vmem>>
      %get3A_460 = tpu.memref_squeeze %get3A_459 : memref<1x1024xf32, #tpu.memory_space<vmem>> -> memref<1024xf32, #tpu.memory_space<vmem>>
      %get3A_461 = arith.constant 432 : index
      %get3A_462 = tpu.vector_load %get3A_460[%get3A_461] {strides = array<i32>} : memref<1024xf32, #tpu.memory_space<vmem>>, vector<16xf32>,
      %get3A_463 = vector.shape_cast %get3A_462 : vector<16xf32> to vector<16xf32>
      %mul3A_464 = arith.mulf %get3A_463, %get3A_80 : vector<16xf32>
      %swap3A_465 = arith.constant 0 : i32
      %swap3A_466 = tpu.memref_slice %arg9[%scan3A_74, %swap3A_465] : memref<32x1024xf32, #tpu.memory_space<vmem>> -> memref<1x1024xf32, #tpu.memory_space<vmem>>
      %swap3A_467 = tpu.memref_squeeze %swap3A_466 : memref<1x1024xf32, #tpu.memory_space<vmem>> -> memref<1024xf32, #tpu.memory_space<vmem>>
      %swap3A_468 = arith.constant 432 : index
      %swap3A_469 = tpu.vector_load %swap3A_467[%swap3A_468] {strides = array<i32>} : memref<1024xf32, #tpu.memory_space<vmem>>, vector<16xf32>,
      %swap3A_470 = vector.shape_cast %swap3A_469 : vector<16xf32> to vector<16xf32>
      %swap3A_471 = vector.shape_cast %mul3A_464 : vector<16xf32> to vector<16xf32>
      tpu.vector_store %swap3A_467[%swap3A_468], %swap3A_471 {strides = array<i32>} : memref<1024xf32, #tpu.memory_space<vmem>>, vector<16xf32>,
      %get3A_472 = arith.constant 0 : i32
      %get3A_473 = tpu.memref_slice %arg9[%scan3A_74, %get3A_472] : memref<32x1024xf32, #tpu.memory_space<vmem>> -> memref<1x1024xf32, #tpu.memory_space<vmem>>
      %get3A_474 = tpu.memref_squeeze %get3A_473 : memref<1x1024xf32, #tpu.memory_space<vmem>> -> memref<1024xf32, #tpu.memory_space<vmem>>
      %get3A_475 = arith.constant 448 : index
      %get3A_476 = tpu.vector_load %get3A_474[%get3A_475] {strides = array<i32>} : memref<1024xf32, #tpu.memory_space<vmem>>, vector<16xf32>,
      %get3A_477 = vector.shape_cast %get3A_476 : vector<16xf32> to vector<16xf32>
      %mul3A_478 = arith.mulf %get3A_477, %get3A_80 : vector<16xf32>
      %swap3A_479 = arith.constant 0 : i32
      %swap3A_480 = tpu.memref_slice %arg9[%scan3A_74, %swap3A_479] : memref<32x1024xf32, #tpu.memory_space<vmem>> -> memref<1x1024xf32, #tpu.memory_space<vmem>>
      %swap3A_481 = tpu.memref_squeeze %swap3A_480 : memref<1x1024xf32, #tpu.memory_space<vmem>> -> memref<1024xf32, #tpu.memory_space<vmem>>
      %swap3A_482 = arith.constant 448 : index
      %swap3A_483 = tpu.vector_load %swap3A_481[%swap3A_482] {strides = array<i32>} : memref<1024xf32, #tpu.memory_space<vmem>>, vector<16xf32>,
      %swap3A_484 = vector.shape_cast %swap3A_483 : vector<16xf32> to vector<16xf32>
      %swap3A_485 = vector.shape_cast %mul3A_478 : vector<16xf32> to vector<16xf32>
      tpu.vector_store %swap3A_481[%swap3A_482], %swap3A_485 {strides = array<i32>} : memref<1024xf32, #tpu.memory_space<vmem>>, vector<16xf32>,
      %get3A_486 = arith.constant 0 : i32
      %get3A_487 = tpu.memref_slice %arg9[%scan3A_74, %get3A_486] : memref<32x1024xf32, #tpu.memory_space<vmem>> -> memref<1x1024xf32, #tpu.memory_space<vmem>>
      %get3A_488 = tpu.memref_squeeze %get3A_487 : memref<1x1024xf32, #tpu.memory_space<vmem>> -> memref<1024xf32, #tpu.memory_space<vmem>>
      %get3A_489 = arith.constant 464 : index
      %get3A_490 = tpu.vector_load %get3A_488[%get3A_489] {strides = array<i32>} : memref<1024xf32, #tpu.memory_space<vmem>>, vector<16xf32>,
      %get3A_491 = vector.shape_cast %get3A_490 : vector<16xf32> to vector<16xf32>
      %mul3A_492 = arith.mulf %get3A_491, %get3A_80 : vector<16xf32>
      %swap3A_493 = arith.constant 0 : i32
      %swap3A_494 = tpu.memref_slice %arg9[%scan3A_74, %swap3A_493] : memref<32x1024xf32, #tpu.memory_space<vmem>> -> memref<1x1024xf32, #tpu.memory_space<vmem>>
      %swap3A_495 = tpu.memref_squeeze %swap3A_494 : memref<1x1024xf32, #tpu.memory_space<vmem>> -> memref<1024xf32, #tpu.memory_space<vmem>>
      %swap3A_496 = arith.constant 464 : index
      %swap3A_497 = tpu.vector_load %swap3A_495[%swap3A_496] {strides = array<i32>} : memref<1024xf32, #tpu.memory_space<vmem>>, vector<16xf32>,
      %swap3A_498 = vector.shape_cast %swap3A_497 : vector<16xf32> to vector<16xf32>
      %swap3A_499 = vector.shape_cast %mul3A_492 : vector<16xf32> to vector<16xf32>
      tpu.vector_store %swap3A_495[%swap3A_496], %swap3A_499 {strides = array<i32>} : memref<1024xf32, #tpu.memory_space<vmem>>, vector<16xf32>,
      %get3A_500 = arith.constant 0 : i32
      %get3A_501 = tpu.memref_slice %arg9[%scan3A_74, %get3A_500] : memref<32x1024xf32, #tpu.memory_space<vmem>> -> memref<1x1024xf32, #tpu.memory_space<vmem>>
      %get3A_502 = tpu.memref_squeeze %get3A_501 : memref<1x1024xf32, #tpu.memory_space<vmem>> -> memref<1024xf32, #tpu.memory_space<vmem>>
      %get3A_503 = arith.constant 480 : index
      %get3A_504 = tpu.vector_load %get3A_502[%get3A_503] {strides = array<i32>} : memref<1024xf32, #tpu.memory_space<vmem>>, vector<16xf32>,
      %get3A_505 = vector.shape_cast %get3A_504 : vector<16xf32> to vector<16xf32>
      %mul3A_506 = arith.mulf %get3A_505, %get3A_80 : vector<16xf32>
      %swap3A_507 = arith.constant 0 : i32
      %swap3A_508 = tpu.memref_slice %arg9[%scan3A_74, %swap3A_507] : memref<32x1024xf32, #tpu.memory_space<vmem>> -> memref<1x1024xf32, #tpu.memory_space<vmem>>
      %swap3A_509 = tpu.memref_squeeze %swap3A_508 : memref<1x1024xf32, #tpu.memory_space<vmem>> -> memref<1024xf32, #tpu.memory_space<vmem>>
      %swap3A_510 = arith.constant 480 : index
      %swap3A_511 = tpu.vector_load %swap3A_509[%swap3A_510] {strides = array<i32>} : memref<1024xf32, #tpu.memory_space<vmem>>, vector<16xf32>,
      %swap3A_512 = vector.shape_cast %swap3A_511 : vector<16xf32> to vector<16xf32>
      %swap3A_513 = vector.shape_cast %mul3A_506 : vector<16xf32> to vector<16xf32>
      tpu.vector_store %swap3A_509[%swap3A_510], %swap3A_513 {strides = array<i32>} : memref<1024xf32, #tpu.memory_space<vmem>>, vector<16xf32>,
      %get3A_514 = arith.constant 0 : i32
      %get3A_515 = tpu.memref_slice %arg9[%scan3A_74, %get3A_514] : memref<32x1024xf32, #tpu.memory_space<vmem>> -> memref<1x1024xf32, #tpu.memory_space<vmem>>
      %get3A_516 = tpu.memref_squeeze %get3A_515 : memref<1x1024xf32, #tpu.memory_space<vmem>> -> memref<1024xf32, #tpu.memory_space<vmem>>
      %get3A_517 = arith.constant 496 : index
      %get3A_518 = tpu.vector_load %get3A_516[%get3A_517] {strides = array<i32>} : memref<1024xf32, #tpu.memory_space<vmem>>, vector<16xf32>,
      %get3A_519 = vector.shape_cast %get3A_518 : vector<16xf32> to vector<16xf32>
      %mul3A_520 = arith.mulf %get3A_519, %get3A_80 : vector<16xf32>
      %swap3A_521 = arith.constant 0 : i32
      %swap3A_522 = tpu.memref_slice %arg9[%scan3A_74, %swap3A_521] : memref<32x1024xf32, #tpu.memory_space<vmem>> -> memref<1x1024xf32, #tpu.memory_space<vmem>>
      %swap3A_523 = tpu.memref_squeeze %swap3A_522 : memref<1x1024xf32, #tpu.memory_space<vmem>> -> memref<1024xf32, #tpu.memory_space<vmem>>
      %swap3A_524 = arith.constant 496 : index
      %swap3A_525 = tpu.vector_load %swap3A_523[%swap3A_524] {strides = array<i32>} : memref<1024xf32, #tpu.memory_space<vmem>>, vector<16xf32>,
      %swap3A_526 = vector.shape_cast %swap3A_525 : vector<16xf32> to vector<16xf32>
      %swap3A_527 = vector.shape_cast %mul3A_520 : vector<16xf32> to vector<16xf32>
      tpu.vector_store %swap3A_523[%swap3A_524], %swap3A_527 {strides = array<i32>} : memref<1024xf32, #tpu.memory_space<vmem>>, vector<16xf32>,
      %get3A_528 = arith.constant 0 : i32
      %get3A_529 = tpu.memref_slice %arg9[%scan3A_74, %get3A_528] : memref<32x1024xf32, #tpu.memory_space<vmem>> -> memref<1x1024xf32, #tpu.memory_space<vmem>>
      %get3A_530 = tpu.memref_squeeze %get3A_529 : memref<1x1024xf32, #tpu.memory_space<vmem>> -> memref<1024xf32, #tpu.memory_space<vmem>>
      %get3A_531 = arith.constant 512 : index
      %get3A_532 = tpu.vector_load %get3A_530[%get3A_531] {strides = array<i32>} : memref<1024xf32, #tpu.memory_space<vmem>>, vector<16xf32>,
      %get3A_533 = vector.shape_cast %get3A_532 : vector<16xf32> to vector<16xf32>
      %mul3A_534 = arith.mulf %get3A_533, %get3A_80 : vector<16xf32>
      %swap3A_535 = arith.constant 0 : i32
      %swap3A_536 = tpu.memref_slice %arg9[%scan3A_74, %swap3A_535] : memref<32x1024xf32, #tpu.memory_space<vmem>> -> memref<1x1024xf32, #tpu.memory_space<vmem>>
      %swap3A_537 = tpu.memref_squeeze %swap3A_536 : memref<1x1024xf32, #tpu.memory_space<vmem>> -> memref<1024xf32, #tpu.memory_space<vmem>>
      %swap3A_538 = arith.constant 512 : index
      %swap3A_539 = tpu.vector_load %swap3A_537[%swap3A_538] {strides = array<i32>} : memref<1024xf32, #tpu.memory_space<vmem>>, vector<16xf32>,
      %swap3A_540 = vector.shape_cast %swap3A_539 : vector<16xf32> to vector<16xf32>
      %swap3A_541 = vector.shape_cast %mul3A_534 : vector<16xf32> to vector<16xf32>
      tpu.vector_store %swap3A_537[%swap3A_538], %swap3A_541 {strides = array<i32>} : memref<1024xf32, #tpu.memory_space<vmem>>, vector<16xf32>,
      %get3A_542 = arith.constant 0 : i32
      %get3A_543 = tpu.memref_slice %arg9[%scan3A_74, %get3A_542] : memref<32x1024xf32, #tpu.memory_space<vmem>> -> memref<1x1024xf32, #tpu.memory_space<vmem>>
      %get3A_544 = tpu.memref_squeeze %get3A_543 : memref<1x1024xf32, #tpu.memory_space<vmem>> -> memref<1024xf32, #tpu.memory_space<vmem>>
      %get3A_545 = arith.constant 528 : index
      %get3A_546 = tpu.vector_load %get3A_544[%get3A_545] {strides = array<i32>} : memref<1024xf32, #tpu.memory_space<vmem>>, vector<16xf32>,
      %get3A_547 = vector.shape_cast %get3A_546 : vector<16xf32> to vector<16xf32>
      %mul3A_548 = arith.mulf %get3A_547, %get3A_80 : vector<16xf32>
      %swap3A_549 = arith.constant 0 : i32
      %swap3A_550 = tpu.memref_slice %arg9[%scan3A_74, %swap3A_549] : memref<32x1024xf32, #tpu.memory_space<vmem>> -> memref<1x1024xf32, #tpu.memory_space<vmem>>
      %swap3A_551 = tpu.memref_squeeze %swap3A_550 : memref<1x1024xf32, #tpu.memory_space<vmem>> -> memref<1024xf32, #tpu.memory_space<vmem>>
      %swap3A_552 = arith.constant 528 : index
      %swap3A_553 = tpu.vector_load %swap3A_551[%swap3A_552] {strides = array<i32>} : memref<1024xf32, #tpu.memory_space<vmem>>, vector<16xf32>,
      %swap3A_554 = vector.shape_cast %swap3A_553 : vector<16xf32> to vector<16xf32>
      %swap3A_555 = vector.shape_cast %mul3A_548 : vector<16xf32> to vector<16xf32>
      tpu.vector_store %swap3A_551[%swap3A_552], %swap3A_555 {strides = array<i32>} : memref<1024xf32, #tpu.memory_space<vmem>>, vector<16xf32>,
      %get3A_556 = arith.constant 0 : i32
      %get3A_557 = tpu.memref_slice %arg9[%scan3A_74, %get3A_556] : memref<32x1024xf32, #tpu.memory_space<vmem>> -> memref<1x1024xf32, #tpu.memory_space<vmem>>
      %get3A_558 = tpu.memref_squeeze %get3A_557 : memref<1x1024xf32, #tpu.memory_space<vmem>> -> memref<1024xf32, #tpu.memory_space<vmem>>
      %get3A_559 = arith.constant 544 : index
      %get3A_560 = tpu.vector_load %get3A_558[%get3A_559] {strides = array<i32>} : memref<1024xf32, #tpu.memory_space<vmem>>, vector<16xf32>,
      %get3A_561 = vector.shape_cast %get3A_560 : vector<16xf32> to vector<16xf32>
      %mul3A_562 = arith.mulf %get3A_561, %get3A_80 : vector<16xf32>
      %swap3A_563 = arith.constant 0 : i32
      %swap3A_564 = tpu.memref_slice %arg9[%scan3A_74, %swap3A_563] : memref<32x1024xf32, #tpu.memory_space<vmem>> -> memref<1x1024xf32, #tpu.memory_space<vmem>>
      %swap3A_565 = tpu.memref_squeeze %swap3A_564 : memref<1x1024xf32, #tpu.memory_space<vmem>> -> memref<1024xf32, #tpu.memory_space<vmem>>
      %swap3A_566 = arith.constant 544 : index
      %swap3A_567 = tpu.vector_load %swap3A_565[%swap3A_566] {strides = array<i32>} : memref<1024xf32, #tpu.memory_space<vmem>>, vector<16xf32>,
      %swap3A_568 = vector.shape_cast %swap3A_567 : vector<16xf32> to vector<16xf32>
      %swap3A_569 = vector.shape_cast %mul3A_562 : vector<16xf32> to vector<16xf32>
      tpu.vector_store %swap3A_565[%swap3A_566], %swap3A_569 {strides = array<i32>} : memref<1024xf32, #tpu.memory_space<vmem>>, vector<16xf32>,
      %get3A_570 = arith.constant 0 : i32
      %get3A_571 = tpu.memref_slice %arg9[%scan3A_74, %get3A_570] : memref<32x1024xf32, #tpu.memory_space<vmem>> -> memref<1x1024xf32, #tpu.memory_space<vmem>>
      %get3A_572 = tpu.memref_squeeze %get3A_571 : memref<1x1024xf32, #tpu.memory_space<vmem>> -> memref<1024xf32, #tpu.memory_space<vmem>>
      %get3A_573 = arith.constant 560 : index
      %get3A_574 = tpu.vector_load %get3A_572[%get3A_573] {strides = array<i32>} : memref<1024xf32, #tpu.memory_space<vmem>>, vector<16xf32>,
      %get3A_575 = vector.shape_cast %get3A_574 : vector<16xf32> to vector<16xf32>
      %mul3A_576 = arith.mulf %get3A_575, %get3A_80 : vector<16xf32>
      %swap3A_577 = arith.constant 0 : i32
      %swap3A_578 = tpu.memref_slice %arg9[%scan3A_74, %swap3A_577] : memref<32x1024xf32, #tpu.memory_space<vmem>> -> memref<1x1024xf32, #tpu.memory_space<vmem>>
      %swap3A_579 = tpu.memref_squeeze %swap3A_578 : memref<1x1024xf32, #tpu.memory_space<vmem>> -> memref<1024xf32, #tpu.memory_space<vmem>>
      %swap3A_580 = arith.constant 560 : index
      %swap3A_581 = tpu.vector_load %swap3A_579[%swap3A_580] {strides = array<i32>} : memref<1024xf32, #tpu.memory_space<vmem>>, vector<16xf32>,
      %swap3A_582 = vector.shape_cast %swap3A_581 : vector<16xf32> to vector<16xf32>
      %swap3A_583 = vector.shape_cast %mul3A_576 : vector<16xf32> to vector<16xf32>
      tpu.vector_store %swap3A_579[%swap3A_580], %swap3A_583 {strides = array<i32>} : memref<1024xf32, #tpu.memory_space<vmem>>, vector<16xf32>,
      %get3A_584 = arith.constant 0 : i32
      %get3A_585 = tpu.memref_slice %arg9[%scan3A_74, %get3A_584] : memref<32x1024xf32, #tpu.memory_space<vmem>> -> memref<1x1024xf32, #tpu.memory_space<vmem>>
      %get3A_586 = tpu.memref_squeeze %get3A_585 : memref<1x1024xf32, #tpu.memory_space<vmem>> -> memref<1024xf32, #tpu.memory_space<vmem>>
      %get3A_587 = arith.constant 576 : index
      %get3A_588 = tpu.vector_load %get3A_586[%get3A_587] {strides = array<i32>} : memref<1024xf32, #tpu.memory_space<vmem>>, vector<16xf32>,
      %get3A_589 = vector.shape_cast %get3A_588 : vector<16xf32> to vector<16xf32>
      %mul3A_590 = arith.mulf %get3A_589, %get3A_80 : vector<16xf32>
      %swap3A_591 = arith.constant 0 : i32
      %swap3A_592 = tpu.memref_slice %arg9[%scan3A_74, %swap3A_591] : memref<32x1024xf32, #tpu.memory_space<vmem>> -> memref<1x1024xf32, #tpu.memory_space<vmem>>
      %swap3A_593 = tpu.memref_squeeze %swap3A_592 : memref<1x1024xf32, #tpu.memory_space<vmem>> -> memref<1024xf32, #tpu.memory_space<vmem>>
      %swap3A_594 = arith.constant 576 : index
      %swap3A_595 = tpu.vector_load %swap3A_593[%swap3A_594] {strides = array<i32>} : memref<1024xf32, #tpu.memory_space<vmem>>, vector<16xf32>,
      %swap3A_596 = vector.shape_cast %swap3A_595 : vector<16xf32> to vector<16xf32>
      %swap3A_597 = vector.shape_cast %mul3A_590 : vector<16xf32> to vector<16xf32>
      tpu.vector_store %swap3A_593[%swap3A_594], %swap3A_597 {strides = array<i32>} : memref<1024xf32, #tpu.memory_space<vmem>>, vector<16xf32>,
      %get3A_598 = arith.constant 0 : i32
      %get3A_599 = tpu.memref_slice %arg9[%scan3A_74, %get3A_598] : memref<32x1024xf32, #tpu.memory_space<vmem>> -> memref<1x1024xf32, #tpu.memory_space<vmem>>
      %get3A_600 = tpu.memref_squeeze %get3A_599 : memref<1x1024xf32, #tpu.memory_space<vmem>> -> memref<1024xf32, #tpu.memory_space<vmem>>
      %get3A_601 = arith.constant 592 : index
      %get3A_602 = tpu.vector_load %get3A_600[%get3A_601] {strides = array<i32>} : memref<1024xf32, #tpu.memory_space<vmem>>, vector<16xf32>,
      %get3A_603 = vector.shape_cast %get3A_602 : vector<16xf32> to vector<16xf32>
      %mul3A_604 = arith.mulf %get3A_603, %get3A_80 : vector<16xf32>
      %swap3A_605 = arith.constant 0 : i32
      %swap3A_606 = tpu.memref_slice %arg9[%scan3A_74, %swap3A_605] : memref<32x1024xf32, #tpu.memory_space<vmem>> -> memref<1x1024xf32, #tpu.memory_space<vmem>>
      %swap3A_607 = tpu.memref_squeeze %swap3A_606 : memref<1x1024xf32, #tpu.memory_space<vmem>> -> memref<1024xf32, #tpu.memory_space<vmem>>
      %swap3A_608 = arith.constant 592 : index
      %swap3A_609 = tpu.vector_load %swap3A_607[%swap3A_608] {strides = array<i32>} : memref<1024xf32, #tpu.memory_space<vmem>>, vector<16xf32>,
      %swap3A_610 = vector.shape_cast %swap3A_609 : vector<16xf32> to vector<16xf32>
      %swap3A_611 = vector.shape_cast %mul3A_604 : vector<16xf32> to vector<16xf32>
      tpu.vector_store %swap3A_607[%swap3A_608], %swap3A_611 {strides = array<i32>} : memref<1024xf32, #tpu.memory_space<vmem>>, vector<16xf32>,
      %get3A_612 = arith.constant 0 : i32
      %get3A_613 = tpu.memref_slice %arg9[%scan3A_74, %get3A_612] : memref<32x1024xf32, #tpu.memory_space<vmem>> -> memref<1x1024xf32, #tpu.memory_space<vmem>>
      %get3A_614 = tpu.memref_squeeze %get3A_613 : memref<1x1024xf32, #tpu.memory_space<vmem>> -> memref<1024xf32, #tpu.memory_space<vmem>>
      %get3A_615 = arith.constant 608 : index
      %get3A_616 = tpu.vector_load %get3A_614[%get3A_615] {strides = array<i32>} : memref<1024xf32, #tpu.memory_space<vmem>>, vector<16xf32>,
      %get3A_617 = vector.shape_cast %get3A_616 : vector<16xf32> to vector<16xf32>
      %mul3A_618 = arith.mulf %get3A_617, %get3A_80 : vector<16xf32>
      %swap3A_619 = arith.constant 0 : i32
      %swap3A_620 = tpu.memref_slice %arg9[%scan3A_74, %swap3A_619] : memref<32x1024xf32, #tpu.memory_space<vmem>> -> memref<1x1024xf32, #tpu.memory_space<vmem>>
      %swap3A_621 = tpu.memref_squeeze %swap3A_620 : memref<1x1024xf32, #tpu.memory_space<vmem>> -> memref<1024xf32, #tpu.memory_space<vmem>>
      %swap3A_622 = arith.constant 608 : index
      %swap3A_623 = tpu.vector_load %swap3A_621[%swap3A_622] {strides = array<i32>} : memref<1024xf32, #tpu.memory_space<vmem>>, vector<16xf32>,
      %swap3A_624 = vector.shape_cast %swap3A_623 : vector<16xf32> to vector<16xf32>
      %swap3A_625 = vector.shape_cast %mul3A_618 : vector<16xf32> to vector<16xf32>
      tpu.vector_store %swap3A_621[%swap3A_622], %swap3A_625 {strides = array<i32>} : memref<1024xf32, #tpu.memory_space<vmem>>, vector<16xf32>,
      %get3A_626 = arith.constant 0 : i32
      %get3A_627 = tpu.memref_slice %arg9[%scan3A_74, %get3A_626] : memref<32x1024xf32, #tpu.memory_space<vmem>> -> memref<1x1024xf32, #tpu.memory_space<vmem>>
      %get3A_628 = tpu.memref_squeeze %get3A_627 : memref<1x1024xf32, #tpu.memory_space<vmem>> -> memref<1024xf32, #tpu.memory_space<vmem>>
      %get3A_629 = arith.constant 624 : index
      %get3A_630 = tpu.vector_load %get3A_628[%get3A_629] {strides = array<i32>} : memref<1024xf32, #tpu.memory_space<vmem>>, vector<16xf32>,
      %get3A_631 = vector.shape_cast %get3A_630 : vector<16xf32> to vector<16xf32>
      %mul3A_632 = arith.mulf %get3A_631, %get3A_80 : vector<16xf32>
      %swap3A_633 = arith.constant 0 : i32
      %swap3A_634 = tpu.memref_slice %arg9[%scan3A_74, %swap3A_633] : memref<32x1024xf32, #tpu.memory_space<vmem>> -> memref<1x1024xf32, #tpu.memory_space<vmem>>
      %swap3A_635 = tpu.memref_squeeze %swap3A_634 : memref<1x1024xf32, #tpu.memory_space<vmem>> -> memref<1024xf32, #tpu.memory_space<vmem>>
      %swap3A_636 = arith.constant 624 : index
      %swap3A_637 = tpu.vector_load %swap3A_635[%swap3A_636] {strides = array<i32>} : memref<1024xf32, #tpu.memory_space<vmem>>, vector<16xf32>,
      %swap3A_638 = vector.shape_cast %swap3A_637 : vector<16xf32> to vector<16xf32>
      %swap3A_639 = vector.shape_cast %mul3A_632 : vector<16xf32> to vector<16xf32>
      tpu.vector_store %swap3A_635[%swap3A_636], %swap3A_639 {strides = array<i32>} : memref<1024xf32, #tpu.memory_space<vmem>>, vector<16xf32>,
      %get3A_640 = arith.constant 0 : i32
      %get3A_641 = tpu.memref_slice %arg9[%scan3A_74, %get3A_640] : memref<32x1024xf32, #tpu.memory_space<vmem>> -> memref<1x1024xf32, #tpu.memory_space<vmem>>
      %get3A_642 = tpu.memref_squeeze %get3A_641 : memref<1x1024xf32, #tpu.memory_space<vmem>> -> memref<1024xf32, #tpu.memory_space<vmem>>
      %get3A_643 = arith.constant 640 : index
      %get3A_644 = tpu.vector_load %get3A_642[%get3A_643] {strides = array<i32>} : memref<1024xf32, #tpu.memory_space<vmem>>, vector<16xf32>,
      %get3A_645 = vector.shape_cast %get3A_644 : vector<16xf32> to vector<16xf32>
      %mul3A_646 = arith.mulf %get3A_645, %get3A_80 : vector<16xf32>
      %swap3A_647 = arith.constant 0 : i32
      %swap3A_648 = tpu.memref_slice %arg9[%scan3A_74, %swap3A_647] : memref<32x1024xf32, #tpu.memory_space<vmem>> -> memref<1x1024xf32, #tpu.memory_space<vmem>>
      %swap3A_649 = tpu.memref_squeeze %swap3A_648 : memref<1x1024xf32, #tpu.memory_space<vmem>> -> memref<1024xf32, #tpu.memory_space<vmem>>
      %swap3A_650 = arith.constant 640 : index
      %swap3A_651 = tpu.vector_load %swap3A_649[%swap3A_650] {strides = array<i32>} : memref<1024xf32, #tpu.memory_space<vmem>>, vector<16xf32>,
      %swap3A_652 = vector.shape_cast %swap3A_651 : vector<16xf32> to vector<16xf32>
      %swap3A_653 = vector.shape_cast %mul3A_646 : vector<16xf32> to vector<16xf32>
      tpu.vector_store %swap3A_649[%swap3A_650], %swap3A_653 {strides = array<i32>} : memref<1024xf32, #tpu.memory_space<vmem>>, vector<16xf32>,
      %get3A_654 = arith.constant 0 : i32
      %get3A_655 = tpu.memref_slice %arg9[%scan3A_74, %get3A_654] : memref<32x1024xf32, #tpu.memory_space<vmem>> -> memref<1x1024xf32, #tpu.memory_space<vmem>>
      %get3A_656 = tpu.memref_squeeze %get3A_655 : memref<1x1024xf32, #tpu.memory_space<vmem>> -> memref<1024xf32, #tpu.memory_space<vmem>>
      %get3A_657 = arith.constant 656 : index
      %get3A_658 = tpu.vector_load %get3A_656[%get3A_657] {strides = array<i32>} : memref<1024xf32, #tpu.memory_space<vmem>>, vector<16xf32>,
      %get3A_659 = vector.shape_cast %get3A_658 : vector<16xf32> to vector<16xf32>
      %mul3A_660 = arith.mulf %get3A_659, %get3A_80 : vector<16xf32>
      %swap3A_661 = arith.constant 0 : i32
      %swap3A_662 = tpu.memref_slice %arg9[%scan3A_74, %swap3A_661] : memref<32x1024xf32, #tpu.memory_space<vmem>> -> memref<1x1024xf32, #tpu.memory_space<vmem>>
      %swap3A_663 = tpu.memref_squeeze %swap3A_662 : memref<1x1024xf32, #tpu.memory_space<vmem>> -> memref<1024xf32, #tpu.memory_space<vmem>>
      %swap3A_664 = arith.constant 656 : index
      %swap3A_665 = tpu.vector_load %swap3A_663[%swap3A_664] {strides = array<i32>} : memref<1024xf32, #tpu.memory_space<vmem>>, vector<16xf32>,
      %swap3A_666 = vector.shape_cast %swap3A_665 : vector<16xf32> to vector<16xf32>
      %swap3A_667 = vector.shape_cast %mul3A_660 : vector<16xf32> to vector<16xf32>
      tpu.vector_store %swap3A_663[%swap3A_664], %swap3A_667 {strides = array<i32>} : memref<1024xf32, #tpu.memory_space<vmem>>, vector<16xf32>,
      %get3A_668 = arith.constant 0 : i32
      %get3A_669 = tpu.memref_slice %arg9[%scan3A_74, %get3A_668] : memref<32x1024xf32, #tpu.memory_space<vmem>> -> memref<1x1024xf32, #tpu.memory_space<vmem>>
      %get3A_670 = tpu.memref_squeeze %get3A_669 : memref<1x1024xf32, #tpu.memory_space<vmem>> -> memref<1024xf32, #tpu.memory_space<vmem>>
      %get3A_671 = arith.constant 672 : index
      %get3A_672 = tpu.vector_load %get3A_670[%get3A_671] {strides = array<i32>} : memref<1024xf32, #tpu.memory_space<vmem>>, vector<16xf32>,
      %get3A_673 = vector.shape_cast %get3A_672 : vector<16xf32> to vector<16xf32>
      %mul3A_674 = arith.mulf %get3A_673, %get3A_80 : vector<16xf32>
      %swap3A_675 = arith.constant 0 : i32
      %swap3A_676 = tpu.memref_slice %arg9[%scan3A_74, %swap3A_675] : memref<32x1024xf32, #tpu.memory_space<vmem>> -> memref<1x1024xf32, #tpu.memory_space<vmem>>
      %swap3A_677 = tpu.memref_squeeze %swap3A_676 : memref<1x1024xf32, #tpu.memory_space<vmem>> -> memref<1024xf32, #tpu.memory_space<vmem>>
      %swap3A_678 = arith.constant 672 : index
      %swap3A_679 = tpu.vector_load %swap3A_677[%swap3A_678] {strides = array<i32>} : memref<1024xf32, #tpu.memory_space<vmem>>, vector<16xf32>,
      %swap3A_680 = vector.shape_cast %swap3A_679 : vector<16xf32> to vector<16xf32>
      %swap3A_681 = vector.shape_cast %mul3A_674 : vector<16xf32> to vector<16xf32>
      tpu.vector_store %swap3A_677[%swap3A_678], %swap3A_681 {strides = array<i32>} : memref<1024xf32, #tpu.memory_space<vmem>>, vector<16xf32>,
      %get3A_682 = arith.constant 0 : i32
      %get3A_683 = tpu.memref_slice %arg9[%scan3A_74, %get3A_682] : memref<32x1024xf32, #tpu.memory_space<vmem>> -> memref<1x1024xf32, #tpu.memory_space<vmem>>
      %get3A_684 = tpu.memref_squeeze %get3A_683 : memref<1x1024xf32, #tpu.memory_space<vmem>> -> memref<1024xf32, #tpu.memory_space<vmem>>
      %get3A_685 = arith.constant 688 : index
      %get3A_686 = tpu.vector_load %get3A_684[%get3A_685] {strides = array<i32>} : memref<1024xf32, #tpu.memory_space<vmem>>, vector<16xf32>,
      %get3A_687 = vector.shape_cast %get3A_686 : vector<16xf32> to vector<16xf32>
      %mul3A_688 = arith.mulf %get3A_687, %get3A_80 : vector<16xf32>
      %swap3A_689 = arith.constant 0 : i32
      %swap3A_690 = tpu.memref_slice %arg9[%scan3A_74, %swap3A_689] : memref<32x1024xf32, #tpu.memory_space<vmem>> -> memref<1x1024xf32, #tpu.memory_space<vmem>>
      %swap3A_691 = tpu.memref_squeeze %swap3A_690 : memref<1x1024xf32, #tpu.memory_space<vmem>> -> memref<1024xf32, #tpu.memory_space<vmem>>
      %swap3A_692 = arith.constant 688 : index
      %swap3A_693 = tpu.vector_load %swap3A_691[%swap3A_692] {strides = array<i32>} : memref<1024xf32, #tpu.memory_space<vmem>>, vector<16xf32>,
      %swap3A_694 = vector.shape_cast %swap3A_693 : vector<16xf32> to vector<16xf32>
      %swap3A_695 = vector.shape_cast %mul3A_688 : vector<16xf32> to vector<16xf32>
      tpu.vector_store %swap3A_691[%swap3A_692], %swap3A_695 {strides = array<i32>} : memref<1024xf32, #tpu.memory_space<vmem>>, vector<16xf32>,
      %get3A_696 = arith.constant 0 : i32
      %get3A_697 = tpu.memref_slice %arg9[%scan3A_74, %get3A_696] : memref<32x1024xf32, #tpu.memory_space<vmem>> -> memref<1x1024xf32, #tpu.memory_space<vmem>>
      %get3A_698 = tpu.memref_squeeze %get3A_697 : memref<1x1024xf32, #tpu.memory_space<vmem>> -> memref<1024xf32, #tpu.memory_space<vmem>>
      %get3A_699 = arith.constant 704 : index
      %get3A_700 = tpu.vector_load %get3A_698[%get3A_699] {strides = array<i32>} : memref<1024xf32, #tpu.memory_space<vmem>>, vector<16xf32>,
      %get3A_701 = vector.shape_cast %get3A_700 : vector<16xf32> to vector<16xf32>
      %mul3A_702 = arith.mulf %get3A_701, %get3A_80 : vector<16xf32>
      %swap3A_703 = arith.constant 0 : i32
      %swap3A_704 = tpu.memref_slice %arg9[%scan3A_74, %swap3A_703] : memref<32x1024xf32, #tpu.memory_space<vmem>> -> memref<1x1024xf32, #tpu.memory_space<vmem>>
      %swap3A_705 = tpu.memref_squeeze %swap3A_704 : memref<1x1024xf32, #tpu.memory_space<vmem>> -> memref<1024xf32, #tpu.memory_space<vmem>>
      %swap3A_706 = arith.constant 704 : index
      %swap3A_707 = tpu.vector_load %swap3A_705[%swap3A_706] {strides = array<i32>} : memref<1024xf32, #tpu.memory_space<vmem>>, vector<16xf32>,
      %swap3A_708 = vector.shape_cast %swap3A_707 : vector<16xf32> to vector<16xf32>
      %swap3A_709 = vector.shape_cast %mul3A_702 : vector<16xf32> to vector<16xf32>
      tpu.vector_store %swap3A_705[%swap3A_706], %swap3A_709 {strides = array<i32>} : memref<1024xf32, #tpu.memory_space<vmem>>, vector<16xf32>,
      %get3A_710 = arith.constant 0 : i32
      %get3A_711 = tpu.memref_slice %arg9[%scan3A_74, %get3A_710] : memref<32x1024xf32, #tpu.memory_space<vmem>> -> memref<1x1024xf32, #tpu.memory_space<vmem>>
      %get3A_712 = tpu.memref_squeeze %get3A_711 : memref<1x1024xf32, #tpu.memory_space<vmem>> -> memref<1024xf32, #tpu.memory_space<vmem>>
      %get3A_713 = arith.constant 720 : index
      %get3A_714 = tpu.vector_load %get3A_712[%get3A_713] {strides = array<i32>} : memref<1024xf32, #tpu.memory_space<vmem>>, vector<16xf32>,
      %get3A_715 = vector.shape_cast %get3A_714 : vector<16xf32> to vector<16xf32>
      %mul3A_716 = arith.mulf %get3A_715, %get3A_80 : vector<16xf32>
      %swap3A_717 = arith.constant 0 : i32
      %swap3A_718 = tpu.memref_slice %arg9[%scan3A_74, %swap3A_717] : memref<32x1024xf32, #tpu.memory_space<vmem>> -> memref<1x1024xf32, #tpu.memory_space<vmem>>
      %swap3A_719 = tpu.memref_squeeze %swap3A_718 : memref<1x1024xf32, #tpu.memory_space<vmem>> -> memref<1024xf32, #tpu.memory_space<vmem>>
      %swap3A_720 = arith.constant 720 : index
      %swap3A_721 = tpu.vector_load %swap3A_719[%swap3A_720] {strides = array<i32>} : memref<1024xf32, #tpu.memory_space<vmem>>, vector<16xf32>,
      %swap3A_722 = vector.shape_cast %swap3A_721 : vector<16xf32> to vector<16xf32>
      %swap3A_723 = vector.shape_cast %mul3A_716 : vector<16xf32> to vector<16xf32>
      tpu.vector_store %swap3A_719[%swap3A_720], %swap3A_723 {strides = array<i32>} : memref<1024xf32, #tpu.memory_space<vmem>>, vector<16xf32>,
      %get3A_724 = arith.constant 0 : i32
      %get3A_725 = tpu.memref_slice %arg9[%scan3A_74, %get3A_724] : memref<32x1024xf32, #tpu.memory_space<vmem>> -> memref<1x1024xf32, #tpu.memory_space<vmem>>
      %get3A_726 = tpu.memref_squeeze %get3A_725 : memref<1x1024xf32, #tpu.memory_space<vmem>> -> memref<1024xf32, #tpu.memory_space<vmem>>
      %get3A_727 = arith.constant 736 : index
      %get3A_728 = tpu.vector_load %get3A_726[%get3A_727] {strides = array<i32>} : memref<1024xf32, #tpu.memory_space<vmem>>, vector<16xf32>,
      %get3A_729 = vector.shape_cast %get3A_728 : vector<16xf32> to vector<16xf32>
      %mul3A_730 = arith.mulf %get3A_729, %get3A_80 : vector<16xf32>
      %swap3A_731 = arith.constant 0 : i32
      %swap3A_732 = tpu.memref_slice %arg9[%scan3A_74, %swap3A_731] : memref<32x1024xf32, #tpu.memory_space<vmem>> -> memref<1x1024xf32, #tpu.memory_space<vmem>>
      %swap3A_733 = tpu.memref_squeeze %swap3A_732 : memref<1x1024xf32, #tpu.memory_space<vmem>> -> memref<1024xf32, #tpu.memory_space<vmem>>
      %swap3A_734 = arith.constant 736 : index
      %swap3A_735 = tpu.vector_load %swap3A_733[%swap3A_734] {strides = array<i32>} : memref<1024xf32, #tpu.memory_space<vmem>>, vector<16xf32>,
      %swap3A_736 = vector.shape_cast %swap3A_735 : vector<16xf32> to vector<16xf32>
      %swap3A_737 = vector.shape_cast %mul3A_730 : vector<16xf32> to vector<16xf32>
      tpu.vector_store %swap3A_733[%swap3A_734], %swap3A_737 {strides = array<i32>} : memref<1024xf32, #tpu.memory_space<vmem>>, vector<16xf32>,
      %get3A_738 = arith.constant 0 : i32
      %get3A_739 = tpu.memref_slice %arg9[%scan3A_74, %get3A_738] : memref<32x1024xf32, #tpu.memory_space<vmem>> -> memref<1x1024xf32, #tpu.memory_space<vmem>>
      %get3A_740 = tpu.memref_squeeze %get3A_739 : memref<1x1024xf32, #tpu.memory_space<vmem>> -> memref<1024xf32, #tpu.memory_space<vmem>>
      %get3A_741 = arith.constant 752 : index
      %get3A_742 = tpu.vector_load %get3A_740[%get3A_741] {strides = array<i32>} : memref<1024xf32, #tpu.memory_space<vmem>>, vector<16xf32>,
      %get3A_743 = vector.shape_cast %get3A_742 : vector<16xf32> to vector<16xf32>
      %mul3A_744 = arith.mulf %get3A_743, %get3A_80 : vector<16xf32>
      %swap3A_745 = arith.constant 0 : i32
      %swap3A_746 = tpu.memref_slice %arg9[%scan3A_74, %swap3A_745] : memref<32x1024xf32, #tpu.memory_space<vmem>> -> memref<1x1024xf32, #tpu.memory_space<vmem>>
      %swap3A_747 = tpu.memref_squeeze %swap3A_746 : memref<1x1024xf32, #tpu.memory_space<vmem>> -> memref<1024xf32, #tpu.memory_space<vmem>>
      %swap3A_748 = arith.constant 752 : index
      %swap3A_749 = tpu.vector_load %swap3A_747[%swap3A_748] {strides = array<i32>} : memref<1024xf32, #tpu.memory_space<vmem>>, vector<16xf32>,
      %swap3A_750 = vector.shape_cast %swap3A_749 : vector<16xf32> to vector<16xf32>
      %swap3A_751 = vector.shape_cast %mul3A_744 : vector<16xf32> to vector<16xf32>
      tpu.vector_store %swap3A_747[%swap3A_748], %swap3A_751 {strides = array<i32>} : memref<1024xf32, #tpu.memory_space<vmem>>, vector<16xf32>,
      %get3A_752 = arith.constant 0 : i32
      %get3A_753 = tpu.memref_slice %arg9[%scan3A_74, %get3A_752] : memref<32x1024xf32, #tpu.memory_space<vmem>> -> memref<1x1024xf32, #tpu.memory_space<vmem>>
      %get3A_754 = tpu.memref_squeeze %get3A_753 : memref<1x1024xf32, #tpu.memory_space<vmem>> -> memref<1024xf32, #tpu.memory_space<vmem>>
      %get3A_755 = arith.constant 768 : index
      %get3A_756 = tpu.vector_load %get3A_754[%get3A_755] {strides = array<i32>} : memref<1024xf32, #tpu.memory_space<vmem>>, vector<16xf32>,
      %get3A_757 = vector.shape_cast %get3A_756 : vector<16xf32> to vector<16xf32>
      %mul3A_758 = arith.mulf %get3A_757, %get3A_80 : vector<16xf32>
      %swap3A_759 = arith.constant 0 : i32
      %swap3A_760 = tpu.memref_slice %arg9[%scan3A_74, %swap3A_759] : memref<32x1024xf32, #tpu.memory_space<vmem>> -> memref<1x1024xf32, #tpu.memory_space<vmem>>
      %swap3A_761 = tpu.memref_squeeze %swap3A_760 : memref<1x1024xf32, #tpu.memory_space<vmem>> -> memref<1024xf32, #tpu.memory_space<vmem>>
      %swap3A_762 = arith.constant 768 : index
      %swap3A_763 = tpu.vector_load %swap3A_761[%swap3A_762] {strides = array<i32>} : memref<1024xf32, #tpu.memory_space<vmem>>, vector<16xf32>,
      %swap3A_764 = vector.shape_cast %swap3A_763 : vector<16xf32> to vector<16xf32>
      %swap3A_765 = vector.shape_cast %mul3A_758 : vector<16xf32> to vector<16xf32>
      tpu.vector_store %swap3A_761[%swap3A_762], %swap3A_765 {strides = array<i32>} : memref<1024xf32, #tpu.memory_space<vmem>>, vector<16xf32>,
      %get3A_766 = arith.constant 0 : i32
      %get3A_767 = tpu.memref_slice %arg9[%scan3A_74, %get3A_766] : memref<32x1024xf32, #tpu.memory_space<vmem>> -> memref<1x1024xf32, #tpu.memory_space<vmem>>
      %get3A_768 = tpu.memref_squeeze %get3A_767 : memref<1x1024xf32, #tpu.memory_space<vmem>> -> memref<1024xf32, #tpu.memory_space<vmem>>
      %get3A_769 = arith.constant 784 : index
      %get3A_770 = tpu.vector_load %get3A_768[%get3A_769] {strides = array<i32>} : memref<1024xf32, #tpu.memory_space<vmem>>, vector<16xf32>,
      %get3A_771 = vector.shape_cast %get3A_770 : vector<16xf32> to vector<16xf32>
      %mul3A_772 = arith.mulf %get3A_771, %get3A_80 : vector<16xf32>
      %swap3A_773 = arith.constant 0 : i32
      %swap3A_774 = tpu.memref_slice %arg9[%scan3A_74, %swap3A_773] : memref<32x1024xf32, #tpu.memory_space<vmem>> -> memref<1x1024xf32, #tpu.memory_space<vmem>>
      %swap3A_775 = tpu.memref_squeeze %swap3A_774 : memref<1x1024xf32, #tpu.memory_space<vmem>> -> memref<1024xf32, #tpu.memory_space<vmem>>
      %swap3A_776 = arith.constant 784 : index
      %swap3A_777 = tpu.vector_load %swap3A_775[%swap3A_776] {strides = array<i32>} : memref<1024xf32, #tpu.memory_space<vmem>>, vector<16xf32>,
      %swap3A_778 = vector.shape_cast %swap3A_777 : vector<16xf32> to vector<16xf32>
      %swap3A_779 = vector.shape_cast %mul3A_772 : vector<16xf32> to vector<16xf32>
      tpu.vector_store %swap3A_775[%swap3A_776], %swap3A_779 {strides = array<i32>} : memref<1024xf32, #tpu.memory_space<vmem>>, vector<16xf32>,
      %get3A_780 = arith.constant 0 : i32
      %get3A_781 = tpu.memref_slice %arg9[%scan3A_74, %get3A_780] : memref<32x1024xf32, #tpu.memory_space<vmem>> -> memref<1x1024xf32, #tpu.memory_space<vmem>>
      %get3A_782 = tpu.memref_squeeze %get3A_781 : memref<1x1024xf32, #tpu.memory_space<vmem>> -> memref<1024xf32, #tpu.memory_space<vmem>>
      %get3A_783 = arith.constant 800 : index
      %get3A_784 = tpu.vector_load %get3A_782[%get3A_783] {strides = array<i32>} : memref<1024xf32, #tpu.memory_space<vmem>>, vector<16xf32>,
      %get3A_785 = vector.shape_cast %get3A_784 : vector<16xf32> to vector<16xf32>
      %mul3A_786 = arith.mulf %get3A_785, %get3A_80 : vector<16xf32>
      %swap3A_787 = arith.constant 0 : i32
      %swap3A_788 = tpu.memref_slice %arg9[%scan3A_74, %swap3A_787] : memref<32x1024xf32, #tpu.memory_space<vmem>> -> memref<1x1024xf32, #tpu.memory_space<vmem>>
      %swap3A_789 = tpu.memref_squeeze %swap3A_788 : memref<1x1024xf32, #tpu.memory_space<vmem>> -> memref<1024xf32, #tpu.memory_space<vmem>>
      %swap3A_790 = arith.constant 800 : index
      %swap3A_791 = tpu.vector_load %swap3A_789[%swap3A_790] {strides = array<i32>} : memref<1024xf32, #tpu.memory_space<vmem>>, vector<16xf32>,
      %swap3A_792 = vector.shape_cast %swap3A_791 : vector<16xf32> to vector<16xf32>
      %swap3A_793 = vector.shape_cast %mul3A_786 : vector<16xf32> to vector<16xf32>
      tpu.vector_store %swap3A_789[%swap3A_790], %swap3A_793 {strides = array<i32>} : memref<1024xf32, #tpu.memory_space<vmem>>, vector<16xf32>,
      %get3A_794 = arith.constant 0 : i32
      %get3A_795 = tpu.memref_slice %arg9[%scan3A_74, %get3A_794] : memref<32x1024xf32, #tpu.memory_space<vmem>> -> memref<1x1024xf32, #tpu.memory_space<vmem>>
      %get3A_796 = tpu.memref_squeeze %get3A_795 : memref<1x1024xf32, #tpu.memory_space<vmem>> -> memref<1024xf32, #tpu.memory_space<vmem>>
      %get3A_797 = arith.constant 816 : index
      %get3A_798 = tpu.vector_load %get3A_796[%get3A_797] {strides = array<i32>} : memref<1024xf32, #tpu.memory_space<vmem>>, vector<16xf32>,
      %get3A_799 = vector.shape_cast %get3A_798 : vector<16xf32> to vector<16xf32>
      %mul3A_800 = arith.mulf %get3A_799, %get3A_80 : vector<16xf32>
      %swap3A_801 = arith.constant 0 : i32
      %swap3A_802 = tpu.memref_slice %arg9[%scan3A_74, %swap3A_801] : memref<32x1024xf32, #tpu.memory_space<vmem>> -> memref<1x1024xf32, #tpu.memory_space<vmem>>
      %swap3A_803 = tpu.memref_squeeze %swap3A_802 : memref<1x1024xf32, #tpu.memory_space<vmem>> -> memref<1024xf32, #tpu.memory_space<vmem>>
      %swap3A_804 = arith.constant 816 : index
      %swap3A_805 = tpu.vector_load %swap3A_803[%swap3A_804] {strides = array<i32>} : memref<1024xf32, #tpu.memory_space<vmem>>, vector<16xf32>,
      %swap3A_806 = vector.shape_cast %swap3A_805 : vector<16xf32> to vector<16xf32>
      %swap3A_807 = vector.shape_cast %mul3A_800 : vector<16xf32> to vector<16xf32>
      tpu.vector_store %swap3A_803[%swap3A_804], %swap3A_807 {strides = array<i32>} : memref<1024xf32, #tpu.memory_space<vmem>>, vector<16xf32>,
      %get3A_808 = arith.constant 0 : i32
      %get3A_809 = tpu.memref_slice %arg9[%scan3A_74, %get3A_808] : memref<32x1024xf32, #tpu.memory_space<vmem>> -> memref<1x1024xf32, #tpu.memory_space<vmem>>
      %get3A_810 = tpu.memref_squeeze %get3A_809 : memref<1x1024xf32, #tpu.memory_space<vmem>> -> memref<1024xf32, #tpu.memory_space<vmem>>
      %get3A_811 = arith.constant 832 : index
      %get3A_812 = tpu.vector_load %get3A_810[%get3A_811] {strides = array<i32>} : memref<1024xf32, #tpu.memory_space<vmem>>, vector<16xf32>,
      %get3A_813 = vector.shape_cast %get3A_812 : vector<16xf32> to vector<16xf32>
      %mul3A_814 = arith.mulf %get3A_813, %get3A_80 : vector<16xf32>
      %swap3A_815 = arith.constant 0 : i32
      %swap3A_816 = tpu.memref_slice %arg9[%scan3A_74, %swap3A_815] : memref<32x1024xf32, #tpu.memory_space<vmem>> -> memref<1x1024xf32, #tpu.memory_space<vmem>>
      %swap3A_817 = tpu.memref_squeeze %swap3A_816 : memref<1x1024xf32, #tpu.memory_space<vmem>> -> memref<1024xf32, #tpu.memory_space<vmem>>
      %swap3A_818 = arith.constant 832 : index
      %swap3A_819 = tpu.vector_load %swap3A_817[%swap3A_818] {strides = array<i32>} : memref<1024xf32, #tpu.memory_space<vmem>>, vector<16xf32>,
      %swap3A_820 = vector.shape_cast %swap3A_819 : vector<16xf32> to vector<16xf32>
      %swap3A_821 = vector.shape_cast %mul3A_814 : vector<16xf32> to vector<16xf32>
      tpu.vector_store %swap3A_817[%swap3A_818], %swap3A_821 {strides = array<i32>} : memref<1024xf32, #tpu.memory_space<vmem>>, vector<16xf32>,
      %get3A_822 = arith.constant 0 : i32
      %get3A_823 = tpu.memref_slice %arg9[%scan3A_74, %get3A_822] : memref<32x1024xf32, #tpu.memory_space<vmem>> -> memref<1x1024xf32, #tpu.memory_space<vmem>>
      %get3A_824 = tpu.memref_squeeze %get3A_823 : memref<1x1024xf32, #tpu.memory_space<vmem>> -> memref<1024xf32, #tpu.memory_space<vmem>>
      %get3A_825 = arith.constant 848 : index
      %get3A_826 = tpu.vector_load %get3A_824[%get3A_825] {strides = array<i32>} : memref<1024xf32, #tpu.memory_space<vmem>>, vector<16xf32>,
      %get3A_827 = vector.shape_cast %get3A_826 : vector<16xf32> to vector<16xf32>
      %mul3A_828 = arith.mulf %get3A_827, %get3A_80 : vector<16xf32>
      %swap3A_829 = arith.constant 0 : i32
      %swap3A_830 = tpu.memref_slice %arg9[%scan3A_74, %swap3A_829] : memref<32x1024xf32, #tpu.memory_space<vmem>> -> memref<1x1024xf32, #tpu.memory_space<vmem>>
      %swap3A_831 = tpu.memref_squeeze %swap3A_830 : memref<1x1024xf32, #tpu.memory_space<vmem>> -> memref<1024xf32, #tpu.memory_space<vmem>>
      %swap3A_832 = arith.constant 848 : index
      %swap3A_833 = tpu.vector_load %swap3A_831[%swap3A_832] {strides = array<i32>} : memref<1024xf32, #tpu.memory_space<vmem>>, vector<16xf32>,
      %swap3A_834 = vector.shape_cast %swap3A_833 : vector<16xf32> to vector<16xf32>
      %swap3A_835 = vector.shape_cast %mul3A_828 : vector<16xf32> to vector<16xf32>
      tpu.vector_store %swap3A_831[%swap3A_832], %swap3A_835 {strides = array<i32>} : memref<1024xf32, #tpu.memory_space<vmem>>, vector<16xf32>,
      %get3A_836 = arith.constant 0 : i32
      %get3A_837 = tpu.memref_slice %arg9[%scan3A_74, %get3A_836] : memref<32x1024xf32, #tpu.memory_space<vmem>> -> memref<1x1024xf32, #tpu.memory_space<vmem>>
      %get3A_838 = tpu.memref_squeeze %get3A_837 : memref<1x1024xf32, #tpu.memory_space<vmem>> -> memref<1024xf32, #tpu.memory_space<vmem>>
      %get3A_839 = arith.constant 864 : index
      %get3A_840 = tpu.vector_load %get3A_838[%get3A_839] {strides = array<i32>} : memref<1024xf32, #tpu.memory_space<vmem>>, vector<16xf32>,
      %get3A_841 = vector.shape_cast %get3A_840 : vector<16xf32> to vector<16xf32>
      %mul3A_842 = arith.mulf %get3A_841, %get3A_80 : vector<16xf32>
      %swap3A_843 = arith.constant 0 : i32
      %swap3A_844 = tpu.memref_slice %arg9[%scan3A_74, %swap3A_843] : memref<32x1024xf32, #tpu.memory_space<vmem>> -> memref<1x1024xf32, #tpu.memory_space<vmem>>
      %swap3A_845 = tpu.memref_squeeze %swap3A_844 : memref<1x1024xf32, #tpu.memory_space<vmem>> -> memref<1024xf32, #tpu.memory_space<vmem>>
      %swap3A_846 = arith.constant 864 : index
      %swap3A_847 = tpu.vector_load %swap3A_845[%swap3A_846] {strides = array<i32>} : memref<1024xf32, #tpu.memory_space<vmem>>, vector<16xf32>,
      %swap3A_848 = vector.shape_cast %swap3A_847 : vector<16xf32> to vector<16xf32>
      %swap3A_849 = vector.shape_cast %mul3A_842 : vector<16xf32> to vector<16xf32>
      tpu.vector_store %swap3A_845[%swap3A_846], %swap3A_849 {strides = array<i32>} : memref<1024xf32, #tpu.memory_space<vmem>>, vector<16xf32>,
      %get3A_850 = arith.constant 0 : i32
      %get3A_851 = tpu.memref_slice %arg9[%scan3A_74, %get3A_850] : memref<32x1024xf32, #tpu.memory_space<vmem>> -> memref<1x1024xf32, #tpu.memory_space<vmem>>
      %get3A_852 = tpu.memref_squeeze %get3A_851 : memref<1x1024xf32, #tpu.memory_space<vmem>> -> memref<1024xf32, #tpu.memory_space<vmem>>
      %get3A_853 = arith.constant 880 : index
      %get3A_854 = tpu.vector_load %get3A_852[%get3A_853] {strides = array<i32>} : memref<1024xf32, #tpu.memory_space<vmem>>, vector<16xf32>,
      %get3A_855 = vector.shape_cast %get3A_854 : vector<16xf32> to vector<16xf32>
      %mul3A_856 = arith.mulf %get3A_855, %get3A_80 : vector<16xf32>
      %swap3A_857 = arith.constant 0 : i32
      %swap3A_858 = tpu.memref_slice %arg9[%scan3A_74, %swap3A_857] : memref<32x1024xf32, #tpu.memory_space<vmem>> -> memref<1x1024xf32, #tpu.memory_space<vmem>>
      %swap3A_859 = tpu.memref_squeeze %swap3A_858 : memref<1x1024xf32, #tpu.memory_space<vmem>> -> memref<1024xf32, #tpu.memory_space<vmem>>
      %swap3A_860 = arith.constant 880 : index
      %swap3A_861 = tpu.vector_load %swap3A_859[%swap3A_860] {strides = array<i32>} : memref<1024xf32, #tpu.memory_space<vmem>>, vector<16xf32>,
      %swap3A_862 = vector.shape_cast %swap3A_861 : vector<16xf32> to vector<16xf32>
      %swap3A_863 = vector.shape_cast %mul3A_856 : vector<16xf32> to vector<16xf32>
      tpu.vector_store %swap3A_859[%swap3A_860], %swap3A_863 {strides = array<i32>} : memref<1024xf32, #tpu.memory_space<vmem>>, vector<16xf32>,
      %get3A_864 = arith.constant 0 : i32
      %get3A_865 = tpu.memref_slice %arg9[%scan3A_74, %get3A_864] : memref<32x1024xf32, #tpu.memory_space<vmem>> -> memref<1x1024xf32, #tpu.memory_space<vmem>>
      %get3A_866 = tpu.memref_squeeze %get3A_865 : memref<1x1024xf32, #tpu.memory_space<vmem>> -> memref<1024xf32, #tpu.memory_space<vmem>>
      %get3A_867 = arith.constant 896 : index
      %get3A_868 = tpu.vector_load %get3A_866[%get3A_867] {strides = array<i32>} : memref<1024xf32, #tpu.memory_space<vmem>>, vector<16xf32>,
      %get3A_869 = vector.shape_cast %get3A_868 : vector<16xf32> to vector<16xf32>
      %mul3A_870 = arith.mulf %get3A_869, %get3A_80 : vector<16xf32>
      %swap3A_871 = arith.constant 0 : i32
      %swap3A_872 = tpu.memref_slice %arg9[%scan3A_74, %swap3A_871] : memref<32x1024xf32, #tpu.memory_space<vmem>> -> memref<1x1024xf32, #tpu.memory_space<vmem>>
      %swap3A_873 = tpu.memref_squeeze %swap3A_872 : memref<1x1024xf32, #tpu.memory_space<vmem>> -> memref<1024xf32, #tpu.memory_space<vmem>>
      %swap3A_874 = arith.constant 896 : index
      %swap3A_875 = tpu.vector_load %swap3A_873[%swap3A_874] {strides = array<i32>} : memref<1024xf32, #tpu.memory_space<vmem>>, vector<16xf32>,
      %swap3A_876 = vector.shape_cast %swap3A_875 : vector<16xf32> to vector<16xf32>
      %swap3A_877 = vector.shape_cast %mul3A_870 : vector<16xf32> to vector<16xf32>
      tpu.vector_store %swap3A_873[%swap3A_874], %swap3A_877 {strides = array<i32>} : memref<1024xf32, #tpu.memory_space<vmem>>, vector<16xf32>,
      %get3A_878 = arith.constant 0 : i32
      %get3A_879 = tpu.memref_slice %arg9[%scan3A_74, %get3A_878] : memref<32x1024xf32, #tpu.memory_space<vmem>> -> memref<1x1024xf32, #tpu.memory_space<vmem>>
      %get3A_880 = tpu.memref_squeeze %get3A_879 : memref<1x1024xf32, #tpu.memory_space<vmem>> -> memref<1024xf32, #tpu.memory_space<vmem>>
      %get3A_881 = arith.constant 912 : index
      %get3A_882 = tpu.vector_load %get3A_880[%get3A_881] {strides = array<i32>} : memref<1024xf32, #tpu.memory_space<vmem>>, vector<16xf32>,
      %get3A_883 = vector.shape_cast %get3A_882 : vector<16xf32> to vector<16xf32>
      %mul3A_884 = arith.mulf %get3A_883, %get3A_80 : vector<16xf32>
      %swap3A_885 = arith.constant 0 : i32
      %swap3A_886 = tpu.memref_slice %arg9[%scan3A_74, %swap3A_885] : memref<32x1024xf32, #tpu.memory_space<vmem>> -> memref<1x1024xf32, #tpu.memory_space<vmem>>
      %swap3A_887 = tpu.memref_squeeze %swap3A_886 : memref<1x1024xf32, #tpu.memory_space<vmem>> -> memref<1024xf32, #tpu.memory_space<vmem>>
      %swap3A_888 = arith.constant 912 : index
      %swap3A_889 = tpu.vector_load %swap3A_887[%swap3A_888] {strides = array<i32>} : memref<1024xf32, #tpu.memory_space<vmem>>, vector<16xf32>,
      %swap3A_890 = vector.shape_cast %swap3A_889 : vector<16xf32> to vector<16xf32>
      %swap3A_891 = vector.shape_cast %mul3A_884 : vector<16xf32> to vector<16xf32>
      tpu.vector_store %swap3A_887[%swap3A_888], %swap3A_891 {strides = array<i32>} : memref<1024xf32, #tpu.memory_space<vmem>>, vector<16xf32>,
      %get3A_892 = arith.constant 0 : i32
      %get3A_893 = tpu.memref_slice %arg9[%scan3A_74, %get3A_892] : memref<32x1024xf32, #tpu.memory_space<vmem>> -> memref<1x1024xf32, #tpu.memory_space<vmem>>
      %get3A_894 = tpu.memref_squeeze %get3A_893 : memref<1x1024xf32, #tpu.memory_space<vmem>> -> memref<1024xf32, #tpu.memory_space<vmem>>
      %get3A_895 = arith.constant 928 : index
      %get3A_896 = tpu.vector_load %get3A_894[%get3A_895] {strides = array<i32>} : memref<1024xf32, #tpu.memory_space<vmem>>, vector<16xf32>,
      %get3A_897 = vector.shape_cast %get3A_896 : vector<16xf32> to vector<16xf32>
      %mul3A_898 = arith.mulf %get3A_897, %get3A_80 : vector<16xf32>
      %swap3A_899 = arith.constant 0 : i32
      %swap3A_900 = tpu.memref_slice %arg9[%scan3A_74, %swap3A_899] : memref<32x1024xf32, #tpu.memory_space<vmem>> -> memref<1x1024xf32, #tpu.memory_space<vmem>>
      %swap3A_901 = tpu.memref_squeeze %swap3A_900 : memref<1x1024xf32, #tpu.memory_space<vmem>> -> memref<1024xf32, #tpu.memory_space<vmem>>
      %swap3A_902 = arith.constant 928 : index
      %swap3A_903 = tpu.vector_load %swap3A_901[%swap3A_902] {strides = array<i32>} : memref<1024xf32, #tpu.memory_space<vmem>>, vector<16xf32>,
      %swap3A_904 = vector.shape_cast %swap3A_903 : vector<16xf32> to vector<16xf32>
      %swap3A_905 = vector.shape_cast %mul3A_898 : vector<16xf32> to vector<16xf32>
      tpu.vector_store %swap3A_901[%swap3A_902], %swap3A_905 {strides = array<i32>} : memref<1024xf32, #tpu.memory_space<vmem>>, vector<16xf32>,
      %get3A_906 = arith.constant 0 : i32
      %get3A_907 = tpu.memref_slice %arg9[%scan3A_74, %get3A_906] : memref<32x1024xf32, #tpu.memory_space<vmem>> -> memref<1x1024xf32, #tpu.memory_space<vmem>>
      %get3A_908 = tpu.memref_squeeze %get3A_907 : memref<1x1024xf32, #tpu.memory_space<vmem>> -> memref<1024xf32, #tpu.memory_space<vmem>>
      %get3A_909 = arith.constant 944 : index
      %get3A_910 = tpu.vector_load %get3A_908[%get3A_909] {strides = array<i32>} : memref<1024xf32, #tpu.memory_space<vmem>>, vector<16xf32>,
      %get3A_911 = vector.shape_cast %get3A_910 : vector<16xf32> to vector<16xf32>
      %mul3A_912 = arith.mulf %get3A_911, %get3A_80 : vector<16xf32>
      %swap3A_913 = arith.constant 0 : i32
      %swap3A_914 = tpu.memref_slice %arg9[%scan3A_74, %swap3A_913] : memref<32x1024xf32, #tpu.memory_space<vmem>> -> memref<1x1024xf32, #tpu.memory_space<vmem>>
      %swap3A_915 = tpu.memref_squeeze %swap3A_914 : memref<1x1024xf32, #tpu.memory_space<vmem>> -> memref<1024xf32, #tpu.memory_space<vmem>>
      %swap3A_916 = arith.constant 944 : index
      %swap3A_917 = tpu.vector_load %swap3A_915[%swap3A_916] {strides = array<i32>} : memref<1024xf32, #tpu.memory_space<vmem>>, vector<16xf32>,
      %swap3A_918 = vector.shape_cast %swap3A_917 : vector<16xf32> to vector<16xf32>
      %swap3A_919 = vector.shape_cast %mul3A_912 : vector<16xf32> to vector<16xf32>
      tpu.vector_store %swap3A_915[%swap3A_916], %swap3A_919 {strides = array<i32>} : memref<1024xf32, #tpu.memory_space<vmem>>, vector<16xf32>,
      %get3A_920 = arith.constant 0 : i32
      %get3A_921 = tpu.memref_slice %arg9[%scan3A_74, %get3A_920] : memref<32x1024xf32, #tpu.memory_space<vmem>> -> memref<1x1024xf32, #tpu.memory_space<vmem>>
      %get3A_922 = tpu.memref_squeeze %get3A_921 : memref<1x1024xf32, #tpu.memory_space<vmem>> -> memref<1024xf32, #tpu.memory_space<vmem>>
      %get3A_923 = arith.constant 960 : index
      %get3A_924 = tpu.vector_load %get3A_922[%get3A_923] {strides = array<i32>} : memref<1024xf32, #tpu.memory_space<vmem>>, vector<16xf32>,
      %get3A_925 = vector.shape_cast %get3A_924 : vector<16xf32> to vector<16xf32>
      %mul3A_926 = arith.mulf %get3A_925, %get3A_80 : vector<16xf32>
      %swap3A_927 = arith.constant 0 : i32
      %swap3A_928 = tpu.memref_slice %arg9[%scan3A_74, %swap3A_927] : memref<32x1024xf32, #tpu.memory_space<vmem>> -> memref<1x1024xf32, #tpu.memory_space<vmem>>
      %swap3A_929 = tpu.memref_squeeze %swap3A_928 : memref<1x1024xf32, #tpu.memory_space<vmem>> -> memref<1024xf32, #tpu.memory_space<vmem>>
      %swap3A_930 = arith.constant 960 : index
      %swap3A_931 = tpu.vector_load %swap3A_929[%swap3A_930] {strides = array<i32>} : memref<1024xf32, #tpu.memory_space<vmem>>, vector<16xf32>,
      %swap3A_932 = vector.shape_cast %swap3A_931 : vector<16xf32> to vector<16xf32>
      %swap3A_933 = vector.shape_cast %mul3A_926 : vector<16xf32> to vector<16xf32>
      tpu.vector_store %swap3A_929[%swap3A_930], %swap3A_933 {strides = array<i32>} : memref<1024xf32, #tpu.memory_space<vmem>>, vector<16xf32>,
      %get3A_934 = arith.constant 0 : i32
      %get3A_935 = tpu.memref_slice %arg9[%scan3A_74, %get3A_934] : memref<32x1024xf32, #tpu.memory_space<vmem>> -> memref<1x1024xf32, #tpu.memory_space<vmem>>
      %get3A_936 = tpu.memref_squeeze %get3A_935 : memref<1x1024xf32, #tpu.memory_space<vmem>> -> memref<1024xf32, #tpu.memory_space<vmem>>
      %get3A_937 = arith.constant 976 : index
      %get3A_938 = tpu.vector_load %get3A_936[%get3A_937] {strides = array<i32>} : memref<1024xf32, #tpu.memory_space<vmem>>, vector<16xf32>,
      %get3A_939 = vector.shape_cast %get3A_938 : vector<16xf32> to vector<16xf32>
      %mul3A_940 = arith.mulf %get3A_939, %get3A_80 : vector<16xf32>
      %swap3A_941 = arith.constant 0 : i32
      %swap3A_942 = tpu.memref_slice %arg9[%scan3A_74, %swap3A_941] : memref<32x1024xf32, #tpu.memory_space<vmem>> -> memref<1x1024xf32, #tpu.memory_space<vmem>>
      %swap3A_943 = tpu.memref_squeeze %swap3A_942 : memref<1x1024xf32, #tpu.memory_space<vmem>> -> memref<1024xf32, #tpu.memory_space<vmem>>
      %swap3A_944 = arith.constant 976 : index
      %swap3A_945 = tpu.vector_load %swap3A_943[%swap3A_944] {strides = array<i32>} : memref<1024xf32, #tpu.memory_space<vmem>>, vector<16xf32>,
      %swap3A_946 = vector.shape_cast %swap3A_945 : vector<16xf32> to vector<16xf32>
      %swap3A_947 = vector.shape_cast %mul3A_940 : vector<16xf32> to vector<16xf32>
      tpu.vector_store %swap3A_943[%swap3A_944], %swap3A_947 {strides = array<i32>} : memref<1024xf32, #tpu.memory_space<vmem>>, vector<16xf32>,
      %get3A_948 = arith.constant 0 : i32
      %get3A_949 = tpu.memref_slice %arg9[%scan3A_74, %get3A_948] : memref<32x1024xf32, #tpu.memory_space<vmem>> -> memref<1x1024xf32, #tpu.memory_space<vmem>>
      %get3A_950 = tpu.memref_squeeze %get3A_949 : memref<1x1024xf32, #tpu.memory_space<vmem>> -> memref<1024xf32, #tpu.memory_space<vmem>>
      %get3A_951 = arith.constant 992 : index
      %get3A_952 = tpu.vector_load %get3A_950[%get3A_951] {strides = array<i32>} : memref<1024xf32, #tpu.memory_space<vmem>>, vector<16xf32>,
      %get3A_953 = vector.shape_cast %get3A_952 : vector<16xf32> to vector<16xf32>
      %mul3A_954 = arith.mulf %get3A_953, %get3A_80 : vector<16xf32>
      %swap3A_955 = arith.constant 0 : i32
      %swap3A_956 = tpu.memref_slice %arg9[%scan3A_74, %swap3A_955] : memref<32x1024xf32, #tpu.memory_space<vmem>> -> memref<1x1024xf32, #tpu.memory_space<vmem>>
      %swap3A_957 = tpu.memref_squeeze %swap3A_956 : memref<1x1024xf32, #tpu.memory_space<vmem>> -> memref<1024xf32, #tpu.memory_space<vmem>>
      %swap3A_958 = arith.constant 992 : index
      %swap3A_959 = tpu.vector_load %swap3A_957[%swap3A_958] {strides = array<i32>} : memref<1024xf32, #tpu.memory_space<vmem>>, vector<16xf32>,
      %swap3A_960 = vector.shape_cast %swap3A_959 : vector<16xf32> to vector<16xf32>
      %swap3A_961 = vector.shape_cast %mul3A_954 : vector<16xf32> to vector<16xf32>
      tpu.vector_store %swap3A_957[%swap3A_958], %swap3A_961 {strides = array<i32>} : memref<1024xf32, #tpu.memory_space<vmem>>, vector<16xf32>,
      %get3A_962 = arith.constant 0 : i32
      %get3A_963 = tpu.memref_slice %arg9[%scan3A_74, %get3A_962] : memref<32x1024xf32, #tpu.memory_space<vmem>> -> memref<1x1024xf32, #tpu.memory_space<vmem>>
      %get3A_964 = tpu.memref_squeeze %get3A_963 : memref<1x1024xf32, #tpu.memory_space<vmem>> -> memref<1024xf32, #tpu.memory_space<vmem>>
      %get3A_965 = arith.constant 1008 : index
      %get3A_966 = tpu.vector_load %get3A_964[%get3A_965] {strides = array<i32>} : memref<1024xf32, #tpu.memory_space<vmem>>, vector<16xf32>,
      %get3A_967 = vector.shape_cast %get3A_966 : vector<16xf32> to vector<16xf32>
      %mul3A_968 = arith.mulf %get3A_967, %get3A_80 : vector<16xf32>
      %swap3A_969 = arith.constant 0 : i32
      %swap3A_970 = tpu.memref_slice %arg9[%scan3A_74, %swap3A_969] : memref<32x1024xf32, #tpu.memory_space<vmem>> -> memref<1x1024xf32, #tpu.memory_space<vmem>>
      %swap3A_971 = tpu.memref_squeeze %swap3A_970 : memref<1x1024xf32, #tpu.memory_space<vmem>> -> memref<1024xf32, #tpu.memory_space<vmem>>
      %swap3A_972 = arith.constant 1008 : index
      %swap3A_973 = tpu.vector_load %swap3A_971[%swap3A_972] {strides = array<i32>} : memref<1024xf32, #tpu.memory_space<vmem>>, vector<16xf32>,
      %swap3A_974 = vector.shape_cast %swap3A_973 : vector<16xf32> to vector<16xf32>
      %swap3A_975 = vector.shape_cast %mul3A_968 : vector<16xf32> to vector<16xf32>
      tpu.vector_store %swap3A_971[%swap3A_972], %swap3A_975 {strides = array<i32>} : memref<1024xf32, #tpu.memory_space<vmem>>, vector<16xf32>,
    }
    %scan3A_71 = arith.constant 32 : i32
    %add3A_72 = arith.constant 96 : i32
    %add3A_73 = arith.addi %mul3A_2, %add3A_72 : i32
    "tpu.region"() ({
      %run_scoped3A = tpu.sem_alloc : memref<!tpu.dma_semaphore, #tpu.memory_space<semaphore_mem>>
      %dma_start3A_74 = arith.constant 0 : i32
      %dma_start3A_75 = tpu.memref_slice %arg5[%add3A_73, %dma_start3A_74] : memref<4096x1024xf32, #tpu.memory_space<hbm>> -> memref<32x1024xf32, #tpu.memory_space<hbm>>
      %dma_start3A_76 = arith.constant 0 : i32
      %dma_start3A_77 = tpu.memref_slice %arg5[%add3A_73, %dma_start3A_76] : memref<4096x1024xf32, #tpu.memory_space<hbm>> -> memref<32x1024xf32, #tpu.memory_space<hbm>>
      tpu.enqueue_dma source(%arg9 : memref<32x1024xf32, #tpu.memory_space<vmem>>) target(%dma_start3A_77 : memref<32x1024xf32, #tpu.memory_space<hbm>>) target_semaphore(%run_scoped3A : memref<!tpu.dma_semaphore, #tpu.memory_space<semaphore_mem>>)
      %dma_wait3A_78 = arith.constant 0 : i32
      %dma_wait3A_79 = tpu.memref_slice %arg5[%add3A_73, %dma_wait3A_78] : memref<4096x1024xf32, #tpu.memory_space<hbm>> -> memref<32x1024xf32, #tpu.memory_space<hbm>>
      %dma_wait3A_80 = arith.constant 0 : i32
      %dma_wait3A_81 = tpu.memref_slice %arg5[%add3A_73, %dma_wait3A_80] : memref<4096x1024xf32, #tpu.memory_space<hbm>> -> memref<32x1024xf32, #tpu.memory_space<hbm>>
      tpu.wait_dma2 semaphore(%run_scoped3A : memref<!tpu.dma_semaphore, #tpu.memory_space<semaphore_mem>>) src(%arg9 : memref<32x1024xf32, #tpu.memory_space<vmem>>) dst(%dma_wait3A_81 : memref<32x1024xf32, #tpu.memory_space<hbm>>)
      tpu.yield
    }) : () -> ()
    return
  }
}

module attributes {stable_mosaic.version = 14 : i64} {
  func.func @_ctx_kernel(%arg0: i32, %arg1: i32, %arg2: memref<256x1024xf32, #tpu.memory_space<vmem>>, %arg3: memref<1024x1024xf32, #tpu.memory_space<vmem>>, %arg4: memref<256x1024xf32, #tpu.memory_space<vmem>>) attributes {dimension_semantics = [#tpu.dimension_semantics<arbitrary>, #tpu.dimension_semantics<arbitrary>], iteration_bounds = array<i64: 4, 4>, scalar_prefetch = 0 : i64, scratch_operands = 0 : i64, tpu.core_type = #tpu.core_type<tc>, window_params = [{transform_indices = @transform_0, window_bounds = array<i64: 256, 1024>}, {transform_indices = @transform_1, window_bounds = array<i64: 1024, 1024>}, {transform_indices = @transform_2, window_bounds = array<i64: 256, 1024>}]} {
    %get3A = arith.constant 0 : index
    %get3A_0 = arith.constant 0 : index
    %get3A_1 = vector.load %arg2[%get3A, %get3A_0] : memref<256x1024xf32, #tpu.memory_space<vmem>>, vector<256x1024xf32>
    %reduce_max3A = arith.constant dense<0xFF800000> : vector<256xf32>
    %reduce_max3A_2 = vector.multi_reduction <maximumf>, %get3A_1, %reduce_max3A [1] : vector<256x1024xf32> to vector<256xf32>
    %broadcast_in_dim3A = vector.shape_cast %reduce_max3A_2 : vector<256xf32> to vector<256x1xf32>
    %sub3A = vector.broadcast %broadcast_in_dim3A : vector<256x1xf32> to vector<256x1024xf32>
    %sub3A_3 = arith.subf %get3A_1, %sub3A : vector<256x1024xf32>
    %exp3A = math.exp %sub3A_3 : vector<256x1024xf32>
    %get3A_4 = arith.constant 0 : index
    %get3A_5 = arith.constant 0 : index
    %get3A_6 = vector.load %arg3[%get3A_4, %get3A_5] : memref<1024x1024xf32, #tpu.memory_space<vmem>>, vector<1024x1024xf32>
    %dot_general3A = arith.constant dense<0.000000e+00> : vector<256x1024xf32>
    %dot_general3A_7 = tpu.matmul %exp3A, %get3A_6, %dot_general3A {dimension_numbers = #tpu.dot_dimension_numbers<[1], [0], [0], [1], [0, 0, 1, 1], [], []>, transpose_lhs_hint = false} : vector<256x1024xf32>, vector<1024x1024xf32>, vector<256x1024xf32> -> vector<256x1024xf32>
    %reduce_sum3A = arith.constant dense<0.000000e+00> : vector<256xf32>
    %reduce_sum3A_8 = vector.multi_reduction <add>, %exp3A, %reduce_sum3A [1] : vector<256x1024xf32> to vector<256xf32>
    %broadcast_in_dim3A_9 = vector.shape_cast %reduce_sum3A_8 : vector<256xf32> to vector<256x1xf32>
    %div3A = vector.broadcast %broadcast_in_dim3A_9 : vector<256x1xf32> to vector<256x1024xf32>
    %div3A_10 = arith.divf %dot_general3A_7, %div3A : vector<256x1024xf32>
    %swap3A = arith.constant 0 : index
    %swap3A_11 = arith.constant 0 : index
    %swap3A_12 = vector.load %arg4[%swap3A, %swap3A_11] : memref<256x1024xf32, #tpu.memory_space<vmem>>, vector<256x1024xf32>
    tpu.vector_store %arg4[%swap3A, %swap3A_11], %div3A_10 {strides = array<i32>} : memref<256x1024xf32, #tpu.memory_space<vmem>>, vector<256x1024xf32>,
    return
  }
  func.func @transform_0(%arg0: i32, %arg1: i32) -> (i32, i32) {
    %mul3A = arith.constant 4 : i32
    %mul3A_0 = arith.muli %arg0, %mul3A : i32
    %add3A = arith.addi %mul3A_0, %arg1 : i32
    %c0_i32 = arith.constant 0 : i32
    %c0_i32_1 = arith.constant 0 : i32
    return %add3A, %c0_i32 : i32, i32
  }
  func.func @transform_1(%arg0: i32, %arg1: i32) -> (i32, i32) {
    %c0_i32 = arith.constant 0 : i32
    %c0_i32_0 = arith.constant 0 : i32
    return %arg0, %c0_i32 : i32, i32
  }
  func.func @transform_2(%arg0: i32, %arg1: i32) -> (i32, i32) {
    %mul3A = arith.constant 4 : i32
    %mul3A_0 = arith.muli %arg0, %mul3A : i32
    %add3A = arith.addi %mul3A_0, %arg1 : i32
    %c0_i32 = arith.constant 0 : i32
    %c0_i32_1 = arith.constant 0 : i32
    return %add3A, %c0_i32 : i32, i32
  }
}

module attributes {stable_mosaic.version = 14 : i64} {
  func.func @_rank_kernel(%arg0: memref<4x1x1024xf32, #tpu.memory_space<vmem>>, %arg1: memref<4x1x1024xi32, #tpu.memory_space<vmem>>, %arg2: memref<4x1x1024xi32, #tpu.memory_space<vmem>>, %arg3: memref<4x1x1024xf32, #tpu.memory_space<vmem>>) attributes {dimension_semantics = [], scalar_prefetch = 0 : i64, scratch_operands = 0 : i64, tpu.core_type = #tpu.core_type<tc>} {
    %get3A = arith.constant 0 : index
    %get3A_0 = arith.constant 0 : index
    %get3A_1 = arith.constant 0 : index
    %get3A_2 = vector.load %arg0[%get3A, %get3A_0, %get3A_1] : memref<4x1x1024xf32, #tpu.memory_space<vmem>>, vector<4x1x1024xf32>
    %get3A_3 = vector.shape_cast %get3A_2 : vector<4x1x1024xf32> to vector<4x1024xf32>
    %get3A_4 = arith.constant 0 : index
    %get3A_5 = arith.constant 0 : index
    %get3A_6 = arith.constant 0 : index
    %get3A_7 = vector.load %arg1[%get3A_4, %get3A_5, %get3A_6] : memref<4x1x1024xi32, #tpu.memory_space<vmem>>, vector<4x1x1024xi32>
    %get3A_8 = vector.shape_cast %get3A_7 : vector<4x1x1024xi32> to vector<4x1024xi32>
    %ne3A = arith.constant 0 : i32
    %ne3A_9 = vector.broadcast %ne3A : i32 to vector<4x1024xi32>
    %ne3A_10 = arith.cmpi ne, %get3A_8, %ne3A_9 : vector<4x1024xi32>
    %jit3A = arith.constant -1.000000e+09 : f32
    %broadcast_in_dim3A = vector.broadcast %jit3A : f32 to vector<4x1024xf32>
    %select_n3A = arith.select %ne3A_10, %broadcast_in_dim3A, %get3A_3 : vector<4x1024xi1>, vector<4x1024xf32>
    %reduce_max3A = arith.constant dense<0xFF800000> : vector<4xf32>
    %reduce_max3A_11 = vector.multi_reduction <maximumf>, %select_n3A, %reduce_max3A [1] : vector<4x1024xf32> to vector<4xf32>
    %broadcast_in_dim3A_12 = vector.shape_cast %reduce_max3A_11 : vector<4xf32> to vector<4x1xf32>
    %sub3A = vector.broadcast %broadcast_in_dim3A_12 : vector<4x1xf32> to vector<4x1024xf32>
    %sub3A_13 = arith.subf %select_n3A, %sub3A : vector<4x1024xf32>
    %exp3A = math.exp %sub3A_13 : vector<4x1024xf32>
    %reduce_sum3A = arith.constant dense<0.000000e+00> : vector<4xf32>
    %reduce_sum3A_14 = vector.multi_reduction <add>, %exp3A, %reduce_sum3A [1] : vector<4x1024xf32> to vector<4xf32>
    %broadcast_in_dim3A_15 = vector.shape_cast %reduce_sum3A_14 : vector<4xf32> to vector<4x1xf32>
    %log3A = math.log %broadcast_in_dim3A_15 : vector<4x1xf32>
    %sub3A_16 = vector.broadcast %log3A : vector<4x1xf32> to vector<4x1024xf32>
    %sub3A_17 = arith.subf %sub3A_13, %sub3A_16 : vector<4x1024xf32>
    %iota3A = tpu.iota {dimensions = array<i32: 0>} : vector<1024x1024xi32>
    %iota3A_18 = tpu.iota {dimensions = array<i32: 1>} : vector<1024x1024xi32>
    %slice3A = vector.extract_strided_slice %sub3A_17 {offsets = [0, 0], sizes = [1, 1024], strides = [1, 1]} : vector<4x1024xf32> to vector<1x1024xf32>
    %squeeze3A = vector.shape_cast %slice3A : vector<1x1024xf32> to vector<1024xf32>
    %reshape3A = vector.shape_cast %squeeze3A : vector<1024xf32> to vector<1024x1xf32>
    %reshape3A_19 = vector.shape_cast %squeeze3A : vector<1024xf32> to vector<1x1024xf32>
    %gt3A = vector.broadcast %reshape3A : vector<1024x1xf32> to vector<1024x1024xf32>
    %gt3A_20 = vector.broadcast %reshape3A_19 : vector<1x1024xf32> to vector<1024x1024xf32>
    %gt3A_21 = arith.cmpf ogt, %gt3A, %gt3A_20 : vector<1024x1024xf32>
    %eq3A = vector.broadcast %reshape3A : vector<1024x1xf32> to vector<1024x1024xf32>
    %eq3A_22 = vector.broadcast %reshape3A_19 : vector<1x1024xf32> to vector<1024x1024xf32>
    %eq3A_23 = arith.cmpf oeq, %eq3A, %eq3A_22 : vector<1024x1024xf32>
    %lt3A = arith.cmpi slt, %iota3A, %iota3A_18 : vector<1024x1024xi32>
    %and3A = arith.andi %eq3A_23, %lt3A : vector<1024x1024xi1>
    %or3A = arith.ori %gt3A_21, %and3A : vector<1024x1024xi1>
    %convert_element_type3A = arith.extui %or3A : vector<1024x1024xi1> to vector<1024x1024xi32>
    %convert_element_type3A_24 = arith.sitofp %convert_element_type3A : vector<1024x1024xi32> to vector<1024x1024xf32>
    %reduce_sum3A_25 = arith.constant dense<0.000000e+00> : vector<1024xf32>
    %reduce_sum3A_26 = vector.multi_reduction <add>, %convert_element_type3A_24, %reduce_sum3A_25 [0] : vector<1024x1024xf32> to vector<1024xf32>
    %convert_element_type3A_27 = arith.fptosi %reduce_sum3A_26 : vector<1024xf32> to vector<1024xi32>
    %reshape3A_28 = vector.shape_cast %convert_element_type3A_27 : vector<1024xi32> to vector<1x1024xi32>
    %eq3A_29 = vector.broadcast %reshape3A_28 : vector<1x1024xi32> to vector<1024x1024xi32>
    %eq3A_30 = arith.cmpi eq, %eq3A_29, %iota3A : vector<1024x1024xi32>
    %jit3A_31 = arith.constant -1 : i32
    %broadcast_in_dim3A_32 = vector.broadcast %jit3A_31 : i32 to vector<1024x1024xi32>
    %select_n3A_33 = arith.select %eq3A_30, %iota3A_18, %broadcast_in_dim3A_32 : vector<1024x1024xi1>, vector<1024x1024xi32>
    %reduce_max3A_34 = arith.constant dense<-2147483648> : vector<1024xi32>
    %reduce_max3A_35 = vector.multi_reduction <maxsi>, %select_n3A_33, %reduce_max3A_34 [1] : vector<1024x1024xi32> to vector<1024xi32>
    %reshape3A_36 = vector.shape_cast %squeeze3A : vector<1024xf32> to vector<1x1024xf32>
    %jit3A_37 = arith.constant -3.000000e+38 : f32
    %broadcast_in_dim3A_38 = vector.shape_cast %reshape3A_36 : vector<1x1024xf32> to vector<1x1024xf32>
    %broadcast_in_dim3A_39 = vector.broadcast %broadcast_in_dim3A_38 : vector<1x1024xf32> to vector<1024x1024xf32>
    %broadcast_in_dim3A_40 = vector.broadcast %jit3A_37 : f32 to vector<1024x1024xf32>
    %select_n3A_41 = arith.select %eq3A_30, %broadcast_in_dim3A_39, %broadcast_in_dim3A_40 : vector<1024x1024xi1>, vector<1024x1024xf32>
    %reduce_max3A_42 = arith.constant dense<0xFF800000> : vector<1024xf32>
    %reduce_max3A_43 = vector.multi_reduction <maximumf>, %select_n3A_41, %reduce_max3A_42 [1] : vector<1024x1024xf32> to vector<1024xf32>
    %add3A = arith.constant 0 : i32
    %add3A_44 = vector.broadcast %add3A : i32 to vector<1024xi32>
    %add3A_45 = arith.addi %reduce_max3A_35, %add3A_44 : vector<1024xi32>
    %swap3A = arith.constant 0 : index
    %swap3A_46 = arith.constant 0 : index
    %swap3A_47 = arith.constant 0 : index
    %swap3A_48 = vector.load %arg2[%swap3A, %swap3A_46, %swap3A_47] : memref<4x1x1024xi32, #tpu.memory_space<vmem>>, vector<1x1x1024xi32>
    %swap3A_49 = vector.shape_cast %swap3A_48 : vector<1x1x1024xi32> to vector<1024xi32>
    %swap3A_50 = vector.shape_cast %add3A_45 : vector<1024xi32> to vector<1x1x1024xi32>
    tpu.vector_store %arg2[%swap3A, %swap3A_46, %swap3A_47], %swap3A_50 {strides = array<i32>} : memref<4x1x1024xi32, #tpu.memory_space<vmem>>, vector<1x1x1024xi32>,
    %reshape3A_51 = vector.shape_cast %reduce_max3A_43 : vector<1024xf32> to vector<1x1024xf32>
    %slice3A_52 = vector.extract_strided_slice %sub3A_17 {offsets = [1, 0], sizes = [1, 1024], strides = [1, 1]} : vector<4x1024xf32> to vector<1x1024xf32>
    %squeeze3A_53 = vector.shape_cast %slice3A_52 : vector<1x1024xf32> to vector<1024xf32>
    %reshape3A_54 = vector.shape_cast %squeeze3A_53 : vector<1024xf32> to vector<1024x1xf32>
    %reshape3A_55 = vector.shape_cast %squeeze3A_53 : vector<1024xf32> to vector<1x1024xf32>
    %gt3A_56 = vector.broadcast %reshape3A_54 : vector<1024x1xf32> to vector<1024x1024xf32>
    %gt3A_57 = vector.broadcast %reshape3A_55 : vector<1x1024xf32> to vector<1024x1024xf32>
    %gt3A_58 = arith.cmpf ogt, %gt3A_56, %gt3A_57 : vector<1024x1024xf32>
    %eq3A_59 = vector.broadcast %reshape3A_54 : vector<1024x1xf32> to vector<1024x1024xf32>
    %eq3A_60 = vector.broadcast %reshape3A_55 : vector<1x1024xf32> to vector<1024x1024xf32>
    %eq3A_61 = arith.cmpf oeq, %eq3A_59, %eq3A_60 : vector<1024x1024xf32>
    %lt3A_62 = arith.cmpi slt, %iota3A, %iota3A_18 : vector<1024x1024xi32>
    %and3A_63 = arith.andi %eq3A_61, %lt3A_62 : vector<1024x1024xi1>
    %or3A_64 = arith.ori %gt3A_58, %and3A_63 : vector<1024x1024xi1>
    %convert_element_type3A_65 = arith.extui %or3A_64 : vector<1024x1024xi1> to vector<1024x1024xi32>
    %convert_element_type3A_66 = arith.sitofp %convert_element_type3A_65 : vector<1024x1024xi32> to vector<1024x1024xf32>
    %reduce_sum3A_67 = arith.constant dense<0.000000e+00> : vector<1024xf32>
    %reduce_sum3A_68 = vector.multi_reduction <add>, %convert_element_type3A_66, %reduce_sum3A_67 [0] : vector<1024x1024xf32> to vector<1024xf32>
    %convert_element_type3A_69 = arith.fptosi %reduce_sum3A_68 : vector<1024xf32> to vector<1024xi32>
    %reshape3A_70 = vector.shape_cast %convert_element_type3A_69 : vector<1024xi32> to vector<1x1024xi32>
    %eq3A_71 = vector.broadcast %reshape3A_70 : vector<1x1024xi32> to vector<1024x1024xi32>
    %eq3A_72 = arith.cmpi eq, %eq3A_71, %iota3A : vector<1024x1024xi32>
    %jit3A_73 = arith.constant -1 : i32
    %broadcast_in_dim3A_74 = vector.broadcast %jit3A_73 : i32 to vector<1024x1024xi32>
    %select_n3A_75 = arith.select %eq3A_72, %iota3A_18, %broadcast_in_dim3A_74 : vector<1024x1024xi1>, vector<1024x1024xi32>
    %reduce_max3A_76 = arith.constant dense<-2147483648> : vector<1024xi32>
    %reduce_max3A_77 = vector.multi_reduction <maxsi>, %select_n3A_75, %reduce_max3A_76 [1] : vector<1024x1024xi32> to vector<1024xi32>
    %reshape3A_78 = vector.shape_cast %squeeze3A_53 : vector<1024xf32> to vector<1x1024xf32>
    %jit3A_79 = arith.constant -3.000000e+38 : f32
    %broadcast_in_dim3A_80 = vector.shape_cast %reshape3A_78 : vector<1x1024xf32> to vector<1x1024xf32>
    %broadcast_in_dim3A_81 = vector.broadcast %broadcast_in_dim3A_80 : vector<1x1024xf32> to vector<1024x1024xf32>
    %broadcast_in_dim3A_82 = vector.broadcast %jit3A_79 : f32 to vector<1024x1024xf32>
    %select_n3A_83 = arith.select %eq3A_72, %broadcast_in_dim3A_81, %broadcast_in_dim3A_82 : vector<1024x1024xi1>, vector<1024x1024xf32>
    %reduce_max3A_84 = arith.constant dense<0xFF800000> : vector<1024xf32>
    %reduce_max3A_85 = vector.multi_reduction <maximumf>, %select_n3A_83, %reduce_max3A_84 [1] : vector<1024x1024xf32> to vector<1024xf32>
    %add3A_86 = arith.constant 1024 : i32
    %add3A_87 = vector.broadcast %add3A_86 : i32 to vector<1024xi32>
    %add3A_88 = arith.addi %reduce_max3A_77, %add3A_87 : vector<1024xi32>
    %swap3A_89 = arith.constant 1 : index
    %swap3A_90 = arith.constant 0 : index
    %swap3A_91 = arith.constant 0 : index
    %swap3A_92 = vector.load %arg2[%swap3A_89, %swap3A_90, %swap3A_91] : memref<4x1x1024xi32, #tpu.memory_space<vmem>>, vector<1x1x1024xi32>
    %swap3A_93 = vector.shape_cast %swap3A_92 : vector<1x1x1024xi32> to vector<1024xi32>
    %swap3A_94 = vector.shape_cast %add3A_88 : vector<1024xi32> to vector<1x1x1024xi32>
    tpu.vector_store %arg2[%swap3A_89, %swap3A_90, %swap3A_91], %swap3A_94 {strides = array<i32>} : memref<4x1x1024xi32, #tpu.memory_space<vmem>>, vector<1x1x1024xi32>,
    %reshape3A_95 = vector.shape_cast %reduce_max3A_85 : vector<1024xf32> to vector<1x1024xf32>
    %slice3A_96 = vector.extract_strided_slice %sub3A_17 {offsets = [2, 0], sizes = [1, 1024], strides = [1, 1]} : vector<4x1024xf32> to vector<1x1024xf32>
    %squeeze3A_97 = vector.shape_cast %slice3A_96 : vector<1x1024xf32> to vector<1024xf32>
    %reshape3A_98 = vector.shape_cast %squeeze3A_97 : vector<1024xf32> to vector<1024x1xf32>
    %reshape3A_99 = vector.shape_cast %squeeze3A_97 : vector<1024xf32> to vector<1x1024xf32>
    %gt3A_100 = vector.broadcast %reshape3A_98 : vector<1024x1xf32> to vector<1024x1024xf32>
    %gt3A_101 = vector.broadcast %reshape3A_99 : vector<1x1024xf32> to vector<1024x1024xf32>
    %gt3A_102 = arith.cmpf ogt, %gt3A_100, %gt3A_101 : vector<1024x1024xf32>
    %eq3A_103 = vector.broadcast %reshape3A_98 : vector<1024x1xf32> to vector<1024x1024xf32>
    %eq3A_104 = vector.broadcast %reshape3A_99 : vector<1x1024xf32> to vector<1024x1024xf32>
    %eq3A_105 = arith.cmpf oeq, %eq3A_103, %eq3A_104 : vector<1024x1024xf32>
    %lt3A_106 = arith.cmpi slt, %iota3A, %iota3A_18 : vector<1024x1024xi32>
    %and3A_107 = arith.andi %eq3A_105, %lt3A_106 : vector<1024x1024xi1>
    %or3A_108 = arith.ori %gt3A_102, %and3A_107 : vector<1024x1024xi1>
    %convert_element_type3A_109 = arith.extui %or3A_108 : vector<1024x1024xi1> to vector<1024x1024xi32>
    %convert_element_type3A_110 = arith.sitofp %convert_element_type3A_109 : vector<1024x1024xi32> to vector<1024x1024xf32>
    %reduce_sum3A_111 = arith.constant dense<0.000000e+00> : vector<1024xf32>
    %reduce_sum3A_112 = vector.multi_reduction <add>, %convert_element_type3A_110, %reduce_sum3A_111 [0] : vector<1024x1024xf32> to vector<1024xf32>
    %convert_element_type3A_113 = arith.fptosi %reduce_sum3A_112 : vector<1024xf32> to vector<1024xi32>
    %reshape3A_114 = vector.shape_cast %convert_element_type3A_113 : vector<1024xi32> to vector<1x1024xi32>
    %eq3A_115 = vector.broadcast %reshape3A_114 : vector<1x1024xi32> to vector<1024x1024xi32>
    %eq3A_116 = arith.cmpi eq, %eq3A_115, %iota3A : vector<1024x1024xi32>
    %jit3A_117 = arith.constant -1 : i32
    %broadcast_in_dim3A_118 = vector.broadcast %jit3A_117 : i32 to vector<1024x1024xi32>
    %select_n3A_119 = arith.select %eq3A_116, %iota3A_18, %broadcast_in_dim3A_118 : vector<1024x1024xi1>, vector<1024x1024xi32>
    %reduce_max3A_120 = arith.constant dense<-2147483648> : vector<1024xi32>
    %reduce_max3A_121 = vector.multi_reduction <maxsi>, %select_n3A_119, %reduce_max3A_120 [1] : vector<1024x1024xi32> to vector<1024xi32>
    %reshape3A_122 = vector.shape_cast %squeeze3A_97 : vector<1024xf32> to vector<1x1024xf32>
    %jit3A_123 = arith.constant -3.000000e+38 : f32
    %broadcast_in_dim3A_124 = vector.shape_cast %reshape3A_122 : vector<1x1024xf32> to vector<1x1024xf32>
    %broadcast_in_dim3A_125 = vector.broadcast %broadcast_in_dim3A_124 : vector<1x1024xf32> to vector<1024x1024xf32>
    %broadcast_in_dim3A_126 = vector.broadcast %jit3A_123 : f32 to vector<1024x1024xf32>
    %select_n3A_127 = arith.select %eq3A_116, %broadcast_in_dim3A_125, %broadcast_in_dim3A_126 : vector<1024x1024xi1>, vector<1024x1024xf32>
    %reduce_max3A_128 = arith.constant dense<0xFF800000> : vector<1024xf32>
    %reduce_max3A_129 = vector.multi_reduction <maximumf>, %select_n3A_127, %reduce_max3A_128 [1] : vector<1024x1024xf32> to vector<1024xf32>
    %add3A_130 = arith.constant 2048 : i32
    %add3A_131 = vector.broadcast %add3A_130 : i32 to vector<1024xi32>
    %add3A_132 = arith.addi %reduce_max3A_121, %add3A_131 : vector<1024xi32>
    %swap3A_133 = arith.constant 2 : index
    %swap3A_134 = arith.constant 0 : index
    %swap3A_135 = arith.constant 0 : index
    %swap3A_136 = vector.load %arg2[%swap3A_133, %swap3A_134, %swap3A_135] : memref<4x1x1024xi32, #tpu.memory_space<vmem>>, vector<1x1x1024xi32>
    %swap3A_137 = vector.shape_cast %swap3A_136 : vector<1x1x1024xi32> to vector<1024xi32>
    %swap3A_138 = vector.shape_cast %add3A_132 : vector<1024xi32> to vector<1x1x1024xi32>
    tpu.vector_store %arg2[%swap3A_133, %swap3A_134, %swap3A_135], %swap3A_138 {strides = array<i32>} : memref<4x1x1024xi32, #tpu.memory_space<vmem>>, vector<1x1x1024xi32>,
    %reshape3A_139 = vector.shape_cast %reduce_max3A_129 : vector<1024xf32> to vector<1x1024xf32>
    %slice3A_140 = vector.extract_strided_slice %sub3A_17 {offsets = [3, 0], sizes = [1, 1024], strides = [1, 1]} : vector<4x1024xf32> to vector<1x1024xf32>
    %squeeze3A_141 = vector.shape_cast %slice3A_140 : vector<1x1024xf32> to vector<1024xf32>
    %reshape3A_142 = vector.shape_cast %squeeze3A_141 : vector<1024xf32> to vector<1024x1xf32>
    %reshape3A_143 = vector.shape_cast %squeeze3A_141 : vector<1024xf32> to vector<1x1024xf32>
    %gt3A_144 = vector.broadcast %reshape3A_142 : vector<1024x1xf32> to vector<1024x1024xf32>
    %gt3A_145 = vector.broadcast %reshape3A_143 : vector<1x1024xf32> to vector<1024x1024xf32>
    %gt3A_146 = arith.cmpf ogt, %gt3A_144, %gt3A_145 : vector<1024x1024xf32>
    %eq3A_147 = vector.broadcast %reshape3A_142 : vector<1024x1xf32> to vector<1024x1024xf32>
    %eq3A_148 = vector.broadcast %reshape3A_143 : vector<1x1024xf32> to vector<1024x1024xf32>
    %eq3A_149 = arith.cmpf oeq, %eq3A_147, %eq3A_148 : vector<1024x1024xf32>
    %lt3A_150 = arith.cmpi slt, %iota3A, %iota3A_18 : vector<1024x1024xi32>
    %and3A_151 = arith.andi %eq3A_149, %lt3A_150 : vector<1024x1024xi1>
    %or3A_152 = arith.ori %gt3A_146, %and3A_151 : vector<1024x1024xi1>
    %convert_element_type3A_153 = arith.extui %or3A_152 : vector<1024x1024xi1> to vector<1024x1024xi32>
    %convert_element_type3A_154 = arith.sitofp %convert_element_type3A_153 : vector<1024x1024xi32> to vector<1024x1024xf32>
    %reduce_sum3A_155 = arith.constant dense<0.000000e+00> : vector<1024xf32>
    %reduce_sum3A_156 = vector.multi_reduction <add>, %convert_element_type3A_154, %reduce_sum3A_155 [0] : vector<1024x1024xf32> to vector<1024xf32>
    %convert_element_type3A_157 = arith.fptosi %reduce_sum3A_156 : vector<1024xf32> to vector<1024xi32>
    %reshape3A_158 = vector.shape_cast %convert_element_type3A_157 : vector<1024xi32> to vector<1x1024xi32>
    %eq3A_159 = vector.broadcast %reshape3A_158 : vector<1x1024xi32> to vector<1024x1024xi32>
    %eq3A_160 = arith.cmpi eq, %eq3A_159, %iota3A : vector<1024x1024xi32>
    %jit3A_161 = arith.constant -1 : i32
    %broadcast_in_dim3A_162 = vector.broadcast %jit3A_161 : i32 to vector<1024x1024xi32>
    %select_n3A_163 = arith.select %eq3A_160, %iota3A_18, %broadcast_in_dim3A_162 : vector<1024x1024xi1>, vector<1024x1024xi32>
    %reduce_max3A_164 = arith.constant dense<-2147483648> : vector<1024xi32>
    %reduce_max3A_165 = vector.multi_reduction <maxsi>, %select_n3A_163, %reduce_max3A_164 [1] : vector<1024x1024xi32> to vector<1024xi32>
    %reshape3A_166 = vector.shape_cast %squeeze3A_141 : vector<1024xf32> to vector<1x1024xf32>
    %jit3A_167 = arith.constant -3.000000e+38 : f32
    %broadcast_in_dim3A_168 = vector.shape_cast %reshape3A_166 : vector<1x1024xf32> to vector<1x1024xf32>
    %broadcast_in_dim3A_169 = vector.broadcast %broadcast_in_dim3A_168 : vector<1x1024xf32> to vector<1024x1024xf32>
    %broadcast_in_dim3A_170 = vector.broadcast %jit3A_167 : f32 to vector<1024x1024xf32>
    %select_n3A_171 = arith.select %eq3A_160, %broadcast_in_dim3A_169, %broadcast_in_dim3A_170 : vector<1024x1024xi1>, vector<1024x1024xf32>
    %reduce_max3A_172 = arith.constant dense<0xFF800000> : vector<1024xf32>
    %reduce_max3A_173 = vector.multi_reduction <maximumf>, %select_n3A_171, %reduce_max3A_172 [1] : vector<1024x1024xf32> to vector<1024xf32>
    %add3A_174 = arith.constant 3072 : i32
    %add3A_175 = vector.broadcast %add3A_174 : i32 to vector<1024xi32>
    %add3A_176 = arith.addi %reduce_max3A_165, %add3A_175 : vector<1024xi32>
    %swap3A_177 = arith.constant 3 : index
    %swap3A_178 = arith.constant 0 : index
    %swap3A_179 = arith.constant 0 : index
    %swap3A_180 = vector.load %arg2[%swap3A_177, %swap3A_178, %swap3A_179] : memref<4x1x1024xi32, #tpu.memory_space<vmem>>, vector<1x1x1024xi32>
    %swap3A_181 = vector.shape_cast %swap3A_180 : vector<1x1x1024xi32> to vector<1024xi32>
    %swap3A_182 = vector.shape_cast %add3A_176 : vector<1024xi32> to vector<1x1x1024xi32>
    tpu.vector_store %arg2[%swap3A_177, %swap3A_178, %swap3A_179], %swap3A_182 {strides = array<i32>} : memref<4x1x1024xi32, #tpu.memory_space<vmem>>, vector<1x1x1024xi32>,
    %reshape3A_183 = vector.shape_cast %reduce_max3A_173 : vector<1024xf32> to vector<1x1024xf32>
    %concatenate3A = tpu.concatenate %reshape3A_51, %reshape3A_95, %reshape3A_139, %reshape3A_183 in 0 : vector<1x1024xf32>, vector<1x1024xf32>, vector<1x1024xf32>, vector<1x1024xf32> -> vector<4x1024xf32>
    %exp3A_184 = math.exp %concatenate3A : vector<4x1024xf32>
    %jit3A_185 = arith.constant 0 : i32
    %convert_element_type3A_186 = arith.sitofp %jit3A_185 : i32 to f32
    %pad3A = vector.broadcast %convert_element_type3A_186 : f32 to vector<4x1xf32>
    %pad3A_187 = tpu.concatenate %pad3A, %exp3A_184 in 1 : vector<4x1xf32>, vector<4x1024xf32> -> vector<4x1025xf32>
    %slice3A_188 = vector.extract_strided_slice %pad3A_187 {offsets = [0, 0], sizes = [4, 1024], strides = [1, 1]} : vector<4x1025xf32> to vector<4x1024xf32>
    %add3A_189 = arith.addf %exp3A_184, %slice3A_188 : vector<4x1024xf32>
    %jit3A_190 = arith.constant 0 : i32
    %convert_element_type3A_191 = arith.sitofp %jit3A_190 : i32 to f32
    %pad3A_192 = vector.broadcast %convert_element_type3A_191 : f32 to vector<4x2xf32>
    %pad3A_193 = tpu.concatenate %pad3A_192, %add3A_189 in 1 : vector<4x2xf32>, vector<4x1024xf32> -> vector<4x1026xf32>
    %slice3A_194 = vector.extract_strided_slice %pad3A_193 {offsets = [0, 0], sizes = [4, 1024], strides = [1, 1]} : vector<4x1026xf32> to vector<4x1024xf32>
    %add3A_195 = arith.addf %add3A_189, %slice3A_194 : vector<4x1024xf32>
    %jit3A_196 = arith.constant 0 : i32
    %convert_element_type3A_197 = arith.sitofp %jit3A_196 : i32 to f32
    %pad3A_198 = vector.broadcast %convert_element_type3A_197 : f32 to vector<4x4xf32>
    %pad3A_199 = tpu.concatenate %pad3A_198, %add3A_195 in 1 : vector<4x4xf32>, vector<4x1024xf32> -> vector<4x1028xf32>
    %slice3A_200 = vector.extract_strided_slice %pad3A_199 {offsets = [0, 0], sizes = [4, 1024], strides = [1, 1]} : vector<4x1028xf32> to vector<4x1024xf32>
    %add3A_201 = arith.addf %add3A_195, %slice3A_200 : vector<4x1024xf32>
    %jit3A_202 = arith.constant 0 : i32
    %convert_element_type3A_203 = arith.sitofp %jit3A_202 : i32 to f32
    %pad3A_204 = vector.broadcast %convert_element_type3A_203 : f32 to vector<4x8xf32>
    %pad3A_205 = tpu.concatenate %pad3A_204, %add3A_201 in 1 : vector<4x8xf32>, vector<4x1024xf32> -> vector<4x1032xf32>
    %slice3A_206 = vector.extract_strided_slice %pad3A_205 {offsets = [0, 0], sizes = [4, 1024], strides = [1, 1]} : vector<4x1032xf32> to vector<4x1024xf32>
    %add3A_207 = arith.addf %add3A_201, %slice3A_206 : vector<4x1024xf32>
    %jit3A_208 = arith.constant 0 : i32
    %convert_element_type3A_209 = arith.sitofp %jit3A_208 : i32 to f32
    %pad3A_210 = vector.broadcast %convert_element_type3A_209 : f32 to vector<4x16xf32>
    %pad3A_211 = tpu.concatenate %pad3A_210, %add3A_207 in 1 : vector<4x16xf32>, vector<4x1024xf32> -> vector<4x1040xf32>
    %slice3A_212 = vector.extract_strided_slice %pad3A_211 {offsets = [0, 0], sizes = [4, 1024], strides = [1, 1]} : vector<4x1040xf32> to vector<4x1024xf32>
    %add3A_213 = arith.addf %add3A_207, %slice3A_212 : vector<4x1024xf32>
    %jit3A_214 = arith.constant 0 : i32
    %convert_element_type3A_215 = arith.sitofp %jit3A_214 : i32 to f32
    %pad3A_216 = vector.broadcast %convert_element_type3A_215 : f32 to vector<4x32xf32>
    %pad3A_217 = tpu.concatenate %pad3A_216, %add3A_213 in 1 : vector<4x32xf32>, vector<4x1024xf32> -> vector<4x1056xf32>
    %slice3A_218 = vector.extract_strided_slice %pad3A_217 {offsets = [0, 0], sizes = [4, 1024], strides = [1, 1]} : vector<4x1056xf32> to vector<4x1024xf32>
    %add3A_219 = arith.addf %add3A_213, %slice3A_218 : vector<4x1024xf32>
    %jit3A_220 = arith.constant 0 : i32
    %convert_element_type3A_221 = arith.sitofp %jit3A_220 : i32 to f32
    %pad3A_222 = vector.broadcast %convert_element_type3A_221 : f32 to vector<4x64xf32>
    %pad3A_223 = tpu.concatenate %pad3A_222, %add3A_219 in 1 : vector<4x64xf32>, vector<4x1024xf32> -> vector<4x1088xf32>
    %slice3A_224 = vector.extract_strided_slice %pad3A_223 {offsets = [0, 0], sizes = [4, 1024], strides = [1, 1]} : vector<4x1088xf32> to vector<4x1024xf32>
    %add3A_225 = arith.addf %add3A_219, %slice3A_224 : vector<4x1024xf32>
    %jit3A_226 = arith.constant 0 : i32
    %convert_element_type3A_227 = arith.sitofp %jit3A_226 : i32 to f32
    %pad3A_228 = vector.broadcast %convert_element_type3A_227 : f32 to vector<4x128xf32>
    %pad3A_229 = tpu.concatenate %pad3A_228, %add3A_225 in 1 : vector<4x128xf32>, vector<4x1024xf32> -> vector<4x1152xf32>
    %slice3A_230 = vector.extract_strided_slice %pad3A_229 {offsets = [0, 0], sizes = [4, 1024], strides = [1, 1]} : vector<4x1152xf32> to vector<4x1024xf32>
    %add3A_231 = arith.addf %add3A_225, %slice3A_230 : vector<4x1024xf32>
    %jit3A_232 = arith.constant 0 : i32
    %convert_element_type3A_233 = arith.sitofp %jit3A_232 : i32 to f32
    %pad3A_234 = vector.broadcast %convert_element_type3A_233 : f32 to vector<4x256xf32>
    %pad3A_235 = tpu.concatenate %pad3A_234, %add3A_231 in 1 : vector<4x256xf32>, vector<4x1024xf32> -> vector<4x1280xf32>
    %slice3A_236 = vector.extract_strided_slice %pad3A_235 {offsets = [0, 0], sizes = [4, 1024], strides = [1, 1]} : vector<4x1280xf32> to vector<4x1024xf32>
    %add3A_237 = arith.addf %add3A_231, %slice3A_236 : vector<4x1024xf32>
    %jit3A_238 = arith.constant 0 : i32
    %convert_element_type3A_239 = arith.sitofp %jit3A_238 : i32 to f32
    %pad3A_240 = vector.broadcast %convert_element_type3A_239 : f32 to vector<4x512xf32>
    %pad3A_241 = tpu.concatenate %pad3A_240, %add3A_237 in 1 : vector<4x512xf32>, vector<4x1024xf32> -> vector<4x1536xf32>
    %slice3A_242 = vector.extract_strided_slice %pad3A_241 {offsets = [0, 0], sizes = [4, 1024], strides = [1, 1]} : vector<4x1536xf32> to vector<4x1024xf32>
    %add3A_243 = arith.addf %add3A_237, %slice3A_242 : vector<4x1024xf32>
    %sub3A_244 = arith.subf %add3A_243, %exp3A_184 : vector<4x1024xf32>
    %le3A = arith.constant 0.949999988 : f32
    %le3A_245 = vector.broadcast %le3A : f32 to vector<4x1024xf32>
    %le3A_246 = arith.cmpf ole, %sub3A_244, %le3A_245 : vector<4x1024xf32>
    %convert_element_type3A_247 = arith.extui %le3A_246 : vector<4x1024xi1> to vector<4x1024xi32>
    %convert_element_type3A_248 = arith.sitofp %convert_element_type3A_247 : vector<4x1024xi32> to vector<4x1024xf32>
    %swap3A_249 = arith.constant 0 : index
    %swap3A_250 = arith.constant 0 : index
    %swap3A_251 = arith.constant 0 : index
    %swap3A_252 = vector.load %arg3[%swap3A_249, %swap3A_250, %swap3A_251] : memref<4x1x1024xf32, #tpu.memory_space<vmem>>, vector<4x1x1024xf32>
    %swap3A_253 = vector.shape_cast %swap3A_252 : vector<4x1x1024xf32> to vector<4x1024xf32>
    %swap3A_254 = vector.shape_cast %convert_element_type3A_248 : vector<4x1024xf32> to vector<4x1x1024xf32>
    tpu.vector_store %arg3[%swap3A_249, %swap3A_250, %swap3A_251], %swap3A_254 {strides = array<i32>} : memref<4x1x1024xf32, #tpu.memory_space<vmem>>, vector<4x1x1024xf32>,
    return
  }
}

</mosaic_0001>

<sc_bundles>
// kernel: kernel.5.cloned.1.call-start
scs
__scs_entry_jumppad:
0x0: {  	(pc) =	sbr.rel $0x88, $3  }
0x1: {  	(tag) =	ssettag $0x0;
	lr =	simm.s32 $0x1  }
0x2: {  	[smem:$0x3F91] =	sst lr;
	_ =	strace $0xD0000000  }
0x3: {  	_ = 	snop  }
0x4: {  	_ = 	snop  }
0x5: {  	_ = 	snop  }
0x6: {  	_ = 	snop  }
0x7: {  	_ = 	snop  }
__scs_overlays_trampoline_lowered:
0x8: {  	[smem:$0x3FA0] =	sst s0  }
0x9: {  	[smem:$0x3FA1] =	sst s1  }
0xa: {  	[smem:$0x3FA2] =	sst s2  }
0xb: {  	[smem:$0x3FA3] =	sst s3  }
0xc: {  	[smem:$0x3FA4] =	sst s4  }
0xd: {  	[smem:$0x3FA5] =	sst s5  }
0xe: {  	[smem:$0x3FA6] =	sst s6  }
0xf: {  	[smem:$0x3FA7] =	sst s7  }
0x10: {  	[smem:$0x3FA8] =	sst s8  }
0x11: {  	[smem:$0x3FA9] =	sst s9;
	s0 =	simm.s32 @!p0 $0x0  }
0x12: {  	s1 =	sld [smem:$0x3F8F];
	s0 =	simm.s32 @p0 $0x1  }
0x13: {  	[smem:$0x3FAA] =	sst s0;
	s0 =	simm.s32 @!p1 $0x0  }
0x14: {  	s2 =	sld [smem:$0x3F8E];
	s0 =	simm.s32 @p1 $0x1  }
0x15: {  	[smem:$0x3FAB] =	sst s0;
	s0 =	simm.s32 @!p2 $0x0  }
0x16: {  	s3 =	sld [smem:$0x3FDB];
	s0 =	simm.s32 @p2 $0x1  }
0x17: {  	s4 =	simm.s32 $0x1BF5;
	[smem:$0x3FAD] =	sst s0  }
0x18: {  	s0 =	sld [smem:$0x3F90];
	_ =	swait.ge [sflag:s4], $0x0  }
0x19: {  	s7 =	sld [smem:$0x3F91]  }
0x1a: {  	s8 =	sadd.s32 $0xFFFFE003, lr  }
0x1b: {  	s9 =	sadd.s32 $0xFFFFFEF7, lr;
	s5 =	simm.s32 $0xFFFFFFFF;
	p2 =	slt.u32 s8, $0xFFFFF086  }
0x1c: {  	p1 =	slt.u32 s9, $0xF7A;
	s5 =	simm.s32 @!p2 $0x0  }
0x1d: {  	s5 =	simm.s32 @p1 $0x1;
	p0 =	seq.s32 s7, s2  }
0x1e: {  	s7 =	smul.u32 @!p0 $0xF7A, s2;
	p2 =	seq.s32 @!p0 s5, $0x0  }
0x1f: {  	s9 =	smul.u32 $0xF7A, s1;
	s8 =	simm.s32 @!p0 $0x1BF5;
	p2 =	por !p2, p0  }
0x20: {  	[sflag:s8] =	ssyncset.s32 @!p0 $0xFFFFF086;
	s6 =	sadd.s32 @!p0 s3, s7;
	s7 =	simm.s32 @!p0 $0x108  }
0x21: {  	s3 =	sadd.s32 s3, s9;
	s6 =	sadd.s32 @!p0 $0x88, s6;
	s7 =	simm.s32 @p2 $0x1082  }
0x22: {  	[simem:s7], [sflag:s8] =	dma.local @!p0 [hbm:s6], $0xF7A  }
0x23: {  	s9 =	sor.u32 $0xD0000000, s2;
	s6 =	simm.s32 $0x108;
	_ =	swait.ge @!p0 [sflag:s8], $0x0  }
0x24: {  	s3 =	sadd.s32 $0x88, s3;
	s6 =	simm.s32 @!p1 $0x1082;
	[sflag:s4] =	ssyncset.s32 $0xFFFFF086  }
0x25: {  	[simem:s6], [sflag:s4] =	dma.local [hbm:s3], $0xF7A  }
0x26: {  	[smem:$0x3F91] =	sst s1;
	(tag) =	ssettag s2;
	_ =	strace s9  }
0x27: {  	s1 =	sld [smem:$0x3FA1]  }
0x28: {  	s2 =	sld [smem:$0x3FA2]  }
0x29: {  	s4 =	sld [smem:$0x3FA4]  }
0x2a: {  	p0 =	seq.s32 s5, $0x0;
	s5 =	sld [smem:$0x3FA5]  }
0x2b: {  	s6 =	sld [smem:$0x3FA6]  }
0x2c: {  	s7 =	sld [smem:$0x3FA7]  }
0x2d: {  	s3 =	simm.s32 $0x108;
	s8 =	sld [smem:$0x3FA8]  }
0x2e: {  	s3 =	simm.s32 @!p0 $0x1082;
	s9 =	sld [smem:$0x3FA9]  }
0x2f: {  	lr =	sadd.s32 s0, s3;
	s0 =	sld [smem:$0x3FA0]  }
0x30: {  	s3 =	sld [smem:$0x3FA3]  }
0x31: {  	[smem:$0x3FAC] =	sst s10  }
0x32: {  	s10 =	sld [smem:$0x3FAA];
	_ =	sdelay $0x3  }
0x33: {  	p0 =	seq.s32 s10, $0x1;
	s10 =	sld [smem:$0x3FAC];
	_ =	sdelay $0x3  }
0x34: {  	[smem:$0x3FAC] =	sst s10  }
0x35: {  	s10 =	sld [smem:$0x3FAB];
	_ =	sdelay $0x3  }
0x36: {  	p1 =	seq.s32 s10, $0x1;
	s10 =	sld [smem:$0x3FAC];
	_ =	sdelay $0x3  }
0x37: {  	[smem:$0x3FAC] =	sst s10  }
0x38: {  	s10 =	sld [smem:$0x3FAD]  }
0x39: {  	_ = 	snop;
	(pc) =	sbr.ind lr, $3  }
0x3a: {  	_ = 	snop  }
0x3b: {  	_ = 	snop  }
0x3c: {  	p2 =	seq.s32 s10, $0x1;
	s10 =	sld [smem:$0x3FAC]  }
0x3d: {  	_ =	shalt  }
0x3e: {  	_ =	shalt  }
0x3f: {  	_ =	shalt  }
0x40: {  	_ =	shalt  }
0x41: {  	_ =	shalt  }
0x42: {  	_ =	shalt  }
0x43: {  	_ =	shalt  }
0x44: {  	_ =	shalt  }
0x45: {  	_ =	shalt  }
0x46: {  	_ =	shalt  }
0x47: {  	_ =	shalt  }
0x48: {  	_ =	shalt  }
0x49: {  	_ =	shalt  }
0x4a: {  	_ =	shalt  }
0x4b: {  	_ =	shalt  }
0x4c: {  	_ =	shalt  }
0x4d: {  	_ =	shalt  }
0x4e: {  	_ =	shalt  }
0x4f: {  	_ =	shalt  }
0x50: {  	_ =	shalt  }
0x51: {  	_ =	shalt  }
0x52: {  	_ =	shalt  }
0x53: {  	_ =	shalt  }
0x54: {  	_ =	shalt  }
0x55: {  	_ =	shalt  }
0x56: {  	_ =	shalt  }
0x57: {  	_ =	shalt  }
0x58: {  	_ =	shalt  }
0x59: {  	_ =	shalt  }
0x5a: {  	_ =	shalt  }
0x5b: {  	_ =	shalt  }
0x5c: {  	_ =	shalt  }
0x5d: {  	_ =	shalt  }
0x5e: {  	_ =	shalt  }
0x5f: {  	_ =	shalt  }
0x60: {  	_ =	shalt  }
0x61: {  	_ =	shalt  }
0x62: {  	_ =	shalt  }
0x63: {  	_ =	shalt  }
0x64: {  	_ =	shalt  }
0x65: {  	_ =	shalt  }
0x66: {  	_ =	shalt  }
0x67: {  	_ =	shalt  }
0x68: {  	_ =	shalt  }
0x69: {  	_ =	shalt  }
0x6a: {  	_ =	shalt  }
0x6b: {  	_ =	shalt  }
0x6c: {  	_ =	shalt  }
0x6d: {  	_ =	shalt  }
0x6e: {  	_ =	shalt  }
0x6f: {  	_ =	shalt  }
0x70: {  	_ =	shalt  }
0x71: {  	_ =	shalt  }
0x72: {  	_ =	shalt  }
0x73: {  	_ =	shalt  }
0x74: {  	_ =	shalt  }
0x75: {  	_ =	shalt  }
0x76: {  	_ =	shalt  }
0x77: {  	_ =	shalt  }
0x78: {  	_ =	shalt  }
0x79: {  	_ =	shalt  }
0x7a: {  	_ =	shalt  }
0x7b: {  	_ =	shalt  }
0x7c: {  	_ =	shalt  }
0x7d: {  	_ =	shalt  }
0x7e: {  	_ =	shalt  }
0x7f: {  	_ =	shalt  }
0x80: {  	_ =	shalt  }
0x81: {  	_ =	shalt  }
0x82: {  	_ =	shalt  }
0x83: {  	_ =	shalt  }
0x84: {  	_ =	shalt  }
0x85: {  	_ =	shalt  }
0x86: {  	_ =	shalt  }
0x87: {  	_ =	shalt  }
.Lfunc_end0:
.L_simem_size_0:
called_computation_lowered:
.L_overlay_start_0:
0x88: {  	s2 =	sld [smem:$0x3FD9]  }
0x89: {  	s3 =	sld [smem:$0x3FFE];
	_ =	sdelay $0x1  }
0x8a: {  	s1 =	srdreg.scid  }
0x8b: {  	s0 =	sand.u32 $0x1, s1  }
0x8c: {  	s17 =	sshll.u32 s0, $0xA;
	s2 =	sadd.s32 s3, s2  }
0x8d: {  	s2 =	sadd.s32 s2, s17  }
0x8e: {  	[smem:$0x3FB8] =	sst s2  }
0x8f: {  	_ = 	snop  }
0x90: {  	s2 =	sld [smem:$0x3FC9]  }
0x91: {  	s18 =	sld [smem:$0x3FD0];
	(tm) =	ssettm $0x1  }
0x92: {  	s4 =	sld [smem:$0x3FFB];
	_ =	sdelay $0x3  }
0x93: {  	_ =	strace s4  }
0x94: {  	s4 =	sld [smem:$0x3FFC];
	_ =	sdelay $0x3  }
0x95: {  	_ =	strace s4  }
0x96: {  	s4 =	sld [smem:$0x3FFD];
	_ =	sdelay $0x3  }
0x97: {  	_ =	strace s4  }
0x98: {  	_ =	strace $0x8FFFFFFF  }
0x99: {  	s19 =	sld [smem:$0x3FDB];
	_ =	sdelay $0x1  }
0x9a: {  	s5 =	simm.s32 $_scs_section_size  }
0x9b: {  	s6 =	simm.s32 $_size__tile_overlayer_lowered;
	s7 =	simm.s32 $_tile_overlayer_lowered  }
0x9c: {  	s22 =	simm.s32 $0x1BFF;
	s21 =	sshll.u32 s7, $0x1;
	s4 =	sadd.s32 s5, s19  }
0x9d: {  	s8 =	simm.s32 $0x0;
	s20 =	sshll.u32 s6, $0x1;
	s6 =	sadd.s32 s21, s4  }
0x9e: {  	[timem:s8], [sflag:s22] =	dma.local [hbm:s6], s20  }
0x9f: {  	_ =	swait.ge [sflag:s22], s20  }
0xa0: {  	s5 =	ssub.s32 $0x0, s20;
	[sflag:s22] =	ssyncset.done $0x0  }
0xa1: {  	[sflag:s22] =	ssyncadd.s32 s5;
	_ =	sdelay $0x1  }
0xa2: {  	s23 =	simm.s32 $0x1B8B  }
0xa3: {  	_ =	swait.ge [sflag:s23], $0x1  }
0xa4: {  	[sflag:s23] =	ssyncset.done $0x0  }
0xa5: {  	s25 =	simm.s32 $0x1B8E;
	s24 =	sld [smem:$0x3FFE];
	[sflag:s23] =	ssyncadd.s32 $0xFFFFFFFF  }
0xa6: {  	s26 =	simm.s32 $execute0_lowered;
	[smem:$0x3FD2] =	sst s25  }
0xa7: {  	s6 =	sshll.u32 s26, $0x1;
	_ =	strace $0x80000046;
	[dreg:$0x1] =	wrdreg $0xFFFFFFFF  }
0xa8: {  	s28 =	simm.s32 $_size_execute0_lowered;
	s4 =	sadd.s32 s4, s6;
	[dreg:$0x0] =	wrdreg $0x0  }
0xa9: {  	s6 =	sshll.u32 s28, $0x1;
	[dreg:$0x2] =	wrdreg s4  }
0xaa: {  	[dreg:$0x3] =	wrdreg s6  }
0xab: {  	[dreg:$0x4] =	wrdreg $0xC0  }
0xac: {  	_ =	task [dreg:s8], $0x5FFFF  }
0xad: {  	[dreg:$0x1] =	wrdreg $0xFFFFFFFF  }
0xae: {  	[dreg:$0x0] =	wrdreg $0x60  }
0xaf: {  	[dreg:$0x2] =	wrdreg s2  }
0xb0: {  	[dreg:$0x3] =	wrdreg s24  }
0xb1: {  	[dreg:$0x4] =	wrdreg s18  }
0xb2: {  	[dreg:$0x5] =	wrdreg $0x9  }
0xb3: {  	_ =	task.clear_ibuf [dreg:s8], $0x6FFFF;
	_ =	strace $0x90000046  }
0xb4: {  	s29 =	simm.s32 $0x9;
	_ =	strace $0x80000048  }
0xb5: {  	_ =	swait.ge [sflag:s29], $0x1  }
0xb6: {  	[sflag:s29] =	ssyncadd.s32 $0xFFFFFFFF  }
0xb7: {  	_ =	strace $0x90000048  }
0xb8: {  	_ =	sfence  }
0xb9: {  	s30 =	sld [smem:$0x0];
	_ =	sdelay $0x2  }
0xba: {  	s31 =	sshll.u32 s1, $0xD;
	s1 =	sshrl.u32 s1, $0x2  }
0xbb: {  	s3 =	sand.u32 $0x4000, s31;
	s1 =	sadd.s32 s1, s30  }
0xbc: {  	s0 =	sor.u32 s3, s0;
	s1 =	sshll.u32 s1, $0x11  }
0xbd: {  	s0 =	sor.u32 s1, s0  }
0xbe: {  	s0 =	sadd.s32 $0x8F2B, s0  }
0xbf: {  	[sflag:s0] =	ssyncadd.remote.s32 $0x1  }
0xc0: {  	_ =	sfence.sel $0xFFFF  }
0xc1: {  	[dreg:$0x0] =	wrdreg $0xFFFFFFFF;
	(pc) =	sbr.abs _section_cstart, $3  }
0xc2: {  	[dreg:$0x1] =	wrdreg $0xFFFFFFFF  }
0xc3: {  	_ =	task.clear_ibuf [dreg:s8], $0x2FFFF;
	_ =	strace $0x9FFFFFFF  }
0xc4: {  	(tm) =	ssettm $0x7FFFFFFF  }
0xc5: {  	_ =	shalt  }
tec
execute0_lowered:
.L_overlay_start_1:
0x0: {  	(tag) =	ssettag $0x1  }
0x1: {  	s1 =	rddreg [dreg:$0x0]  }
0x2: {  	s0 =	rddreg [dreg:$0x1]  }
0x3: {  	s2 =	rddreg [dreg:$0x2]  }
0x4: {  	s3 =	simm.s32 $0x0;
	s4 =	srdreg.scid;
	s5 =	stileid.u32  }
0x5: {  	s14 =	simm.s32 $0x3;
	s15 =	simm.s32 $0x880;
	s22 =	simm.s32 $0xC880  }
0x6: {  	s23 =	simm.s32 $0xD080;
	s24 =	simm.s32 $0xD880;
	s28 =	simm.s32 $0xF080  }
0x7: {  	s29 =	simm.s32 $0xF880;
	s30 =	simm.s32 $0x10080;
	s31 =	simm.s32 $0x1  }
0x8: {  	s16 =	simm.s32 $0x0;
	[smem:$0x7FF] =	sst s3;
	s4 =	sand.u32 $0x1, s4  }
0x9: {  	s5 =	sshll.u32 s5, $0x1;
	s8 =	sadd.s32 $0x200, s1;
	s9 =	sadd.s32 $0x300, s1  }
0xa: {  	_ =	strace $0x80000047;
	s5 =	sor.u32 s4, s5;
	s4 =	ssub.s32 $0x2, s4  }
0xb: {  	s6 =	sshll.u32 s5, $0x4;
	s7 =	sshll.u32 s5, $0x8;
	s25 =	sshrl.u32 s4, $0x1  }
0xc: {  	s26 =	sshll.u32 s5, $0xE;
	s6 =	sadd.s32 s6, s0;
	s0 =	sadd.s32 s7, s0  }
0xd: {  	s4 =	ssub.s32 s4, s25;
	s7 =	sadd.s32 s2, s26;
	s25 =	simm.s32 $0xE080  }
0xe: {  	s26 =	simm.s32 $0xE880;
	s2 =	simm.s32 $0x2;
	s6 =	sadd.s32 $0x1800, s6  }
0xf: {  	v2 =	vlaneseq.u32;
	s0 =	sadd.s32 $0x1A00, s0;
	s10 =	sadd.s32 $0x1000, s7;
	s11 =	sadd.s32 $0x2000, s7  }
0x10: {  	vm0 =	vmmov $0xffff;
	v1 =	vshrl.u32 v2, $0x3;
	s12 =	sadd.s32 $0x3000, s7;
	s13 =	smax.u32 s4, $0x1;
	[dreg:$0x4] =	wrdreg s6  }
0x11: {  	v0 =	vand.u32 $0x7, v2;
	v2 =	vor.u32 $0x8, v2;
	v1 =	vmul.u32 $0x8, v1;
	[dreg:$0x5] =	wrdreg s0;
	s6 =	sadd.s32 $0x100, s1;
	s0 =	simm.s32 $0x8880  }
.LBB2_1:
0x12: {  	s4 =	rddreg [dreg:$0x4]  }
0x13: {  	[tilespmem:s3], [sflag:$0x3] =	stream.linear.gather [hbm4b:s4+s3], $0x80, $0x38;
	[tilespmem:$0x10880] =	vst v63  }
0x14: {  	_ =	swait.ge [sflag:s14], $0x80  }
0x15: {  	[sflag:s14] =	ssyncset.done $0x0  }
0x16: {  	s4 =	simm.s32 $0x80;
	s5 =	rddreg [dreg:$0x5];
	[sflag:s14] =	ssyncadd.s32 $0xFFFFFF80  }
0x17: {  	[tilespmem:s4], [sflag:$0x3] =	stream.linear.gather [hbm4b:s5+s3], $0x800, $0x38;
	[tilespmem:$0x10880] =	vst v63  }
0x18: {  	_ =	swait.ge [sflag:s14], $0x800  }
0x19: {  	[sflag:s14] =	ssyncset.done $0x0  }
0x1a: {  	[sflag:s14] =	ssyncadd.s32 $0xFFFFF800  }
0x1b: {  	v3 =	vld [tilespmem:$0x0];
	_ =	sdelay $0x4  }
0x1c: {  	v4 =	vshll.u32 v3, $0x3  }
0x1d: {  	v3 =	vand.u32 $0x7, v3;
	v4 =	vand.u32 $0xFFFFFFC0, v4  }
0x1e: {  	v3 =	vor.u32 v3, v4  }
0x1f: {  	v4 =	vperm.xlane v3, v0;
	_ =	sdelay $0x1  }
0x20: {  	v4 =	vadd.s32 v1, v4;
	_ =	sdelay $0x4  }
0x21: {  	[tilespmem:s15], [sflag:$0x1] =	stream.indirect_vreg.gather [hbm4b:s1+s3], $0x80, v4, vm0, $0xb8;
	[tilespmem:$0x10880] =	vst v63  }
0x22: {  	s20 =	simm.s32 $0x1080;
	v3 =	vperm.xlane v3, v2  }
0x23: {  	[tilespmem:s20], [sflag:$0x1] =	stream.indirect_vreg.gather [hbm4b:s6+s3], $0x80, v4, vm0, $0xb8;
	[tilespmem:$0x10880] =	vst v63  }
0x24: {  	s21 =	simm.s32 $0x1880;
	v3 =	vadd.s32 v1, v3  }
0x25: {  	[tilespmem:s21], [sflag:$0x1] =	stream.indirect_vreg.gather [hbm4b:s8+s3], $0x80, v4, vm0, $0xb8;
	[tilespmem:$0x10880] =	vst v63  }
0x26: {  	s17 =	simm.s32 $0x2080  }
0x27: {  	[tilespmem:s17], [sflag:$0x1] =	stream.indirect_vreg.gather [hbm4b:s9+s3], $0x80, v4, vm0, $0xb8;
	[tilespmem:$0x10880] =	vst v63  }
0x28: {  	s18 =	simm.s32 $0x2880  }
0x29: {  	[tilespmem:s18], [sflag:$0x1] =	stream.indirect_vreg.gather [hbm4b:s1+s3], $0x80, v3, vm0, $0xb8;
	[tilespmem:$0x10880] =	vst v63  }
0x2a: {  	s19 =	simm.s32 $0x3080  }
0x2b: {  	[tilespmem:s19], [sflag:$0x1] =	stream.indirect_vreg.gather [hbm4b:s6+s3], $0x80, v3, vm0, $0xb8;
	[tilespmem:$0x10880] =	vst v63  }
0x2c: {  	s20 =	simm.s32 $0x3880  }
0x2d: {  	[tilespmem:s20], [sflag:$0x1] =	stream.indirect_vreg.gather [hbm4b:s8+s3], $0x80, v3, vm0, $0xb8;
	[tilespmem:$0x10880] =	vst v63  }
0x2e: {  	s21 =	simm.s32 $0x4080  }
0x2f: {  	[tilespmem:s21], [sflag:$0x1] =	stream.indirect_vreg.gather [hbm4b:s9+s3], $0x80, v3, vm0, $0xb8;
	[tilespmem:$0x10880] =	vst v63  }
0x30: {  	v3 =	vld [tilespmem:$0x10];
	_ =	sdelay $0x4  }
0x31: {  	v4 =	vshll.u32 v3, $0x3  }
0x32: {  	v3 =	vand.u32 $0x7, v3;
	v4 =	vand.u32 $0xFFFFFFC0, v4  }
0x33: {  	v3 =	vor.u32 v3, v4  }
0x34: {  	v4 =	vperm.xlane v3, v0;
	_ =	sdelay $0x1  }
0x35: {  	v4 =	vadd.s32 v1, v4;
	_ =	sdelay $0x3  }
0x36: {  	s17 =	simm.s32 $0x4880  }
0x37: {  	[tilespmem:s17], [sflag:$0x1] =	stream.indirect_vreg.gather [hbm4b:s1+s3], $0x80, v4, vm0, $0xb8;
	[tilespmem:$0x10880] =	vst v63  }
0x38: {  	s18 =	simm.s32 $0x5080;
	v3 =	vperm.xlane v3, v2  }
0x39: {  	[tilespmem:s18], [sflag:$0x1] =	stream.indirect_vreg.gather [hbm4b:s6+s3], $0x80, v4, vm0, $0xb8;
	[tilespmem:$0x10880] =	vst v63  }
0x3a: {  	s19 =	simm.s32 $0x5880;
	v3 =	vadd.s32 v1, v3  }
0x3b: {  	[tilespmem:s19], [sflag:$0x1] =	stream.indirect_vreg.gather [hbm4b:s8+s3], $0x80, v4, vm0, $0xb8;
	[tilespmem:$0x10880] =	vst v63  }
0x3c: {  	s20 =	simm.s32 $0x6080  }
0x3d: {  	[tilespmem:s20], [sflag:$0x1] =	stream.indirect_vreg.gather [hbm4b:s9+s3], $0x80, v4, vm0, $0xb8;
	[tilespmem:$0x10880] =	vst v63  }
0x3e: {  	s21 =	simm.s32 $0x6880  }
0x3f: {  	[tilespmem:s21], [sflag:$0x1] =	stream.indirect_vreg.gather [hbm4b:s1+s3], $0x80, v3, vm0, $0xb8;
	[tilespmem:$0x10880] =	vst v63  }
0x40: {  	s17 =	simm.s32 $0x7080  }
0x41: {  	[tilespmem:s17], [sflag:$0x1] =	stream.indirect_vreg.gather [hbm4b:s6+s3], $0x80, v3, vm0, $0xb8;
	[tilespmem:$0x10880] =	vst v63  }
0x42: {  	s18 =	simm.s32 $0x7880  }
0x43: {  	[tilespmem:s18], [sflag:$0x1] =	stream.indirect_vreg.gather [hbm4b:s8+s3], $0x80, v3, vm0, $0xb8;
	[tilespmem:$0x10880] =	vst v63  }
0x44: {  	s19 =	simm.s32 $0x8080  }
0x45: {  	[tilespmem:s19], [sflag:$0x1] =	stream.indirect_vreg.gather [hbm4b:s9+s3], $0x80, v3, vm0, $0xb8;
	[tilespmem:$0x10880] =	vst v63  }
0x46: {  	v3 =	vld [tilespmem:$0x20];
	_ =	sdelay $0x4  }
0x47: {  	v4 =	vshll.u32 v3, $0x3  }
0x48: {  	v3 =	vand.u32 $0x7, v3;
	v4 =	vand.u32 $0xFFFFFFC0, v4  }
0x49: {  	v3 =	vor.u32 v3, v4  }
0x4a: {  	v4 =	vperm.xlane v3, v0;
	_ =	sdelay $0x1  }
0x4b: {  	v4 =	vadd.s32 v1, v4;
	_ =	sdelay $0x4  }
0x4c: {  	[tilespmem:s0], [sflag:$0x2] =	stream.indirect_vreg.gather [hbm4b:s1+s3], $0x80, v4, vm0, $0xb8;
	[tilespmem:$0x10880] =	vst v63  }
0x4d: {  	s20 =	simm.s32 $0x9080;
	v3 =	vperm.xlane v3, v2  }
0x4e: {  	[tilespmem:s20], [sflag:$0x2] =	stream.indirect_vreg.gather [hbm4b:s6+s3], $0x80, v4, vm0, $0xb8;
	[tilespmem:$0x10880] =	vst v63  }
0x4f: {  	s21 =	simm.s32 $0x9880;
	v3 =	vadd.s32 v1, v3  }
0x50: {  	[tilespmem:s21], [sflag:$0x2] =	stream.indirect_vreg.gather [hbm4b:s8+s3], $0x80, v4, vm0, $0xb8;
	[tilespmem:$0x10880] =	vst v63  }
0x51: {  	s17 =	simm.s32 $0xA080  }
0x52: {  	[tilespmem:s17], [sflag:$0x2] =	stream.indirect_vreg.gather [hbm4b:s9+s3], $0x80, v4, vm0, $0xb8;
	[tilespmem:$0x10880] =	vst v63  }
0x53: {  	s18 =	simm.s32 $0xA880  }
0x54: {  	[tilespmem:s18], [sflag:$0x2] =	stream.indirect_vreg.gather [hbm4b:s1+s3], $0x80, v3, vm0, $0xb8;
	[tilespmem:$0x10880] =	vst v63  }
0x55: {  	s19 =	simm.s32 $0xB080  }
0x56: {  	[tilespmem:s19], [sflag:$0x2] =	stream.indirect_vreg.gather [hbm4b:s6+s3], $0x80, v3, vm0, $0xb8;
	[tilespmem:$0x10880] =	vst v63  }
0x57: {  	s20 =	simm.s32 $0xB880  }
0x58: {  	[tilespmem:s20], [sflag:$0x2] =	stream.indirect_vreg.gather [hbm4b:s8+s3], $0x80, v3, vm0, $0xb8;
	[tilespmem:$0x10880] =	vst v63  }
0x59: {  	s21 =	simm.s32 $0xC080  }
0x5a: {  	[tilespmem:s21], [sflag:$0x2] =	stream.indirect_vreg.gather [hbm4b:s9+s3], $0x80, v3, vm0, $0xb8;
	[tilespmem:$0x10880] =	vst v63  }
0x5b: {  	v3 =	vld [tilespmem:$0x30];
	_ =	sdelay $0x4  }
0x5c: {  	v4 =	vshll.u32 v3, $0x3  }
0x5d: {  	v3 =	vand.u32 $0x7, v3;
	v4 =	vand.u32 $0xFFFFFFC0, v4  }
0x5e: {  	v3 =	vor.u32 v3, v4  }
0x5f: {  	v4 =	vperm.xlane v3, v0;
	_ =	sdelay $0x1  }
0x60: {  	v4 =	vadd.s32 v1, v4;
	_ =	sdelay $0x4  }
0x61: {  	[tilespmem:s22], [sflag:$0x2] =	stream.indirect_vreg.gather [hbm4b:s1+s3], $0x80, v4, vm0, $0xb8;
	[tilespmem:$0x10880] =	vst v63  }
0x62: {  	v3 =	vperm.xlane v3, v2  }
0x63: {  	[tilespmem:s23], [sflag:$0x2] =	stream.indirect_vreg.gather [hbm4b:s6+s3], $0x80, v4, vm0, $0xb8;
	[tilespmem:$0x10880] =	vst v63  }
0x64: {  	v3 =	vadd.s32 v1, v3  }
0x65: {  	[tilespmem:s24], [sflag:$0x2] =	stream.indirect_vreg.gather [hbm4b:s8+s3], $0x80, v4, vm0, $0xb8;
	[tilespmem:$0x10880] =	vst v63  }
0x66: {  	_ = 	snop  }
0x67: {  	[tilespmem:s25], [sflag:$0x2] =	stream.indirect_vreg.gather [hbm4b:s9+s3], $0x80, v4, vm0, $0xb8;
	[tilespmem:$0x10880] =	vst v63  }
0x68: {  	_ = 	snop  }
0x69: {  	[tilespmem:s26], [sflag:$0x2] =	stream.indirect_vreg.gather [hbm4b:s1+s3], $0x80, v3, vm0, $0xb8;
	[tilespmem:$0x10880] =	vst v63  }
0x6a: {  	_ = 	snop  }
0x6b: {  	[tilespmem:s28], [sflag:$0x2] =	stream.indirect_vreg.gather [hbm4b:s6+s3], $0x80, v3, vm0, $0xb8;
	[tilespmem:$0x10880] =	vst v63  }
0x6c: {  	_ = 	snop  }
0x6d: {  	[tilespmem:s29], [sflag:$0x2] =	stream.indirect_vreg.gather [hbm4b:s8+s3], $0x80, v3, vm0, $0xb8;
	[tilespmem:$0x10880] =	vst v63  }
0x6e: {  	_ = 	snop  }
0x6f: {  	[tilespmem:s30], [sflag:$0x2] =	stream.indirect_vreg.gather [hbm4b:s9+s3], $0x80, v3, vm0, $0xb8;
	[tilespmem:$0x10880] =	vst v63  }
0x70: {  	_ =	swait.ge [sflag:s31], $0x8000  }
0x71: {  	s17 =	sand.u32 $0x6000, s3;
	s18 =	sand.u32 $0x380, s3;
	[sflag:s31] =	ssyncset.done $0x0  }
0x72: {  	s17 =	sor.u32 s18, s17;
	[sflag:s31] =	ssyncadd.s32 $0xFFFF8000  }
0x73: {  	v5 =	vld [tilespmem:s17+$0xC80]  }
0x74: {  	v6 =	vld [tilespmem:s17+$0x8F0]  }
0x75: {  	v7 =	vld [tilespmem:s17+$0x8E0]  }
0x76: {  	v4 =	vld [tilespmem:s17+$0x8D0]  }
0x77: {  	v8 =	vld [tilespmem:s17+$0x8C0]  }
0x78: {  	v9 =	vld [tilespmem:s17+$0x8B0]  }
0x79: {  	v10 =	vld [tilespmem:s17+$0x8A0]  }
0x7a: {  	v11 =	vld [tilespmem:s17+$0x880]  }
0x7b: {  	v3 =	vld [tilespmem:s4+$0x0]  }
0x7c: {  	v12 =	vld [tilespmem:s17+$0xC90]  }
0x7d: {  	v13 =	vld [tilespmem:s17+$0xCA0]  }
0x7e: {  	v14 =	vld [tilespmem:s17+$0xCB0]  }
0x7f: {  	v15 =	vld [tilespmem:s17+$0xCC0]  }
0x80: {  	v16 =	vld [tilespmem:s17+$0xCD0];
	v5 =	vmul.f32 v5, v3  }
0x81: {  	v17 =	vld [tilespmem:s17+$0xCE0];
	v6 =	vmul.f32 v6, v3  }
0x82: {  	v57 =	vld [tilespmem:s17+$0x14B0];
	v11 =	vmul.f32 v11, v3;
	[tilespmem:s17+$0xC80] =	vst v5  }
0x83: {  	v58 =	vld [tilespmem:s17+$0x14C0];
	v9 =	vmul.f32 v9, v3;
	[tilespmem:s17+$0x8F0] =	vst v6  }
0x84: {  	v59 =	vld [tilespmem:s17+$0x1C90];
	v10 =	vmul.f32 v10, v3;
	[tilespmem:s17+$0x880] =	vst v11  }
0x85: {  	v60 =	vld [tilespmem:s17+$0x1CA0];
	v7 =	vmul.f32 v7, v3;
	[tilespmem:s17+$0x8B0] =	vst v9  }
0x86: {  	v61 =	vld [tilespmem:s17+$0x1CE0];
	v8 =	vmul.f32 v8, v3;
	[tilespmem:s17+$0x8A0] =	vst v10  }
0x87: {  	v62 =	vld [tilespmem:s17+$0x2480];
	v12 =	vmul.f32 v12, v3;
	[tilespmem:s17+$0x8E0] =	vst v7  }
0x88: {  	v63 =	vld [tilespmem:s17+$0x24C0];
	v13 =	vmul.f32 v13, v3;
	[tilespmem:s17+$0x8C0] =	vst v8  }
0x89: {  	v18 =	vld [tilespmem:s17+$0x24D0];
	v14 =	vmul.f32 v14, v3;
	[tilespmem:s17+$0xC90] =	vst v12  }
0x8a: {  	v16 =	vmul.f32 v16, v3;
	v5 =	vld [tilespmem:s17+$0xCF0];
	[tilespmem:s17+$0xCA0] =	vst v13  }
0x8b: {  	v17 =	vmul.f32 v17, v3;
	v6 =	vld [tilespmem:s17+$0x1080];
	[tilespmem:s17+$0xCB0] =	vst v14  }
0x8c: {  	v11 =	vmul.f32 v15, v3;
	v15 =	vld [tilespmem:s17+$0x1090];
	[tilespmem:s17+$0xCD0] =	vst v16  }
0x8d: {  	v9 =	vld [tilespmem:s17+$0x10A0];
	[tilespmem:s17+$0xCE0] =	vst v17;
	v16 =	vmul.f32 v57, v3  }
0x8e: {  	v10 =	vld [tilespmem:s17+$0x10C0];
	v17 =	vmul.f32 v58, v3;
	[tilespmem:s17+$0xCC0] =	vst v11  }
0x8f: {  	v7 =	vld [tilespmem:s17+$0x10D0];
	[tilespmem:s17+$0x14B0] =	vst v16;
	v16 =	vmul.f32 v60, v3  }
0x90: {  	v8 =	vld [tilespmem:s17+$0x10E0];
	[tilespmem:s17+$0x14C0] =	vst v17;
	v17 =	vmul.f32 v61, v3  }
0x91: {  	v12 =	vld [tilespmem:s17+$0x10F0];
	[tilespmem:s17+$0x1CA0] =	vst v16;
	v5 =	vmul.f32 v5, v3  }
0x92: {  	v13 =	vld [tilespmem:s17+$0x1480];
	[tilespmem:s17+$0x1CE0] =	vst v17;
	v6 =	vmul.f32 v6, v3  }
0x93: {  	v14 =	vld [tilespmem:s17+$0x1490];
	v15 =	vmul.f32 v15, v3;
	[tilespmem:s17+$0xCF0] =	vst v5  }
0x94: {  	v11 =	vld [tilespmem:s17+$0x10B0];
	v9 =	vmul.f32 v9, v3;
	[tilespmem:s17+$0x1080] =	vst v6  }
0x95: {  	v10 =	vmul.f32 v10, v3;
	v5 =	vld [tilespmem:s17+$0x14D0];
	[tilespmem:s17+$0x1090] =	vst v15  }
0x96: {  	v7 =	vmul.f32 v7, v3;
	v6 =	vld [tilespmem:s17+$0x14E0];
	[tilespmem:s17+$0x10A0] =	vst v9  }
0x97: {  	v8 =	vmul.f32 v8, v3;
	v15 =	vld [tilespmem:s17+$0x14F0];
	[tilespmem:s17+$0x10C0] =	vst v10  }
0x98: {  	v12 =	vmul.f32 v12, v3;
	v9 =	vld [tilespmem:s17+$0x1880];
	[tilespmem:s17+$0x10D0] =	vst v7  }
0x99: {  	v11 =	vmul.f32 v11, v3;
	v10 =	vld [tilespmem:s17+$0x18A0];
	[tilespmem:s17+$0x10E0] =	vst v8  }
0x9a: {  	v13 =	vmul.f32 v13, v3;
	v7 =	vld [tilespmem:s17+$0x18B0];
	[tilespmem:s17+$0x10F0] =	vst v12  }
0x9b: {  	v14 =	vmul.f32 v14, v3;
	[tilespmem:s17+$0x10B0] =	vst v11;
	v11 =	vld [tilespmem:s17+$0x14A0]  }
0x9c: {  	v8 =	vld [tilespmem:s17+$0x18C0];
	[tilespmem:s17+$0x1480] =	vst v13;
	v5 =	vmul.f32 v5, v3  }
0x9d: {  	v12 =	vld [tilespmem:s17+$0x18D0];
	[tilespmem:s17+$0x1490] =	vst v14;
	v6 =	vmul.f32 v6, v3  }
0x9e: {  	v13 =	vld [tilespmem:s17+$0x18E0];
	v15 =	vmul.f32 v15, v3;
	[tilespmem:s17+$0x14D0] =	vst v5  }
0x9f: {  	v14 =	vld [tilespmem:s17+$0x18F0];
	v9 =	vmul.f32 v9, v3;
	[tilespmem:s17+$0x14E0] =	vst v6  }
0xa0: {  	v11 =	vmul.f32 v11, v3;
	v5 =	vld [tilespmem:s17+$0x1CB0];
	[tilespmem:s17+$0x14F0] =	vst v15  }
0xa1: {  	v10 =	vmul.f32 v10, v3;
	v6 =	vld [tilespmem:s17+$0x1CC0];
	[tilespmem:s17+$0x1880] =	vst v9  }
0xa2: {  	v9 =	vmul.f32 v59, v3;
	[tilespmem:s17+$0x14A0] =	vst v11;
	v11 =	vld [tilespmem:s17+$0x1890]  }
0xa3: {  	v7 =	vmul.f32 v7, v3;
	v15 =	vld [tilespmem:s17+$0x1CD0];
	[tilespmem:s17+$0x18A0] =	vst v10  }
0xa4: {  	v8 =	vmul.f32 v8, v3;
	[tilespmem:s17+$0x1C90] =	vst v9;
	v9 =	vld [tilespmem:s17+$0x2080]  }
0xa5: {  	v12 =	vmul.f32 v12, v3;
	v10 =	vld [tilespmem:s17+$0x1CF0];
	[tilespmem:s17+$0x18B0] =	vst v7  }
0xa6: {  	v13 =	vmul.f32 v13, v3;
	v7 =	vld [tilespmem:s17+$0x2090];
	[tilespmem:s17+$0x18C0] =	vst v8  }
0xa7: {  	v8 =	vld [tilespmem:s17+$0x20A0];
	[tilespmem:s17+$0x18D0] =	vst v12;
	v11 =	vmul.f32 v11, v3  }
0xa8: {  	v14 =	vmul.f32 v14, v3;
	v12 =	vld [tilespmem:s17+$0x20B0];
	[tilespmem:s17+$0x18E0] =	vst v13  }
0xa9: {  	v9 =	vmul.f32 v9, v3;
	[tilespmem:s17+$0x1890] =	vst v11;
	v11 =	vld [tilespmem:s17+$0x1C80]  }
0xaa: {  	v13 =	vld [tilespmem:s17+$0x20C0];
	[tilespmem:s17+$0x18F0] =	vst v14;
	v5 =	vmul.f32 v5, v3  }
0xab: {  	v6 =	vmul.f32 v6, v3;
	[tilespmem:s17+$0x2080] =	vst v9;
	v9 =	vld [tilespmem:s17+$0x20F0]  }
0xac: {  	v14 =	vld [tilespmem:s17+$0x20D0];
	v15 =	vmul.f32 v15, v3;
	[tilespmem:s17+$0x1CB0] =	vst v5  }
0xad: {  	v10 =	vmul.f32 v10, v3;
	v5 =	vld [tilespmem:s17+$0x2490];
	[tilespmem:s17+$0x1CC0] =	vst v6  }
0xae: {  	v6 =	vld [tilespmem:s17+$0x24A0];
	[tilespmem:s17+$0x1CD0] =	vst v15;
	v11 =	vmul.f32 v11, v3  }
0xaf: {  	v7 =	vmul.f32 v7, v3;
	v15 =	vld [tilespmem:s17+$0x24B0];
	[tilespmem:s17+$0x1CF0] =	vst v10  }
0xb0: {  	v9 =	vmul.f32 v9, v3;
	[tilespmem:s17+$0x1C80] =	vst v11;
	v11 =	vld [tilespmem:s17+$0x20E0]  }
0xb1: {  	v19 =	vld [tilespmem:s17+$0x24E0];
	v4 =	vmul.f32 v4, v3;
	v8 =	vmul.f32 v8, v3;
	[tilespmem:s17+$0x2090] =	vst v7  }
0xb2: {  	v20 =	vld [tilespmem:s17+$0x24F0];
	v7 =	vmul.f32 v62, v3;
	[tilespmem:s17+$0x20F0] =	vst v9;
	v9 =	vmul.f32 v12, v3  }
0xb3: {  	[tilespmem:s17+$0x20A0] =	vst v8;
	v8 =	vmul.f32 v5, v3;
	v12 =	vmul.f32 v13, v3  }
0xb4: {  	v5 =	vmul.f32 v6, v3;
	v13 =	vmul.f32 v14, v3;
	[tilespmem:s17+$0x20B0] =	vst v9  }
0xb5: {  	v10 =	vmul.f32 v15, v3;
	[tilespmem:s17+$0x20C0] =	vst v12;
	v11 =	vmul.f32 v11, v3  }
0xb6: {  	v6 =	vmul.f32 v18, v3;
	v9 =	vmul.f32 v63, v3;
	[tilespmem:s17+$0x20D0] =	vst v13  }
0xb7: {  	s18 =	simm.s32 $0x80;
	s19 =	simm.s32 $0x400;
	s4 =	simm.s32 $0x90;
	v13 =	vmul.f32 v19, v3;
	v12 =	vld [tilespmem:s17+$0x890];
	[tilespmem:s17+$0x20E0] =	vst v11;
	v11 =	vmul.f32 v20, v3  }
.LBB2_2:
0xb8: {  	s20 =	smov.u32 s19  }
0xb9: {  	s5 =	sand.u32 $0x6000, s19;
	s21 =	sand.u32 $0x380, s18;
	[tilespmem:s17+$0x8D0] =	vst v4;
	s20 =	sadd.s32 $0x400, s19  }
0xba: {  	p0 =	sne.s32 s19, $0x7C00;
	s5 =	sor.u32 s21, s5;
	[tilespmem:s17+$0x24E0] =	vst v13  }
0xbb: {  	v4 =	vld [tilespmem:s5+$0xC80];
	[tilespmem:s17+$0x2480] =	vst v7  }
0xbc: {  	v7 =	vld [tilespmem:s5+$0x8F0];
	[tilespmem:s17+$0x2490] =	vst v8  }
0xbd: {  	v3 =	vmul.f32 v12, v3;
	v8 =	vld [tilespmem:s5+$0x8E0];
	[tilespmem:s17+$0x24B0] =	vst v10  }
0xbe: {  	v10 =	vld [tilespmem:s5+$0x8D0];
	[tilespmem:s17+$0x24A0] =	vst v5  }
0xbf: {  	v5 =	vld [tilespmem:s5+$0x8C0];
	[tilespmem:s17+$0x24C0] =	vst v9  }
0xc0: {  	v9 =	vld [tilespmem:s5+$0x8B0];
	[tilespmem:s17+$0x890] =	vst v3  }
0xc1: {  	v12 =	vld [tilespmem:s5+$0x8A0];
	[tilespmem:s17+$0x24D0] =	vst v6  }
0xc2: {  	v6 =	vld [tilespmem:s5+$0x880];
	[tilespmem:s17+$0x24F0] =	vst v11;
	s17 =	smov.u32 s5  }
0xc3: {  	v3 =	vld [tilespmem:s4+$0x0]  }
0xc4: {  	v11 =	vld [tilespmem:s17+$0xC90]  }
0xc5: {  	v13 =	vld [tilespmem:s17+$0xCA0]  }
0xc6: {  	v14 =	vld [tilespmem:s17+$0xCB0]  }
0xc7: {  	v15 =	vld [tilespmem:s17+$0xCC0]  }
0xc8: {  	v7 =	vmul.f32 v7, v3;
	v4 =	vmul.f32 v4, v3;
	v16 =	vld [tilespmem:s17+$0xCD0]  }
0xc9: {  	v9 =	vmul.f32 v9, v3;
	v8 =	vmul.f32 v8, v3;
	v17 =	vld [tilespmem:s17+$0xCE0]  }
0xca: {  	v6 =	vmul.f32 v6, v3;
	v12 =	vmul.f32 v12, v3;
	[tilespmem:s17+$0xC80] =	vst v4;
	v18 =	vld [tilespmem:s17+$0xCF0]  }
0xcb: {  	[tilespmem:s17+$0x8F0] =	vst v7;
	v7 =	vmul.f32 v11, v3;
	v11 =	vmul.f32 v13, v3;
	v13 =	vld [tilespmem:s17+$0x1080]  }
0xcc: {  	[tilespmem:s17+$0x880] =	vst v6;
	v6 =	vmul.f32 v14, v3;
	v14 =	vmul.f32 v15, v3;
	v15 =	vld [tilespmem:s17+$0x1090]  }
0xcd: {  	v5 =	vmul.f32 v5, v3;
	[tilespmem:s17+$0x8B0] =	vst v9;
	v9 =	vmul.f32 v16, v3;
	v16 =	vld [tilespmem:s17+$0x10A0]  }
0xce: {  	v4 =	vmul.f32 v10, v3;
	[tilespmem:s17+$0xCC0] =	vst v14;
	v10 =	vmul.f32 v17, v3;
	v14 =	vld [tilespmem:s17+$0x10B0]  }
0xcf: {  	[tilespmem:s17+$0x8A0] =	vst v12;
	v12 =	vmul.f32 v18, v3;
	v17 =	vld [tilespmem:s17+$0x10C0]  }
0xd0: {  	[tilespmem:s17+$0x8E0] =	vst v8;
	v8 =	vmul.f32 v13, v3;
	v13 =	vld [tilespmem:s17+$0x10D0]  }
0xd1: {  	[tilespmem:s17+$0x8C0] =	vst v5;
	v5 =	vmul.f32 v15, v3;
	v15 =	vld [tilespmem:s17+$0x10E0]  }
0xd2: {  	[tilespmem:s17+$0xC90] =	vst v7;
	v7 =	vmul.f32 v16, v3;
	v16 =	vld [tilespmem:s17+$0x10F0]  }
0xd3: {  	[tilespmem:s17+$0xCA0] =	vst v11;
	v11 =	vmul.f32 v14, v3;
	v14 =	vld [tilespmem:s17+$0x1480]  }
0xd4: {  	[tilespmem:s17+$0xCB0] =	vst v6;
	v6 =	vmul.f32 v17, v3;
	v17 =	vld [tilespmem:s17+$0x1490]  }
0xd5: {  	[tilespmem:s17+$0x10B0] =	vst v11;
	v11 =	vmul.f32 v13, v3;
	v13 =	vld [tilespmem:s17+$0x14A0]  }
0xd6: {  	[tilespmem:s17+$0xCD0] =	vst v9;
	v9 =	vmul.f32 v15, v3;
	v15 =	vld [tilespmem:s17+$0x14B0]  }
0xd7: {  	[tilespmem:s17+$0xCE0] =	vst v10;
	v10 =	vmul.f32 v16, v3;
	v16 =	vld [tilespmem:s17+$0x14C0]  }
0xd8: {  	[tilespmem:s17+$0xCF0] =	vst v12;
	v12 =	vmul.f32 v14, v3;
	v14 =	vld [tilespmem:s17+$0x14D0]  }
0xd9: {  	[tilespmem:s17+$0x1080] =	vst v8;
	v8 =	vmul.f32 v17, v3;
	v17 =	vld [tilespmem:s17+$0x14E0]  }
0xda: {  	[tilespmem:s17+$0x1090] =	vst v5;
	v5 =	vmul.f32 v13, v3;
	v13 =	vld [tilespmem:s17+$0x14F0]  }
0xdb: {  	[tilespmem:s17+$0x10A0] =	vst v7;
	v7 =	vmul.f32 v15, v3;
	v15 =	vld [tilespmem:s17+$0x1880]  }
0xdc: {  	[tilespmem:s17+$0x14A0] =	vst v5;
	v5 =	vmul.f32 v16, v3;
	v16 =	vld [tilespmem:s17+$0x1890]  }
0xdd: {  	[tilespmem:s17+$0x10C0] =	vst v6;
	v6 =	vmul.f32 v14, v3;
	v14 =	vld [tilespmem:s17+$0x18A0]  }
0xde: {  	[tilespmem:s17+$0x10D0] =	vst v11;
	v11 =	vmul.f32 v17, v3;
	v17 =	vld [tilespmem:s17+$0x18B0]  }
0xdf: {  	[tilespmem:s17+$0x10E0] =	vst v9;
	v9 =	vmul.f32 v13, v3;
	v13 =	vld [tilespmem:s17+$0x18C0]  }
0xe0: {  	[tilespmem:s17+$0x10F0] =	vst v10;
	v10 =	vmul.f32 v15, v3;
	v15 =	vld [tilespmem:s17+$0x18D0]  }
0xe1: {  	[tilespmem:s17+$0x1480] =	vst v12;
	v12 =	vmul.f32 v16, v3;
	v16 =	vld [tilespmem:s17+$0x18E0]  }
0xe2: {  	[tilespmem:s17+$0x1490] =	vst v8;
	v8 =	vmul.f32 v14, v3;
	v14 =	vld [tilespmem:s17+$0x18F0]  }
0xe3: {  	[tilespmem:s17+$0x1890] =	vst v12;
	v12 =	vmul.f32 v17, v3;
	v17 =	vld [tilespmem:s17+$0x1C80]  }
0xe4: {  	[tilespmem:s17+$0x14C0] =	vst v5;
	v5 =	vmul.f32 v13, v3;
	v13 =	vld [tilespmem:s17+$0x1C90]  }
0xe5: {  	[tilespmem:s17+$0x14B0] =	vst v7;
	v7 =	vmul.f32 v15, v3;
	v15 =	vld [tilespmem:s17+$0x1CA0]  }
0xe6: {  	[tilespmem:s17+$0x14D0] =	vst v6;
	v6 =	vmul.f32 v16, v3;
	v16 =	vld [tilespmem:s17+$0x1CB0]  }
0xe7: {  	[tilespmem:s17+$0x14E0] =	vst v11;
	v11 =	vmul.f32 v14, v3;
	v14 =	vld [tilespmem:s17+$0x1CC0]  }
0xe8: {  	[tilespmem:s17+$0x14F0] =	vst v9;
	v9 =	vmul.f32 v17, v3;
	v17 =	vld [tilespmem:s17+$0x1CD0]  }
0xe9: {  	[tilespmem:s17+$0x1880] =	vst v10;
	v10 =	vmul.f32 v13, v3;
	v13 =	vld [tilespmem:s17+$0x1CE0]  }
0xea: {  	[tilespmem:s17+$0x18A0] =	vst v8;
	v8 =	vmul.f32 v15, v3;
	v15 =	vld [tilespmem:s17+$0x1CF0]  }
0xeb: {  	[tilespmem:s17+$0x1C90] =	vst v10;
	v10 =	vmul.f32 v16, v3;
	v16 =	vld [tilespmem:s17+$0x2080]  }
0xec: {  	[tilespmem:s17+$0x18B0] =	vst v12;
	v12 =	vmul.f32 v14, v3;
	v14 =	vld [tilespmem:s17+$0x2090]  }
0xed: {  	[tilespmem:s17+$0x18C0] =	vst v5;
	v5 =	vmul.f32 v17, v3;
	v17 =	vld [tilespmem:s17+$0x20A0]  }
0xee: {  	[tilespmem:s17+$0x18D0] =	vst v7;
	v7 =	vmul.f32 v13, v3;
	v13 =	vld [tilespmem:s17+$0x20B0]  }
0xef: {  	[tilespmem:s17+$0x18E0] =	vst v6;
	v6 =	vmul.f32 v15, v3;
	v15 =	vld [tilespmem:s17+$0x20C0]  }
0xf0: {  	[tilespmem:s17+$0x18F0] =	vst v11;
	v11 =	vmul.f32 v16, v3;
	v16 =	vld [tilespmem:s17+$0x20D0]  }
0xf1: {  	[tilespmem:s17+$0x1C80] =	vst v9;
	v9 =	vmul.f32 v14, v3;
	v14 =	vld [tilespmem:s17+$0x20E0]  }
0xf2: {  	[tilespmem:s17+$0x2080] =	vst v11;
	v11 =	vmul.f32 v17, v3;
	v17 =	vld [tilespmem:s17+$0x20F0]  }
0xf3: {  	[tilespmem:s17+$0x1CA0] =	vst v8;
	v13 =	vmul.f32 v13, v3;
	v8 =	vld [tilespmem:s17+$0x2480]  }
0xf4: {  	[tilespmem:s17+$0x1CB0] =	vst v10;
	v15 =	vmul.f32 v15, v3;
	v10 =	vld [tilespmem:s17+$0x2490]  }
0xf5: {  	[tilespmem:s17+$0x1CC0] =	vst v12;
	v12 =	vmul.f32 v16, v3;
	v16 =	vld [tilespmem:s17+$0x24A0]  }
0xf6: {  	[tilespmem:s17+$0x1CD0] =	vst v5;
	v14 =	vmul.f32 v14, v3;
	v18 =	vld [tilespmem:s17+$0x24B0]  }
0xf7: {  	[tilespmem:s17+$0x1CE0] =	vst v7;
	v5 =	vmul.f32 v17, v3;
	v17 =	vld [tilespmem:s17+$0x24C0]  }
0xf8: {  	[tilespmem:s17+$0x1CF0] =	vst v6;
	v7 =	vmul.f32 v8, v3;
	v6 =	vld [tilespmem:s17+$0x24D0]  }
0xf9: {  	[tilespmem:s17+$0x20F0] =	vst v5;
	v8 =	vmul.f32 v10, v3;
	v19 =	vld [tilespmem:s17+$0x24E0]  }
0xfa: {  	[tilespmem:s17+$0x2090] =	vst v9;
	v5 =	vmul.f32 v16, v3;
	v16 =	vld [tilespmem:s17+$0x24F0]  }
.Ltmp0:
0xfb: {  	[tilespmem:s17+$0x20A0] =	vst v11;
	v10 =	vmul.f32 v18, v3;
	(pc) =	sbr.rel @p0 .LBB2_2-.Ltmp0, $4  }
0xfc: {  	[tilespmem:s17+$0x20B0] =	vst v13;
	v9 =	vmul.f32 v17, v3  }
0xfd: {  	[tilespmem:s17+$0x20C0] =	vst v15;
	v6 =	vmul.f32 v6, v3  }
0xfe: {  	[tilespmem:s17+$0x20D0] =	vst v12;
	v13 =	vmul.f32 v19, v3  }
0xff: {  	s18 =	sadd.s32 $0x80, s18;
	s19 =	smov.u32 s20;
	s4 =	sadd.s32 $0x10, s4;
	v12 =	vld [tilespmem:s17+$0x890];
	[tilespmem:s17+$0x20E0] =	vst v14;
	v11 =	vmul.f32 v16, v3  }
0x100: {  	[tilespmem:s17+$0x8D0] =	vst v4  }
0x101: {  	[tilespmem:s17+$0x24E0] =	vst v13  }
0x102: {  	[tilespmem:s17+$0x2480] =	vst v7  }
0x103: {  	[tilespmem:s17+$0x2490] =	vst v8  }
0x104: {  	[tilespmem:s17+$0x24B0] =	vst v10  }
0x105: {  	[tilespmem:s17+$0x24A0] =	vst v5  }
0x106: {  	[tilespmem:s17+$0x24C0] =	vst v9  }
0x107: {  	[tilespmem:s17+$0x24D0] =	vst v6;
	v3 =	vmul.f32 v12, v3  }
0x108: {  	[tilespmem:s17+$0x24F0] =	vst v11  }
0x109: {  	s4 =	simm.s32 $0x0;
	[tilespmem:s17+$0x890] =	vst v3  }
0x10a: {  	[hbm4b:s7+s4] =	stream.linear.scatter [tilespmem:s15], [sflag:$0x3], $0x8000, $0x38;
	[tilespmem:$0x10880] =	vst v63  }
0x10b: {  	_ =	swait.ge [sflag:s14], $0x8000  }
0x10c: {  	[sflag:s14] =	ssyncset.done $0x0  }
0x10d: {  	[sflag:s14] =	ssyncadd.s32 $0xFFFF8000  }
0x10e: {  	v3 =	vld [tilespmem:$0x40];
	_ =	sdelay $0x4  }
0x10f: {  	v4 =	vshll.u32 v3, $0x3  }
0x110: {  	v3 =	vand.u32 $0x7, v3;
	v4 =	vand.u32 $0xFFFFFFC0, v4  }
0x111: {  	v3 =	vor.u32 v3, v4  }
0x112: {  	v4 =	vperm.xlane v3, v0;
	_ =	sdelay $0x1  }
0x113: {  	v4 =	vadd.s32 v1, v4;
	_ =	sdelay $0x4  }
0x114: {  	[tilespmem:s15], [sflag:$0x1] =	stream.indirect_vreg.gather [hbm4b:s1+s4], $0x80, v4, vm0, $0xb8;
	[tilespmem:$0x10880] =	vst v63  }
0x115: {  	s5 =	simm.s32 $0x1080;
	v3 =	vperm.xlane v3, v2  }
0x116: {  	[tilespmem:s5], [sflag:$0x1] =	stream.indirect_vreg.gather [hbm4b:s6+s4], $0x80, v4, vm0, $0xb8;
	[tilespmem:$0x10880] =	vst v63  }
0x117: {  	s21 =	simm.s32 $0x1880;
	v3 =	vadd.s32 v1, v3  }
0x118: {  	[tilespmem:s21], [sflag:$0x1] =	stream.indirect_vreg.gather [hbm4b:s8+s4], $0x80, v4, vm0, $0xb8;
	[tilespmem:$0x10880] =	vst v63  }
0x119: {  	s17 =	simm.s32 $0x2080  }
0x11a: {  	[tilespmem:s17], [sflag:$0x1] =	stream.indirect_vreg.gather [hbm4b:s9+s4], $0x80, v4, vm0, $0xb8;
	[tilespmem:$0x10880] =	vst v63  }
0x11b: {  	s18 =	simm.s32 $0x2880  }
0x11c: {  	[tilespmem:s18], [sflag:$0x1] =	stream.indirect_vreg.gather [hbm4b:s1+s4], $0x80, v3, vm0, $0xb8;
	[tilespmem:$0x10880] =	vst v63  }
0x11d: {  	s19 =	simm.s32 $0x3080  }
0x11e: {  	[tilespmem:s19], [sflag:$0x1] =	stream.indirect_vreg.gather [hbm4b:s6+s4], $0x80, v3, vm0, $0xb8;
	[tilespmem:$0x10880] =	vst v63  }
0x11f: {  	s20 =	simm.s32 $0x3880  }
0x120: {  	[tilespmem:s20], [sflag:$0x1] =	stream.indirect_vreg.gather [hbm4b:s8+s4], $0x80, v3, vm0, $0xb8;
	[tilespmem:$0x10880] =	vst v63  }
0x121: {  	s21 =	simm.s32 $0x4080  }
0x122: {  	[tilespmem:s21], [sflag:$0x1] =	stream.indirect_vreg.gather [hbm4b:s9+s4], $0x80, v3, vm0, $0xb8;
	[tilespmem:$0x10880] =	vst v63  }
0x123: {  	v3 =	vld [tilespmem:$0x50];
	_ =	sdelay $0x4  }
0x124: {  	v4 =	vshll.u32 v3, $0x3  }
0x125: {  	v3 =	vand.u32 $0x7, v3;
	v4 =	vand.u32 $0xFFFFFFC0, v4  }
0x126: {  	v3 =	vor.u32 v3, v4  }
0x127: {  	v4 =	vperm.xlane v3, v0;
	_ =	sdelay $0x1  }
0x128: {  	v4 =	vadd.s32 v1, v4;
	_ =	sdelay $0x3  }
0x129: {  	s17 =	simm.s32 $0x4880  }
0x12a: {  	[tilespmem:s17], [sflag:$0x1] =	stream.indirect_vreg.gather [hbm4b:s1+s4], $0x80, v4, vm0, $0xb8;
	[tilespmem:$0x10880] =	vst v63  }
0x12b: {  	s18 =	simm.s32 $0x5080;
	v3 =	vperm.xlane v3, v2  }
0x12c: {  	[tilespmem:s18], [sflag:$0x1] =	stream.indirect_vreg.gather [hbm4b:s6+s4], $0x80, v4, vm0, $0xb8;
	[tilespmem:$0x10880] =	vst v63  }
0x12d: {  	s19 =	simm.s32 $0x5880;
	v3 =	vadd.s32 v1, v3  }
0x12e: {  	[tilespmem:s19], [sflag:$0x1] =	stream.indirect_vreg.gather [hbm4b:s8+s4], $0x80, v4, vm0, $0xb8;
	[tilespmem:$0x10880] =	vst v63  }
0x12f: {  	s20 =	simm.s32 $0x6080  }
0x130: {  	[tilespmem:s20], [sflag:$0x1] =	stream.indirect_vreg.gather [hbm4b:s9+s4], $0x80, v4, vm0, $0xb8;
	[tilespmem:$0x10880] =	vst v63  }
0x131: {  	s21 =	simm.s32 $0x6880  }
0x132: {  	[tilespmem:s21], [sflag:$0x1] =	stream.indirect_vreg.gather [hbm4b:s1+s4], $0x80, v3, vm0, $0xb8;
	[tilespmem:$0x10880] =	vst v63  }
0x133: {  	s17 =	simm.s32 $0x7080  }
0x134: {  	[tilespmem:s17], [sflag:$0x1] =	stream.indirect_vreg.gather [hbm4b:s6+s4], $0x80, v3, vm0, $0xb8;
	[tilespmem:$0x10880] =	vst v63  }
0x135: {  	s18 =	simm.s32 $0x7880  }
0x136: {  	[tilespmem:s18], [sflag:$0x1] =	stream.indirect_vreg.gather [hbm4b:s8+s4], $0x80, v3, vm0, $0xb8;
	[tilespmem:$0x10880] =	vst v63  }
0x137: {  	s19 =	simm.s32 $0x8080  }
0x138: {  	[tilespmem:s19], [sflag:$0x1] =	stream.indirect_vreg.gather [hbm4b:s9+s4], $0x80, v3, vm0, $0xb8;
	[tilespmem:$0x10880] =	vst v63  }
0x139: {  	_ =	swait.ge [sflag:s2], $0x8000  }
0x13a: {  	s20 =	sand.u32 $0x6000, s4;
	s21 =	sand.u32 $0x380, s4;
	[sflag:s2] =	ssyncset.done $0x0  }
0x13b: {  	s17 =	sor.u32 s21, s20;
	[sflag:s2] =	ssyncadd.s32 $0xFFFF8000  }
0x13c: {  	v5 =	vld [tilespmem:s17+$0x8C80]  }
0x13d: {  	v6 =	vld [tilespmem:s17+$0x88F0]  }
0x13e: {  	v7 =	vld [tilespmem:s17+$0x88E0]  }
0x13f: {  	v4 =	vld [tilespmem:s17+$0x88D0]  }
0x140: {  	v8 =	vld [tilespmem:s17+$0x88C0]  }
0x141: {  	v9 =	vld [tilespmem:s17+$0x88B0]  }
0x142: {  	v10 =	vld [tilespmem:s17+$0x88A0]  }
0x143: {  	s4 =	sand.u32 $0x1F0, s4;
	v11 =	vld [tilespmem:s17+$0x8880]  }
0x144: {  	v3 =	vld [tilespmem:s4+$0x280]  }
0x145: {  	v12 =	vld [tilespmem:s17+$0x8C90]  }
0x146: {  	v13 =	vld [tilespmem:s17+$0x8CA0]  }
0x147: {  	v14 =	vld [tilespmem:s17+$0x8CB0]  }
0x148: {  	v15 =	vld [tilespmem:s17+$0x8CC0]  }
0x149: {  	v16 =	vld [tilespmem:s17+$0x8CD0];
	v5 =	vmul.f32 v5, v3  }
0x14a: {  	v17 =	vld [tilespmem:s17+$0x8CE0];
	v6 =	vmul.f32 v6, v3  }
0x14b: {  	v57 =	vld [tilespmem:s17+$0x94B0];
	v11 =	vmul.f32 v11, v3;
	[tilespmem:s17+$0x8C80] =	vst v5  }
0x14c: {  	v58 =	vld [tilespmem:s17+$0x94C0];
	v9 =	vmul.f32 v9, v3;
	[tilespmem:s17+$0x88F0] =	vst v6  }
0x14d: {  	v59 =	vld [tilespmem:s17+$0x9C90];
	v10 =	vmul.f32 v10, v3;
	[tilespmem:s17+$0x8880] =	vst v11  }
0x14e: {  	v60 =	vld [tilespmem:s17+$0x9CA0];
	v7 =	vmul.f32 v7, v3;
	[tilespmem:s17+$0x88B0] =	vst v9  }
0x14f: {  	v61 =	vld [tilespmem:s17+$0x9CE0];
	v8 =	vmul.f32 v8, v3;
	[tilespmem:s17+$0x88A0] =	vst v10  }
0x150: {  	v62 =	vld [tilespmem:s17+$0xA480];
	v12 =	vmul.f32 v12, v3;
	[tilespmem:s17+$0x88E0] =	vst v7  }
0x151: {  	v63 =	vld [tilespmem:s17+$0xA4C0];
	v13 =	vmul.f32 v13, v3;
	[tilespmem:s17+$0x88C0] =	vst v8  }
0x152: {  	v18 =	vld [tilespmem:s17+$0xA4D0];
	v14 =	vmul.f32 v14, v3;
	[tilespmem:s17+$0x8C90] =	vst v12  }
0x153: {  	v16 =	vmul.f32 v16, v3;
	v5 =	vld [tilespmem:s17+$0x8CF0];
	[tilespmem:s17+$0x8CA0] =	vst v13  }
0x154: {  	v17 =	vmul.f32 v17, v3;
	v6 =	vld [tilespmem:s17+$0x9080];
	[tilespmem:s17+$0x8CB0] =	vst v14  }
0x155: {  	v11 =	vmul.f32 v15, v3;
	v15 =	vld [tilespmem:s17+$0x9090];
	[tilespmem:s17+$0x8CD0] =	vst v16  }
0x156: {  	v9 =	vld [tilespmem:s17+$0x90A0];
	[tilespmem:s17+$0x8CE0] =	vst v17;
	v16 =	vmul.f32 v57, v3  }
0x157: {  	v10 =	vld [tilespmem:s17+$0x90C0];
	v17 =	vmul.f32 v58, v3;
	[tilespmem:s17+$0x8CC0] =	vst v11  }
0x158: {  	v7 =	vld [tilespmem:s17+$0x90D0];
	[tilespmem:s17+$0x94B0] =	vst v16;
	v16 =	vmul.f32 v60, v3  }
0x159: {  	v8 =	vld [tilespmem:s17+$0x90E0];
	[tilespmem:s17+$0x94C0] =	vst v17;
	v17 =	vmul.f32 v61, v3  }
0x15a: {  	v12 =	vld [tilespmem:s17+$0x90F0];
	[tilespmem:s17+$0x9CA0] =	vst v16;
	v5 =	vmul.f32 v5, v3  }
0x15b: {  	v13 =	vld [tilespmem:s17+$0x9480];
	[tilespmem:s17+$0x9CE0] =	vst v17;
	v6 =	vmul.f32 v6, v3  }
0x15c: {  	v14 =	vld [tilespmem:s17+$0x9490];
	v15 =	vmul.f32 v15, v3;
	[tilespmem:s17+$0x8CF0] =	vst v5  }
0x15d: {  	v11 =	vld [tilespmem:s17+$0x90B0];
	v9 =	vmul.f32 v9, v3;
	[tilespmem:s17+$0x9080] =	vst v6  }
0x15e: {  	v10 =	vmul.f32 v10, v3;
	v5 =	vld [tilespmem:s17+$0x94D0];
	[tilespmem:s17+$0x9090] =	vst v15  }
0x15f: {  	v7 =	vmul.f32 v7, v3;
	v6 =	vld [tilespmem:s17+$0x94E0];
	[tilespmem:s17+$0x90A0] =	vst v9  }
0x160: {  	v8 =	vmul.f32 v8, v3;
	v15 =	vld [tilespmem:s17+$0x94F0];
	[tilespmem:s17+$0x90C0] =	vst v10  }
0x161: {  	v12 =	vmul.f32 v12, v3;
	v9 =	vld [tilespmem:s17+$0x9880];
	[tilespmem:s17+$0x90D0] =	vst v7  }
0x162: {  	v11 =	vmul.f32 v11, v3;
	v10 =	vld [tilespmem:s17+$0x98A0];
	[tilespmem:s17+$0x90E0] =	vst v8  }
0x163: {  	v13 =	vmul.f32 v13, v3;
	v7 =	vld [tilespmem:s17+$0x98B0];
	[tilespmem:s17+$0x90F0] =	vst v12  }
0x164: {  	v14 =	vmul.f32 v14, v3;
	[tilespmem:s17+$0x90B0] =	vst v11;
	v11 =	vld [tilespmem:s17+$0x94A0]  }
0x165: {  	v8 =	vld [tilespmem:s17+$0x98C0];
	[tilespmem:s17+$0x9480] =	vst v13;
	v5 =	vmul.f32 v5, v3  }
0x166: {  	v12 =	vld [tilespmem:s17+$0x98D0];
	[tilespmem:s17+$0x9490] =	vst v14;
	v6 =	vmul.f32 v6, v3  }
0x167: {  	v13 =	vld [tilespmem:s17+$0x98E0];
	v15 =	vmul.f32 v15, v3;
	[tilespmem:s17+$0x94D0] =	vst v5  }
0x168: {  	v14 =	vld [tilespmem:s17+$0x98F0];
	v9 =	vmul.f32 v9, v3;
	[tilespmem:s17+$0x94E0] =	vst v6  }
0x169: {  	v11 =	vmul.f32 v11, v3;
	v5 =	vld [tilespmem:s17+$0x9CB0];
	[tilespmem:s17+$0x94F0] =	vst v15  }
0x16a: {  	v10 =	vmul.f32 v10, v3;
	v6 =	vld [tilespmem:s17+$0x9CC0];
	[tilespmem:s17+$0x9880] =	vst v9  }
0x16b: {  	v9 =	vmul.f32 v59, v3;
	[tilespmem:s17+$0x94A0] =	vst v11;
	v11 =	vld [tilespmem:s17+$0x9890]  }
0x16c: {  	v7 =	vmul.f32 v7, v3;
	v15 =	vld [tilespmem:s17+$0x9CD0];
	[tilespmem:s17+$0x98A0] =	vst v10  }
0x16d: {  	v8 =	vmul.f32 v8, v3;
	[tilespmem:s17+$0x9C90] =	vst v9;
	v9 =	vld [tilespmem:s17+$0xA080]  }
0x16e: {  	v12 =	vmul.f32 v12, v3;
	v10 =	vld [tilespmem:s17+$0x9CF0];
	[tilespmem:s17+$0x98B0] =	vst v7  }
0x16f: {  	v13 =	vmul.f32 v13, v3;
	v7 =	vld [tilespmem:s17+$0xA090];
	[tilespmem:s17+$0x98C0] =	vst v8  }
0x170: {  	v8 =	vld [tilespmem:s17+$0xA0A0];
	[tilespmem:s17+$0x98D0] =	vst v12;
	v11 =	vmul.f32 v11, v3  }
0x171: {  	v14 =	vmul.f32 v14, v3;
	v12 =	vld [tilespmem:s17+$0xA0B0];
	[tilespmem:s17+$0x98E0] =	vst v13  }
0x172: {  	v9 =	vmul.f32 v9, v3;
	[tilespmem:s17+$0x9890] =	vst v11;
	v11 =	vld [tilespmem:s17+$0x9C80]  }
0x173: {  	v13 =	vld [tilespmem:s17+$0xA0C0];
	[tilespmem:s17+$0x98F0] =	vst v14;
	v5 =	vmul.f32 v5, v3  }
0x174: {  	v6 =	vmul.f32 v6, v3;
	[tilespmem:s17+$0xA080] =	vst v9;
	v9 =	vld [tilespmem:s17+$0xA0F0]  }
0x175: {  	v14 =	vld [tilespmem:s17+$0xA0D0];
	v15 =	vmul.f32 v15, v3;
	[tilespmem:s17+$0x9CB0] =	vst v5  }
0x176: {  	v10 =	vmul.f32 v10, v3;
	v5 =	vld [tilespmem:s17+$0xA490];
	[tilespmem:s17+$0x9CC0] =	vst v6  }
0x177: {  	v6 =	vld [tilespmem:s17+$0xA4A0];
	[tilespmem:s17+$0x9CD0] =	vst v15;
	v11 =	vmul.f32 v11, v3  }
0x178: {  	v7 =	vmul.f32 v7, v3;
	v15 =	vld [tilespmem:s17+$0xA4B0];
	[tilespmem:s17+$0x9CF0] =	vst v10  }
0x179: {  	v9 =	vmul.f32 v9, v3;
	[tilespmem:s17+$0x9C80] =	vst v11;
	v11 =	vld [tilespmem:s17+$0xA0E0]  }
0x17a: {  	v19 =	vld [tilespmem:s17+$0xA4E0];
	v4 =	vmul.f32 v4, v3;
	v8 =	vmul.f32 v8, v3;
	[tilespmem:s17+$0xA090] =	vst v7  }
0x17b: {  	v20 =	vld [tilespmem:s17+$0xA4F0];
	v7 =	vmul.f32 v62, v3;
	[tilespmem:s17+$0xA0F0] =	vst v9;
	v9 =	vmul.f32 v12, v3  }
0x17c: {  	[tilespmem:s17+$0xA0A0] =	vst v8;
	v8 =	vmul.f32 v5, v3;
	v12 =	vmul.f32 v13, v3  }
0x17d: {  	v5 =	vmul.f32 v6, v3;
	v13 =	vmul.f32 v14, v3;
	[tilespmem:s17+$0xA0B0] =	vst v9  }
0x17e: {  	v10 =	vmul.f32 v15, v3;
	[tilespmem:s17+$0xA0C0] =	vst v12;
	v11 =	vmul.f32 v11, v3  }
0x17f: {  	v6 =	vmul.f32 v18, v3;
	v9 =	vmul.f32 v63, v3;
	[tilespmem:s17+$0xA0D0] =	vst v13  }
0x180: {  	s18 =	simm.s32 $0x10;
	s19 =	simm.s32 $0x400;
	s4 =	simm.s32 $0x80;
	v13 =	vmul.f32 v19, v3;
	v12 =	vld [tilespmem:s17+$0x8890];
	[tilespmem:s17+$0xA0E0] =	vst v11;
	v11 =	vmul.f32 v20, v3  }
.LBB2_4:
0x181: {  	s5 =	sand.u32 $0x1F0, s18;
	s20 =	sand.u32 $0x6000, s19;
	s21 =	sand.u32 $0x380, s4;
	[tilespmem:s17+$0x88D0] =	vst v4  }
0x182: {  	p0 =	sne.s32 s18, $0x1F0;
	s18 =	sadd.s32 $0x10, s18;
	s20 =	sor.u32 s21, s20;
	[tilespmem:s17+$0xA4E0] =	vst v13  }
0x183: {  	v4 =	vld [tilespmem:s20+$0x8C80];
	[tilespmem:s17+$0xA480] =	vst v7  }
0x184: {  	v7 =	vld [tilespmem:s20+$0x88F0];
	[tilespmem:s17+$0xA490] =	vst v8  }
0x185: {  	v8 =	vld [tilespmem:s20+$0x88E0];
	v3 =	vmul.f32 v12, v3;
	[tilespmem:s17+$0xA4B0] =	vst v10  }
0x186: {  	v10 =	vld [tilespmem:s20+$0x88D0];
	[tilespmem:s17+$0xA4A0] =	vst v5  }
0x187: {  	v5 =	vld [tilespmem:s20+$0x88C0];
	[tilespmem:s17+$0xA4C0] =	vst v9  }
0x188: {  	v9 =	vld [tilespmem:s20+$0x88B0];
	[tilespmem:s17+$0x8890] =	vst v3  }
0x189: {  	v12 =	vld [tilespmem:s20+$0x88A0];
	[tilespmem:s17+$0xA4D0] =	vst v6  }
0x18a: {  	v6 =	vld [tilespmem:s20+$0x8880];
	[tilespmem:s17+$0xA4F0] =	vst v11;
	s17 =	smov.u32 s20  }
0x18b: {  	v3 =	vld [tilespmem:s5+$0x280]  }
0x18c: {  	v11 =	vld [tilespmem:s17+$0x8C90]  }
0x18d: {  	v13 =	vld [tilespmem:s17+$0x8CA0]  }
0x18e: {  	v14 =	vld [tilespmem:s17+$0x8CB0]  }
0x18f: {  	v15 =	vld [tilespmem:s17+$0x8CC0]  }
0x190: {  	v7 =	vmul.f32 v7, v3;
	v4 =	vmul.f32 v4, v3;
	v16 =	vld [tilespmem:s17+$0x8CD0]  }
0x191: {  	v9 =	vmul.f32 v9, v3;
	v8 =	vmul.f32 v8, v3;
	v17 =	vld [tilespmem:s17+$0x8CE0]  }
0x192: {  	v6 =	vmul.f32 v6, v3;
	v12 =	vmul.f32 v12, v3;
	[tilespmem:s17+$0x8C80] =	vst v4;
	v18 =	vld [tilespmem:s17+$0x8CF0]  }
0x193: {  	[tilespmem:s17+$0x88F0] =	vst v7;
	v7 =	vmul.f32 v11, v3;
	v11 =	vmul.f32 v13, v3;
	v13 =	vld [tilespmem:s17+$0x9080]  }
0x194: {  	[tilespmem:s17+$0x8880] =	vst v6;
	v6 =	vmul.f32 v14, v3;
	v14 =	vmul.f32 v15, v3;
	v15 =	vld [tilespmem:s17+$0x9090]  }
0x195: {  	v5 =	vmul.f32 v5, v3;
	[tilespmem:s17+$0x88B0] =	vst v9;
	v9 =	vmul.f32 v16, v3;
	v16 =	vld [tilespmem:s17+$0x90A0]  }
0x196: {  	v4 =	vmul.f32 v10, v3;
	[tilespmem:s17+$0x8CC0] =	vst v14;
	v10 =	vmul.f32 v17, v3;
	v14 =	vld [tilespmem:s17+$0x90B0]  }
0x197: {  	[tilespmem:s17+$0x88A0] =	vst v12;
	v12 =	vmul.f32 v18, v3;
	v17 =	vld [tilespmem:s17+$0x90C0]  }
0x198: {  	[tilespmem:s17+$0x88E0] =	vst v8;
	v8 =	vmul.f32 v13, v3;
	v13 =	vld [tilespmem:s17+$0x90D0]  }
0x199: {  	[tilespmem:s17+$0x88C0] =	vst v5;
	v5 =	vmul.f32 v15, v3;
	v15 =	vld [tilespmem:s17+$0x90E0]  }
0x19a: {  	[tilespmem:s17+$0x8C90] =	vst v7;
	v7 =	vmul.f32 v16, v3;
	v16 =	vld [tilespmem:s17+$0x90F0]  }
0x19b: {  	[tilespmem:s17+$0x8CA0] =	vst v11;
	v11 =	vmul.f32 v14, v3;
	v14 =	vld [tilespmem:s17+$0x9480]  }
0x19c: {  	[tilespmem:s17+$0x8CB0] =	vst v6;
	v6 =	vmul.f32 v17, v3;
	v17 =	vld [tilespmem:s17+$0x9490]  }
0x19d: {  	[tilespmem:s17+$0x90B0] =	vst v11;
	v11 =	vmul.f32 v13, v3;
	v13 =	vld [tilespmem:s17+$0x94A0]  }
0x19e: {  	[tilespmem:s17+$0x8CD0] =	vst v9;
	v9 =	vmul.f32 v15, v3;
	v15 =	vld [tilespmem:s17+$0x94B0]  }
0x19f: {  	[tilespmem:s17+$0x8CE0] =	vst v10;
	v10 =	vmul.f32 v16, v3;
	v16 =	vld [tilespmem:s17+$0x94C0]  }
0x1a0: {  	[tilespmem:s17+$0x8CF0] =	vst v12;
	v12 =	vmul.f32 v14, v3;
	v14 =	vld [tilespmem:s17+$0x94D0]  }
0x1a1: {  	[tilespmem:s17+$0x9080] =	vst v8;
	v8 =	vmul.f32 v17, v3;
	v17 =	vld [tilespmem:s17+$0x94E0]  }
0x1a2: {  	[tilespmem:s17+$0x9090] =	vst v5;
	v5 =	vmul.f32 v13, v3;
	v13 =	vld [tilespmem:s17+$0x94F0]  }
0x1a3: {  	[tilespmem:s17+$0x90A0] =	vst v7;
	v7 =	vmul.f32 v15, v3;
	v15 =	vld [tilespmem:s17+$0x9880]  }
0x1a4: {  	[tilespmem:s17+$0x94A0] =	vst v5;
	v5 =	vmul.f32 v16, v3;
	v16 =	vld [tilespmem:s17+$0x9890]  }
0x1a5: {  	[tilespmem:s17+$0x90C0] =	vst v6;
	v6 =	vmul.f32 v14, v3;
	v14 =	vld [tilespmem:s17+$0x98A0]  }
0x1a6: {  	[tilespmem:s17+$0x90D0] =	vst v11;
	v11 =	vmul.f32 v17, v3;
	v17 =	vld [tilespmem:s17+$0x98B0]  }
0x1a7: {  	[tilespmem:s17+$0x90E0] =	vst v9;
	v9 =	vmul.f32 v13, v3;
	v13 =	vld [tilespmem:s17+$0x98C0]  }
0x1a8: {  	[tilespmem:s17+$0x90F0] =	vst v10;
	v10 =	vmul.f32 v15, v3;
	v15 =	vld [tilespmem:s17+$0x98D0]  }
0x1a9: {  	[tilespmem:s17+$0x9480] =	vst v12;
	v12 =	vmul.f32 v16, v3;
	v16 =	vld [tilespmem:s17+$0x98E0]  }
0x1aa: {  	[tilespmem:s17+$0x9490] =	vst v8;
	v8 =	vmul.f32 v14, v3;
	v14 =	vld [tilespmem:s17+$0x98F0]  }
0x1ab: {  	[tilespmem:s17+$0x9890] =	vst v12;
	v12 =	vmul.f32 v17, v3;
	v17 =	vld [tilespmem:s17+$0x9C80]  }
0x1ac: {  	[tilespmem:s17+$0x94C0] =	vst v5;
	v5 =	vmul.f32 v13, v3;
	v13 =	vld [tilespmem:s17+$0x9C90]  }
0x1ad: {  	[tilespmem:s17+$0x94B0] =	vst v7;
	v7 =	vmul.f32 v15, v3;
	v15 =	vld [tilespmem:s17+$0x9CA0]  }
0x1ae: {  	[tilespmem:s17+$0x94D0] =	vst v6;
	v6 =	vmul.f32 v16, v3;
	v16 =	vld [tilespmem:s17+$0x9CB0]  }
0x1af: {  	[tilespmem:s17+$0x94E0] =	vst v11;
	v11 =	vmul.f32 v14, v3;
	v14 =	vld [tilespmem:s17+$0x9CC0]  }
0x1b0: {  	[tilespmem:s17+$0x94F0] =	vst v9;
	v9 =	vmul.f32 v17, v3;
	v17 =	vld [tilespmem:s17+$0x9CD0]  }
0x1b1: {  	[tilespmem:s17+$0x9880] =	vst v10;
	v10 =	vmul.f32 v13, v3;
	v13 =	vld [tilespmem:s17+$0x9CE0]  }
0x1b2: {  	[tilespmem:s17+$0x98A0] =	vst v8;
	v8 =	vmul.f32 v15, v3;
	v15 =	vld [tilespmem:s17+$0x9CF0]  }
0x1b3: {  	[tilespmem:s17+$0x9C90] =	vst v10;
	v10 =	vmul.f32 v16, v3;
	v16 =	vld [tilespmem:s17+$0xA080]  }
0x1b4: {  	[tilespmem:s17+$0x98B0] =	vst v12;
	v12 =	vmul.f32 v14, v3;
	v14 =	vld [tilespmem:s17+$0xA090]  }
0x1b5: {  	[tilespmem:s17+$0x98C0] =	vst v5;
	v5 =	vmul.f32 v17, v3;
	v17 =	vld [tilespmem:s17+$0xA0A0]  }
0x1b6: {  	[tilespmem:s17+$0x98D0] =	vst v7;
	v7 =	vmul.f32 v13, v3;
	v13 =	vld [tilespmem:s17+$0xA0B0]  }
0x1b7: {  	[tilespmem:s17+$0x98E0] =	vst v6;
	v6 =	vmul.f32 v15, v3;
	v15 =	vld [tilespmem:s17+$0xA0C0]  }
0x1b8: {  	[tilespmem:s17+$0x98F0] =	vst v11;
	v11 =	vmul.f32 v16, v3;
	v16 =	vld [tilespmem:s17+$0xA0D0]  }
0x1b9: {  	[tilespmem:s17+$0x9C80] =	vst v9;
	v9 =	vmul.f32 v14, v3;
	v14 =	vld [tilespmem:s17+$0xA0E0]  }
0x1ba: {  	[tilespmem:s17+$0xA080] =	vst v11;
	v11 =	vmul.f32 v17, v3;
	v17 =	vld [tilespmem:s17+$0xA0F0]  }
0x1bb: {  	[tilespmem:s17+$0x9CA0] =	vst v8;
	v13 =	vmul.f32 v13, v3;
	v8 =	vld [tilespmem:s17+$0xA480]  }
0x1bc: {  	[tilespmem:s17+$0x9CB0] =	vst v10;
	v15 =	vmul.f32 v15, v3;
	v10 =	vld [tilespmem:s17+$0xA490]  }
0x1bd: {  	[tilespmem:s17+$0x9CC0] =	vst v12;
	v12 =	vmul.f32 v16, v3;
	v16 =	vld [tilespmem:s17+$0xA4A0]  }
0x1be: {  	[tilespmem:s17+$0x9CD0] =	vst v5;
	v14 =	vmul.f32 v14, v3;
	v18 =	vld [tilespmem:s17+$0xA4B0]  }
0x1bf: {  	[tilespmem:s17+$0x9CE0] =	vst v7;
	v5 =	vmul.f32 v17, v3;
	v17 =	vld [tilespmem:s17+$0xA4C0]  }
0x1c0: {  	[tilespmem:s17+$0x9CF0] =	vst v6;
	v7 =	vmul.f32 v8, v3;
	v6 =	vld [tilespmem:s17+$0xA4D0]  }
0x1c1: {  	[tilespmem:s17+$0xA0F0] =	vst v5;
	v8 =	vmul.f32 v10, v3;
	v19 =	vld [tilespmem:s17+$0xA4E0]  }
0x1c2: {  	[tilespmem:s17+$0xA090] =	vst v9;
	v5 =	vmul.f32 v16, v3;
	v16 =	vld [tilespmem:s17+$0xA4F0]  }
.Ltmp1:
0x1c3: {  	[tilespmem:s17+$0xA0A0] =	vst v11;
	v10 =	vmul.f32 v18, v3;
	(pc) =	sbr.rel @p0 .LBB2_4-.Ltmp1, $4  }
0x1c4: {  	[tilespmem:s17+$0xA0B0] =	vst v13;
	v9 =	vmul.f32 v17, v3  }
0x1c5: {  	[tilespmem:s17+$0xA0C0] =	vst v15;
	v6 =	vmul.f32 v6, v3  }
0x1c6: {  	[tilespmem:s17+$0xA0D0] =	vst v12;
	v13 =	vmul.f32 v19, v3  }
0x1c7: {  	s4 =	sadd.s32 $0x80, s4;
	s19 =	sadd.s32 $0x400, s19;
	v12 =	vld [tilespmem:s17+$0x8890];
	[tilespmem:s17+$0xA0E0] =	vst v14;
	v11 =	vmul.f32 v16, v3  }
0x1c8: {  	[tilespmem:s17+$0x88D0] =	vst v4  }
0x1c9: {  	[tilespmem:s17+$0xA4E0] =	vst v13  }
0x1ca: {  	[tilespmem:s17+$0xA480] =	vst v7  }
0x1cb: {  	[tilespmem:s17+$0xA490] =	vst v8  }
0x1cc: {  	[tilespmem:s17+$0xA4B0] =	vst v10  }
0x1cd: {  	[tilespmem:s17+$0xA4A0] =	vst v5  }
0x1ce: {  	[tilespmem:s17+$0xA4C0] =	vst v9  }
0x1cf: {  	[tilespmem:s17+$0xA4D0] =	vst v6;
	v3 =	vmul.f32 v12, v3  }
0x1d0: {  	[tilespmem:s17+$0xA4F0] =	vst v11  }
0x1d1: {  	s4 =	simm.s32 $0x0;
	[tilespmem:s17+$0x8890] =	vst v3  }
0x1d2: {  	[hbm4b:s10+s4] =	stream.linear.scatter [tilespmem:s0], [sflag:$0x3], $0x8000, $0x38;
	[tilespmem:$0x10880] =	vst v63  }
0x1d3: {  	_ =	swait.ge [sflag:s14], $0x8000  }
0x1d4: {  	[sflag:s14] =	ssyncset.done $0x0  }
0x1d5: {  	[sflag:s14] =	ssyncadd.s32 $0xFFFF8000  }
0x1d6: {  	v3 =	vld [tilespmem:$0x60];
	_ =	sdelay $0x4  }
0x1d7: {  	v4 =	vshll.u32 v3, $0x3  }
0x1d8: {  	v3 =	vand.u32 $0x7, v3;
	v4 =	vand.u32 $0xFFFFFFC0, v4  }
0x1d9: {  	v3 =	vor.u32 v3, v4  }
0x1da: {  	v4 =	vperm.xlane v3, v0;
	_ =	sdelay $0x1  }
0x1db: {  	v4 =	vadd.s32 v1, v4;
	_ =	sdelay $0x4  }
0x1dc: {  	[tilespmem:s0], [sflag:$0x2] =	stream.indirect_vreg.gather [hbm4b:s1+s4], $0x80, v4, vm0, $0xb8;
	[tilespmem:$0x10880] =	vst v63  }
0x1dd: {  	s5 =	simm.s32 $0x9080;
	v3 =	vperm.xlane v3, v2  }
0x1de: {  	[tilespmem:s5], [sflag:$0x2] =	stream.indirect_vreg.gather [hbm4b:s6+s4], $0x80, v4, vm0, $0xb8;
	[tilespmem:$0x10880] =	vst v63  }
0x1df: {  	s19 =	simm.s32 $0x9880;
	v3 =	vadd.s32 v1, v3  }
0x1e0: {  	[tilespmem:s19], [sflag:$0x2] =	stream.indirect_vreg.gather [hbm4b:s8+s4], $0x80, v4, vm0, $0xb8;
	[tilespmem:$0x10880] =	vst v63  }
0x1e1: {  	s20 =	simm.s32 $0xA080  }
0x1e2: {  	[tilespmem:s20], [sflag:$0x2] =	stream.indirect_vreg.gather [hbm4b:s9+s4], $0x80, v4, vm0, $0xb8;
	[tilespmem:$0x10880] =	vst v63  }
0x1e3: {  	s21 =	simm.s32 $0xA880  }
0x1e4: {  	[tilespmem:s21], [sflag:$0x2] =	stream.indirect_vreg.gather [hbm4b:s1+s4], $0x80, v3, vm0, $0xb8;
	[tilespmem:$0x10880] =	vst v63  }
0x1e5: {  	s17 =	simm.s32 $0xB080  }
0x1e6: {  	[tilespmem:s17], [sflag:$0x2] =	stream.indirect_vreg.gather [hbm4b:s6+s4], $0x80, v3, vm0, $0xb8;
	[tilespmem:$0x10880] =	vst v63  }
0x1e7: {  	s18 =	simm.s32 $0xB880  }
0x1e8: {  	[tilespmem:s18], [sflag:$0x2] =	stream.indirect_vreg.gather [hbm4b:s8+s4], $0x80, v3, vm0, $0xb8;
	[tilespmem:$0x10880] =	vst v63  }
0x1e9: {  	s19 =	simm.s32 $0xC080  }
0x1ea: {  	[tilespmem:s19], [sflag:$0x2] =	stream.indirect_vreg.gather [hbm4b:s9+s4], $0x80, v3, vm0, $0xb8;
	[tilespmem:$0x10880] =	vst v63  }
0x1eb: {  	v3 =	vld [tilespmem:$0x70];
	_ =	sdelay $0x4  }
0x1ec: {  	v4 =	vshll.u32 v3, $0x3  }
0x1ed: {  	v3 =	vand.u32 $0x7, v3;
	v4 =	vand.u32 $0xFFFFFFC0, v4  }
0x1ee: {  	v3 =	vor.u32 v3, v4  }
0x1ef: {  	v4 =	vperm.xlane v3, v0;
	_ =	sdelay $0x1  }
0x1f0: {  	v4 =	vadd.s32 v1, v4;
	_ =	sdelay $0x4  }
0x1f1: {  	[tilespmem:s22], [sflag:$0x2] =	stream.indirect_vreg.gather [hbm4b:s1+s4], $0x80, v4, vm0, $0xb8;
	[tilespmem:$0x10880] =	vst v63  }
0x1f2: {  	v3 =	vperm.xlane v3, v2  }
0x1f3: {  	[tilespmem:s23], [sflag:$0x2] =	stream.indirect_vreg.gather [hbm4b:s6+s4], $0x80, v4, vm0, $0xb8;
	[tilespmem:$0x10880] =	vst v63  }
0x1f4: {  	v3 =	vadd.s32 v1, v3  }
0x1f5: {  	[tilespmem:s24], [sflag:$0x2] =	stream.indirect_vreg.gather [hbm4b:s8+s4], $0x80, v4, vm0, $0xb8;
	[tilespmem:$0x10880] =	vst v63  }
0x1f6: {  	_ = 	snop  }
0x1f7: {  	[tilespmem:s25], [sflag:$0x2] =	stream.indirect_vreg.gather [hbm4b:s9+s4], $0x80, v4, vm0, $0xb8;
	[tilespmem:$0x10880] =	vst v63  }
0x1f8: {  	_ = 	snop  }
0x1f9: {  	[tilespmem:s26], [sflag:$0x2] =	stream.indirect_vreg.gather [hbm4b:s1+s4], $0x80, v3, vm0, $0xb8;
	[tilespmem:$0x10880] =	vst v63  }
0x1fa: {  	_ = 	snop  }
0x1fb: {  	[tilespmem:s28], [sflag:$0x2] =	stream.indirect_vreg.gather [hbm4b:s6+s4], $0x80, v3, vm0, $0xb8;
	[tilespmem:$0x10880] =	vst v63  }
0x1fc: {  	_ = 	snop  }
0x1fd: {  	[tilespmem:s29], [sflag:$0x2] =	stream.indirect_vreg.gather [hbm4b:s8+s4], $0x80, v3, vm0, $0xb8;
	[tilespmem:$0x10880] =	vst v63  }
0x1fe: {  	_ = 	snop  }
0x1ff: {  	[tilespmem:s30], [sflag:$0x2] =	stream.indirect_vreg.gather [hbm4b:s9+s4], $0x80, v3, vm0, $0xb8;
	[tilespmem:$0x10880] =	vst v63  }
0x200: {  	_ =	swait.ge [sflag:s31], $0x8000  }
0x201: {  	s20 =	sand.u32 $0x6000, s4;
	s21 =	sand.u32 $0x380, s4;
	[sflag:s31] =	ssyncset.done $0x0  }
0x202: {  	s17 =	sor.u32 s21, s20;
	[sflag:s31] =	ssyncadd.s32 $0xFFFF8000  }
0x203: {  	v5 =	vld [tilespmem:s17+$0xC80]  }
0x204: {  	v6 =	vld [tilespmem:s17+$0x8F0]  }
0x205: {  	v7 =	vld [tilespmem:s17+$0x8E0]  }
0x206: {  	v4 =	vld [tilespmem:s17+$0x8D0]  }
0x207: {  	v8 =	vld [tilespmem:s17+$0x8C0]  }
0x208: {  	v9 =	vld [tilespmem:s17+$0x8B0]  }
0x209: {  	v10 =	vld [tilespmem:s17+$0x8A0]  }
0x20a: {  	s4 =	sand.u32 $0x1F0, s4;
	v11 =	vld [tilespmem:s17+$0x880]  }
0x20b: {  	v3 =	vld [tilespmem:s4+$0x480]  }
0x20c: {  	v12 =	vld [tilespmem:s17+$0xC90]  }
0x20d: {  	v13 =	vld [tilespmem:s17+$0xCA0]  }
0x20e: {  	v14 =	vld [tilespmem:s17+$0xCB0]  }
0x20f: {  	v15 =	vld [tilespmem:s17+$0xCC0]  }
0x210: {  	v16 =	vld [tilespmem:s17+$0xCD0];
	v5 =	vmul.f32 v5, v3  }
0x211: {  	v17 =	vld [tilespmem:s17+$0xCE0];
	v6 =	vmul.f32 v6, v3  }
0x212: {  	v57 =	vld [tilespmem:s17+$0x14B0];
	v11 =	vmul.f32 v11, v3;
	[tilespmem:s17+$0xC80] =	vst v5  }
0x213: {  	v58 =	vld [tilespmem:s17+$0x14C0];
	v9 =	vmul.f32 v9, v3;
	[tilespmem:s17+$0x8F0] =	vst v6  }
0x214: {  	v59 =	vld [tilespmem:s17+$0x1C90];
	v10 =	vmul.f32 v10, v3;
	[tilespmem:s17+$0x880] =	vst v11  }
0x215: {  	v60 =	vld [tilespmem:s17+$0x1CA0];
	v7 =	vmul.f32 v7, v3;
	[tilespmem:s17+$0x8B0] =	vst v9  }
0x216: {  	v61 =	vld [tilespmem:s17+$0x1CE0];
	v8 =	vmul.f32 v8, v3;
	[tilespmem:s17+$0x8A0] =	vst v10  }
0x217: {  	v62 =	vld [tilespmem:s17+$0x2480];
	v12 =	vmul.f32 v12, v3;
	[tilespmem:s17+$0x8E0] =	vst v7  }
0x218: {  	v63 =	vld [tilespmem:s17+$0x24C0];
	v13 =	vmul.f32 v13, v3;
	[tilespmem:s17+$0x8C0] =	vst v8  }
0x219: {  	v18 =	vld [tilespmem:s17+$0x24D0];
	v14 =	vmul.f32 v14, v3;
	[tilespmem:s17+$0xC90] =	vst v12  }
0x21a: {  	v16 =	vmul.f32 v16, v3;
	v5 =	vld [tilespmem:s17+$0xCF0];
	[tilespmem:s17+$0xCA0] =	vst v13  }
0x21b: {  	v17 =	vmul.f32 v17, v3;
	v6 =	vld [tilespmem:s17+$0x1080];
	[tilespmem:s17+$0xCB0] =	vst v14  }
0x21c: {  	v11 =	vmul.f32 v15, v3;
	v15 =	vld [tilespmem:s17+$0x1090];
	[tilespmem:s17+$0xCD0] =	vst v16  }
0x21d: {  	v9 =	vld [tilespmem:s17+$0x10A0];
	[tilespmem:s17+$0xCE0] =	vst v17;
	v16 =	vmul.f32 v57, v3  }
0x21e: {  	v10 =	vld [tilespmem:s17+$0x10C0];
	v17 =	vmul.f32 v58, v3;
	[tilespmem:s17+$0xCC0] =	vst v11  }
0x21f: {  	v7 =	vld [tilespmem:s17+$0x10D0];
	[tilespmem:s17+$0x14B0] =	vst v16;
	v16 =	vmul.f32 v60, v3  }
0x220: {  	v8 =	vld [tilespmem:s17+$0x10E0];
	[tilespmem:s17+$0x14C0] =	vst v17;
	v17 =	vmul.f32 v61, v3  }
0x221: {  	v12 =	vld [tilespmem:s17+$0x10F0];
	[tilespmem:s17+$0x1CA0] =	vst v16;
	v5 =	vmul.f32 v5, v3  }
0x222: {  	v13 =	vld [tilespmem:s17+$0x1480];
	[tilespmem:s17+$0x1CE0] =	vst v17;
	v6 =	vmul.f32 v6, v3  }
0x223: {  	v14 =	vld [tilespmem:s17+$0x1490];
	v15 =	vmul.f32 v15, v3;
	[tilespmem:s17+$0xCF0] =	vst v5  }
0x224: {  	v11 =	vld [tilespmem:s17+$0x10B0];
	v9 =	vmul.f32 v9, v3;
	[tilespmem:s17+$0x1080] =	vst v6  }
0x225: {  	v10 =	vmul.f32 v10, v3;
	v5 =	vld [tilespmem:s17+$0x14D0];
	[tilespmem:s17+$0x1090] =	vst v15  }
0x226: {  	v7 =	vmul.f32 v7, v3;
	v6 =	vld [tilespmem:s17+$0x14E0];
	[tilespmem:s17+$0x10A0] =	vst v9  }
0x227: {  	v8 =	vmul.f32 v8, v3;
	v15 =	vld [tilespmem:s17+$0x14F0];
	[tilespmem:s17+$0x10C0] =	vst v10  }
0x228: {  	v12 =	vmul.f32 v12, v3;
	v9 =	vld [tilespmem:s17+$0x1880];
	[tilespmem:s17+$0x10D0] =	vst v7  }
0x229: {  	v11 =	vmul.f32 v11, v3;
	v10 =	vld [tilespmem:s17+$0x18A0];
	[tilespmem:s17+$0x10E0] =	vst v8  }
0x22a: {  	v13 =	vmul.f32 v13, v3;
	v7 =	vld [tilespmem:s17+$0x18B0];
	[tilespmem:s17+$0x10F0] =	vst v12  }
0x22b: {  	v14 =	vmul.f32 v14, v3;
	[tilespmem:s17+$0x10B0] =	vst v11;
	v11 =	vld [tilespmem:s17+$0x14A0]  }
0x22c: {  	v8 =	vld [tilespmem:s17+$0x18C0];
	[tilespmem:s17+$0x1480] =	vst v13;
	v5 =	vmul.f32 v5, v3  }
0x22d: {  	v12 =	vld [tilespmem:s17+$0x18D0];
	[tilespmem:s17+$0x1490] =	vst v14;
	v6 =	vmul.f32 v6, v3  }
0x22e: {  	v13 =	vld [tilespmem:s17+$0x18E0];
	v15 =	vmul.f32 v15, v3;
	[tilespmem:s17+$0x14D0] =	vst v5  }
0x22f: {  	v14 =	vld [tilespmem:s17+$0x18F0];
	v9 =	vmul.f32 v9, v3;
	[tilespmem:s17+$0x14E0] =	vst v6  }
0x230: {  	v11 =	vmul.f32 v11, v3;
	v5 =	vld [tilespmem:s17+$0x1CB0];
	[tilespmem:s17+$0x14F0] =	vst v15  }
0x231: {  	v10 =	vmul.f32 v10, v3;
	v6 =	vld [tilespmem:s17+$0x1CC0];
	[tilespmem:s17+$0x1880] =	vst v9  }
0x232: {  	v9 =	vmul.f32 v59, v3;
	[tilespmem:s17+$0x14A0] =	vst v11;
	v11 =	vld [tilespmem:s17+$0x1890]  }
0x233: {  	v7 =	vmul.f32 v7, v3;
	v15 =	vld [tilespmem:s17+$0x1CD0];
	[tilespmem:s17+$0x18A0] =	vst v10  }
0x234: {  	v8 =	vmul.f32 v8, v3;
	[tilespmem:s17+$0x1C90] =	vst v9;
	v9 =	vld [tilespmem:s17+$0x2080]  }
0x235: {  	v12 =	vmul.f32 v12, v3;
	v10 =	vld [tilespmem:s17+$0x1CF0];
	[tilespmem:s17+$0x18B0] =	vst v7  }
0x236: {  	v13 =	vmul.f32 v13, v3;
	v7 =	vld [tilespmem:s17+$0x2090];
	[tilespmem:s17+$0x18C0] =	vst v8  }
0x237: {  	v8 =	vld [tilespmem:s17+$0x20A0];
	[tilespmem:s17+$0x18D0] =	vst v12;
	v11 =	vmul.f32 v11, v3  }
0x238: {  	v14 =	vmul.f32 v14, v3;
	v12 =	vld [tilespmem:s17+$0x20B0];
	[tilespmem:s17+$0x18E0] =	vst v13  }
0x239: {  	v9 =	vmul.f32 v9, v3;
	[tilespmem:s17+$0x1890] =	vst v11;
	v11 =	vld [tilespmem:s17+$0x1C80]  }
0x23a: {  	v13 =	vld [tilespmem:s17+$0x20C0];
	[tilespmem:s17+$0x18F0] =	vst v14;
	v5 =	vmul.f32 v5, v3  }
0x23b: {  	v6 =	vmul.f32 v6, v3;
	[tilespmem:s17+$0x2080] =	vst v9;
	v9 =	vld [tilespmem:s17+$0x20F0]  }
0x23c: {  	v14 =	vld [tilespmem:s17+$0x20D0];
	v15 =	vmul.f32 v15, v3;
	[tilespmem:s17+$0x1CB0] =	vst v5  }
0x23d: {  	v10 =	vmul.f32 v10, v3;
	v5 =	vld [tilespmem:s17+$0x2490];
	[tilespmem:s17+$0x1CC0] =	vst v6  }
0x23e: {  	v6 =	vld [tilespmem:s17+$0x24A0];
	[tilespmem:s17+$0x1CD0] =	vst v15;
	v11 =	vmul.f32 v11, v3  }
0x23f: {  	v7 =	vmul.f32 v7, v3;
	v15 =	vld [tilespmem:s17+$0x24B0];
	[tilespmem:s17+$0x1CF0] =	vst v10  }
0x240: {  	v9 =	vmul.f32 v9, v3;
	[tilespmem:s17+$0x1C80] =	vst v11;
	v11 =	vld [tilespmem:s17+$0x20E0]  }
0x241: {  	v19 =	vld [tilespmem:s17+$0x24E0];
	v4 =	vmul.f32 v4, v3;
	v8 =	vmul.f32 v8, v3;
	[tilespmem:s17+$0x2090] =	vst v7  }
0x242: {  	v20 =	vld [tilespmem:s17+$0x24F0];
	v7 =	vmul.f32 v62, v3;
	[tilespmem:s17+$0x20F0] =	vst v9;
	v9 =	vmul.f32 v12, v3  }
0x243: {  	[tilespmem:s17+$0x20A0] =	vst v8;
	v8 =	vmul.f32 v5, v3;
	v12 =	vmul.f32 v13, v3  }
0x244: {  	v5 =	vmul.f32 v6, v3;
	v13 =	vmul.f32 v14, v3;
	[tilespmem:s17+$0x20B0] =	vst v9  }
0x245: {  	v10 =	vmul.f32 v15, v3;
	[tilespmem:s17+$0x20C0] =	vst v12;
	v11 =	vmul.f32 v11, v3  }
0x246: {  	v6 =	vmul.f32 v18, v3;
	v9 =	vmul.f32 v63, v3;
	[tilespmem:s17+$0x20D0] =	vst v13  }
0x247: {  	s18 =	simm.s32 $0x10;
	s19 =	simm.s32 $0x400;
	s4 =	simm.s32 $0x80;
	v13 =	vmul.f32 v19, v3;
	v12 =	vld [tilespmem:s17+$0x890];
	[tilespmem:s17+$0x20E0] =	vst v11;
	v11 =	vmul.f32 v20, v3  }
.LBB2_6:
0x248: {  	s5 =	sand.u32 $0x1F0, s18;
	s20 =	sand.u32 $0x6000, s19;
	s21 =	sand.u32 $0x380, s4;
	[tilespmem:s17+$0x8D0] =	vst v4  }
0x249: {  	p0 =	sne.s32 s18, $0x1F0;
	s18 =	sadd.s32 $0x10, s18;
	s20 =	sor.u32 s21, s20;
	[tilespmem:s17+$0x24E0] =	vst v13  }
0x24a: {  	v4 =	vld [tilespmem:s20+$0xC80];
	[tilespmem:s17+$0x2480] =	vst v7  }
0x24b: {  	v7 =	vld [tilespmem:s20+$0x8F0];
	[tilespmem:s17+$0x2490] =	vst v8  }
0x24c: {  	v8 =	vld [tilespmem:s20+$0x8E0];
	v3 =	vmul.f32 v12, v3;
	[tilespmem:s17+$0x24B0] =	vst v10  }
0x24d: {  	v10 =	vld [tilespmem:s20+$0x8D0];
	[tilespmem:s17+$0x24A0] =	vst v5  }
0x24e: {  	v5 =	vld [tilespmem:s20+$0x8C0];
	[tilespmem:s17+$0x24C0] =	vst v9  }
0x24f: {  	v9 =	vld [tilespmem:s20+$0x8B0];
	[tilespmem:s17+$0x890] =	vst v3  }
0x250: {  	v12 =	vld [tilespmem:s20+$0x8A0];
	[tilespmem:s17+$0x24D0] =	vst v6  }
0x251: {  	v6 =	vld [tilespmem:s20+$0x880];
	[tilespmem:s17+$0x24F0] =	vst v11;
	s17 =	smov.u32 s20  }
0x252: {  	v3 =	vld [tilespmem:s5+$0x480]  }
0x253: {  	v11 =	vld [tilespmem:s17+$0xC90]  }
0x254: {  	v13 =	vld [tilespmem:s17+$0xCA0]  }
0x255: {  	v14 =	vld [tilespmem:s17+$0xCB0]  }
0x256: {  	v15 =	vld [tilespmem:s17+$0xCC0]  }
0x257: {  	v7 =	vmul.f32 v7, v3;
	v4 =	vmul.f32 v4, v3;
	v16 =	vld [tilespmem:s17+$0xCD0]  }
0x258: {  	v9 =	vmul.f32 v9, v3;
	v8 =	vmul.f32 v8, v3;
	v17 =	vld [tilespmem:s17+$0xCE0]  }
0x259: {  	v6 =	vmul.f32 v6, v3;
	v12 =	vmul.f32 v12, v3;
	[tilespmem:s17+$0xC80] =	vst v4;
	v18 =	vld [tilespmem:s17+$0xCF0]  }
0x25a: {  	[tilespmem:s17+$0x8F0] =	vst v7;
	v7 =	vmul.f32 v11, v3;
	v11 =	vmul.f32 v13, v3;
	v13 =	vld [tilespmem:s17+$0x1080]  }
0x25b: {  	[tilespmem:s17+$0x880] =	vst v6;
	v6 =	vmul.f32 v14, v3;
	v14 =	vmul.f32 v15, v3;
	v15 =	vld [tilespmem:s17+$0x1090]  }
0x25c: {  	v5 =	vmul.f32 v5, v3;
	[tilespmem:s17+$0x8B0] =	vst v9;
	v9 =	vmul.f32 v16, v3;
	v16 =	vld [tilespmem:s17+$0x10A0]  }
0x25d: {  	v4 =	vmul.f32 v10, v3;
	[tilespmem:s17+$0xCC0] =	vst v14;
	v10 =	vmul.f32 v17, v3;
	v14 =	vld [tilespmem:s17+$0x10B0]  }
0x25e: {  	[tilespmem:s17+$0x8A0] =	vst v12;
	v12 =	vmul.f32 v18, v3;
	v17 =	vld [tilespmem:s17+$0x10C0]  }
0x25f: {  	[tilespmem:s17+$0x8E0] =	vst v8;
	v8 =	vmul.f32 v13, v3;
	v13 =	vld [tilespmem:s17+$0x10D0]  }
0x260: {  	[tilespmem:s17+$0x8C0] =	vst v5;
	v5 =	vmul.f32 v15, v3;
	v15 =	vld [tilespmem:s17+$0x10E0]  }
0x261: {  	[tilespmem:s17+$0xC90] =	vst v7;
	v7 =	vmul.f32 v16, v3;
	v16 =	vld [tilespmem:s17+$0x10F0]  }
0x262: {  	[tilespmem:s17+$0xCA0] =	vst v11;
	v11 =	vmul.f32 v14, v3;
	v14 =	vld [tilespmem:s17+$0x1480]  }
0x263: {  	[tilespmem:s17+$0xCB0] =	vst v6;
	v6 =	vmul.f32 v17, v3;
	v17 =	vld [tilespmem:s17+$0x1490]  }
0x264: {  	[tilespmem:s17+$0x10B0] =	vst v11;
	v11 =	vmul.f32 v13, v3;
	v13 =	vld [tilespmem:s17+$0x14A0]  }
0x265: {  	[tilespmem:s17+$0xCD0] =	vst v9;
	v9 =	vmul.f32 v15, v3;
	v15 =	vld [tilespmem:s17+$0x14B0]  }
0x266: {  	[tilespmem:s17+$0xCE0] =	vst v10;
	v10 =	vmul.f32 v16, v3;
	v16 =	vld [tilespmem:s17+$0x14C0]  }
0x267: {  	[tilespmem:s17+$0xCF0] =	vst v12;
	v12 =	vmul.f32 v14, v3;
	v14 =	vld [tilespmem:s17+$0x14D0]  }
0x268: {  	[tilespmem:s17+$0x1080] =	vst v8;
	v8 =	vmul.f32 v17, v3;
	v17 =	vld [tilespmem:s17+$0x14E0]  }
0x269: {  	[tilespmem:s17+$0x1090] =	vst v5;
	v5 =	vmul.f32 v13, v3;
	v13 =	vld [tilespmem:s17+$0x14F0]  }
0x26a: {  	[tilespmem:s17+$0x10A0] =	vst v7;
	v7 =	vmul.f32 v15, v3;
	v15 =	vld [tilespmem:s17+$0x1880]  }
0x26b: {  	[tilespmem:s17+$0x14A0] =	vst v5;
	v5 =	vmul.f32 v16, v3;
	v16 =	vld [tilespmem:s17+$0x1890]  }
0x26c: {  	[tilespmem:s17+$0x10C0] =	vst v6;
	v6 =	vmul.f32 v14, v3;
	v14 =	vld [tilespmem:s17+$0x18A0]  }
0x26d: {  	[tilespmem:s17+$0x10D0] =	vst v11;
	v11 =	vmul.f32 v17, v3;
	v17 =	vld [tilespmem:s17+$0x18B0]  }
0x26e: {  	[tilespmem:s17+$0x10E0] =	vst v9;
	v9 =	vmul.f32 v13, v3;
	v13 =	vld [tilespmem:s17+$0x18C0]  }
0x26f: {  	[tilespmem:s17+$0x10F0] =	vst v10;
	v10 =	vmul.f32 v15, v3;
	v15 =	vld [tilespmem:s17+$0x18D0]  }
0x270: {  	[tilespmem:s17+$0x1480] =	vst v12;
	v12 =	vmul.f32 v16, v3;
	v16 =	vld [tilespmem:s17+$0x18E0]  }
0x271: {  	[tilespmem:s17+$0x1490] =	vst v8;
	v8 =	vmul.f32 v14, v3;
	v14 =	vld [tilespmem:s17+$0x18F0]  }
0x272: {  	[tilespmem:s17+$0x1890] =	vst v12;
	v12 =	vmul.f32 v17, v3;
	v17 =	vld [tilespmem:s17+$0x1C80]  }
0x273: {  	[tilespmem:s17+$0x14C0] =	vst v5;
	v5 =	vmul.f32 v13, v3;
	v13 =	vld [tilespmem:s17+$0x1C90]  }
0x274: {  	[tilespmem:s17+$0x14B0] =	vst v7;
	v7 =	vmul.f32 v15, v3;
	v15 =	vld [tilespmem:s17+$0x1CA0]  }
0x275: {  	[tilespmem:s17+$0x14D0] =	vst v6;
	v6 =	vmul.f32 v16, v3;
	v16 =	vld [tilespmem:s17+$0x1CB0]  }
0x276: {  	[tilespmem:s17+$0x14E0] =	vst v11;
	v11 =	vmul.f32 v14, v3;
	v14 =	vld [tilespmem:s17+$0x1CC0]  }
0x277: {  	[tilespmem:s17+$0x14F0] =	vst v9;
	v9 =	vmul.f32 v17, v3;
	v17 =	vld [tilespmem:s17+$0x1CD0]  }
0x278: {  	[tilespmem:s17+$0x1880] =	vst v10;
	v10 =	vmul.f32 v13, v3;
	v13 =	vld [tilespmem:s17+$0x1CE0]  }
0x279: {  	[tilespmem:s17+$0x18A0] =	vst v8;
	v8 =	vmul.f32 v15, v3;
	v15 =	vld [tilespmem:s17+$0x1CF0]  }
0x27a: {  	[tilespmem:s17+$0x1C90] =	vst v10;
	v10 =	vmul.f32 v16, v3;
	v16 =	vld [tilespmem:s17+$0x2080]  }
0x27b: {  	[tilespmem:s17+$0x18B0] =	vst v12;
	v12 =	vmul.f32 v14, v3;
	v14 =	vld [tilespmem:s17+$0x2090]  }
0x27c: {  	[tilespmem:s17+$0x18C0] =	vst v5;
	v5 =	vmul.f32 v17, v3;
	v17 =	vld [tilespmem:s17+$0x20A0]  }
0x27d: {  	[tilespmem:s17+$0x18D0] =	vst v7;
	v7 =	vmul.f32 v13, v3;
	v13 =	vld [tilespmem:s17+$0x20B0]  }
0x27e: {  	[tilespmem:s17+$0x18E0] =	vst v6;
	v6 =	vmul.f32 v15, v3;
	v15 =	vld [tilespmem:s17+$0x20C0]  }
0x27f: {  	[tilespmem:s17+$0x18F0] =	vst v11;
	v11 =	vmul.f32 v16, v3;
	v16 =	vld [tilespmem:s17+$0x20D0]  }
0x280: {  	[tilespmem:s17+$0x1C80] =	vst v9;
	v9 =	vmul.f32 v14, v3;
	v14 =	vld [tilespmem:s17+$0x20E0]  }
0x281: {  	[tilespmem:s17+$0x2080] =	vst v11;
	v11 =	vmul.f32 v17, v3;
	v17 =	vld [tilespmem:s17+$0x20F0]  }
0x282: {  	[tilespmem:s17+$0x1CA0] =	vst v8;
	v13 =	vmul.f32 v13, v3;
	v8 =	vld [tilespmem:s17+$0x2480]  }
0x283: {  	[tilespmem:s17+$0x1CB0] =	vst v10;
	v15 =	vmul.f32 v15, v3;
	v10 =	vld [tilespmem:s17+$0x2490]  }
0x284: {  	[tilespmem:s17+$0x1CC0] =	vst v12;
	v12 =	vmul.f32 v16, v3;
	v16 =	vld [tilespmem:s17+$0x24A0]  }
0x285: {  	[tilespmem:s17+$0x1CD0] =	vst v5;
	v14 =	vmul.f32 v14, v3;
	v18 =	vld [tilespmem:s17+$0x24B0]  }
0x286: {  	[tilespmem:s17+$0x1CE0] =	vst v7;
	v5 =	vmul.f32 v17, v3;
	v17 =	vld [tilespmem:s17+$0x24C0]  }
0x287: {  	[tilespmem:s17+$0x1CF0] =	vst v6;
	v7 =	vmul.f32 v8, v3;
	v6 =	vld [tilespmem:s17+$0x24D0]  }
0x288: {  	[tilespmem:s17+$0x20F0] =	vst v5;
	v8 =	vmul.f32 v10, v3;
	v19 =	vld [tilespmem:s17+$0x24E0]  }
0x289: {  	[tilespmem:s17+$0x2090] =	vst v9;
	v5 =	vmul.f32 v16, v3;
	v16 =	vld [tilespmem:s17+$0x24F0]  }
.Ltmp2:
0x28a: {  	[tilespmem:s17+$0x20A0] =	vst v11;
	v10 =	vmul.f32 v18, v3;
	(pc) =	sbr.rel @p0 .LBB2_6-.Ltmp2, $4  }
0x28b: {  	[tilespmem:s17+$0x20B0] =	vst v13;
	v9 =	vmul.f32 v17, v3  }
0x28c: {  	[tilespmem:s17+$0x20C0] =	vst v15;
	v6 =	vmul.f32 v6, v3  }
0x28d: {  	[tilespmem:s17+$0x20D0] =	vst v12;
	v13 =	vmul.f32 v19, v3  }
0x28e: {  	s4 =	sadd.s32 $0x80, s4;
	s19 =	sadd.s32 $0x400, s19;
	v12 =	vld [tilespmem:s17+$0x890];
	[tilespmem:s17+$0x20E0] =	vst v14;
	v11 =	vmul.f32 v16, v3  }
0x28f: {  	[tilespmem:s17+$0x8D0] =	vst v4  }
0x290: {  	[tilespmem:s17+$0x24E0] =	vst v13  }
0x291: {  	[tilespmem:s17+$0x2480] =	vst v7  }
0x292: {  	[tilespmem:s17+$0x2490] =	vst v8  }
0x293: {  	[tilespmem:s17+$0x24B0] =	vst v10  }
0x294: {  	[tilespmem:s17+$0x24A0] =	vst v5  }
0x295: {  	[tilespmem:s17+$0x24C0] =	vst v9  }
0x296: {  	[tilespmem:s17+$0x24D0] =	vst v6;
	v3 =	vmul.f32 v12, v3  }
0x297: {  	[tilespmem:s17+$0x24F0] =	vst v11  }
0x298: {  	s4 =	simm.s32 $0x0;
	[tilespmem:s17+$0x890] =	vst v3  }
0x299: {  	[hbm4b:s11+s4] =	stream.linear.scatter [tilespmem:s15], [sflag:$0x3], $0x8000, $0x38;
	[tilespmem:$0x10880] =	vst v63  }
0x29a: {  	_ =	swait.ge [sflag:s14], $0x8000  }
0x29b: {  	[sflag:s14] =	ssyncset.done $0x0  }
0x29c: {  	[sflag:s14] =	ssyncadd.s32 $0xFFFF8000  }
0x29d: {  	_ =	swait.ge [sflag:s2], $0x8000  }
0x29e: {  	s5 =	sand.u32 $0x6000, s4;
	s21 =	sand.u32 $0x380, s4;
	[sflag:s2] =	ssyncset.done $0x0  }
0x29f: {  	s17 =	sor.u32 s21, s5;
	[sflag:s2] =	ssyncadd.s32 $0xFFFF8000  }
0x2a0: {  	v5 =	vld [tilespmem:s17+$0x8C80]  }
0x2a1: {  	v6 =	vld [tilespmem:s17+$0x88F0]  }
0x2a2: {  	v7 =	vld [tilespmem:s17+$0x88E0]  }
0x2a3: {  	v4 =	vld [tilespmem:s17+$0x88D0]  }
0x2a4: {  	v8 =	vld [tilespmem:s17+$0x88C0]  }
0x2a5: {  	v9 =	vld [tilespmem:s17+$0x88B0]  }
0x2a6: {  	v10 =	vld [tilespmem:s17+$0x88A0]  }
0x2a7: {  	s4 =	sand.u32 $0x1F0, s4;
	v11 =	vld [tilespmem:s17+$0x8880]  }
0x2a8: {  	v3 =	vld [tilespmem:s4+$0x680]  }
0x2a9: {  	v12 =	vld [tilespmem:s17+$0x8C90]  }
0x2aa: {  	v13 =	vld [tilespmem:s17+$0x8CA0]  }
0x2ab: {  	v14 =	vld [tilespmem:s17+$0x8CB0]  }
0x2ac: {  	v15 =	vld [tilespmem:s17+$0x8CC0]  }
0x2ad: {  	v16 =	vld [tilespmem:s17+$0x8CD0];
	v5 =	vmul.f32 v5, v3  }
0x2ae: {  	v17 =	vld [tilespmem:s17+$0x8CE0];
	v6 =	vmul.f32 v6, v3  }
0x2af: {  	v57 =	vld [tilespmem:s17+$0x94B0];
	v11 =	vmul.f32 v11, v3;
	[tilespmem:s17+$0x8C80] =	vst v5  }
0x2b0: {  	v58 =	vld [tilespmem:s17+$0x94C0];
	v9 =	vmul.f32 v9, v3;
	[tilespmem:s17+$0x88F0] =	vst v6  }
0x2b1: {  	v59 =	vld [tilespmem:s17+$0x9C90];
	v10 =	vmul.f32 v10, v3;
	[tilespmem:s17+$0x8880] =	vst v11  }
0x2b2: {  	v60 =	vld [tilespmem:s17+$0x9CA0];
	v7 =	vmul.f32 v7, v3;
	[tilespmem:s17+$0x88B0] =	vst v9  }
0x2b3: {  	v61 =	vld [tilespmem:s17+$0x9CE0];
	v8 =	vmul.f32 v8, v3;
	[tilespmem:s17+$0x88A0] =	vst v10  }
0x2b4: {  	v62 =	vld [tilespmem:s17+$0xA480];
	v12 =	vmul.f32 v12, v3;
	[tilespmem:s17+$0x88E0] =	vst v7  }
0x2b5: {  	v63 =	vld [tilespmem:s17+$0xA4C0];
	v13 =	vmul.f32 v13, v3;
	[tilespmem:s17+$0x88C0] =	vst v8  }
0x2b6: {  	v18 =	vld [tilespmem:s17+$0xA4D0];
	v14 =	vmul.f32 v14, v3;
	[tilespmem:s17+$0x8C90] =	vst v12  }
0x2b7: {  	v16 =	vmul.f32 v16, v3;
	v5 =	vld [tilespmem:s17+$0x8CF0];
	[tilespmem:s17+$0x8CA0] =	vst v13  }
0x2b8: {  	v17 =	vmul.f32 v17, v3;
	v6 =	vld [tilespmem:s17+$0x9080];
	[tilespmem:s17+$0x8CB0] =	vst v14  }
0x2b9: {  	v11 =	vmul.f32 v15, v3;
	v15 =	vld [tilespmem:s17+$0x9090];
	[tilespmem:s17+$0x8CD0] =	vst v16  }
0x2ba: {  	v9 =	vld [tilespmem:s17+$0x90A0];
	[tilespmem:s17+$0x8CE0] =	vst v17;
	v16 =	vmul.f32 v57, v3  }
0x2bb: {  	v10 =	vld [tilespmem:s17+$0x90C0];
	v17 =	vmul.f32 v58, v3;
	[tilespmem:s17+$0x8CC0] =	vst v11  }
0x2bc: {  	v7 =	vld [tilespmem:s17+$0x90D0];
	[tilespmem:s17+$0x94B0] =	vst v16;
	v16 =	vmul.f32 v60, v3  }
0x2bd: {  	v8 =	vld [tilespmem:s17+$0x90E0];
	[tilespmem:s17+$0x94C0] =	vst v17;
	v17 =	vmul.f32 v61, v3  }
0x2be: {  	v12 =	vld [tilespmem:s17+$0x90F0];
	[tilespmem:s17+$0x9CA0] =	vst v16;
	v5 =	vmul.f32 v5, v3  }
0x2bf: {  	v13 =	vld [tilespmem:s17+$0x9480];
	[tilespmem:s17+$0x9CE0] =	vst v17;
	v6 =	vmul.f32 v6, v3  }
0x2c0: {  	v14 =	vld [tilespmem:s17+$0x9490];
	v15 =	vmul.f32 v15, v3;
	[tilespmem:s17+$0x8CF0] =	vst v5  }
0x2c1: {  	v11 =	vld [tilespmem:s17+$0x90B0];
	v9 =	vmul.f32 v9, v3;
	[tilespmem:s17+$0x9080] =	vst v6  }
0x2c2: {  	v10 =	vmul.f32 v10, v3;
	v5 =	vld [tilespmem:s17+$0x94D0];
	[tilespmem:s17+$0x9090] =	vst v15  }
0x2c3: {  	v7 =	vmul.f32 v7, v3;
	v6 =	vld [tilespmem:s17+$0x94E0];
	[tilespmem:s17+$0x90A0] =	vst v9  }
0x2c4: {  	v8 =	vmul.f32 v8, v3;
	v15 =	vld [tilespmem:s17+$0x94F0];
	[tilespmem:s17+$0x90C0] =	vst v10  }
0x2c5: {  	v12 =	vmul.f32 v12, v3;
	v9 =	vld [tilespmem:s17+$0x9880];
	[tilespmem:s17+$0x90D0] =	vst v7  }
0x2c6: {  	v11 =	vmul.f32 v11, v3;
	v10 =	vld [tilespmem:s17+$0x98A0];
	[tilespmem:s17+$0x90E0] =	vst v8  }
0x2c7: {  	v13 =	vmul.f32 v13, v3;
	v7 =	vld [tilespmem:s17+$0x98B0];
	[tilespmem:s17+$0x90F0] =	vst v12  }
0x2c8: {  	v14 =	vmul.f32 v14, v3;
	[tilespmem:s17+$0x90B0] =	vst v11;
	v11 =	vld [tilespmem:s17+$0x94A0]  }
0x2c9: {  	v8 =	vld [tilespmem:s17+$0x98C0];
	[tilespmem:s17+$0x9480] =	vst v13;
	v5 =	vmul.f32 v5, v3  }
0x2ca: {  	v12 =	vld [tilespmem:s17+$0x98D0];
	[tilespmem:s17+$0x9490] =	vst v14;
	v6 =	vmul.f32 v6, v3  }
0x2cb: {  	v13 =	vld [tilespmem:s17+$0x98E0];
	v15 =	vmul.f32 v15, v3;
	[tilespmem:s17+$0x94D0] =	vst v5  }
0x2cc: {  	v14 =	vld [tilespmem:s17+$0x98F0];
	v9 =	vmul.f32 v9, v3;
	[tilespmem:s17+$0x94E0] =	vst v6  }
0x2cd: {  	v11 =	vmul.f32 v11, v3;
	v5 =	vld [tilespmem:s17+$0x9CB0];
	[tilespmem:s17+$0x94F0] =	vst v15  }
0x2ce: {  	v10 =	vmul.f32 v10, v3;
	v6 =	vld [tilespmem:s17+$0x9CC0];
	[tilespmem:s17+$0x9880] =	vst v9  }
0x2cf: {  	v9 =	vmul.f32 v59, v3;
	[tilespmem:s17+$0x94A0] =	vst v11;
	v11 =	vld [tilespmem:s17+$0x9890]  }
0x2d0: {  	v7 =	vmul.f32 v7, v3;
	v15 =	vld [tilespmem:s17+$0x9CD0];
	[tilespmem:s17+$0x98A0] =	vst v10  }
0x2d1: {  	v8 =	vmul.f32 v8, v3;
	[tilespmem:s17+$0x9C90] =	vst v9;
	v9 =	vld [tilespmem:s17+$0xA080]  }
0x2d2: {  	v12 =	vmul.f32 v12, v3;
	v10 =	vld [tilespmem:s17+$0x9CF0];
	[tilespmem:s17+$0x98B0] =	vst v7  }
0x2d3: {  	v13 =	vmul.f32 v13, v3;
	v7 =	vld [tilespmem:s17+$0xA090];
	[tilespmem:s17+$0x98C0] =	vst v8  }
0x2d4: {  	v8 =	vld [tilespmem:s17+$0xA0A0];
	[tilespmem:s17+$0x98D0] =	vst v12;
	v11 =	vmul.f32 v11, v3  }
0x2d5: {  	v14 =	vmul.f32 v14, v3;
	v12 =	vld [tilespmem:s17+$0xA0B0];
	[tilespmem:s17+$0x98E0] =	vst v13  }
0x2d6: {  	v9 =	vmul.f32 v9, v3;
	[tilespmem:s17+$0x9890] =	vst v11;
	v11 =	vld [tilespmem:s17+$0x9C80]  }
0x2d7: {  	v13 =	vld [tilespmem:s17+$0xA0C0];
	[tilespmem:s17+$0x98F0] =	vst v14;
	v5 =	vmul.f32 v5, v3  }
0x2d8: {  	v6 =	vmul.f32 v6, v3;
	[tilespmem:s17+$0xA080] =	vst v9;
	v9 =	vld [tilespmem:s17+$0xA0F0]  }
0x2d9: {  	v14 =	vld [tilespmem:s17+$0xA0D0];
	v15 =	vmul.f32 v15, v3;
	[tilespmem:s17+$0x9CB0] =	vst v5  }
0x2da: {  	v10 =	vmul.f32 v10, v3;
	v5 =	vld [tilespmem:s17+$0xA490];
	[tilespmem:s17+$0x9CC0] =	vst v6  }
0x2db: {  	v6 =	vld [tilespmem:s17+$0xA4A0];
	[tilespmem:s17+$0x9CD0] =	vst v15;
	v11 =	vmul.f32 v11, v3  }
0x2dc: {  	v7 =	vmul.f32 v7, v3;
	v15 =	vld [tilespmem:s17+$0xA4B0];
	[tilespmem:s17+$0x9CF0] =	vst v10  }
0x2dd: {  	v9 =	vmul.f32 v9, v3;
	[tilespmem:s17+$0x9C80] =	vst v11;
	v11 =	vld [tilespmem:s17+$0xA0E0]  }
0x2de: {  	v19 =	vld [tilespmem:s17+$0xA4E0];
	v4 =	vmul.f32 v4, v3;
	v8 =	vmul.f32 v8, v3;
	[tilespmem:s17+$0xA090] =	vst v7  }
0x2df: {  	v20 =	vld [tilespmem:s17+$0xA4F0];
	v7 =	vmul.f32 v62, v3;
	[tilespmem:s17+$0xA0F0] =	vst v9;
	v9 =	vmul.f32 v12, v3  }
0x2e0: {  	[tilespmem:s17+$0xA0A0] =	vst v8;
	v8 =	vmul.f32 v5, v3;
	v12 =	vmul.f32 v13, v3  }
0x2e1: {  	v5 =	vmul.f32 v6, v3;
	v13 =	vmul.f32 v14, v3;
	[tilespmem:s17+$0xA0B0] =	vst v9  }
0x2e2: {  	v10 =	vmul.f32 v15, v3;
	[tilespmem:s17+$0xA0C0] =	vst v12;
	v11 =	vmul.f32 v11, v3  }
0x2e3: {  	v6 =	vmul.f32 v18, v3;
	v9 =	vmul.f32 v63, v3;
	[tilespmem:s17+$0xA0D0] =	vst v13  }
0x2e4: {  	s18 =	simm.s32 $0x10;
	s19 =	simm.s32 $0x400;
	s4 =	simm.s32 $0x80;
	v13 =	vmul.f32 v19, v3;
	v12 =	vld [tilespmem:s17+$0x8890];
	[tilespmem:s17+$0xA0E0] =	vst v11;
	v11 =	vmul.f32 v20, v3  }
.LBB2_8:
0x2e5: {  	s5 =	sand.u32 $0x1F0, s18;
	s20 =	sand.u32 $0x6000, s19;
	s21 =	sand.u32 $0x380, s4;
	[tilespmem:s17+$0x88D0] =	vst v4  }
0x2e6: {  	p0 =	sne.s32 s18, $0x1F0;
	s18 =	sadd.s32 $0x10, s18;
	s20 =	sor.u32 s21, s20;
	[tilespmem:s17+$0xA4E0] =	vst v13  }
0x2e7: {  	v4 =	vld [tilespmem:s20+$0x8C80];
	[tilespmem:s17+$0xA480] =	vst v7  }
0x2e8: {  	v7 =	vld [tilespmem:s20+$0x88F0];
	[tilespmem:s17+$0xA490] =	vst v8  }
0x2e9: {  	v8 =	vld [tilespmem:s20+$0x88E0];
	v3 =	vmul.f32 v12, v3;
	[tilespmem:s17+$0xA4B0] =	vst v10  }
0x2ea: {  	v10 =	vld [tilespmem:s20+$0x88D0];
	[tilespmem:s17+$0xA4A0] =	vst v5  }
0x2eb: {  	v5 =	vld [tilespmem:s20+$0x88C0];
	[tilespmem:s17+$0xA4C0] =	vst v9  }
0x2ec: {  	v9 =	vld [tilespmem:s20+$0x88B0];
	[tilespmem:s17+$0x8890] =	vst v3  }
0x2ed: {  	v12 =	vld [tilespmem:s20+$0x88A0];
	[tilespmem:s17+$0xA4D0] =	vst v6  }
0x2ee: {  	v6 =	vld [tilespmem:s20+$0x8880];
	[tilespmem:s17+$0xA4F0] =	vst v11;
	s17 =	smov.u32 s20  }
0x2ef: {  	v3 =	vld [tilespmem:s5+$0x680]  }
0x2f0: {  	v11 =	vld [tilespmem:s17+$0x8C90]  }
0x2f1: {  	v13 =	vld [tilespmem:s17+$0x8CA0]  }
0x2f2: {  	v14 =	vld [tilespmem:s17+$0x8CB0]  }
0x2f3: {  	v15 =	vld [tilespmem:s17+$0x8CC0]  }
0x2f4: {  	v7 =	vmul.f32 v7, v3;
	v4 =	vmul.f32 v4, v3;
	v16 =	vld [tilespmem:s17+$0x8CD0]  }
0x2f5: {  	v9 =	vmul.f32 v9, v3;
	v8 =	vmul.f32 v8, v3;
	v17 =	vld [tilespmem:s17+$0x8CE0]  }
0x2f6: {  	v6 =	vmul.f32 v6, v3;
	v12 =	vmul.f32 v12, v3;
	[tilespmem:s17+$0x8C80] =	vst v4;
	v18 =	vld [tilespmem:s17+$0x8CF0]  }
0x2f7: {  	[tilespmem:s17+$0x88F0] =	vst v7;
	v7 =	vmul.f32 v11, v3;
	v11 =	vmul.f32 v13, v3;
	v13 =	vld [tilespmem:s17+$0x9080]  }
0x2f8: {  	[tilespmem:s17+$0x8880] =	vst v6;
	v6 =	vmul.f32 v14, v3;
	v14 =	vmul.f32 v15, v3;
	v15 =	vld [tilespmem:s17+$0x9090]  }
0x2f9: {  	v5 =	vmul.f32 v5, v3;
	[tilespmem:s17+$0x88B0] =	vst v9;
	v9 =	vmul.f32 v16, v3;
	v16 =	vld [tilespmem:s17+$0x90A0]  }
0x2fa: {  	v4 =	vmul.f32 v10, v3;
	[tilespmem:s17+$0x8CC0] =	vst v14;
	v10 =	vmul.f32 v17, v3;
	v14 =	vld [tilespmem:s17+$0x90B0]  }
0x2fb: {  	[tilespmem:s17+$0x88A0] =	vst v12;
	v12 =	vmul.f32 v18, v3;
	v17 =	vld [tilespmem:s17+$0x90C0]  }
0x2fc: {  	[tilespmem:s17+$0x88E0] =	vst v8;
	v8 =	vmul.f32 v13, v3;
	v13 =	vld [tilespmem:s17+$0x90D0]  }
0x2fd: {  	[tilespmem:s17+$0x88C0] =	vst v5;
	v5 =	vmul.f32 v15, v3;
	v15 =	vld [tilespmem:s17+$0x90E0]  }
0x2fe: {  	[tilespmem:s17+$0x8C90] =	vst v7;
	v7 =	vmul.f32 v16, v3;
	v16 =	vld [tilespmem:s17+$0x90F0]  }
0x2ff: {  	[tilespmem:s17+$0x8CA0] =	vst v11;
	v11 =	vmul.f32 v14, v3;
	v14 =	vld [tilespmem:s17+$0x9480]  }
0x300: {  	[tilespmem:s17+$0x8CB0] =	vst v6;
	v6 =	vmul.f32 v17, v3;
	v17 =	vld [tilespmem:s17+$0x9490]  }
0x301: {  	[tilespmem:s17+$0x90B0] =	vst v11;
	v11 =	vmul.f32 v13, v3;
	v13 =	vld [tilespmem:s17+$0x94A0]  }
0x302: {  	[tilespmem:s17+$0x8CD0] =	vst v9;
	v9 =	vmul.f32 v15, v3;
	v15 =	vld [tilespmem:s17+$0x94B0]  }
0x303: {  	[tilespmem:s17+$0x8CE0] =	vst v10;
	v10 =	vmul.f32 v16, v3;
	v16 =	vld [tilespmem:s17+$0x94C0]  }
0x304: {  	[tilespmem:s17+$0x8CF0] =	vst v12;
	v12 =	vmul.f32 v14, v3;
	v14 =	vld [tilespmem:s17+$0x94D0]  }
0x305: {  	[tilespmem:s17+$0x9080] =	vst v8;
	v8 =	vmul.f32 v17, v3;
	v17 =	vld [tilespmem:s17+$0x94E0]  }
0x306: {  	[tilespmem:s17+$0x9090] =	vst v5;
	v5 =	vmul.f32 v13, v3;
	v13 =	vld [tilespmem:s17+$0x94F0]  }
0x307: {  	[tilespmem:s17+$0x90A0] =	vst v7;
	v7 =	vmul.f32 v15, v3;
	v15 =	vld [tilespmem:s17+$0x9880]  }
0x308: {  	[tilespmem:s17+$0x94A0] =	vst v5;
	v5 =	vmul.f32 v16, v3;
	v16 =	vld [tilespmem:s17+$0x9890]  }
0x309: {  	[tilespmem:s17+$0x90C0] =	vst v6;
	v6 =	vmul.f32 v14, v3;
	v14 =	vld [tilespmem:s17+$0x98A0]  }
0x30a: {  	[tilespmem:s17+$0x90D0] =	vst v11;
	v11 =	vmul.f32 v17, v3;
	v17 =	vld [tilespmem:s17+$0x98B0]  }
0x30b: {  	[tilespmem:s17+$0x90E0] =	vst v9;
	v9 =	vmul.f32 v13, v3;
	v13 =	vld [tilespmem:s17+$0x98C0]  }
0x30c: {  	[tilespmem:s17+$0x90F0] =	vst v10;
	v10 =	vmul.f32 v15, v3;
	v15 =	vld [tilespmem:s17+$0x98D0]  }
0x30d: {  	[tilespmem:s17+$0x9480] =	vst v12;
	v12 =	vmul.f32 v16, v3;
	v16 =	vld [tilespmem:s17+$0x98E0]  }
0x30e: {  	[tilespmem:s17+$0x9490] =	vst v8;
	v8 =	vmul.f32 v14, v3;
	v14 =	vld [tilespmem:s17+$0x98F0]  }
0x30f: {  	[tilespmem:s17+$0x9890] =	vst v12;
	v12 =	vmul.f32 v17, v3;
	v17 =	vld [tilespmem:s17+$0x9C80]  }
0x310: {  	[tilespmem:s17+$0x94C0] =	vst v5;
	v5 =	vmul.f32 v13, v3;
	v13 =	vld [tilespmem:s17+$0x9C90]  }
0x311: {  	[tilespmem:s17+$0x94B0] =	vst v7;
	v7 =	vmul.f32 v15, v3;
	v15 =	vld [tilespmem:s17+$0x9CA0]  }
0x312: {  	[tilespmem:s17+$0x94D0] =	vst v6;
	v6 =	vmul.f32 v16, v3;
	v16 =	vld [tilespmem:s17+$0x9CB0]  }
0x313: {  	[tilespmem:s17+$0x94E0] =	vst v11;
	v11 =	vmul.f32 v14, v3;
	v14 =	vld [tilespmem:s17+$0x9CC0]  }
0x314: {  	[tilespmem:s17+$0x94F0] =	vst v9;
	v9 =	vmul.f32 v17, v3;
	v17 =	vld [tilespmem:s17+$0x9CD0]  }
0x315: {  	[tilespmem:s17+$0x9880] =	vst v10;
	v10 =	vmul.f32 v13, v3;
	v13 =	vld [tilespmem:s17+$0x9CE0]  }
0x316: {  	[tilespmem:s17+$0x98A0] =	vst v8;
	v8 =	vmul.f32 v15, v3;
	v15 =	vld [tilespmem:s17+$0x9CF0]  }
0x317: {  	[tilespmem:s17+$0x9C90] =	vst v10;
	v10 =	vmul.f32 v16, v3;
	v16 =	vld [tilespmem:s17+$0xA080]  }
0x318: {  	[tilespmem:s17+$0x98B0] =	vst v12;
	v12 =	vmul.f32 v14, v3;
	v14 =	vld [tilespmem:s17+$0xA090]  }
0x319: {  	[tilespmem:s17+$0x98C0] =	vst v5;
	v5 =	vmul.f32 v17, v3;
	v17 =	vld [tilespmem:s17+$0xA0A0]  }
0x31a: {  	[tilespmem:s17+$0x98D0] =	vst v7;
	v7 =	vmul.f32 v13, v3;
	v13 =	vld [tilespmem:s17+$0xA0B0]  }
0x31b: {  	[tilespmem:s17+$0x98E0] =	vst v6;
	v6 =	vmul.f32 v15, v3;
	v15 =	vld [tilespmem:s17+$0xA0C0]  }
0x31c: {  	[tilespmem:s17+$0x98F0] =	vst v11;
	v11 =	vmul.f32 v16, v3;
	v16 =	vld [tilespmem:s17+$0xA0D0]  }
0x31d: {  	[tilespmem:s17+$0x9C80] =	vst v9;
	v9 =	vmul.f32 v14, v3;
	v14 =	vld [tilespmem:s17+$0xA0E0]  }
0x31e: {  	[tilespmem:s17+$0xA080] =	vst v11;
	v11 =	vmul.f32 v17, v3;
	v17 =	vld [tilespmem:s17+$0xA0F0]  }
0x31f: {  	[tilespmem:s17+$0x9CA0] =	vst v8;
	v13 =	vmul.f32 v13, v3;
	v8 =	vld [tilespmem:s17+$0xA480]  }
0x320: {  	[tilespmem:s17+$0x9CB0] =	vst v10;
	v15 =	vmul.f32 v15, v3;
	v10 =	vld [tilespmem:s17+$0xA490]  }
0x321: {  	[tilespmem:s17+$0x9CC0] =	vst v12;
	v12 =	vmul.f32 v16, v3;
	v16 =	vld [tilespmem:s17+$0xA4A0]  }
0x322: {  	[tilespmem:s17+$0x9CD0] =	vst v5;
	v14 =	vmul.f32 v14, v3;
	v18 =	vld [tilespmem:s17+$0xA4B0]  }
0x323: {  	[tilespmem:s17+$0x9CE0] =	vst v7;
	v5 =	vmul.f32 v17, v3;
	v17 =	vld [tilespmem:s17+$0xA4C0]  }
0x324: {  	[tilespmem:s17+$0x9CF0] =	vst v6;
	v7 =	vmul.f32 v8, v3;
	v6 =	vld [tilespmem:s17+$0xA4D0]  }
0x325: {  	[tilespmem:s17+$0xA0F0] =	vst v5;
	v8 =	vmul.f32 v10, v3;
	v19 =	vld [tilespmem:s17+$0xA4E0]  }
0x326: {  	[tilespmem:s17+$0xA090] =	vst v9;
	v5 =	vmul.f32 v16, v3;
	v16 =	vld [tilespmem:s17+$0xA4F0]  }
.Ltmp3:
0x327: {  	[tilespmem:s17+$0xA0A0] =	vst v11;
	v10 =	vmul.f32 v18, v3;
	(pc) =	sbr.rel @p0 .LBB2_8-.Ltmp3, $4  }
0x328: {  	[tilespmem:s17+$0xA0B0] =	vst v13;
	v9 =	vmul.f32 v17, v3  }
0x329: {  	[tilespmem:s17+$0xA0C0] =	vst v15;
	v6 =	vmul.f32 v6, v3  }
0x32a: {  	[tilespmem:s17+$0xA0D0] =	vst v12;
	v13 =	vmul.f32 v19, v3  }
0x32b: {  	s4 =	sadd.s32 $0x80, s4;
	s19 =	sadd.s32 $0x400, s19;
	v12 =	vld [tilespmem:s17+$0x8890];
	[tilespmem:s17+$0xA0E0] =	vst v14;
	v11 =	vmul.f32 v16, v3  }
0x32c: {  	[tilespmem:s17+$0x88D0] =	vst v4  }
0x32d: {  	[tilespmem:s17+$0xA4E0] =	vst v13  }
0x32e: {  	[tilespmem:s17+$0xA480] =	vst v7  }
0x32f: {  	[tilespmem:s17+$0xA490] =	vst v8  }
0x330: {  	[tilespmem:s17+$0xA4B0] =	vst v10  }
0x331: {  	[tilespmem:s17+$0xA4A0] =	vst v5  }
0x332: {  	[tilespmem:s17+$0xA4C0] =	vst v9  }
0x333: {  	[tilespmem:s17+$0xA4D0] =	vst v6;
	s16 =	sadd.s32 $0x1, s16;
	v3 =	vmul.f32 v12, v3  }
0x334: {  	[tilespmem:s17+$0xA4F0] =	vst v11;
	p0 =	sne.s32 s16, s13  }
.Ltmp4:
0x335: {  	[tilespmem:s17+$0x8890] =	vst v3;
	(pc) =	sbr.rel @p0 .LBB2_1-.Ltmp4, $4  }
0x336: {  	[hbm4b:s12+s3] =	stream.linear.scatter [tilespmem:s0], [sflag:$0x3], $0x8000, $0x38;
	[tilespmem:$0x10880] =	vst v63  }
0x337: {  	_ =	swait.ge [sflag:s14], $0x8000  }
0x338: {  	[sflag:s14] =	ssyncset.done $0x0  }
0x339: {  	[sflag:s14] =	ssyncadd.s32 $0xFFFF8000  }
0x33a: {  	_ =	sfence.sel $0x180000  }
0x33b: {  	[bflag:$0x0] =	sbarrier.arrive $0xFFFF  }
0x33c: {  	_ =	strace $0x90000047  }
0x33d: {  	s0 =	stileid.u32;
	[bflag:$0x2] =	sbarrier.arrive $0xFFFF  }
0x33e: {  	p0 =	sne.s32 s0, $0x0;
	s0 =	rddreg [dreg:$0x3]  }
0x33f: {  	s0 =	sadd.s32 @!p0 $0x100000, s0  }
0x340: {  	[sflag:s0] =	ssyncadd.tile.s32 @!p0 $0x1;
	_ =	shalt  }
.Lfunc_end2:
_tile_overlayer_lowered:
.L_overlay_start_2:
0x341: {  	(tag) =	ssettag $0x2  }
0x342: {  	s0 =	rddreg [dreg:$0x0];
	s2 =	stileid.u32  }
0x343: {  	s1 =	rddreg [dreg:$0x1];
	p0 =	sne.s32 s2, $0x0  }
0x344: {  	s3 =	rddreg [dreg:$0x2];
	[bflag:$0x3] =	sbarrier.arrive $0xFFFF;
	s2 =	simm.s32 @!p0 $0x1C03  }
0x345: {  	[timem:s3], [sflag:s2] =	dma.local @!p0 [hbm:s0], s1  }
0x346: {  	s0 =	simm.s32 @!p0 $0x3  }
0x347: {  	_ =	swait.ge @!p0 [sflag:s0], s1  }
0x348: {  	s1 =	ssub.s32 @!p0 $0x0, s1;
	[sflag:s0] =	ssyncset.done @!p0 $0x0  }
0x349: {  	[sflag:s0] =	ssyncadd.s32 @!p0 s1  }
0x34a: {  	[bflag:$0x3] =	sbarrier.arrive $0xFFFF  }
0x34b: {  	_ =	shalt  }

</sc_bundles>
